<compile_context>
chip_gen: v7x
topology: tpu7x:2x2x1
jax: 0.10.2.dev20260603
libtpu: 0.0.44.dev20260713+nightly
codegen_flags: <defaults>
</compile_context>

<pallas_src>
import functools

import jax
import jax.numpy as jnp
from jax import lax
from jax.experimental import pallas as pl
from jax.experimental.pallas import tpu as pltpu
from jax.experimental.pallas import tpu_sc as plsc

_UP = 4
_BIG = 3.0e38



def _fo_body(x_ref, xyz_ref, w1_ref, b1_ref, w2_ref, b2_ref, w3_ref, b3_ref,
             wr_ref, br_ref, o_ref, ab_ref):
    x = x_ref[...]
    h = jnp.dot(x, w1_ref[...], preferred_element_type=jnp.float32)
    h = jnp.maximum(h + b1_ref[...], 0.0)
    h = jnp.dot(h, w2_ref[...], preferred_element_type=jnp.float32)
    h = jnp.maximum(h + b2_ref[...], 0.0)
    y = jnp.dot(h, w3_ref[...], preferred_element_type=jnp.float32) + b3_ref[...]
    xyz_new = xyz_ref[...] + y
    o_ref[...] = xyz_new
    xr = jnp.concatenate([x[:, 3:], xyz_new], axis=1)
    ab_ref[...] = jnp.dot(xr, wr_ref[...],
                          preferred_element_type=jnp.float32) + br_ref[...]


def _fo_mlp(x, xyz, w1, b1, w2, b2, w3, b3, wr, br):
    n = x.shape[0]
    return pl.pallas_call(
        _fo_body,
        out_shape=[
            jax.ShapeDtypeStruct((n, 3), jnp.float32),
            jax.ShapeDtypeStruct((n, wr.shape[1]), jnp.float32),
        ],
    )(x, xyz, w1, b1.reshape(1, -1), w2, b2.reshape(1, -1), w3,
      b3.reshape(1, -1), wr, br.reshape(1, -1))



def _knn_body(xb_ref, x_ref, *refs, k, n, rb, exclude_self, fuse_ab, fuse_mlp):
    i = pl.program_id(0)
    x = x_ref[...]
    xb = xb_ref[...]
    refs = list(refs)
    if fuse_ab:
        wc_ref, bc_ref = refs[0], refs[1]
        refs = refs[2:]
    if fuse_mlp:
        w1_ref, b1_ref, w2_ref, b2_ref = refs[:4]
        refs = refs[4:]
    o_ref = refs[0]
    if fuse_ab:
        ab_ref = refs[1]
        ab_ref[...] = jnp.dot(xb, wc_ref[...],
                              preferred_element_type=jnp.float32) + bc_ref[...]
    if fuse_mlp:
        s_ref = refs[2]
        hh = jnp.dot(xb, w1_ref[...], preferred_element_type=jnp.float32)
        hh = jnp.maximum(hh + b1_ref[...], 0.0)
        s_ref[...] = jnp.dot(hh, w2_ref[...],
                             preferred_element_type=jnp.float32) + b2_ref[...]
    sq = jnp.sum(x * x, axis=1)
    sqb = jnp.sum(xb * xb, axis=1)
    d = sqb[:, None] - 2.0 * lax.dot_general(
        xb, x, (((1,), (1,)), ((), ())), preferred_element_type=jnp.float32)
    d = d + sq[None, :]
    col = lax.broadcasted_iota(jnp.int32, (rb, n), 1)
    if exclude_self:
        row = i * rb + lax.broadcasted_iota(jnp.int32, (rb, n), 0)
        d = jnp.where(col == row, _BIG, d)
    idx_mat = jnp.zeros((rb, 128), jnp.int32)
    colj = lax.broadcasted_iota(jnp.int32, (rb, 128), 1)
    for j in range(k):
        m = jnp.min(d, axis=1, keepdims=True)
        hit = d == m
        idxj = jnp.min(jnp.where(hit, col, n), axis=1)
        idx_mat = jnp.where(colj == j, idxj[:, None], idx_mat)
        if j < k - 1:
            d = jnp.where(hit, _BIG, d)
    o_ref[...] = idx_mat


def _knn(x, k, exclude_self=False, ab_w=None, mlp_w=None):
    n, dd = x.shape
    rb = 256
    grid = (n // rb,)
    in_specs = [
        pl.BlockSpec((rb, dd), lambda i: (i, 0)),
        pl.BlockSpec((n, dd), lambda i: (0, 0)),
    ]
    args = [x, x]
    out_specs = [pl.BlockSpec((rb, 128), lambda i: (i, 0))]
    out_shape = [jax.ShapeDtypeStruct((n, 128), jnp.int32)]
    if ab_w is not None:
        wcat, bcat = ab_w
        in_specs += [pl.BlockSpec(wcat.shape, lambda i: (0, 0)),
                     pl.BlockSpec((1, bcat.shape[0]), lambda i: (0, 0))]
        args += [wcat, bcat.reshape(1, -1)]
        out_specs.append(pl.BlockSpec((rb, wcat.shape[1]), lambda i: (i, 0)))
        out_shape.append(jax.ShapeDtypeStruct((n, wcat.shape[1]), jnp.float32))
    if mlp_w is not None:
        w1, b1, w2, b2 = mlp_w
        in_specs += [pl.BlockSpec(w1.shape, lambda i: (0, 0)),
                     pl.BlockSpec((1, b1.shape[0]), lambda i: (0, 0)),
                     pl.BlockSpec(w2.shape, lambda i: (0, 0)),
                     pl.BlockSpec((1, b2.shape[0]), lambda i: (0, 0))]
        args += [w1, b1.reshape(1, -1), w2, b2.reshape(1, -1)]
        out_specs.append(pl.BlockSpec((rb, w2.shape[1]), lambda i: (i, 0)))
        out_shape.append(jax.ShapeDtypeStruct((n, w2.shape[1]), jnp.float32))
    res = pl.pallas_call(
        functools.partial(_knn_body, k=k, n=n, rb=rb, exclude_self=exclude_self,
                          fuse_ab=ab_w is not None, fuse_mlp=mlp_w is not None),
        grid=grid,
        in_specs=in_specs,
        out_specs=out_specs if len(out_specs) > 1 else out_specs[0],
        out_shape=out_shape if len(out_shape) > 1 else out_shape[0],
    )(*args)
    return res if isinstance(res, (list, tuple)) else (res,)



def _ecmax_body(a_ref, g_ref, w2_ref, b2_ref, res_ref, o_ref, *, k, dh):
    a = a_ref[...]
    acc = None
    for j in range(k):
        h = jnp.maximum(a + g_ref[:, j * dh:(j + 1) * dh], 0.0)
        h = jnp.dot(h, w2_ref[...], preferred_element_type=jnp.float32)
        acc = h if acc is None else jnp.maximum(acc, h)
    o_ref[...] = acc + b2_ref[...] + res_ref[...]


def _ecmax_lin_body(a_ref, g_ref, w2_ref, b2_ref, wn_ref, bn_ref, o_ref,
                    ab_ref, *, k, dh):
    a = a_ref[...]
    acc = None
    for j in range(k):
        h = jnp.maximum(a + g_ref[:, j * dh:(j + 1) * dh], 0.0)
        h = jnp.dot(h, w2_ref[...], preferred_element_type=jnp.float32)
        acc = h if acc is None else jnp.maximum(acc, h)
    out = acc + b2_ref[...]
    o_ref[...] = out
    ab_ref[...] = jnp.dot(out, wn_ref[...],
                          preferred_element_type=jnp.float32) + bn_ref[...]


def _ecmax_mlp2_body(a_ref, g_ref, w2_ref, b2_ref, mw1_ref, mb1_ref, mw2_ref,
                     mb2_ref, res_ref, o_ref, *, k, dh, scale):
    a = a_ref[...]
    acc = None
    for j in range(k):
        h = jnp.maximum(a + g_ref[:, j * dh:(j + 1) * dh], 0.0)
        h = jnp.dot(h, w2_ref[...], preferred_element_type=jnp.float32)
        acc = h if acc is None else jnp.maximum(acc, h)
    feat = acc + b2_ref[...]
    hh = jnp.dot(feat, mw1_ref[...], preferred_element_type=jnp.float32)
    hh = jnp.maximum(hh + mb1_ref[...], 0.0)
    y = jnp.dot(hh, mw2_ref[...], preferred_element_type=jnp.float32)
    o_ref[...] = res_ref[...] + scale * (y + mb2_ref[...])


def _ecmax_mlp2(a, g, w2, b2, mw1, mb1, mw2, mb2, res, scale):
    n, dh = a.shape
    k = g.shape[1] // dh
    do = w2.shape[1]
    dm = mw2.shape[1]
    rb = 256
    grid = (n // rb,)
    return pl.pallas_call(
        functools.partial(_ecmax_mlp2_body, k=k, dh=dh, scale=scale),
        grid=grid,
        in_specs=[
            pl.BlockSpec((rb, dh), lambda i: (i, 0)),
            pl.BlockSpec((rb, k * dh), lambda i: (i, 0)),
            pl.BlockSpec((dh, do), lambda i: (0, 0)),
            pl.BlockSpec((1, do), lambda i: (0, 0)),
            pl.BlockSpec(mw1.shape, lambda i: (0, 0)),
            pl.BlockSpec((1, mb1.shape[0]), lambda i: (0, 0)),
            pl.BlockSpec(mw2.shape, lambda i: (0, 0)),
            pl.BlockSpec((1, dm), lambda i: (0, 0)),
            pl.BlockSpec((rb, dm), lambda i: (i, 0)),
        ],
        out_specs=pl.BlockSpec((rb, dm), lambda i: (i, 0)),
        out_shape=jax.ShapeDtypeStruct((n, dm), jnp.float32),
    )(a, g, w2, b2.reshape(1, do), mw1, mb1.reshape(1, -1), mw2,
      mb2.reshape(1, dm), res)


def _ecmax(a, g, w2, b2, res):
    n, dh = a.shape
    k = g.shape[1] // dh
    do = w2.shape[1]
    rb = 256
    grid = (n // rb,)
    return pl.pallas_call(
        functools.partial(_ecmax_body, k=k, dh=dh),
        grid=grid,
        in_specs=[
            pl.BlockSpec((rb, dh), lambda i: (i, 0)),
            pl.BlockSpec((rb, k * dh), lambda i: (i, 0)),
            pl.BlockSpec((dh, do), lambda i: (0, 0)),
            pl.BlockSpec((1, do), lambda i: (0, 0)),
            pl.BlockSpec((rb, do), lambda i: (i, 0)),
        ],
        out_specs=pl.BlockSpec((rb, do), lambda i: (i, 0)),
        out_shape=jax.ShapeDtypeStruct((n, do), jnp.float32),
    )(a, g, w2, b2.reshape(1, do), res)


def _ecmax_lin(a, g, w2, b2, wn, bn):
    n, dh = a.shape
    k = g.shape[1] // dh
    do = w2.shape[1]
    dn = wn.shape[1]
    rb = 256
    grid = (n // rb,)
    return pl.pallas_call(
        functools.partial(_ecmax_lin_body, k=k, dh=dh),
        grid=grid,
        in_specs=[
            pl.BlockSpec((rb, dh), lambda i: (i, 0)),
            pl.BlockSpec((rb, k * dh), lambda i: (i, 0)),
            pl.BlockSpec((dh, do), lambda i: (0, 0)),
            pl.BlockSpec((1, do), lambda i: (0, 0)),
            pl.BlockSpec((do, dn), lambda i: (0, 0)),
            pl.BlockSpec((1, dn), lambda i: (0, 0)),
        ],
        out_specs=[
            pl.BlockSpec((rb, do), lambda i: (i, 0)),
            pl.BlockSpec((rb, dn), lambda i: (i, 0)),
        ],
        out_shape=[
            jax.ShapeDtypeStruct((n, do), jnp.float32),
            jax.ShapeDtypeStruct((n, dn), jnp.float32),
        ],
    )(a, g, w2, b2.reshape(1, do), wn, bn.reshape(1, dn))



def _sc_gather(table, idx):
    m = idx.shape[0]
    dd = table.shape[1]
    nw = 32
    per_w = m // nw
    max_sub = 32768 // dd
    sub = max_sub if per_w % max_sub == 0 else per_w
    nch = per_w // sub
    mesh = plsc.VectorSubcoreMesh(core_axis_name="c", subcore_axis_name="s")

    @functools.partial(
        pl.kernel,
        out_type=jax.ShapeDtypeStruct((m, dd), jnp.float32),
        mesh=mesh,
        compiler_params=pltpu.CompilerParams(use_tc_tiling_on_sc=False),
        scratch_types=[
            pltpu.VMEM((per_w,), jnp.int32),
            pltpu.VMEM((sub, dd), jnp.float32),
            pltpu.VMEM((sub, dd), jnp.float32),
            pltpu.SemaphoreType.DMA,
            pltpu.SemaphoreType.DMA,
        ],
    )
    def gk(table_hbm, idx_hbm, out_hbm, idx_v, rows_v0, rows_v1, sem0, sem1):
        wid = lax.axis_index("s") * 2 + lax.axis_index("c")
        base = wid * per_w
        pltpu.sync_copy(idx_hbm.at[pl.ds(base, per_w)], idx_v)
        rows = (rows_v0, rows_v1)
        sems = (sem0, sem1)
        copies = []
        for c in range(nch):
            copies.append(pltpu.async_copy(
                table_hbm.at[idx_v.at[pl.ds(c * sub, sub)]], rows[c % 2],
                sems[c % 2]))
            if c >= 1:
                copies[c - 1].wait()
                pltpu.sync_copy(rows[(c - 1) % 2],
                                out_hbm.at[pl.ds(base + (c - 1) * sub, sub)])
        copies[nch - 1].wait()
        pltpu.sync_copy(rows[(nch - 1) % 2],
                        out_hbm.at[pl.ds(base + (nch - 1) * sub, sub)])

    return gk(table, idx)



def _knn_flat(x, k, exclude_self=False, ab_w=None, mlp_w=None):
    outs = _knn(x, k, exclude_self, ab_w, mlp_w)
    return (outs[0][:, :k].reshape(-1),) + tuple(outs[1:])


def _ec_wprep(w1, b1):
    d = w1.shape[0] // 2
    w1a, w1b = w1[:d], w1[d:]
    wcat = jnp.concatenate([w1a - w1b, w1b], axis=1)
    bcat = jnp.concatenate([b1, jnp.zeros_like(b1)])
    return wcat, bcat


def _dynconv(x, p, k1, k2, mlp_w=None, tail_mlp=None):
    n = x.shape[0]
    dh1 = p['dc1_W1'].shape[1]
    dh2 = p['dc2_W1'].shape[1]
    wcat1, bcat1 = _ec_wprep(p['dc1_W1'], p['dc1_b1'])
    wcat2, bcat2 = _ec_wprep(p['dc2_W1'], p['dc2_b1'])
    outs = _knn_flat(x, k1, ab_w=(wcat1, bcat1), mlp_w=mlp_w)
    idx1, ab1 = outs[0], outs[1]
    extra = tuple(outs[2:])
    g1 = _sc_gather(ab1[:, dh1:], idx1).reshape(n, k1 * dh1)
    h, ab2 = _ecmax_lin(ab1[:, :dh1], g1, p['dc1_W2'], p['dc1_b2'],
                        wcat2, bcat2)
    idx2 = _knn_flat(h, k2)[0]
    g2 = _sc_gather(ab2[:, dh2:], idx2).reshape(n, k2 * dh2)
    if tail_mlp is None:
        res = jnp.zeros((n, p['dc2_W2'].shape[1]), jnp.float32)
        feat = _ecmax(ab2[:, :dh2], g2, p['dc2_W2'], p['dc2_b2'], res)
    else:
        feat = _ecmax_mlp2(ab2[:, :dh2], g2, p['dc2_W2'], p['dc2_b2'],
                           *tail_mlp)
    return (feat,) + extra


def kernel(ctx_xyz, ctx_tokens, pred_tokens, mask_id, params):
    p = params
    bb, mm, pp, c = pred_tokens.shape
    n_c = bb * pp
    n_t = n_c * _UP

    pred_tok_m = jnp.take(pred_tokens, mask_id, axis=1)
    distinct = pred_tok_m.reshape(n_c, c)
    ctx_tok_f = ctx_tokens.reshape(n_c, c)
    ctx_xyz_f = ctx_xyz.reshape(n_c, 3)

    ctx_out = _dynconv(
        ctx_tok_f, p, 16, 8,
        tail_mlp=(p['cd_W1'], p['cd_b1'], p['cd_W2'], p['cd_b2'],
                  ctx_xyz_f, 0.05))[0]

    feat_t, seed = _dynconv(
        distinct, p, 4, 2,
        mlp_w=(p['lat_W1'], p['lat_b1'], p['lat_W2'], p['lat_b2']))
    tgt_feat = jnp.broadcast_to(
        feat_t.reshape(bb, pp, 1, feat_t.shape[1]),
        (bb, pp, _UP, feat_t.shape[1])).reshape(n_t, feat_t.shape[1])
    seed_rep = jnp.broadcast_to(
        seed.reshape(bb, pp, 1, 3), (bb, pp, _UP, 3)).reshape(bb, pp * _UP, 3)
    noise = jax.random.normal(jax.random.key(777), (bb, pp * _UP, 3),
                              dtype=jnp.float32) * 0.02
    tgt_xyz_f = (seed_rep + noise).reshape(n_t, 3)

    x_fold = jnp.concatenate([tgt_xyz_f, tgt_feat], axis=1)
    wcat_r, bcat_r = _ec_wprep(p['rf_W1'], p['rf_b1'])
    tgt_xyz_f, ab_r = _fo_mlp(x_fold, tgt_xyz_f, p['fo_W1'], p['fo_b1'],
                              p['fo_W2'], p['fo_b2'], p['fo_W3'], p['fo_b3'],
                              wcat_r, bcat_r)

    idx_f = _knn_flat(tgt_xyz_f, 16, exclude_self=True)[0]
    dh_r = p['rf_W1'].shape[1]
    g_r = _sc_gather(ab_r[:, dh_r:], idx_f).reshape(n_t, 16 * dh_r)
    tgt_out = _ecmax(ab_r[:, :dh_r], g_r, p['rf_W2'], p['rf_b2'], tgt_xyz_f)

    return jnp.concatenate([ctx_out, tgt_out], axis=0)

# --- scband reference (transcript-rebuilt; emitter-appended) ---
"""Pipeline reference for scband-point-generator-16140487098442 (READ-ONLY COPY).

The authoritative reference and input builder live on the scoring server;
editing this copy changes nothing except your own understanding.
"""

import jax, jax.numpy as jnp
import numpy as np

TOKEN_DIM = 256
UP_RATE = 4
B, M, P = 2, 4, 1024


def _lin(key, fi, fo):
    k1, k2 = jax.random.split(key)
    lim = 1.0 / np.sqrt(fi)
    W = jax.random.uniform(k1, (fi, fo), minval=-lim, maxval=lim, dtype=jnp.float32)
    b = jax.random.uniform(k2, (fo,), minval=-lim, maxval=lim, dtype=jnp.float32)
    return W, b


def setup_inputs(seed: int = 0):
    key = jax.random.key(seed)
    ks = jax.random.split(key, 16)
    p = {}
    p['lat_W1'], p['lat_b1'] = _lin(ks[0], TOKEN_DIM, TOKEN_DIM)
    p['lat_W2'], p['lat_b2'] = _lin(ks[1], TOKEN_DIM, 3)
    p['dc1_W1'], p['dc1_b1'] = _lin(ks[2], 2 * TOKEN_DIM, TOKEN_DIM // 2)
    p['dc1_W2'], p['dc1_b2'] = _lin(ks[3], TOKEN_DIM // 2, TOKEN_DIM // 2)
    p['dc2_W1'], p['dc2_b1'] = _lin(ks[4], TOKEN_DIM, TOKEN_DIM // 4)
    p['dc2_W2'], p['dc2_b2'] = _lin(ks[5], TOKEN_DIM // 4, TOKEN_DIM // 4)
    p['cd_W1'], p['cd_b1'] = _lin(ks[6], TOKEN_DIM // 4, TOKEN_DIM // 8)
    p['cd_W2'], p['cd_b2'] = _lin(ks[7], TOKEN_DIM // 8, 3)
    p['fo_W1'], p['fo_b1'] = _lin(ks[8], TOKEN_DIM // 4 + 3, 256)
    p['fo_W2'], p['fo_b2'] = _lin(ks[9], 256, 256)
    p['fo_W3'], p['fo_b3'] = _lin(ks[10], 256, 3)
    p['rf_W1'], p['rf_b1'] = _lin(ks[11], 2 * (TOKEN_DIM // 4 + 3), TOKEN_DIM // 4)
    p['rf_W2'], p['rf_b2'] = _lin(ks[12], TOKEN_DIM // 4, 3)
    ctx_xyz = jax.random.normal(ks[13], (B, P, 3), dtype=jnp.float32)
    ctx_tokens = jax.random.normal(ks[14], (B, P, TOKEN_DIM), dtype=jnp.float32)
    pred_tokens = jax.random.normal(ks[15], (B, M, P, TOKEN_DIM), dtype=jnp.float32)
    return {"ctx_xyz": ctx_xyz, "ctx_tokens": ctx_tokens, "pred_tokens": pred_tokens,
            "mask_id": 0, "params": p}


def _knn_idx(x, k, include_self):
    sq = jnp.sum(x * x, axis=1)
    d = sq[:, None] - 2.0 * (x @ x.T) + sq[None, :]
    if not include_self:
        n = x.shape[0]
        d = d.at[jnp.arange(n), jnp.arange(n)].set(jnp.inf)
    _, idx = jax.lax.top_k(-d, k)
    return idx


def _edge_conv_max(x, idx, W1, b1, W2, b2):
    xj = x[idx]
    xi = jnp.broadcast_to(x[:, None, :], xj.shape)
    e = jnp.concatenate([xi, xj - xi], axis=-1)
    h = jax.nn.relu(e @ W1 + b1) @ W2 + b2
    return jnp.max(h, axis=1)


def _shared_dynconv(x, p):
    idx1 = _knn_idx(x, 16, True)
    h = _edge_conv_max(x, idx1, p['dc1_W1'], p['dc1_b1'], p['dc1_W2'], p['dc1_b2'])
    idx2 = _knn_idx(h, 8, True)
    return _edge_conv_max(h, idx2, p['dc2_W1'], p['dc2_b1'], p['dc2_W2'], p['dc2_b2'])


def _forward(ctx_xyz, ctx_tokens, pred_tokens, mask_id, p):
    Bb, Mm, Pp, C = pred_tokens.shape
    pred_tok_m = pred_tokens[:, mask_id]
    seed_xyz = jax.nn.relu(pred_tok_m @ p['lat_W1'] + p['lat_b1']) @ p['lat_W2'] + p['lat_b2']
    ctx_xyz_f = ctx_xyz.reshape(-1, 3)
    ctx_tok_f = ctx_tokens.reshape(-1, C)
    ctx_feat = _shared_dynconv(ctx_tok_f, p)
    ctx_xyz_out = ctx_xyz_f + 0.05 * (
        jax.nn.relu(ctx_feat @ p['cd_W1'] + p['cd_b1']) @ p['cd_W2'] + p['cd_b2'])
    tgt_xyz = jnp.repeat(seed_xyz, UP_RATE, axis=1)
    noise = jax.random.normal(jax.random.key(777), tgt_xyz.shape, dtype=jnp.float32) * 0.02
    tgt_xyz = tgt_xyz + noise
    tgt_xyz_f = tgt_xyz.reshape(-1, 3)
    tgt_tok = jnp.repeat(pred_tok_m, UP_RATE, axis=1)
    tgt_tok_f = tgt_tok.reshape(-1, C)
    tgt_feat = _shared_dynconv(tgt_tok_f, p)
    h = jnp.concatenate([tgt_xyz_f, tgt_feat], axis=-1)
    h = jax.nn.relu(h @ p['fo_W1'] + p['fo_b1'])
    h = jax.nn.relu(h @ p['fo_W2'] + p['fo_b2'])
    tgt_xyz_f = tgt_xyz_f + (h @ p['fo_W3'] + p['fo_b3'])
    idx = _knn_idx(tgt_xyz_f, 16, False)
    xr = jnp.concatenate([tgt_feat, tgt_xyz_f], axis=-1)
    tgt_xyz_f = tgt_xyz_f + _edge_conv_max(xr, idx, p['rf_W1'], p['rf_b1'], p['rf_W2'], p['rf_b2'])
    return jnp.concatenate([ctx_xyz_out, tgt_xyz_f], axis=0)


def reference(ctx_xyz, ctx_tokens, pred_tokens, mask_id, params):
    return _forward(ctx_xyz, ctx_tokens, pred_tokens, mask_id, params)

if __name__ == "__main__":
    import jax
    _d = setup_inputs()
    print(jax.jit(kernel)(*tuple(_d.values())))

</pallas_src>

<mosaic_0001>
#map = affine_map<(d0, d1) -> (0, 0)>
#map1 = affine_map<(d0, d1) -> (0)>
module attributes {stable_mosaic.version = 14 : i64} {
  func.func @gk(%arg0: i32, %arg1: i32, %arg2: memref<2048x128xf32, #tpu.memory_space<hbm>>, %arg3: memref<32768xi32, #tpu.memory_space<hbm>>, %arg4: memref<32768x128xf32, #tpu.memory_space<hbm>>, %arg5: memref<1024xi32, #tpu.memory_space<vmem>>, %arg6: memref<256x128xf32, #tpu.memory_space<vmem>>, %arg7: memref<256x128xf32, #tpu.memory_space<vmem>>, %arg8: memref<!tpu.dma_semaphore, #tpu.memory_space<semaphore_mem>>, %arg9: memref<!tpu.dma_semaphore, #tpu.memory_space<semaphore_mem>>) attributes {dimension_semantics = [#tpu.dimension_semantics<core_parallel>, #tpu.dimension_semantics<subcore_parallel>], iteration_bounds = array<i64: 2, 16>, scalar_prefetch = 0 : i64, scratch_operands = 5 : i64, tpu.core_type = #tpu.core_type<sc_vector_subcore>, window_params = [{transform_indices = #map}, {transform_indices = #map1}, {transform_indices = #map}]} {
    %mul3A = arith.constant 2 : i32
    %mul3A_0 = arith.muli %arg1, %mul3A : i32
    %add3A = arith.addi %mul3A_0, %arg0 : i32
    %mul3A_1 = arith.constant 1024 : i32
    %mul3A_2 = arith.muli %add3A, %mul3A_1 : i32
    "tpu.region"() ({
      %run_scoped3A = tpu.sem_alloc : memref<!tpu.dma_semaphore, #tpu.memory_space<semaphore_mem>>
      %dma_start3A_49 = tpu.memref_slice %arg3[%mul3A_2] : memref<32768xi32, #tpu.memory_space<hbm>> -> memref<1024xi32, #tpu.memory_space<hbm>>
      %dma_start3A_50 = tpu.memref_slice %arg3[%mul3A_2] : memref<32768xi32, #tpu.memory_space<hbm>> -> memref<1024xi32, #tpu.memory_space<hbm>>
      tpu.enqueue_dma source(%dma_start3A_50 : memref<1024xi32, #tpu.memory_space<hbm>>) target(%arg5 : memref<1024xi32, #tpu.memory_space<vmem>>) target_semaphore(%run_scoped3A : memref<!tpu.dma_semaphore, #tpu.memory_space<semaphore_mem>>)
      %dma_wait3A_51 = tpu.memref_slice %arg3[%mul3A_2] : memref<32768xi32, #tpu.memory_space<hbm>> -> memref<1024xi32, #tpu.memory_space<hbm>>
      %dma_wait3A_52 = tpu.memref_slice %arg3[%mul3A_2] : memref<32768xi32, #tpu.memory_space<hbm>> -> memref<1024xi32, #tpu.memory_space<hbm>>
      tpu.wait_dma2 semaphore(%run_scoped3A : memref<!tpu.dma_semaphore, #tpu.memory_space<semaphore_mem>>) src(%dma_wait3A_52 : memref<1024xi32, #tpu.memory_space<hbm>>) dst(%arg5 : memref<1024xi32, #tpu.memory_space<vmem>>)
      tpu.yield
    }) : () -> ()
    %dma_start3A = arith.constant 0 : i32
    %dma_start3A_3 = tpu.memref_slice %arg5[%dma_start3A] : memref<1024xi32, #tpu.memory_space<vmem>> -> memref<256xi32, #tpu.memory_space<vmem>>
    %dma_start3A_4 = arith.constant 0 : i32
    %dma_start3A_5 = arith.constant 0 : i32
    %dma_start3A_6 = tpu.memref_slice %arg2[%dma_start3A_4, %dma_start3A_5] : memref<2048x128xf32, #tpu.memory_space<hbm>> -> memref<2048x128xf32, #tpu.memory_space<hbm>>
    tpu.enqueue_indirect_dma source(%dma_start3A_6 : memref<2048x128xf32, #tpu.memory_space<hbm>>) target(%arg6 : memref<256x128xf32, #tpu.memory_space<vmem>>) offsets(%dma_start3A_3 : memref<256xi32, #tpu.memory_space<vmem>>) semaphore(%arg8 : memref<!tpu.dma_semaphore, #tpu.memory_space<semaphore_mem>>)
    %dma_start3A_7 = arith.constant 256 : i32
    %dma_start3A_8 = tpu.memref_slice %arg5[%dma_start3A_7] : memref<1024xi32, #tpu.memory_space<vmem>> -> memref<256xi32, #tpu.memory_space<vmem>>
    %dma_start3A_9 = arith.constant 0 : i32
    %dma_start3A_10 = arith.constant 0 : i32
    %dma_start3A_11 = tpu.memref_slice %arg2[%dma_start3A_9, %dma_start3A_10] : memref<2048x128xf32, #tpu.memory_space<hbm>> -> memref<2048x128xf32, #tpu.memory_space<hbm>>
    tpu.enqueue_indirect_dma source(%dma_start3A_11 : memref<2048x128xf32, #tpu.memory_space<hbm>>) target(%arg7 : memref<256x128xf32, #tpu.memory_space<vmem>>) offsets(%dma_start3A_8 : memref<256xi32, #tpu.memory_space<vmem>>) semaphore(%arg9 : memref<!tpu.dma_semaphore, #tpu.memory_space<semaphore_mem>>)
    %dma_wait3A = arith.constant 0 : i32
    %dma_wait3A_12 = tpu.memref_slice %arg5[%dma_wait3A] : memref<1024xi32, #tpu.memory_space<vmem>> -> memref<256xi32, #tpu.memory_space<vmem>>
    %dma_wait3A_13 = arith.constant 0 : i32
    %dma_wait3A_14 = arith.constant 0 : i32
    %dma_wait3A_15 = tpu.memref_slice %arg2[%dma_wait3A_13, %dma_wait3A_14] : memref<2048x128xf32, #tpu.memory_space<hbm>> -> memref<2048x128xf32, #tpu.memory_space<hbm>>
    tpu.wait_indirect_dma semaphore(%arg8 : memref<!tpu.dma_semaphore, #tpu.memory_space<semaphore_mem>>) src(%dma_wait3A_15 : memref<2048x128xf32, #tpu.memory_space<hbm>>) dst(%arg6 : memref<256x128xf32, #tpu.memory_space<vmem>>)
    %add3A_16 = arith.constant 0 : i32
    %add3A_17 = arith.addi %mul3A_2, %add3A_16 : i32
    "tpu.region"() ({
      %run_scoped3A = tpu.sem_alloc : memref<!tpu.dma_semaphore, #tpu.memory_space<semaphore_mem>>
      %dma_start3A_49 = arith.constant 0 : i32
      %dma_start3A_50 = tpu.memref_slice %arg4[%add3A_17, %dma_start3A_49] : memref<32768x128xf32, #tpu.memory_space<hbm>> -> memref<256x128xf32, #tpu.memory_space<hbm>>
      %dma_start3A_51 = arith.constant 0 : i32
      %dma_start3A_52 = tpu.memref_slice %arg4[%add3A_17, %dma_start3A_51] : memref<32768x128xf32, #tpu.memory_space<hbm>> -> memref<256x128xf32, #tpu.memory_space<hbm>>
      tpu.enqueue_dma source(%arg6 : memref<256x128xf32, #tpu.memory_space<vmem>>) target(%dma_start3A_52 : memref<256x128xf32, #tpu.memory_space<hbm>>) target_semaphore(%run_scoped3A : memref<!tpu.dma_semaphore, #tpu.memory_space<semaphore_mem>>)
      %dma_wait3A_53 = arith.constant 0 : i32
      %dma_wait3A_54 = tpu.memref_slice %arg4[%add3A_17, %dma_wait3A_53] : memref<32768x128xf32, #tpu.memory_space<hbm>> -> memref<256x128xf32, #tpu.memory_space<hbm>>
      %dma_wait3A_55 = arith.constant 0 : i32
      %dma_wait3A_56 = tpu.memref_slice %arg4[%add3A_17, %dma_wait3A_55] : memref<32768x128xf32, #tpu.memory_space<hbm>> -> memref<256x128xf32, #tpu.memory_space<hbm>>
      tpu.wait_dma2 semaphore(%run_scoped3A : memref<!tpu.dma_semaphore, #tpu.memory_space<semaphore_mem>>) src(%arg6 : memref<256x128xf32, #tpu.memory_space<vmem>>) dst(%dma_wait3A_56 : memref<256x128xf32, #tpu.memory_space<hbm>>)
      tpu.yield
    }) : () -> ()
    %dma_start3A_18 = arith.constant 512 : i32
    %dma_start3A_19 = tpu.memref_slice %arg5[%dma_start3A_18] : memref<1024xi32, #tpu.memory_space<vmem>> -> memref<256xi32, #tpu.memory_space<vmem>>
    %dma_start3A_20 = arith.constant 0 : i32
    %dma_start3A_21 = arith.constant 0 : i32
    %dma_start3A_22 = tpu.memref_slice %arg2[%dma_start3A_20, %dma_start3A_21] : memref<2048x128xf32, #tpu.memory_space<hbm>> -> memref<2048x128xf32, #tpu.memory_space<hbm>>
    tpu.enqueue_indirect_dma source(%dma_start3A_22 : memref<2048x128xf32, #tpu.memory_space<hbm>>) target(%arg6 : memref<256x128xf32, #tpu.memory_space<vmem>>) offsets(%dma_start3A_19 : memref<256xi32, #tpu.memory_space<vmem>>) semaphore(%arg8 : memref<!tpu.dma_semaphore, #tpu.memory_space<semaphore_mem>>)
    %dma_wait3A_23 = arith.constant 256 : i32
    %dma_wait3A_24 = tpu.memref_slice %arg5[%dma_wait3A_23] : memref<1024xi32, #tpu.memory_space<vmem>> -> memref<256xi32, #tpu.memory_space<vmem>>
    %dma_wait3A_25 = arith.constant 0 : i32
    %dma_wait3A_26 = arith.constant 0 : i32
    %dma_wait3A_27 = tpu.memref_slice %arg2[%dma_wait3A_25, %dma_wait3A_26] : memref<2048x128xf32, #tpu.memory_space<hbm>> -> memref<2048x128xf32, #tpu.memory_space<hbm>>
    tpu.wait_indirect_dma semaphore(%arg9 : memref<!tpu.dma_semaphore, #tpu.memory_space<semaphore_mem>>) src(%dma_wait3A_27 : memref<2048x128xf32, #tpu.memory_space<hbm>>) dst(%arg7 : memref<256x128xf32, #tpu.memory_space<vmem>>)
    %add3A_28 = arith.constant 256 : i32
    %add3A_29 = arith.addi %mul3A_2, %add3A_28 : i32
    "tpu.region"() ({
      %run_scoped3A = tpu.sem_alloc : memref<!tpu.dma_semaphore, #tpu.memory_space<semaphore_mem>>
      %dma_start3A_49 = arith.constant 0 : i32
      %dma_start3A_50 = tpu.memref_slice %arg4[%add3A_29, %dma_start3A_49] : memref<32768x128xf32, #tpu.memory_space<hbm>> -> memref<256x128xf32, #tpu.memory_space<hbm>>
      %dma_start3A_51 = arith.constant 0 : i32
      %dma_start3A_52 = tpu.memref_slice %arg4[%add3A_29, %dma_start3A_51] : memref<32768x128xf32, #tpu.memory_space<hbm>> -> memref<256x128xf32, #tpu.memory_space<hbm>>
      tpu.enqueue_dma source(%arg7 : memref<256x128xf32, #tpu.memory_space<vmem>>) target(%dma_start3A_52 : memref<256x128xf32, #tpu.memory_space<hbm>>) target_semaphore(%run_scoped3A : memref<!tpu.dma_semaphore, #tpu.memory_space<semaphore_mem>>)
      %dma_wait3A_53 = arith.constant 0 : i32
      %dma_wait3A_54 = tpu.memref_slice %arg4[%add3A_29, %dma_wait3A_53] : memref<32768x128xf32, #tpu.memory_space<hbm>> -> memref<256x128xf32, #tpu.memory_space<hbm>>
      %dma_wait3A_55 = arith.constant 0 : i32
      %dma_wait3A_56 = tpu.memref_slice %arg4[%add3A_29, %dma_wait3A_55] : memref<32768x128xf32, #tpu.memory_space<hbm>> -> memref<256x128xf32, #tpu.memory_space<hbm>>
      tpu.wait_dma2 semaphore(%run_scoped3A : memref<!tpu.dma_semaphore, #tpu.memory_space<semaphore_mem>>) src(%arg7 : memref<256x128xf32, #tpu.memory_space<vmem>>) dst(%dma_wait3A_56 : memref<256x128xf32, #tpu.memory_space<hbm>>)
      tpu.yield
    }) : () -> ()
    %dma_start3A_30 = arith.constant 768 : i32
    %dma_start3A_31 = tpu.memref_slice %arg5[%dma_start3A_30] : memref<1024xi32, #tpu.memory_space<vmem>> -> memref<256xi32, #tpu.memory_space<vmem>>
    %dma_start3A_32 = arith.constant 0 : i32
    %dma_start3A_33 = arith.constant 0 : i32
    %dma_start3A_34 = tpu.memref_slice %arg2[%dma_start3A_32, %dma_start3A_33] : memref<2048x128xf32, #tpu.memory_space<hbm>> -> memref<2048x128xf32, #tpu.memory_space<hbm>>
    tpu.enqueue_indirect_dma source(%dma_start3A_34 : memref<2048x128xf32, #tpu.memory_space<hbm>>) target(%arg7 : memref<256x128xf32, #tpu.memory_space<vmem>>) offsets(%dma_start3A_31 : memref<256xi32, #tpu.memory_space<vmem>>) semaphore(%arg9 : memref<!tpu.dma_semaphore, #tpu.memory_space<semaphore_mem>>)
    %dma_wait3A_35 = arith.constant 512 : i32
    %dma_wait3A_36 = tpu.memref_slice %arg5[%dma_wait3A_35] : memref<1024xi32, #tpu.memory_space<vmem>> -> memref<256xi32, #tpu.memory_space<vmem>>
    %dma_wait3A_37 = arith.constant 0 : i32
    %dma_wait3A_38 = arith.constant 0 : i32
    %dma_wait3A_39 = tpu.memref_slice %arg2[%dma_wait3A_37, %dma_wait3A_38] : memref<2048x128xf32, #tpu.memory_space<hbm>> -> memref<2048x128xf32, #tpu.memory_space<hbm>>
    tpu.wait_indirect_dma semaphore(%arg8 : memref<!tpu.dma_semaphore, #tpu.memory_space<semaphore_mem>>) src(%dma_wait3A_39 : memref<2048x128xf32, #tpu.memory_space<hbm>>) dst(%arg6 : memref<256x128xf32, #tpu.memory_space<vmem>>)
    %add3A_40 = arith.constant 512 : i32
    %add3A_41 = arith.addi %mul3A_2, %add3A_40 : i32
    "tpu.region"() ({
      %run_scoped3A = tpu.sem_alloc : memref<!tpu.dma_semaphore, #tpu.memory_space<semaphore_mem>>
      %dma_start3A_49 = arith.constant 0 : i32
      %dma_start3A_50 = tpu.memref_slice %arg4[%add3A_41, %dma_start3A_49] : memref<32768x128xf32, #tpu.memory_space<hbm>> -> memref<256x128xf32, #tpu.memory_space<hbm>>
      %dma_start3A_51 = arith.constant 0 : i32
      %dma_start3A_52 = tpu.memref_slice %arg4[%add3A_41, %dma_start3A_51] : memref<32768x128xf32, #tpu.memory_space<hbm>> -> memref<256x128xf32, #tpu.memory_space<hbm>>
      tpu.enqueue_dma source(%arg6 : memref<256x128xf32, #tpu.memory_space<vmem>>) target(%dma_start3A_52 : memref<256x128xf32, #tpu.memory_space<hbm>>) target_semaphore(%run_scoped3A : memref<!tpu.dma_semaphore, #tpu.memory_space<semaphore_mem>>)
      %dma_wait3A_53 = arith.constant 0 : i32
      %dma_wait3A_54 = tpu.memref_slice %arg4[%add3A_41, %dma_wait3A_53] : memref<32768x128xf32, #tpu.memory_space<hbm>> -> memref<256x128xf32, #tpu.memory_space<hbm>>
      %dma_wait3A_55 = arith.constant 0 : i32
      %dma_wait3A_56 = tpu.memref_slice %arg4[%add3A_41, %dma_wait3A_55] : memref<32768x128xf32, #tpu.memory_space<hbm>> -> memref<256x128xf32, #tpu.memory_space<hbm>>
      tpu.wait_dma2 semaphore(%run_scoped3A : memref<!tpu.dma_semaphore, #tpu.memory_space<semaphore_mem>>) src(%arg6 : memref<256x128xf32, #tpu.memory_space<vmem>>) dst(%dma_wait3A_56 : memref<256x128xf32, #tpu.memory_space<hbm>>)
      tpu.yield
    }) : () -> ()
    %dma_wait3A_42 = arith.constant 768 : i32
    %dma_wait3A_43 = tpu.memref_slice %arg5[%dma_wait3A_42] : memref<1024xi32, #tpu.memory_space<vmem>> -> memref<256xi32, #tpu.memory_space<vmem>>
    %dma_wait3A_44 = arith.constant 0 : i32
    %dma_wait3A_45 = arith.constant 0 : i32
    %dma_wait3A_46 = tpu.memref_slice %arg2[%dma_wait3A_44, %dma_wait3A_45] : memref<2048x128xf32, #tpu.memory_space<hbm>> -> memref<2048x128xf32, #tpu.memory_space<hbm>>
    tpu.wait_indirect_dma semaphore(%arg9 : memref<!tpu.dma_semaphore, #tpu.memory_space<semaphore_mem>>) src(%dma_wait3A_46 : memref<2048x128xf32, #tpu.memory_space<hbm>>) dst(%arg7 : memref<256x128xf32, #tpu.memory_space<vmem>>)
    %add3A_47 = arith.constant 768 : i32
    %add3A_48 = arith.addi %mul3A_2, %add3A_47 : i32
    "tpu.region"() ({
      %run_scoped3A = tpu.sem_alloc : memref<!tpu.dma_semaphore, #tpu.memory_space<semaphore_mem>>
      %dma_start3A_49 = arith.constant 0 : i32
      %dma_start3A_50 = tpu.memref_slice %arg4[%add3A_48, %dma_start3A_49] : memref<32768x128xf32, #tpu.memory_space<hbm>> -> memref<256x128xf32, #tpu.memory_space<hbm>>
      %dma_start3A_51 = arith.constant 0 : i32
      %dma_start3A_52 = tpu.memref_slice %arg4[%add3A_48, %dma_start3A_51] : memref<32768x128xf32, #tpu.memory_space<hbm>> -> memref<256x128xf32, #tpu.memory_space<hbm>>
      tpu.enqueue_dma source(%arg7 : memref<256x128xf32, #tpu.memory_space<vmem>>) target(%dma_start3A_52 : memref<256x128xf32, #tpu.memory_space<hbm>>) target_semaphore(%run_scoped3A : memref<!tpu.dma_semaphore, #tpu.memory_space<semaphore_mem>>)
      %dma_wait3A_53 = arith.constant 0 : i32
      %dma_wait3A_54 = tpu.memref_slice %arg4[%add3A_48, %dma_wait3A_53] : memref<32768x128xf32, #tpu.memory_space<hbm>> -> memref<256x128xf32, #tpu.memory_space<hbm>>
      %dma_wait3A_55 = arith.constant 0 : i32
      %dma_wait3A_56 = tpu.memref_slice %arg4[%add3A_48, %dma_wait3A_55] : memref<32768x128xf32, #tpu.memory_space<hbm>> -> memref<256x128xf32, #tpu.memory_space<hbm>>
      tpu.wait_dma2 semaphore(%run_scoped3A : memref<!tpu.dma_semaphore, #tpu.memory_space<semaphore_mem>>) src(%arg7 : memref<256x128xf32, #tpu.memory_space<vmem>>) dst(%dma_wait3A_56 : memref<256x128xf32, #tpu.memory_space<hbm>>)
      tpu.yield
    }) : () -> ()
    return
  }
}

#map = affine_map<(d0, d1) -> (0, 0)>
#map1 = affine_map<(d0, d1) -> (0)>
module attributes {stable_mosaic.version = 14 : i64} {
  func.func @gk(%arg0: i32, %arg1: i32, %arg2: memref<2048x64xf32, #tpu.memory_space<hbm>>, %arg3: memref<16384xi32, #tpu.memory_space<hbm>>, %arg4: memref<16384x64xf32, #tpu.memory_space<hbm>>, %arg5: memref<512xi32, #tpu.memory_space<vmem>>, %arg6: memref<512x64xf32, #tpu.memory_space<vmem>>, %arg7: memref<512x64xf32, #tpu.memory_space<vmem>>, %arg8: memref<!tpu.dma_semaphore, #tpu.memory_space<semaphore_mem>>, %arg9: memref<!tpu.dma_semaphore, #tpu.memory_space<semaphore_mem>>) attributes {dimension_semantics = [#tpu.dimension_semantics<core_parallel>, #tpu.dimension_semantics<subcore_parallel>], iteration_bounds = array<i64: 2, 16>, scalar_prefetch = 0 : i64, scratch_operands = 5 : i64, tpu.core_type = #tpu.core_type<sc_vector_subcore>, window_params = [{transform_indices = #map}, {transform_indices = #map1}, {transform_indices = #map}]} {
    %mul3A = arith.constant 2 : i32
    %mul3A_0 = arith.muli %arg1, %mul3A : i32
    %add3A = arith.addi %mul3A_0, %arg0 : i32
    %mul3A_1 = arith.constant 512 : i32
    %mul3A_2 = arith.muli %add3A, %mul3A_1 : i32
    "tpu.region"() ({
      %run_scoped3A = tpu.sem_alloc : memref<!tpu.dma_semaphore, #tpu.memory_space<semaphore_mem>>
      %dma_start3A_13 = tpu.memref_slice %arg3[%mul3A_2] : memref<16384xi32, #tpu.memory_space<hbm>> -> memref<512xi32, #tpu.memory_space<hbm>>
      %dma_start3A_14 = tpu.memref_slice %arg3[%mul3A_2] : memref<16384xi32, #tpu.memory_space<hbm>> -> memref<512xi32, #tpu.memory_space<hbm>>
      tpu.enqueue_dma source(%dma_start3A_14 : memref<512xi32, #tpu.memory_space<hbm>>) target(%arg5 : memref<512xi32, #tpu.memory_space<vmem>>) target_semaphore(%run_scoped3A : memref<!tpu.dma_semaphore, #tpu.memory_space<semaphore_mem>>)
      %dma_wait3A_15 = tpu.memref_slice %arg3[%mul3A_2] : memref<16384xi32, #tpu.memory_space<hbm>> -> memref<512xi32, #tpu.memory_space<hbm>>
      %dma_wait3A_16 = tpu.memref_slice %arg3[%mul3A_2] : memref<16384xi32, #tpu.memory_space<hbm>> -> memref<512xi32, #tpu.memory_space<hbm>>
      tpu.wait_dma2 semaphore(%run_scoped3A : memref<!tpu.dma_semaphore, #tpu.memory_space<semaphore_mem>>) src(%dma_wait3A_16 : memref<512xi32, #tpu.memory_space<hbm>>) dst(%arg5 : memref<512xi32, #tpu.memory_space<vmem>>)
      tpu.yield
    }) : () -> ()
    %dma_start3A = arith.constant 0 : i32
    %dma_start3A_3 = tpu.memref_slice %arg5[%dma_start3A] : memref<512xi32, #tpu.memory_space<vmem>> -> memref<512xi32, #tpu.memory_space<vmem>>
    %dma_start3A_4 = arith.constant 0 : i32
    %dma_start3A_5 = arith.constant 0 : i32
    %dma_start3A_6 = tpu.memref_slice %arg2[%dma_start3A_4, %dma_start3A_5] : memref<2048x64xf32, #tpu.memory_space<hbm>> -> memref<2048x64xf32, #tpu.memory_space<hbm>>
    tpu.enqueue_indirect_dma source(%dma_start3A_6 : memref<2048x64xf32, #tpu.memory_space<hbm>>) target(%arg6 : memref<512x64xf32, #tpu.memory_space<vmem>>) offsets(%dma_start3A_3 : memref<512xi32, #tpu.memory_space<vmem>>) semaphore(%arg8 : memref<!tpu.dma_semaphore, #tpu.memory_space<semaphore_mem>>)
    %dma_wait3A = arith.constant 0 : i32
    %dma_wait3A_7 = tpu.memref_slice %arg5[%dma_wait3A] : memref<512xi32, #tpu.memory_space<vmem>> -> memref<512xi32, #tpu.memory_space<vmem>>
    %dma_wait3A_8 = arith.constant 0 : i32
    %dma_wait3A_9 = arith.constant 0 : i32
    %dma_wait3A_10 = tpu.memref_slice %arg2[%dma_wait3A_8, %dma_wait3A_9] : memref<2048x64xf32, #tpu.memory_space<hbm>> -> memref<2048x64xf32, #tpu.memory_space<hbm>>
    tpu.wait_indirect_dma semaphore(%arg8 : memref<!tpu.dma_semaphore, #tpu.memory_space<semaphore_mem>>) src(%dma_wait3A_10 : memref<2048x64xf32, #tpu.memory_space<hbm>>) dst(%arg6 : memref<512x64xf32, #tpu.memory_space<vmem>>)
    %add3A_11 = arith.constant 0 : i32
    %add3A_12 = arith.addi %mul3A_2, %add3A_11 : i32
    "tpu.region"() ({
      %run_scoped3A = tpu.sem_alloc : memref<!tpu.dma_semaphore, #tpu.memory_space<semaphore_mem>>
      %dma_start3A_13 = arith.constant 0 : i32
      %dma_start3A_14 = tpu.memref_slice %arg4[%add3A_12, %dma_start3A_13] : memref<16384x64xf32, #tpu.memory_space<hbm>> -> memref<512x64xf32, #tpu.memory_space<hbm>>
      %dma_start3A_15 = arith.constant 0 : i32
      %dma_start3A_16 = tpu.memref_slice %arg4[%add3A_12, %dma_start3A_15] : memref<16384x64xf32, #tpu.memory_space<hbm>> -> memref<512x64xf32, #tpu.memory_space<hbm>>
      tpu.enqueue_dma source(%arg6 : memref<512x64xf32, #tpu.memory_space<vmem>>) target(%dma_start3A_16 : memref<512x64xf32, #tpu.memory_space<hbm>>) target_semaphore(%run_scoped3A : memref<!tpu.dma_semaphore, #tpu.memory_space<semaphore_mem>>)
      %dma_wait3A_17 = arith.constant 0 : i32
      %dma_wait3A_18 = tpu.memref_slice %arg4[%add3A_12, %dma_wait3A_17] : memref<16384x64xf32, #tpu.memory_space<hbm>> -> memref<512x64xf32, #tpu.memory_space<hbm>>
      %dma_wait3A_19 = arith.constant 0 : i32
      %dma_wait3A_20 = tpu.memref_slice %arg4[%add3A_12, %dma_wait3A_19] : memref<16384x64xf32, #tpu.memory_space<hbm>> -> memref<512x64xf32, #tpu.memory_space<hbm>>
      tpu.wait_dma2 semaphore(%run_scoped3A : memref<!tpu.dma_semaphore, #tpu.memory_space<semaphore_mem>>) src(%arg6 : memref<512x64xf32, #tpu.memory_space<vmem>>) dst(%dma_wait3A_20 : memref<512x64xf32, #tpu.memory_space<hbm>>)
      tpu.yield
    }) : () -> ()
    return
  }
}

#map = affine_map<(d0, d1) -> (0, 0)>
#map1 = affine_map<(d0, d1) -> (0)>
module attributes {stable_mosaic.version = 14 : i64} {
  func.func @gk(%arg0: i32, %arg1: i32, %arg2: memref<2048x64xf32, #tpu.memory_space<hbm>>, %arg3: memref<4096xi32, #tpu.memory_space<hbm>>, %arg4: memref<4096x64xf32, #tpu.memory_space<hbm>>, %arg5: memref<128xi32, #tpu.memory_space<vmem>>, %arg6: memref<128x64xf32, #tpu.memory_space<vmem>>, %arg7: memref<128x64xf32, #tpu.memory_space<vmem>>, %arg8: memref<!tpu.dma_semaphore, #tpu.memory_space<semaphore_mem>>, %arg9: memref<!tpu.dma_semaphore, #tpu.memory_space<semaphore_mem>>) attributes {dimension_semantics = [#tpu.dimension_semantics<core_parallel>, #tpu.dimension_semantics<subcore_parallel>], iteration_bounds = array<i64: 2, 16>, scalar_prefetch = 0 : i64, scratch_operands = 5 : i64, tpu.core_type = #tpu.core_type<sc_vector_subcore>, window_params = [{transform_indices = #map}, {transform_indices = #map1}, {transform_indices = #map}]} {
    %mul3A = arith.constant 2 : i32
    %mul3A_0 = arith.muli %arg1, %mul3A : i32
    %add3A = arith.addi %mul3A_0, %arg0 : i32
    %mul3A_1 = arith.constant 128 : i32
    %mul3A_2 = arith.muli %add3A, %mul3A_1 : i32
    "tpu.region"() ({
      %run_scoped3A = tpu.sem_alloc : memref<!tpu.dma_semaphore, #tpu.memory_space<semaphore_mem>>
      %dma_start3A_13 = tpu.memref_slice %arg3[%mul3A_2] : memref<4096xi32, #tpu.memory_space<hbm>> -> memref<128xi32, #tpu.memory_space<hbm>>
      %dma_start3A_14 = tpu.memref_slice %arg3[%mul3A_2] : memref<4096xi32, #tpu.memory_space<hbm>> -> memref<128xi32, #tpu.memory_space<hbm>>
      tpu.enqueue_dma source(%dma_start3A_14 : memref<128xi32, #tpu.memory_space<hbm>>) target(%arg5 : memref<128xi32, #tpu.memory_space<vmem>>) target_semaphore(%run_scoped3A : memref<!tpu.dma_semaphore, #tpu.memory_space<semaphore_mem>>)
      %dma_wait3A_15 = tpu.memref_slice %arg3[%mul3A_2] : memref<4096xi32, #tpu.memory_space<hbm>> -> memref<128xi32, #tpu.memory_space<hbm>>
      %dma_wait3A_16 = tpu.memref_slice %arg3[%mul3A_2] : memref<4096xi32, #tpu.memory_space<hbm>> -> memref<128xi32, #tpu.memory_space<hbm>>
      tpu.wait_dma2 semaphore(%run_scoped3A : memref<!tpu.dma_semaphore, #tpu.memory_space<semaphore_mem>>) src(%dma_wait3A_16 : memref<128xi32, #tpu.memory_space<hbm>>) dst(%arg5 : memref<128xi32, #tpu.memory_space<vmem>>)
      tpu.yield
    }) : () -> ()
    %dma_start3A = arith.constant 0 : i32
    %dma_start3A_3 = tpu.memref_slice %arg5[%dma_start3A] : memref<128xi32, #tpu.memory_space<vmem>> -> memref<128xi32, #tpu.memory_space<vmem>>
    %dma_start3A_4 = arith.constant 0 : i32
    %dma_start3A_5 = arith.constant 0 : i32
    %dma_start3A_6 = tpu.memref_slice %arg2[%dma_start3A_4, %dma_start3A_5] : memref<2048x64xf32, #tpu.memory_space<hbm>> -> memref<2048x64xf32, #tpu.memory_space<hbm>>
    tpu.enqueue_indirect_dma source(%dma_start3A_6 : memref<2048x64xf32, #tpu.memory_space<hbm>>) target(%arg6 : memref<128x64xf32, #tpu.memory_space<vmem>>) offsets(%dma_start3A_3 : memref<128xi32, #tpu.memory_space<vmem>>) semaphore(%arg8 : memref<!tpu.dma_semaphore, #tpu.memory_space<semaphore_mem>>)
    %dma_wait3A = arith.constant 0 : i32
    %dma_wait3A_7 = tpu.memref_slice %arg5[%dma_wait3A] : memref<128xi32, #tpu.memory_space<vmem>> -> memref<128xi32, #tpu.memory_space<vmem>>
    %dma_wait3A_8 = arith.constant 0 : i32
    %dma_wait3A_9 = arith.constant 0 : i32
    %dma_wait3A_10 = tpu.memref_slice %arg2[%dma_wait3A_8, %dma_wait3A_9] : memref<2048x64xf32, #tpu.memory_space<hbm>> -> memref<2048x64xf32, #tpu.memory_space<hbm>>
    tpu.wait_indirect_dma semaphore(%arg8 : memref<!tpu.dma_semaphore, #tpu.memory_space<semaphore_mem>>) src(%dma_wait3A_10 : memref<2048x64xf32, #tpu.memory_space<hbm>>) dst(%arg6 : memref<128x64xf32, #tpu.memory_space<vmem>>)
    %add3A_11 = arith.constant 0 : i32
    %add3A_12 = arith.addi %mul3A_2, %add3A_11 : i32
    "tpu.region"() ({
      %run_scoped3A = tpu.sem_alloc : memref<!tpu.dma_semaphore, #tpu.memory_space<semaphore_mem>>
      %dma_start3A_13 = arith.constant 0 : i32
      %dma_start3A_14 = tpu.memref_slice %arg4[%add3A_12, %dma_start3A_13] : memref<4096x64xf32, #tpu.memory_space<hbm>> -> memref<128x64xf32, #tpu.memory_space<hbm>>
      %dma_start3A_15 = arith.constant 0 : i32
      %dma_start3A_16 = tpu.memref_slice %arg4[%add3A_12, %dma_start3A_15] : memref<4096x64xf32, #tpu.memory_space<hbm>> -> memref<128x64xf32, #tpu.memory_space<hbm>>
      tpu.enqueue_dma source(%arg6 : memref<128x64xf32, #tpu.memory_space<vmem>>) target(%dma_start3A_16 : memref<128x64xf32, #tpu.memory_space<hbm>>) target_semaphore(%run_scoped3A : memref<!tpu.dma_semaphore, #tpu.memory_space<semaphore_mem>>)
      %dma_wait3A_17 = arith.constant 0 : i32
      %dma_wait3A_18 = tpu.memref_slice %arg4[%add3A_12, %dma_wait3A_17] : memref<4096x64xf32, #tpu.memory_space<hbm>> -> memref<128x64xf32, #tpu.memory_space<hbm>>
      %dma_wait3A_19 = arith.constant 0 : i32
      %dma_wait3A_20 = tpu.memref_slice %arg4[%add3A_12, %dma_wait3A_19] : memref<4096x64xf32, #tpu.memory_space<hbm>> -> memref<128x64xf32, #tpu.memory_space<hbm>>
      tpu.wait_dma2 semaphore(%run_scoped3A : memref<!tpu.dma_semaphore, #tpu.memory_space<semaphore_mem>>) src(%arg6 : memref<128x64xf32, #tpu.memory_space<vmem>>) dst(%dma_wait3A_20 : memref<128x64xf32, #tpu.memory_space<hbm>>)
      tpu.yield
    }) : () -> ()
    return
  }
}

#map = affine_map<(d0, d1) -> (0, 0)>
#map1 = affine_map<(d0, d1) -> (0)>
module attributes {stable_mosaic.version = 14 : i64} {
  func.func @gk(%arg0: i32, %arg1: i32, %arg2: memref<2048x128xf32, #tpu.memory_space<hbm>>, %arg3: memref<8192xi32, #tpu.memory_space<hbm>>, %arg4: memref<8192x128xf32, #tpu.memory_space<hbm>>, %arg5: memref<256xi32, #tpu.memory_space<vmem>>, %arg6: memref<256x128xf32, #tpu.memory_space<vmem>>, %arg7: memref<256x128xf32, #tpu.memory_space<vmem>>, %arg8: memref<!tpu.dma_semaphore, #tpu.memory_space<semaphore_mem>>, %arg9: memref<!tpu.dma_semaphore, #tpu.memory_space<semaphore_mem>>) attributes {dimension_semantics = [#tpu.dimension_semantics<core_parallel>, #tpu.dimension_semantics<subcore_parallel>], iteration_bounds = array<i64: 2, 16>, scalar_prefetch = 0 : i64, scratch_operands = 5 : i64, tpu.core_type = #tpu.core_type<sc_vector_subcore>, window_params = [{transform_indices = #map}, {transform_indices = #map1}, {transform_indices = #map}]} {
    %mul3A = arith.constant 2 : i32
    %mul3A_0 = arith.muli %arg1, %mul3A : i32
    %add3A = arith.addi %mul3A_0, %arg0 : i32
    %mul3A_1 = arith.constant 256 : i32
    %mul3A_2 = arith.muli %add3A, %mul3A_1 : i32
    "tpu.region"() ({
      %run_scoped3A = tpu.sem_alloc : memref<!tpu.dma_semaphore, #tpu.memory_space<semaphore_mem>>
      %dma_start3A_13 = tpu.memref_slice %arg3[%mul3A_2] : memref<8192xi32, #tpu.memory_space<hbm>> -> memref<256xi32, #tpu.memory_space<hbm>>
      %dma_start3A_14 = tpu.memref_slice %arg3[%mul3A_2] : memref<8192xi32, #tpu.memory_space<hbm>> -> memref<256xi32, #tpu.memory_space<hbm>>
      tpu.enqueue_dma source(%dma_start3A_14 : memref<256xi32, #tpu.memory_space<hbm>>) target(%arg5 : memref<256xi32, #tpu.memory_space<vmem>>) target_semaphore(%run_scoped3A : memref<!tpu.dma_semaphore, #tpu.memory_space<semaphore_mem>>)
      %dma_wait3A_15 = tpu.memref_slice %arg3[%mul3A_2] : memref<8192xi32, #tpu.memory_space<hbm>> -> memref<256xi32, #tpu.memory_space<hbm>>
      %dma_wait3A_16 = tpu.memref_slice %arg3[%mul3A_2] : memref<8192xi32, #tpu.memory_space<hbm>> -> memref<256xi32, #tpu.memory_space<hbm>>
      tpu.wait_dma2 semaphore(%run_scoped3A : memref<!tpu.dma_semaphore, #tpu.memory_space<semaphore_mem>>) src(%dma_wait3A_16 : memref<256xi32, #tpu.memory_space<hbm>>) dst(%arg5 : memref<256xi32, #tpu.memory_space<vmem>>)
      tpu.yield
    }) : () -> ()
    %dma_start3A = arith.constant 0 : i32
    %dma_start3A_3 = tpu.memref_slice %arg5[%dma_start3A] : memref<256xi32, #tpu.memory_space<vmem>> -> memref<256xi32, #tpu.memory_space<vmem>>
    %dma_start3A_4 = arith.constant 0 : i32
    %dma_start3A_5 = arith.constant 0 : i32
    %dma_start3A_6 = tpu.memref_slice %arg2[%dma_start3A_4, %dma_start3A_5] : memref<2048x128xf32, #tpu.memory_space<hbm>> -> memref<2048x128xf32, #tpu.memory_space<hbm>>
    tpu.enqueue_indirect_dma source(%dma_start3A_6 : memref<2048x128xf32, #tpu.memory_space<hbm>>) target(%arg6 : memref<256x128xf32, #tpu.memory_space<vmem>>) offsets(%dma_start3A_3 : memref<256xi32, #tpu.memory_space<vmem>>) semaphore(%arg8 : memref<!tpu.dma_semaphore, #tpu.memory_space<semaphore_mem>>)
    %dma_wait3A = arith.constant 0 : i32
    %dma_wait3A_7 = tpu.memref_slice %arg5[%dma_wait3A] : memref<256xi32, #tpu.memory_space<vmem>> -> memref<256xi32, #tpu.memory_space<vmem>>
    %dma_wait3A_8 = arith.constant 0 : i32
    %dma_wait3A_9 = arith.constant 0 : i32
    %dma_wait3A_10 = tpu.memref_slice %arg2[%dma_wait3A_8, %dma_wait3A_9] : memref<2048x128xf32, #tpu.memory_space<hbm>> -> memref<2048x128xf32, #tpu.memory_space<hbm>>
    tpu.wait_indirect_dma semaphore(%arg8 : memref<!tpu.dma_semaphore, #tpu.memory_space<semaphore_mem>>) src(%dma_wait3A_10 : memref<2048x128xf32, #tpu.memory_space<hbm>>) dst(%arg6 : memref<256x128xf32, #tpu.memory_space<vmem>>)
    %add3A_11 = arith.constant 0 : i32
    %add3A_12 = arith.addi %mul3A_2, %add3A_11 : i32
    "tpu.region"() ({
      %run_scoped3A = tpu.sem_alloc : memref<!tpu.dma_semaphore, #tpu.memory_space<semaphore_mem>>
      %dma_start3A_13 = arith.constant 0 : i32
      %dma_start3A_14 = tpu.memref_slice %arg4[%add3A_12, %dma_start3A_13] : memref<8192x128xf32, #tpu.memory_space<hbm>> -> memref<256x128xf32, #tpu.memory_space<hbm>>
      %dma_start3A_15 = arith.constant 0 : i32
      %dma_start3A_16 = tpu.memref_slice %arg4[%add3A_12, %dma_start3A_15] : memref<8192x128xf32, #tpu.memory_space<hbm>> -> memref<256x128xf32, #tpu.memory_space<hbm>>
      tpu.enqueue_dma source(%arg6 : memref<256x128xf32, #tpu.memory_space<vmem>>) target(%dma_start3A_16 : memref<256x128xf32, #tpu.memory_space<hbm>>) target_semaphore(%run_scoped3A : memref<!tpu.dma_semaphore, #tpu.memory_space<semaphore_mem>>)
      %dma_wait3A_17 = arith.constant 0 : i32
      %dma_wait3A_18 = tpu.memref_slice %arg4[%add3A_12, %dma_wait3A_17] : memref<8192x128xf32, #tpu.memory_space<hbm>> -> memref<256x128xf32, #tpu.memory_space<hbm>>
      %dma_wait3A_19 = arith.constant 0 : i32
      %dma_wait3A_20 = tpu.memref_slice %arg4[%add3A_12, %dma_wait3A_19] : memref<8192x128xf32, #tpu.memory_space<hbm>> -> memref<256x128xf32, #tpu.memory_space<hbm>>
      tpu.wait_dma2 semaphore(%run_scoped3A : memref<!tpu.dma_semaphore, #tpu.memory_space<semaphore_mem>>) src(%arg6 : memref<256x128xf32, #tpu.memory_space<vmem>>) dst(%dma_wait3A_20 : memref<256x128xf32, #tpu.memory_space<hbm>>)
      tpu.yield
    }) : () -> ()
    return
  }
}

#map = affine_map<(d0, d1) -> (0, 0)>
#map1 = affine_map<(d0, d1) -> (0)>
module attributes {stable_mosaic.version = 14 : i64} {
  func.func @gk(%arg0: i32, %arg1: i32, %arg2: memref<8192x64xf32, #tpu.memory_space<hbm>>, %arg3: memref<131072xi32, #tpu.memory_space<hbm>>, %arg4: memref<131072x64xf32, #tpu.memory_space<hbm>>, %arg5: memref<4096xi32, #tpu.memory_space<vmem>>, %arg6: memref<512x64xf32, #tpu.memory_space<vmem>>, %arg7: memref<512x64xf32, #tpu.memory_space<vmem>>, %arg8: memref<!tpu.dma_semaphore, #tpu.memory_space<semaphore_mem>>, %arg9: memref<!tpu.dma_semaphore, #tpu.memory_space<semaphore_mem>>) attributes {dimension_semantics = [#tpu.dimension_semantics<core_parallel>, #tpu.dimension_semantics<subcore_parallel>], iteration_bounds = array<i64: 2, 16>, scalar_prefetch = 0 : i64, scratch_operands = 5 : i64, tpu.core_type = #tpu.core_type<sc_vector_subcore>, window_params = [{transform_indices = #map}, {transform_indices = #map1}, {transform_indices = #map}]} {
    %mul3A = arith.constant 2 : i32
    %mul3A_0 = arith.muli %arg1, %mul3A : i32
    %add3A = arith.addi %mul3A_0, %arg0 : i32
    %mul3A_1 = arith.constant 4096 : i32
    %mul3A_2 = arith.muli %add3A, %mul3A_1 : i32
    "tpu.region"() ({
      %run_scoped3A = tpu.sem_alloc : memref<!tpu.dma_semaphore, #tpu.memory_space<semaphore_mem>>
      %dma_start3A_97 = tpu.memref_slice %arg3[%mul3A_2] : memref<131072xi32, #tpu.memory_space<hbm>> -> memref<4096xi32, #tpu.memory_space<hbm>>
      %dma_start3A_98 = tpu.memref_slice %arg3[%mul3A_2] : memref<131072xi32, #tpu.memory_space<hbm>> -> memref<4096xi32, #tpu.memory_space<hbm>>
      tpu.enqueue_dma source(%dma_start3A_98 : memref<4096xi32, #tpu.memory_space<hbm>>) target(%arg5 : memref<4096xi32, #tpu.memory_space<vmem>>) target_semaphore(%run_scoped3A : memref<!tpu.dma_semaphore, #tpu.memory_space<semaphore_mem>>)
      %dma_wait3A_99 = tpu.memref_slice %arg3[%mul3A_2] : memref<131072xi32, #tpu.memory_space<hbm>> -> memref<4096xi32, #tpu.memory_space<hbm>>
      %dma_wait3A_100 = tpu.memref_slice %arg3[%mul3A_2] : memref<131072xi32, #tpu.memory_space<hbm>> -> memref<4096xi32, #tpu.memory_space<hbm>>
      tpu.wait_dma2 semaphore(%run_scoped3A : memref<!tpu.dma_semaphore, #tpu.memory_space<semaphore_mem>>) src(%dma_wait3A_100 : memref<4096xi32, #tpu.memory_space<hbm>>) dst(%arg5 : memref<4096xi32, #tpu.memory_space<vmem>>)
      tpu.yield
    }) : () -> ()
    %dma_start3A = arith.constant 0 : i32
    %dma_start3A_3 = tpu.memref_slice %arg5[%dma_start3A] : memref<4096xi32, #tpu.memory_space<vmem>> -> memref<512xi32, #tpu.memory_space<vmem>>
    %dma_start3A_4 = arith.constant 0 : i32
    %dma_start3A_5 = arith.constant 0 : i32
    %dma_start3A_6 = tpu.memref_slice %arg2[%dma_start3A_4, %dma_start3A_5] : memref<8192x64xf32, #tpu.memory_space<hbm>> -> memref<8192x64xf32, #tpu.memory_space<hbm>>
    tpu.enqueue_indirect_dma source(%dma_start3A_6 : memref<8192x64xf32, #tpu.memory_space<hbm>>) target(%arg6 : memref<512x64xf32, #tpu.memory_space<vmem>>) offsets(%dma_start3A_3 : memref<512xi32, #tpu.memory_space<vmem>>) semaphore(%arg8 : memref<!tpu.dma_semaphore, #tpu.memory_space<semaphore_mem>>)
    %dma_start3A_7 = arith.constant 512 : i32
    %dma_start3A_8 = tpu.memref_slice %arg5[%dma_start3A_7] : memref<4096xi32, #tpu.memory_space<vmem>> -> memref<512xi32, #tpu.memory_space<vmem>>
    %dma_start3A_9 = arith.constant 0 : i32
    %dma_start3A_10 = arith.constant 0 : i32
    %dma_start3A_11 = tpu.memref_slice %arg2[%dma_start3A_9, %dma_start3A_10] : memref<8192x64xf32, #tpu.memory_space<hbm>> -> memref<8192x64xf32, #tpu.memory_space<hbm>>
    tpu.enqueue_indirect_dma source(%dma_start3A_11 : memref<8192x64xf32, #tpu.memory_space<hbm>>) target(%arg7 : memref<512x64xf32, #tpu.memory_space<vmem>>) offsets(%dma_start3A_8 : memref<512xi32, #tpu.memory_space<vmem>>) semaphore(%arg9 : memref<!tpu.dma_semaphore, #tpu.memory_space<semaphore_mem>>)
    %dma_wait3A = arith.constant 0 : i32
    %dma_wait3A_12 = tpu.memref_slice %arg5[%dma_wait3A] : memref<4096xi32, #tpu.memory_space<vmem>> -> memref<512xi32, #tpu.memory_space<vmem>>
    %dma_wait3A_13 = arith.constant 0 : i32
    %dma_wait3A_14 = arith.constant 0 : i32
    %dma_wait3A_15 = tpu.memref_slice %arg2[%dma_wait3A_13, %dma_wait3A_14] : memref<8192x64xf32, #tpu.memory_space<hbm>> -> memref<8192x64xf32, #tpu.memory_space<hbm>>
    tpu.wait_indirect_dma semaphore(%arg8 : memref<!tpu.dma_semaphore, #tpu.memory_space<semaphore_mem>>) src(%dma_wait3A_15 : memref<8192x64xf32, #tpu.memory_space<hbm>>) dst(%arg6 : memref<512x64xf32, #tpu.memory_space<vmem>>)
    %add3A_16 = arith.constant 0 : i32
    %add3A_17 = arith.addi %mul3A_2, %add3A_16 : i32
    "tpu.region"() ({
      %run_scoped3A = tpu.sem_alloc : memref<!tpu.dma_semaphore, #tpu.memory_space<semaphore_mem>>
      %dma_start3A_97 = arith.constant 0 : i32
      %dma_start3A_98 = tpu.memref_slice %arg4[%add3A_17, %dma_start3A_97] : memref<131072x64xf32, #tpu.memory_space<hbm>> -> memref<512x64xf32, #tpu.memory_space<hbm>>
      %dma_start3A_99 = arith.constant 0 : i32
      %dma_start3A_100 = tpu.memref_slice %arg4[%add3A_17, %dma_start3A_99] : memref<131072x64xf32, #tpu.memory_space<hbm>> -> memref<512x64xf32, #tpu.memory_space<hbm>>
      tpu.enqueue_dma source(%arg6 : memref<512x64xf32, #tpu.memory_space<vmem>>) target(%dma_start3A_100 : memref<512x64xf32, #tpu.memory_space<hbm>>) target_semaphore(%run_scoped3A : memref<!tpu.dma_semaphore, #tpu.memory_space<semaphore_mem>>)
      %dma_wait3A_101 = arith.constant 0 : i32
      %dma_wait3A_102 = tpu.memref_slice %arg4[%add3A_17, %dma_wait3A_101] : memref<131072x64xf32, #tpu.memory_space<hbm>> -> memref<512x64xf32, #tpu.memory_space<hbm>>
      %dma_wait3A_103 = arith.constant 0 : i32
      %dma_wait3A_104 = tpu.memref_slice %arg4[%add3A_17, %dma_wait3A_103] : memref<131072x64xf32, #tpu.memory_space<hbm>> -> memref<512x64xf32, #tpu.memory_space<hbm>>
      tpu.wait_dma2 semaphore(%run_scoped3A : memref<!tpu.dma_semaphore, #tpu.memory_space<semaphore_mem>>) src(%arg6 : memref<512x64xf32, #tpu.memory_space<vmem>>) dst(%dma_wait3A_104 : memref<512x64xf32, #tpu.memory_space<hbm>>)
      tpu.yield
    }) : () -> ()
    %dma_start3A_18 = arith.constant 1024 : i32
    %dma_start3A_19 = tpu.memref_slice %arg5[%dma_start3A_18] : memref<4096xi32, #tpu.memory_space<vmem>> -> memref<512xi32, #tpu.memory_space<vmem>>
    %dma_start3A_20 = arith.constant 0 : i32
    %dma_start3A_21 = arith.constant 0 : i32
    %dma_start3A_22 = tpu.memref_slice %arg2[%dma_start3A_20, %dma_start3A_21] : memref<8192x64xf32, #tpu.memory_space<hbm>> -> memref<8192x64xf32, #tpu.memory_space<hbm>>
    tpu.enqueue_indirect_dma source(%dma_start3A_22 : memref<8192x64xf32, #tpu.memory_space<hbm>>) target(%arg6 : memref<512x64xf32, #tpu.memory_space<vmem>>) offsets(%dma_start3A_19 : memref<512xi32, #tpu.memory_space<vmem>>) semaphore(%arg8 : memref<!tpu.dma_semaphore, #tpu.memory_space<semaphore_mem>>)
    %dma_wait3A_23 = arith.constant 512 : i32
    %dma_wait3A_24 = tpu.memref_slice %arg5[%dma_wait3A_23] : memref<4096xi32, #tpu.memory_space<vmem>> -> memref<512xi32, #tpu.memory_space<vmem>>
    %dma_wait3A_25 = arith.constant 0 : i32
    %dma_wait3A_26 = arith.constant 0 : i32
    %dma_wait3A_27 = tpu.memref_slice %arg2[%dma_wait3A_25, %dma_wait3A_26] : memref<8192x64xf32, #tpu.memory_space<hbm>> -> memref<8192x64xf32, #tpu.memory_space<hbm>>
    tpu.wait_indirect_dma semaphore(%arg9 : memref<!tpu.dma_semaphore, #tpu.memory_space<semaphore_mem>>) src(%dma_wait3A_27 : memref<8192x64xf32, #tpu.memory_space<hbm>>) dst(%arg7 : memref<512x64xf32, #tpu.memory_space<vmem>>)
    %add3A_28 = arith.constant 512 : i32
    %add3A_29 = arith.addi %mul3A_2, %add3A_28 : i32
    "tpu.region"() ({
      %run_scoped3A = tpu.sem_alloc : memref<!tpu.dma_semaphore, #tpu.memory_space<semaphore_mem>>
      %dma_start3A_97 = arith.constant 0 : i32
      %dma_start3A_98 = tpu.memref_slice %arg4[%add3A_29, %dma_start3A_97] : memref<131072x64xf32, #tpu.memory_space<hbm>> -> memref<512x64xf32, #tpu.memory_space<hbm>>
      %dma_start3A_99 = arith.constant 0 : i32
      %dma_start3A_100 = tpu.memref_slice %arg4[%add3A_29, %dma_start3A_99] : memref<131072x64xf32, #tpu.memory_space<hbm>> -> memref<512x64xf32, #tpu.memory_space<hbm>>
      tpu.enqueue_dma source(%arg7 : memref<512x64xf32, #tpu.memory_space<vmem>>) target(%dma_start3A_100 : memref<512x64xf32, #tpu.memory_space<hbm>>) target_semaphore(%run_scoped3A : memref<!tpu.dma_semaphore, #tpu.memory_space<semaphore_mem>>)
      %dma_wait3A_101 = arith.constant 0 : i32
      %dma_wait3A_102 = tpu.memref_slice %arg4[%add3A_29, %dma_wait3A_101] : memref<131072x64xf32, #tpu.memory_space<hbm>> -> memref<512x64xf32, #tpu.memory_space<hbm>>
      %dma_wait3A_103 = arith.constant 0 : i32
      %dma_wait3A_104 = tpu.memref_slice %arg4[%add3A_29, %dma_wait3A_103] : memref<131072x64xf32, #tpu.memory_space<hbm>> -> memref<512x64xf32, #tpu.memory_space<hbm>>
      tpu.wait_dma2 semaphore(%run_scoped3A : memref<!tpu.dma_semaphore, #tpu.memory_space<semaphore_mem>>) src(%arg7 : memref<512x64xf32, #tpu.memory_space<vmem>>) dst(%dma_wait3A_104 : memref<512x64xf32, #tpu.memory_space<hbm>>)
      tpu.yield
    }) : () -> ()
    %dma_start3A_30 = arith.constant 1536 : i32
    %dma_start3A_31 = tpu.memref_slice %arg5[%dma_start3A_30] : memref<4096xi32, #tpu.memory_space<vmem>> -> memref<512xi32, #tpu.memory_space<vmem>>
    %dma_start3A_32 = arith.constant 0 : i32
    %dma_start3A_33 = arith.constant 0 : i32
    %dma_start3A_34 = tpu.memref_slice %arg2[%dma_start3A_32, %dma_start3A_33] : memref<8192x64xf32, #tpu.memory_space<hbm>> -> memref<8192x64xf32, #tpu.memory_space<hbm>>
    tpu.enqueue_indirect_dma source(%dma_start3A_34 : memref<8192x64xf32, #tpu.memory_space<hbm>>) target(%arg7 : memref<512x64xf32, #tpu.memory_space<vmem>>) offsets(%dma_start3A_31 : memref<512xi32, #tpu.memory_space<vmem>>) semaphore(%arg9 : memref<!tpu.dma_semaphore, #tpu.memory_space<semaphore_mem>>)
    %dma_wait3A_35 = arith.constant 1024 : i32
    %dma_wait3A_36 = tpu.memref_slice %arg5[%dma_wait3A_35] : memref<4096xi32, #tpu.memory_space<vmem>> -> memref<512xi32, #tpu.memory_space<vmem>>
    %dma_wait3A_37 = arith.constant 0 : i32
    %dma_wait3A_38 = arith.constant 0 : i32
    %dma_wait3A_39 = tpu.memref_slice %arg2[%dma_wait3A_37, %dma_wait3A_38] : memref<8192x64xf32, #tpu.memory_space<hbm>> -> memref<8192x64xf32, #tpu.memory_space<hbm>>
    tpu.wait_indirect_dma semaphore(%arg8 : memref<!tpu.dma_semaphore, #tpu.memory_space<semaphore_mem>>) src(%dma_wait3A_39 : memref<8192x64xf32, #tpu.memory_space<hbm>>) dst(%arg6 : memref<512x64xf32, #tpu.memory_space<vmem>>)
    %add3A_40 = arith.constant 1024 : i32
    %add3A_41 = arith.addi %mul3A_2, %add3A_40 : i32
    "tpu.region"() ({
      %run_scoped3A = tpu.sem_alloc : memref<!tpu.dma_semaphore, #tpu.memory_space<semaphore_mem>>
      %dma_start3A_97 = arith.constant 0 : i32
      %dma_start3A_98 = tpu.memref_slice %arg4[%add3A_41, %dma_start3A_97] : memref<131072x64xf32, #tpu.memory_space<hbm>> -> memref<512x64xf32, #tpu.memory_space<hbm>>
      %dma_start3A_99 = arith.constant 0 : i32
      %dma_start3A_100 = tpu.memref_slice %arg4[%add3A_41, %dma_start3A_99] : memref<131072x64xf32, #tpu.memory_space<hbm>> -> memref<512x64xf32, #tpu.memory_space<hbm>>
      tpu.enqueue_dma source(%arg6 : memref<512x64xf32, #tpu.memory_space<vmem>>) target(%dma_start3A_100 : memref<512x64xf32, #tpu.memory_space<hbm>>) target_semaphore(%run_scoped3A : memref<!tpu.dma_semaphore, #tpu.memory_space<semaphore_mem>>)
      %dma_wait3A_101 = arith.constant 0 : i32
      %dma_wait3A_102 = tpu.memref_slice %arg4[%add3A_41, %dma_wait3A_101] : memref<131072x64xf32, #tpu.memory_space<hbm>> -> memref<512x64xf32, #tpu.memory_space<hbm>>
      %dma_wait3A_103 = arith.constant 0 : i32
      %dma_wait3A_104 = tpu.memref_slice %arg4[%add3A_41, %dma_wait3A_103] : memref<131072x64xf32, #tpu.memory_space<hbm>> -> memref<512x64xf32, #tpu.memory_space<hbm>>
      tpu.wait_dma2 semaphore(%run_scoped3A : memref<!tpu.dma_semaphore, #tpu.memory_space<semaphore_mem>>) src(%arg6 : memref<512x64xf32, #tpu.memory_space<vmem>>) dst(%dma_wait3A_104 : memref<512x64xf32, #tpu.memory_space<hbm>>)
      tpu.yield
    }) : () -> ()
    %dma_start3A_42 = arith.constant 2048 : i32
    %dma_start3A_43 = tpu.memref_slice %arg5[%dma_start3A_42] : memref<4096xi32, #tpu.memory_space<vmem>> -> memref<512xi32, #tpu.memory_space<vmem>>
    %dma_start3A_44 = arith.constant 0 : i32
    %dma_start3A_45 = arith.constant 0 : i32
    %dma_start3A_46 = tpu.memref_slice %arg2[%dma_start3A_44, %dma_start3A_45] : memref<8192x64xf32, #tpu.memory_space<hbm>> -> memref<8192x64xf32, #tpu.memory_space<hbm>>
    tpu.enqueue_indirect_dma source(%dma_start3A_46 : memref<8192x64xf32, #tpu.memory_space<hbm>>) target(%arg6 : memref<512x64xf32, #tpu.memory_space<vmem>>) offsets(%dma_start3A_43 : memref<512xi32, #tpu.memory_space<vmem>>) semaphore(%arg8 : memref<!tpu.dma_semaphore, #tpu.memory_space<semaphore_mem>>)
    %dma_wait3A_47 = arith.constant 1536 : i32
    %dma_wait3A_48 = tpu.memref_slice %arg5[%dma_wait3A_47] : memref<4096xi32, #tpu.memory_space<vmem>> -> memref<512xi32, #tpu.memory_space<vmem>>
    %dma_wait3A_49 = arith.constant 0 : i32
    %dma_wait3A_50 = arith.constant 0 : i32
    %dma_wait3A_51 = tpu.memref_slice %arg2[%dma_wait3A_49, %dma_wait3A_50] : memref<8192x64xf32, #tpu.memory_space<hbm>> -> memref<8192x64xf32, #tpu.memory_space<hbm>>
    tpu.wait_indirect_dma semaphore(%arg9 : memref<!tpu.dma_semaphore, #tpu.memory_space<semaphore_mem>>) src(%dma_wait3A_51 : memref<8192x64xf32, #tpu.memory_space<hbm>>) dst(%arg7 : memref<512x64xf32, #tpu.memory_space<vmem>>)
    %add3A_52 = arith.constant 1536 : i32
    %add3A_53 = arith.addi %mul3A_2, %add3A_52 : i32
    "tpu.region"() ({
      %run_scoped3A = tpu.sem_alloc : memref<!tpu.dma_semaphore, #tpu.memory_space<semaphore_mem>>
      %dma_start3A_97 = arith.constant 0 : i32
      %dma_start3A_98 = tpu.memref_slice %arg4[%add3A_53, %dma_start3A_97] : memref<131072x64xf32, #tpu.memory_space<hbm>> -> memref<512x64xf32, #tpu.memory_space<hbm>>
      %dma_start3A_99 = arith.constant 0 : i32
      %dma_start3A_100 = tpu.memref_slice %arg4[%add3A_53, %dma_start3A_99] : memref<131072x64xf32, #tpu.memory_space<hbm>> -> memref<512x64xf32, #tpu.memory_space<hbm>>
      tpu.enqueue_dma source(%arg7 : memref<512x64xf32, #tpu.memory_space<vmem>>) target(%dma_start3A_100 : memref<512x64xf32, #tpu.memory_space<hbm>>) target_semaphore(%run_scoped3A : memref<!tpu.dma_semaphore, #tpu.memory_space<semaphore_mem>>)
      %dma_wait3A_101 = arith.constant 0 : i32
      %dma_wait3A_102 = tpu.memref_slice %arg4[%add3A_53, %dma_wait3A_101] : memref<131072x64xf32, #tpu.memory_space<hbm>> -> memref<512x64xf32, #tpu.memory_space<hbm>>
      %dma_wait3A_103 = arith.constant 0 : i32
      %dma_wait3A_104 = tpu.memref_slice %arg4[%add3A_53, %dma_wait3A_103] : memref<131072x64xf32, #tpu.memory_space<hbm>> -> memref<512x64xf32, #tpu.memory_space<hbm>>
      tpu.wait_dma2 semaphore(%run_scoped3A : memref<!tpu.dma_semaphore, #tpu.memory_space<semaphore_mem>>) src(%arg7 : memref<512x64xf32, #tpu.memory_space<vmem>>) dst(%dma_wait3A_104 : memref<512x64xf32, #tpu.memory_space<hbm>>)
      tpu.yield
    }) : () -> ()
    %dma_start3A_54 = arith.constant 2560 : i32
    %dma_start3A_55 = tpu.memref_slice %arg5[%dma_start3A_54] : memref<4096xi32, #tpu.memory_space<vmem>> -> memref<512xi32, #tpu.memory_space<vmem>>
    %dma_start3A_56 = arith.constant 0 : i32
    %dma_start3A_57 = arith.constant 0 : i32
    %dma_start3A_58 = tpu.memref_slice %arg2[%dma_start3A_56, %dma_start3A_57] : memref<8192x64xf32, #tpu.memory_space<hbm>> -> memref<8192x64xf32, #tpu.memory_space<hbm>>
    tpu.enqueue_indirect_dma source(%dma_start3A_58 : memref<8192x64xf32, #tpu.memory_space<hbm>>) target(%arg7 : memref<512x64xf32, #tpu.memory_space<vmem>>) offsets(%dma_start3A_55 : memref<512xi32, #tpu.memory_space<vmem>>) semaphore(%arg9 : memref<!tpu.dma_semaphore, #tpu.memory_space<semaphore_mem>>)
    %dma_wait3A_59 = arith.constant 2048 : i32
    %dma_wait3A_60 = tpu.memref_slice %arg5[%dma_wait3A_59] : memref<4096xi32, #tpu.memory_space<vmem>> -> memref<512xi32, #tpu.memory_space<vmem>>
    %dma_wait3A_61 = arith.constant 0 : i32
    %dma_wait3A_62 = arith.constant 0 : i32
    %dma_wait3A_63 = tpu.memref_slice %arg2[%dma_wait3A_61, %dma_wait3A_62] : memref<8192x64xf32, #tpu.memory_space<hbm>> -> memref<8192x64xf32, #tpu.memory_space<hbm>>
    tpu.wait_indirect_dma semaphore(%arg8 : memref<!tpu.dma_semaphore, #tpu.memory_space<semaphore_mem>>) src(%dma_wait3A_63 : memref<8192x64xf32, #tpu.memory_space<hbm>>) dst(%arg6 : memref<512x64xf32, #tpu.memory_space<vmem>>)
    %add3A_64 = arith.constant 2048 : i32
    %add3A_65 = arith.addi %mul3A_2, %add3A_64 : i32
    "tpu.region"() ({
      %run_scoped3A = tpu.sem_alloc : memref<!tpu.dma_semaphore, #tpu.memory_space<semaphore_mem>>
      %dma_start3A_97 = arith.constant 0 : i32
      %dma_start3A_98 = tpu.memref_slice %arg4[%add3A_65, %dma_start3A_97] : memref<131072x64xf32, #tpu.memory_space<hbm>> -> memref<512x64xf32, #tpu.memory_space<hbm>>
      %dma_start3A_99 = arith.constant 0 : i32
      %dma_start3A_100 = tpu.memref_slice %arg4[%add3A_65, %dma_start3A_99] : memref<131072x64xf32, #tpu.memory_space<hbm>> -> memref<512x64xf32, #tpu.memory_space<hbm>>
      tpu.enqueue_dma source(%arg6 : memref<512x64xf32, #tpu.memory_space<vmem>>) target(%dma_start3A_100 : memref<512x64xf32, #tpu.memory_space<hbm>>) target_semaphore(%run_scoped3A : memref<!tpu.dma_semaphore, #tpu.memory_space<semaphore_mem>>)
      %dma_wait3A_101 = arith.constant 0 : i32
      %dma_wait3A_102 = tpu.memref_slice %arg4[%add3A_65, %dma_wait3A_101] : memref<131072x64xf32, #tpu.memory_space<hbm>> -> memref<512x64xf32, #tpu.memory_space<hbm>>
      %dma_wait3A_103 = arith.constant 0 : i32
      %dma_wait3A_104 = tpu.memref_slice %arg4[%add3A_65, %dma_wait3A_103] : memref<131072x64xf32, #tpu.memory_space<hbm>> -> memref<512x64xf32, #tpu.memory_space<hbm>>
      tpu.wait_dma2 semaphore(%run_scoped3A : memref<!tpu.dma_semaphore, #tpu.memory_space<semaphore_mem>>) src(%arg6 : memref<512x64xf32, #tpu.memory_space<vmem>>) dst(%dma_wait3A_104 : memref<512x64xf32, #tpu.memory_space<hbm>>)
      tpu.yield
    }) : () -> ()
    %dma_start3A_66 = arith.constant 3072 : i32
    %dma_start3A_67 = tpu.memref_slice %arg5[%dma_start3A_66] : memref<4096xi32, #tpu.memory_space<vmem>> -> memref<512xi32, #tpu.memory_space<vmem>>
    %dma_start3A_68 = arith.constant 0 : i32
    %dma_start3A_69 = arith.constant 0 : i32
    %dma_start3A_70 = tpu.memref_slice %arg2[%dma_start3A_68, %dma_start3A_69] : memref<8192x64xf32, #tpu.memory_space<hbm>> -> memref<8192x64xf32, #tpu.memory_space<hbm>>
    tpu.enqueue_indirect_dma source(%dma_start3A_70 : memref<8192x64xf32, #tpu.memory_space<hbm>>) target(%arg6 : memref<512x64xf32, #tpu.memory_space<vmem>>) offsets(%dma_start3A_67 : memref<512xi32, #tpu.memory_space<vmem>>) semaphore(%arg8 : memref<!tpu.dma_semaphore, #tpu.memory_space<semaphore_mem>>)
    %dma_wait3A_71 = arith.constant 2560 : i32
    %dma_wait3A_72 = tpu.memref_slice %arg5[%dma_wait3A_71] : memref<4096xi32, #tpu.memory_space<vmem>> -> memref<512xi32, #tpu.memory_space<vmem>>
    %dma_wait3A_73 = arith.constant 0 : i32
    %dma_wait3A_74 = arith.constant 0 : i32
    %dma_wait3A_75 = tpu.memref_slice %arg2[%dma_wait3A_73, %dma_wait3A_74] : memref<8192x64xf32, #tpu.memory_space<hbm>> -> memref<8192x64xf32, #tpu.memory_space<hbm>>
    tpu.wait_indirect_dma semaphore(%arg9 : memref<!tpu.dma_semaphore, #tpu.memory_space<semaphore_mem>>) src(%dma_wait3A_75 : memref<8192x64xf32, #tpu.memory_space<hbm>>) dst(%arg7 : memref<512x64xf32, #tpu.memory_space<vmem>>)
    %add3A_76 = arith.constant 2560 : i32
    %add3A_77 = arith.addi %mul3A_2, %add3A_76 : i32
    "tpu.region"() ({
      %run_scoped3A = tpu.sem_alloc : memref<!tpu.dma_semaphore, #tpu.memory_space<semaphore_mem>>
      %dma_start3A_97 = arith.constant 0 : i32
      %dma_start3A_98 = tpu.memref_slice %arg4[%add3A_77, %dma_start3A_97] : memref<131072x64xf32, #tpu.memory_space<hbm>> -> memref<512x64xf32, #tpu.memory_space<hbm>>
      %dma_start3A_99 = arith.constant 0 : i32
      %dma_start3A_100 = tpu.memref_slice %arg4[%add3A_77, %dma_start3A_99] : memref<131072x64xf32, #tpu.memory_space<hbm>> -> memref<512x64xf32, #tpu.memory_space<hbm>>
      tpu.enqueue_dma source(%arg7 : memref<512x64xf32, #tpu.memory_space<vmem>>) target(%dma_start3A_100 : memref<512x64xf32, #tpu.memory_space<hbm>>) target_semaphore(%run_scoped3A : memref<!tpu.dma_semaphore, #tpu.memory_space<semaphore_mem>>)
      %dma_wait3A_101 = arith.constant 0 : i32
      %dma_wait3A_102 = tpu.memref_slice %arg4[%add3A_77, %dma_wait3A_101] : memref<131072x64xf32, #tpu.memory_space<hbm>> -> memref<512x64xf32, #tpu.memory_space<hbm>>
      %dma_wait3A_103 = arith.constant 0 : i32
      %dma_wait3A_104 = tpu.memref_slice %arg4[%add3A_77, %dma_wait3A_103] : memref<131072x64xf32, #tpu.memory_space<hbm>> -> memref<512x64xf32, #tpu.memory_space<hbm>>
      tpu.wait_dma2 semaphore(%run_scoped3A : memref<!tpu.dma_semaphore, #tpu.memory_space<semaphore_mem>>) src(%arg7 : memref<512x64xf32, #tpu.memory_space<vmem>>) dst(%dma_wait3A_104 : memref<512x64xf32, #tpu.memory_space<hbm>>)
      tpu.yield
    }) : () -> ()
    %dma_start3A_78 = arith.constant 3584 : i32
    %dma_start3A_79 = tpu.memref_slice %arg5[%dma_start3A_78] : memref<4096xi32, #tpu.memory_space<vmem>> -> memref<512xi32, #tpu.memory_space<vmem>>
    %dma_start3A_80 = arith.constant 0 : i32
    %dma_start3A_81 = arith.constant 0 : i32
    %dma_start3A_82 = tpu.memref_slice %arg2[%dma_start3A_80, %dma_start3A_81] : memref<8192x64xf32, #tpu.memory_space<hbm>> -> memref<8192x64xf32, #tpu.memory_space<hbm>>
    tpu.enqueue_indirect_dma source(%dma_start3A_82 : memref<8192x64xf32, #tpu.memory_space<hbm>>) target(%arg7 : memref<512x64xf32, #tpu.memory_space<vmem>>) offsets(%dma_start3A_79 : memref<512xi32, #tpu.memory_space<vmem>>) semaphore(%arg9 : memref<!tpu.dma_semaphore, #tpu.memory_space<semaphore_mem>>)
    %dma_wait3A_83 = arith.constant 3072 : i32
    %dma_wait3A_84 = tpu.memref_slice %arg5[%dma_wait3A_83] : memref<4096xi32, #tpu.memory_space<vmem>> -> memref<512xi32, #tpu.memory_space<vmem>>
    %dma_wait3A_85 = arith.constant 0 : i32
    %dma_wait3A_86 = arith.constant 0 : i32
    %dma_wait3A_87 = tpu.memref_slice %arg2[%dma_wait3A_85, %dma_wait3A_86] : memref<8192x64xf32, #tpu.memory_space<hbm>> -> memref<8192x64xf32, #tpu.memory_space<hbm>>
    tpu.wait_indirect_dma semaphore(%arg8 : memref<!tpu.dma_semaphore, #tpu.memory_space<semaphore_mem>>) src(%dma_wait3A_87 : memref<8192x64xf32, #tpu.memory_space<hbm>>) dst(%arg6 : memref<512x64xf32, #tpu.memory_space<vmem>>)
    %add3A_88 = arith.constant 3072 : i32
    %add3A_89 = arith.addi %mul3A_2, %add3A_88 : i32
    "tpu.region"() ({
      %run_scoped3A = tpu.sem_alloc : memref<!tpu.dma_semaphore, #tpu.memory_space<semaphore_mem>>
      %dma_start3A_97 = arith.constant 0 : i32
      %dma_start3A_98 = tpu.memref_slice %arg4[%add3A_89, %dma_start3A_97] : memref<131072x64xf32, #tpu.memory_space<hbm>> -> memref<512x64xf32, #tpu.memory_space<hbm>>
      %dma_start3A_99 = arith.constant 0 : i32
      %dma_start3A_100 = tpu.memref_slice %arg4[%add3A_89, %dma_start3A_99] : memref<131072x64xf32, #tpu.memory_space<hbm>> -> memref<512x64xf32, #tpu.memory_space<hbm>>
      tpu.enqueue_dma source(%arg6 : memref<512x64xf32, #tpu.memory_space<vmem>>) target(%dma_start3A_100 : memref<512x64xf32, #tpu.memory_space<hbm>>) target_semaphore(%run_scoped3A : memref<!tpu.dma_semaphore, #tpu.memory_space<semaphore_mem>>)
      %dma_wait3A_101 = arith.constant 0 : i32
      %dma_wait3A_102 = tpu.memref_slice %arg4[%add3A_89, %dma_wait3A_101] : memref<131072x64xf32, #tpu.memory_space<hbm>> -> memref<512x64xf32, #tpu.memory_space<hbm>>
      %dma_wait3A_103 = arith.constant 0 : i32
      %dma_wait3A_104 = tpu.memref_slice %arg4[%add3A_89, %dma_wait3A_103] : memref<131072x64xf32, #tpu.memory_space<hbm>> -> memref<512x64xf32, #tpu.memory_space<hbm>>
      tpu.wait_dma2 semaphore(%run_scoped3A : memref<!tpu.dma_semaphore, #tpu.memory_space<semaphore_mem>>) src(%arg6 : memref<512x64xf32, #tpu.memory_space<vmem>>) dst(%dma_wait3A_104 : memref<512x64xf32, #tpu.memory_space<hbm>>)
      tpu.yield
    }) : () -> ()
    %dma_wait3A_90 = arith.constant 3584 : i32
    %dma_wait3A_91 = tpu.memref_slice %arg5[%dma_wait3A_90] : memref<4096xi32, #tpu.memory_space<vmem>> -> memref<512xi32, #tpu.memory_space<vmem>>
    %dma_wait3A_92 = arith.constant 0 : i32
    %dma_wait3A_93 = arith.constant 0 : i32
    %dma_wait3A_94 = tpu.memref_slice %arg2[%dma_wait3A_92, %dma_wait3A_93] : memref<8192x64xf32, #tpu.memory_space<hbm>> -> memref<8192x64xf32, #tpu.memory_space<hbm>>
    tpu.wait_indirect_dma semaphore(%arg9 : memref<!tpu.dma_semaphore, #tpu.memory_space<semaphore_mem>>) src(%dma_wait3A_94 : memref<8192x64xf32, #tpu.memory_space<hbm>>) dst(%arg7 : memref<512x64xf32, #tpu.memory_space<vmem>>)
    %add3A_95 = arith.constant 3584 : i32
    %add3A_96 = arith.addi %mul3A_2, %add3A_95 : i32
    "tpu.region"() ({
      %run_scoped3A = tpu.sem_alloc : memref<!tpu.dma_semaphore, #tpu.memory_space<semaphore_mem>>
      %dma_start3A_97 = arith.constant 0 : i32
      %dma_start3A_98 = tpu.memref_slice %arg4[%add3A_96, %dma_start3A_97] : memref<131072x64xf32, #tpu.memory_space<hbm>> -> memref<512x64xf32, #tpu.memory_space<hbm>>
      %dma_start3A_99 = arith.constant 0 : i32
      %dma_start3A_100 = tpu.memref_slice %arg4[%add3A_96, %dma_start3A_99] : memref<131072x64xf32, #tpu.memory_space<hbm>> -> memref<512x64xf32, #tpu.memory_space<hbm>>
      tpu.enqueue_dma source(%arg7 : memref<512x64xf32, #tpu.memory_space<vmem>>) target(%dma_start3A_100 : memref<512x64xf32, #tpu.memory_space<hbm>>) target_semaphore(%run_scoped3A : memref<!tpu.dma_semaphore, #tpu.memory_space<semaphore_mem>>)
      %dma_wait3A_101 = arith.constant 0 : i32
      %dma_wait3A_102 = tpu.memref_slice %arg4[%add3A_96, %dma_wait3A_101] : memref<131072x64xf32, #tpu.memory_space<hbm>> -> memref<512x64xf32, #tpu.memory_space<hbm>>
      %dma_wait3A_103 = arith.constant 0 : i32
      %dma_wait3A_104 = tpu.memref_slice %arg4[%add3A_96, %dma_wait3A_103] : memref<131072x64xf32, #tpu.memory_space<hbm>> -> memref<512x64xf32, #tpu.memory_space<hbm>>
      tpu.wait_dma2 semaphore(%run_scoped3A : memref<!tpu.dma_semaphore, #tpu.memory_space<semaphore_mem>>) src(%arg7 : memref<512x64xf32, #tpu.memory_space<vmem>>) dst(%dma_wait3A_104 : memref<512x64xf32, #tpu.memory_space<hbm>>)
      tpu.yield
    }) : () -> ()
    return
  }
}

module attributes {stable_mosaic.version = 14 : i64} {
  func.func @_knn_body(%arg0: i32, %arg1: memref<256x256xf32, #tpu.memory_space<vmem>>, %arg2: memref<2048x256xf32, #tpu.memory_space<vmem>>, %arg3: memref<256x256xf32, #tpu.memory_space<vmem>>, %arg4: memref<1x256xf32, #tpu.memory_space<vmem>>, %arg5: memref<256x256xf32, #tpu.memory_space<vmem>>, %arg6: memref<1x256xf32, #tpu.memory_space<vmem>>, %arg7: memref<256x3xf32, #tpu.memory_space<vmem>>, %arg8: memref<1x3xf32, #tpu.memory_space<vmem>>, %arg9: memref<256x128xi32, #tpu.memory_space<vmem>>, %arg10: memref<256x256xf32, #tpu.memory_space<vmem>>, %arg11: memref<256x3xf32, #tpu.memory_space<vmem>>) attributes {dimension_semantics = [#tpu.dimension_semantics<arbitrary>], iteration_bounds = array<i64: 8>, scalar_prefetch = 0 : i64, scratch_operands = 0 : i64, tpu.core_type = #tpu.core_type<tc>, window_params = [{transform_indices = @transform_0, window_bounds = array<i64: 256, 256>}, {pipeline_mode = #tpu.pipeline_mode<synchronous>, transform_indices = @transform_1, window_bounds = array<i64: 2048, 256>}, {pipeline_mode = #tpu.pipeline_mode<synchronous>, transform_indices = @transform_2, window_bounds = array<i64: 256, 256>}, {pipeline_mode = #tpu.pipeline_mode<synchronous>, transform_indices = @transform_3, window_bounds = array<i64: 1, 256>}, {pipeline_mode = #tpu.pipeline_mode<synchronous>, transform_indices = @transform_4, window_bounds = array<i64: 256, 256>}, {pipeline_mode = #tpu.pipeline_mode<synchronous>, transform_indices = @transform_5, window_bounds = array<i64: 1, 256>}, {pipeline_mode = #tpu.pipeline_mode<synchronous>, transform_indices = @transform_6, window_bounds = array<i64: 256, 3>}, {pipeline_mode = #tpu.pipeline_mode<synchronous>, transform_indices = @transform_7, window_bounds = array<i64: 1, 3>}, {transform_indices = @transform_8, window_bounds = array<i64: 256, 128>}, {transform_indices = @transform_9, window_bounds = array<i64: 256, 256>}, {transform_indices = @transform_10, window_bounds = array<i64: 256, 3>}]} {
    %get3A = arith.constant 0 : index
    %get3A_0 = arith.constant 0 : index
    %get3A_1 = vector.load %arg2[%get3A, %get3A_0] : memref<2048x256xf32, #tpu.memory_space<vmem>>, vector<2048x256xf32>
    %get3A_2 = arith.constant 0 : index
    %get3A_3 = arith.constant 0 : index
    %get3A_4 = vector.load %arg1[%get3A_2, %get3A_3] : memref<256x256xf32, #tpu.memory_space<vmem>>, vector<256x256xf32>
    %get3A_5 = arith.constant 0 : index
    %get3A_6 = arith.constant 0 : index
    %get3A_7 = vector.load %arg3[%get3A_5, %get3A_6] : memref<256x256xf32, #tpu.memory_space<vmem>>, vector<256x256xf32>
    %dot_general3A = arith.constant dense<0.000000e+00> : vector<256x256xf32>
    %dot_general3A_8 = tpu.matmul %get3A_4, %get3A_7, %dot_general3A {dimension_numbers = #tpu.dot_dimension_numbers<[1], [0], [0], [1], [0, 0, 1, 1], [], []>, transpose_lhs_hint = false} : vector<256x256xf32>, vector<256x256xf32>, vector<256x256xf32> -> vector<256x256xf32>
    %get3A_9 = arith.constant 0 : index
    %get3A_10 = arith.constant 0 : index
    %get3A_11 = vector.load %arg4[%get3A_9, %get3A_10] : memref<1x256xf32, #tpu.memory_space<vmem>>, vector<1x256xf32>
    %add3A = vector.broadcast %get3A_11 : vector<1x256xf32> to vector<256x256xf32>
    %add3A_12 = arith.addf %dot_general3A_8, %add3A : vector<256x256xf32>
    %swap3A = arith.constant 0 : index
    %swap3A_13 = arith.constant 0 : index
    %swap3A_14 = vector.load %arg10[%swap3A, %swap3A_13] : memref<256x256xf32, #tpu.memory_space<vmem>>, vector<256x256xf32>
    tpu.vector_store %arg10[%swap3A, %swap3A_13], %add3A_12 {strides = array<i32>} : memref<256x256xf32, #tpu.memory_space<vmem>>, vector<256x256xf32>,
    %get3A_15 = arith.constant 0 : index
    %get3A_16 = arith.constant 0 : index
    %get3A_17 = vector.load %arg5[%get3A_15, %get3A_16] : memref<256x256xf32, #tpu.memory_space<vmem>>, vector<256x256xf32>
    %dot_general3A_18 = arith.constant dense<0.000000e+00> : vector<256x256xf32>
    %dot_general3A_19 = tpu.matmul %get3A_4, %get3A_17, %dot_general3A_18 {dimension_numbers = #tpu.dot_dimension_numbers<[1], [0], [0], [1], [0, 0, 1, 1], [], []>, transpose_lhs_hint = false} : vector<256x256xf32>, vector<256x256xf32>, vector<256x256xf32> -> vector<256x256xf32>
    %get3A_20 = arith.constant 0 : index
    %get3A_21 = arith.constant 0 : index
    %get3A_22 = vector.load %arg6[%get3A_20, %get3A_21] : memref<1x256xf32, #tpu.memory_space<vmem>>, vector<1x256xf32>
    %add3A_23 = vector.broadcast %get3A_22 : vector<1x256xf32> to vector<256x256xf32>
    %add3A_24 = arith.addf %dot_general3A_19, %add3A_23 : vector<256x256xf32>
    %max3A = arith.constant 0.000000e+00 : f32
    %max3A_25 = vector.broadcast %max3A : f32 to vector<256x256xf32>
    %max3A_26 = arith.maximumf %add3A_24, %max3A_25 : vector<256x256xf32>
    %get3A_27 = arith.constant 0 : index
    %get3A_28 = arith.constant 0 : index
    %get3A_29 = vector.load %arg7[%get3A_27, %get3A_28] : memref<256x3xf32, #tpu.memory_space<vmem>>, vector<256x3xf32>
    %dot_general3A_30 = arith.constant dense<0.000000e+00> : vector<256x3xf32>
    %dot_general3A_31 = tpu.matmul %max3A_26, %get3A_29, %dot_general3A_30 {dimension_numbers = #tpu.dot_dimension_numbers<[1], [0], [0], [1], [0, 0, 1, 1], [], []>, transpose_lhs_hint = false} : vector<256x256xf32>, vector<256x3xf32>, vector<256x3xf32> -> vector<256x3xf32>
    %get3A_32 = arith.constant 0 : index
    %get3A_33 = arith.constant 0 : index
    %get3A_34 = vector.load %arg8[%get3A_32, %get3A_33] : memref<1x3xf32, #tpu.memory_space<vmem>>, vector<1x3xf32>
    %add3A_35 = vector.broadcast %get3A_34 : vector<1x3xf32> to vector<256x3xf32>
    %add3A_36 = arith.addf %dot_general3A_31, %add3A_35 : vector<256x3xf32>
    %swap3A_37 = arith.constant 0 : index
    %swap3A_38 = arith.constant 0 : index
    %swap3A_39 = vector.load %arg11[%swap3A_37, %swap3A_38] : memref<256x3xf32, #tpu.memory_space<vmem>>, vector<256x3xf32>
    tpu.vector_store %arg11[%swap3A_37, %swap3A_38], %add3A_36 {strides = array<i32>} : memref<256x3xf32, #tpu.memory_space<vmem>>, vector<256x3xf32>,
    %mul3A = arith.mulf %get3A_1, %get3A_1 : vector<2048x256xf32>
    %reduce_sum3A = arith.constant dense<0.000000e+00> : vector<2048xf32>
    %reduce_sum3A_40 = vector.multi_reduction <add>, %mul3A, %reduce_sum3A [1] : vector<2048x256xf32> to vector<2048xf32>
    %mul3A_41 = arith.mulf %get3A_4, %get3A_4 : vector<256x256xf32>
    %reduce_sum3A_42 = arith.constant dense<0.000000e+00> : vector<256xf32>
    %reduce_sum3A_43 = vector.multi_reduction <add>, %mul3A_41, %reduce_sum3A_42 [1] : vector<256x256xf32> to vector<256xf32>
    %broadcast_in_dim3A = vector.shape_cast %reduce_sum3A_43 : vector<256xf32> to vector<256x1xf32>
    %dot_general3A_44 = arith.constant dense<0.000000e+00> : vector<256x2048xf32>
    %dot_general3A_45 = tpu.matmul %get3A_4, %get3A_1, %dot_general3A_44 {dimension_numbers = #tpu.dot_dimension_numbers<[1], [1], [0], [0], [0, 0, 1, 0], [], []>, transpose_lhs_hint = false} : vector<256x256xf32>, vector<2048x256xf32>, vector<256x2048xf32> -> vector<256x2048xf32>
    %mul3A_46 = arith.constant 2.000000e+00 : f32
    %mul3A_47 = vector.broadcast %mul3A_46 : f32 to vector<256x2048xf32>
    %mul3A_48 = arith.mulf %mul3A_47, %dot_general3A_45 : vector<256x2048xf32>
    %sub3A = vector.broadcast %broadcast_in_dim3A : vector<256x1xf32> to vector<256x2048xf32>
    %sub3A_49 = arith.subf %sub3A, %mul3A_48 : vector<256x2048xf32>
    %broadcast_in_dim3A_50 = vector.shape_cast %reduce_sum3A_40 : vector<2048xf32> to vector<1x2048xf32>
    %add3A_51 = vector.broadcast %broadcast_in_dim3A_50 : vector<1x2048xf32> to vector<256x2048xf32>
    %add3A_52 = arith.addf %sub3A_49, %add3A_51 : vector<256x2048xf32>
    %iota3A = tpu.iota {dimensions = array<i32: 1>} : vector<256x2048xi32>
    %broadcast_in_dim3A_53 = arith.constant 0 : i32
    %broadcast_in_dim3A_54 = vector.broadcast %broadcast_in_dim3A_53 : i32 to vector<256x128xi32>
    %iota3A_55 = tpu.iota {dimensions = array<i32: 1>} : vector<256x128xi32>
    %reduce_min3A = arith.constant dense<0x7F800000> : vector<256xf32>
    %reduce_min3A_56 = vector.multi_reduction <minimumf>, %add3A_52, %reduce_min3A [1] : vector<256x2048xf32> to vector<256xf32>
    %broadcast_in_dim3A_57 = vector.shape_cast %reduce_min3A_56 : vector<256xf32> to vector<256x1xf32>
    %eq3A = vector.broadcast %broadcast_in_dim3A_57 : vector<256x1xf32> to vector<256x2048xf32>
    %eq3A_58 = arith.cmpf oeq, %add3A_52, %eq3A : vector<256x2048xf32>
    %jit3A = arith.constant 2048 : i32
    %broadcast_in_dim3A_59 = vector.broadcast %jit3A : i32 to vector<256x2048xi32>
    %select_n3A = arith.select %eq3A_58, %iota3A, %broadcast_in_dim3A_59 : vector<256x2048xi1>, vector<256x2048xi32>
    %reduce_min3A_60 = arith.constant dense<2147483647> : vector<256xi32>
    %reduce_min3A_61 = vector.multi_reduction <minsi>, %select_n3A, %reduce_min3A_60 [1] : vector<256x2048xi32> to vector<256xi32>
    %eq3A_62 = arith.constant 0 : i32
    %eq3A_63 = vector.broadcast %eq3A_62 : i32 to vector<256x128xi32>
    %eq3A_64 = arith.cmpi eq, %iota3A_55, %eq3A_63 : vector<256x128xi32>
    %broadcast_in_dim3A_65 = vector.shape_cast %reduce_min3A_61 : vector<256xi32> to vector<256x1xi32>
    %broadcast_in_dim3A_66 = vector.shape_cast %broadcast_in_dim3A_65 : vector<256x1xi32> to vector<256x1xi32>
    %broadcast_in_dim3A_67 = vector.broadcast %broadcast_in_dim3A_66 : vector<256x1xi32> to vector<256x128xi32>
    %select_n3A_68 = arith.select %eq3A_64, %broadcast_in_dim3A_67, %broadcast_in_dim3A_54 : vector<256x128xi1>, vector<256x128xi32>
    %jit3A_69 = arith.constant 3.000000e+38 : f32
    %broadcast_in_dim3A_70 = vector.broadcast %jit3A_69 : f32 to vector<256x2048xf32>
    %select_n3A_71 = arith.select %eq3A_58, %broadcast_in_dim3A_70, %add3A_52 : vector<256x2048xi1>, vector<256x2048xf32>
    %reduce_min3A_72 = arith.constant dense<0x7F800000> : vector<256xf32>
    %reduce_min3A_73 = vector.multi_reduction <minimumf>, %select_n3A_71, %reduce_min3A_72 [1] : vector<256x2048xf32> to vector<256xf32>
    %broadcast_in_dim3A_74 = vector.shape_cast %reduce_min3A_73 : vector<256xf32> to vector<256x1xf32>
    %eq3A_75 = vector.broadcast %broadcast_in_dim3A_74 : vector<256x1xf32> to vector<256x2048xf32>
    %eq3A_76 = arith.cmpf oeq, %select_n3A_71, %eq3A_75 : vector<256x2048xf32>
    %jit3A_77 = arith.constant 2048 : i32
    %broadcast_in_dim3A_78 = vector.broadcast %jit3A_77 : i32 to vector<256x2048xi32>
    %select_n3A_79 = arith.select %eq3A_76, %iota3A, %broadcast_in_dim3A_78 : vector<256x2048xi1>, vector<256x2048xi32>
    %reduce_min3A_80 = arith.constant dense<2147483647> : vector<256xi32>
    %reduce_min3A_81 = vector.multi_reduction <minsi>, %select_n3A_79, %reduce_min3A_80 [1] : vector<256x2048xi32> to vector<256xi32>
    %eq3A_82 = arith.constant 1 : i32
    %eq3A_83 = vector.broadcast %eq3A_82 : i32 to vector<256x128xi32>
    %eq3A_84 = arith.cmpi eq, %iota3A_55, %eq3A_83 : vector<256x128xi32>
    %broadcast_in_dim3A_85 = vector.shape_cast %reduce_min3A_81 : vector<256xi32> to vector<256x1xi32>
    %broadcast_in_dim3A_86 = vector.shape_cast %broadcast_in_dim3A_85 : vector<256x1xi32> to vector<256x1xi32>
    %broadcast_in_dim3A_87 = vector.broadcast %broadcast_in_dim3A_86 : vector<256x1xi32> to vector<256x128xi32>
    %select_n3A_88 = arith.select %eq3A_84, %broadcast_in_dim3A_87, %select_n3A_68 : vector<256x128xi1>, vector<256x128xi32>
    %jit3A_89 = arith.constant 3.000000e+38 : f32
    %broadcast_in_dim3A_90 = vector.broadcast %jit3A_89 : f32 to vector<256x2048xf32>
    %select_n3A_91 = arith.select %eq3A_76, %broadcast_in_dim3A_90, %select_n3A_71 : vector<256x2048xi1>, vector<256x2048xf32>
    %reduce_min3A_92 = arith.constant dense<0x7F800000> : vector<256xf32>
    %reduce_min3A_93 = vector.multi_reduction <minimumf>, %select_n3A_91, %reduce_min3A_92 [1] : vector<256x2048xf32> to vector<256xf32>
    %broadcast_in_dim3A_94 = vector.shape_cast %reduce_min3A_93 : vector<256xf32> to vector<256x1xf32>
    %eq3A_95 = vector.broadcast %broadcast_in_dim3A_94 : vector<256x1xf32> to vector<256x2048xf32>
    %eq3A_96 = arith.cmpf oeq, %select_n3A_91, %eq3A_95 : vector<256x2048xf32>
    %jit3A_97 = arith.constant 2048 : i32
    %broadcast_in_dim3A_98 = vector.broadcast %jit3A_97 : i32 to vector<256x2048xi32>
    %select_n3A_99 = arith.select %eq3A_96, %iota3A, %broadcast_in_dim3A_98 : vector<256x2048xi1>, vector<256x2048xi32>
    %reduce_min3A_100 = arith.constant dense<2147483647> : vector<256xi32>
    %reduce_min3A_101 = vector.multi_reduction <minsi>, %select_n3A_99, %reduce_min3A_100 [1] : vector<256x2048xi32> to vector<256xi32>
    %eq3A_102 = arith.constant 2 : i32
    %eq3A_103 = vector.broadcast %eq3A_102 : i32 to vector<256x128xi32>
    %eq3A_104 = arith.cmpi eq, %iota3A_55, %eq3A_103 : vector<256x128xi32>
    %broadcast_in_dim3A_105 = vector.shape_cast %reduce_min3A_101 : vector<256xi32> to vector<256x1xi32>
    %broadcast_in_dim3A_106 = vector.shape_cast %broadcast_in_dim3A_105 : vector<256x1xi32> to vector<256x1xi32>
    %broadcast_in_dim3A_107 = vector.broadcast %broadcast_in_dim3A_106 : vector<256x1xi32> to vector<256x128xi32>
    %select_n3A_108 = arith.select %eq3A_104, %broadcast_in_dim3A_107, %select_n3A_88 : vector<256x128xi1>, vector<256x128xi32>
    %jit3A_109 = arith.constant 3.000000e+38 : f32
    %broadcast_in_dim3A_110 = vector.broadcast %jit3A_109 : f32 to vector<256x2048xf32>
    %select_n3A_111 = arith.select %eq3A_96, %broadcast_in_dim3A_110, %select_n3A_91 : vector<256x2048xi1>, vector<256x2048xf32>
    %reduce_min3A_112 = arith.constant dense<0x7F800000> : vector<256xf32>
    %reduce_min3A_113 = vector.multi_reduction <minimumf>, %select_n3A_111, %reduce_min3A_112 [1] : vector<256x2048xf32> to vector<256xf32>
    %broadcast_in_dim3A_114 = vector.shape_cast %reduce_min3A_113 : vector<256xf32> to vector<256x1xf32>
    %eq3A_115 = vector.broadcast %broadcast_in_dim3A_114 : vector<256x1xf32> to vector<256x2048xf32>
    %eq3A_116 = arith.cmpf oeq, %select_n3A_111, %eq3A_115 : vector<256x2048xf32>
    %jit3A_117 = arith.constant 2048 : i32
    %broadcast_in_dim3A_118 = vector.broadcast %jit3A_117 : i32 to vector<256x2048xi32>
    %select_n3A_119 = arith.select %eq3A_116, %iota3A, %broadcast_in_dim3A_118 : vector<256x2048xi1>, vector<256x2048xi32>
    %reduce_min3A_120 = arith.constant dense<2147483647> : vector<256xi32>
    %reduce_min3A_121 = vector.multi_reduction <minsi>, %select_n3A_119, %reduce_min3A_120 [1] : vector<256x2048xi32> to vector<256xi32>
    %eq3A_122 = arith.constant 3 : i32
    %eq3A_123 = vector.broadcast %eq3A_122 : i32 to vector<256x128xi32>
    %eq3A_124 = arith.cmpi eq, %iota3A_55, %eq3A_123 : vector<256x128xi32>
    %broadcast_in_dim3A_125 = vector.shape_cast %reduce_min3A_121 : vector<256xi32> to vector<256x1xi32>
    %broadcast_in_dim3A_126 = vector.shape_cast %broadcast_in_dim3A_125 : vector<256x1xi32> to vector<256x1xi32>
    %broadcast_in_dim3A_127 = vector.broadcast %broadcast_in_dim3A_126 : vector<256x1xi32> to vector<256x128xi32>
    %select_n3A_128 = arith.select %eq3A_124, %broadcast_in_dim3A_127, %select_n3A_108 : vector<256x128xi1>, vector<256x128xi32>
    %swap3A_129 = arith.constant 0 : index
    %swap3A_130 = arith.constant 0 : index
    %swap3A_131 = vector.load %arg9[%swap3A_129, %swap3A_130] : memref<256x128xi32, #tpu.memory_space<vmem>>, vector<256x128xi32>
    tpu.vector_store %arg9[%swap3A_129, %swap3A_130], %select_n3A_128 {strides = array<i32>} : memref<256x128xi32, #tpu.memory_space<vmem>>, vector<256x128xi32>,
    return
  }
  func.func @transform_0(%arg0: i32) -> (i32, i32) {
    %c0_i32 = arith.constant 0 : i32
    %c0_i32_0 = arith.constant 0 : i32
    return %arg0, %c0_i32 : i32, i32
  }
  func.func @transform_1(%arg0: i32) -> (i32, i32) {
    %c0_i32 = arith.constant 0 : i32
    %c0_i32_0 = arith.constant 0 : i32
    %c0_i32_1 = arith.constant 0 : i32
    return %c0_i32, %c0_i32_0 : i32, i32
  }
  func.func @transform_2(%arg0: i32) -> (i32, i32) {
    %c0_i32 = arith.constant 0 : i32
    %c0_i32_0 = arith.constant 0 : i32
    %c0_i32_1 = arith.constant 0 : i32
    return %c0_i32, %c0_i32_0 : i32, i32
  }
  func.func @transform_3(%arg0: i32) -> (i32, i32) {
    %c0_i32 = arith.constant 0 : i32
    %c0_i32_0 = arith.constant 0 : i32
    %c0_i32_1 = arith.constant 0 : i32
    return %c0_i32, %c0_i32_0 : i32, i32
  }
  func.func @transform_4(%arg0: i32) -> (i32, i32) {
    %c0_i32 = arith.constant 0 : i32
    %c0_i32_0 = arith.constant 0 : i32
    %c0_i32_1 = arith.constant 0 : i32
    return %c0_i32, %c0_i32_0 : i32, i32
  }
  func.func @transform_5(%arg0: i32) -> (i32, i32) {
    %c0_i32 = arith.constant 0 : i32
    %c0_i32_0 = arith.constant 0 : i32
    %c0_i32_1 = arith.constant 0 : i32
    return %c0_i32, %c0_i32_0 : i32, i32
  }
  func.func @transform_6(%arg0: i32) -> (i32, i32) {
    %c0_i32 = arith.constant 0 : i32
    %c0_i32_0 = arith.constant 0 : i32
    %c0_i32_1 = arith.constant 0 : i32
    return %c0_i32, %c0_i32_0 : i32, i32
  }
  func.func @transform_7(%arg0: i32) -> (i32, i32) {
    %c0_i32 = arith.constant 0 : i32
    %c0_i32_0 = arith.constant 0 : i32
    %c0_i32_1 = arith.constant 0 : i32
    return %c0_i32, %c0_i32_0 : i32, i32
  }
  func.func @transform_8(%arg0: i32) -> (i32, i32) {
    %c0_i32 = arith.constant 0 : i32
    %c0_i32_0 = arith.constant 0 : i32
    return %arg0, %c0_i32 : i32, i32
  }
  func.func @transform_9(%arg0: i32) -> (i32, i32) {
    %c0_i32 = arith.constant 0 : i32
    %c0_i32_0 = arith.constant 0 : i32
    return %arg0, %c0_i32 : i32, i32
  }
  func.func @transform_10(%arg0: i32) -> (i32, i32) {
    %c0_i32 = arith.constant 0 : i32
    %c0_i32_0 = arith.constant 0 : i32
    return %arg0, %c0_i32 : i32, i32
  }
}

module attributes {stable_mosaic.version = 14 : i64} {
  func.func @_knn_body(%arg0: i32, %arg1: memref<256x256xf32, #tpu.memory_space<vmem>>, %arg2: memref<2048x256xf32, #tpu.memory_space<vmem>>, %arg3: memref<256x256xf32, #tpu.memory_space<vmem>>, %arg4: memref<1x256xf32, #tpu.memory_space<vmem>>, %arg5: memref<256x128xi32, #tpu.memory_space<vmem>>, %arg6: memref<256x256xf32, #tpu.memory_space<vmem>>) attributes {dimension_semantics = [#tpu.dimension_semantics<arbitrary>], iteration_bounds = array<i64: 8>, scalar_prefetch = 0 : i64, scratch_operands = 0 : i64, tpu.core_type = #tpu.core_type<tc>, window_params = [{transform_indices = @transform_0, window_bounds = array<i64: 256, 256>}, {pipeline_mode = #tpu.pipeline_mode<synchronous>, transform_indices = @transform_1, window_bounds = array<i64: 2048, 256>}, {pipeline_mode = #tpu.pipeline_mode<synchronous>, transform_indices = @transform_2, window_bounds = array<i64: 256, 256>}, {pipeline_mode = #tpu.pipeline_mode<synchronous>, transform_indices = @transform_3, window_bounds = array<i64: 1, 256>}, {transform_indices = @transform_4, window_bounds = array<i64: 256, 128>}, {transform_indices = @transform_5, window_bounds = array<i64: 256, 256>}]} {
    %get3A = arith.constant 0 : index
    %get3A_0 = arith.constant 0 : index
    %get3A_1 = vector.load %arg2[%get3A, %get3A_0] : memref<2048x256xf32, #tpu.memory_space<vmem>>, vector<2048x256xf32>
    %get3A_2 = arith.constant 0 : index
    %get3A_3 = arith.constant 0 : index
    %get3A_4 = vector.load %arg1[%get3A_2, %get3A_3] : memref<256x256xf32, #tpu.memory_space<vmem>>, vector<256x256xf32>
    %get3A_5 = arith.constant 0 : index
    %get3A_6 = arith.constant 0 : index
    %get3A_7 = vector.load %arg3[%get3A_5, %get3A_6] : memref<256x256xf32, #tpu.memory_space<vmem>>, vector<256x256xf32>
    %dot_general3A = arith.constant dense<0.000000e+00> : vector<256x256xf32>
    %dot_general3A_8 = tpu.matmul %get3A_4, %get3A_7, %dot_general3A {dimension_numbers = #tpu.dot_dimension_numbers<[1], [0], [0], [1], [0, 0, 1, 1], [], []>, transpose_lhs_hint = false} : vector<256x256xf32>, vector<256x256xf32>, vector<256x256xf32> -> vector<256x256xf32>
    %get3A_9 = arith.constant 0 : index
    %get3A_10 = arith.constant 0 : index
    %get3A_11 = vector.load %arg4[%get3A_9, %get3A_10] : memref<1x256xf32, #tpu.memory_space<vmem>>, vector<1x256xf32>
    %add3A = vector.broadcast %get3A_11 : vector<1x256xf32> to vector<256x256xf32>
    %add3A_12 = arith.addf %dot_general3A_8, %add3A : vector<256x256xf32>
    %swap3A = arith.constant 0 : index
    %swap3A_13 = arith.constant 0 : index
    %swap3A_14 = vector.load %arg6[%swap3A, %swap3A_13] : memref<256x256xf32, #tpu.memory_space<vmem>>, vector<256x256xf32>
    tpu.vector_store %arg6[%swap3A, %swap3A_13], %add3A_12 {strides = array<i32>} : memref<256x256xf32, #tpu.memory_space<vmem>>, vector<256x256xf32>,
    %mul3A = arith.mulf %get3A_1, %get3A_1 : vector<2048x256xf32>
    %reduce_sum3A = arith.constant dense<0.000000e+00> : vector<2048xf32>
    %reduce_sum3A_15 = vector.multi_reduction <add>, %mul3A, %reduce_sum3A [1] : vector<2048x256xf32> to vector<2048xf32>
    %mul3A_16 = arith.mulf %get3A_4, %get3A_4 : vector<256x256xf32>
    %reduce_sum3A_17 = arith.constant dense<0.000000e+00> : vector<256xf32>
    %reduce_sum3A_18 = vector.multi_reduction <add>, %mul3A_16, %reduce_sum3A_17 [1] : vector<256x256xf32> to vector<256xf32>
    %broadcast_in_dim3A = vector.shape_cast %reduce_sum3A_18 : vector<256xf32> to vector<256x1xf32>
    %dot_general3A_19 = arith.constant dense<0.000000e+00> : vector<256x2048xf32>
    %dot_general3A_20 = tpu.matmul %get3A_4, %get3A_1, %dot_general3A_19 {dimension_numbers = #tpu.dot_dimension_numbers<[1], [1], [0], [0], [0, 0, 1, 0], [], []>, transpose_lhs_hint = false} : vector<256x256xf32>, vector<2048x256xf32>, vector<256x2048xf32> -> vector<256x2048xf32>
    %mul3A_21 = arith.constant 2.000000e+00 : f32
    %mul3A_22 = vector.broadcast %mul3A_21 : f32 to vector<256x2048xf32>
    %mul3A_23 = arith.mulf %mul3A_22, %dot_general3A_20 : vector<256x2048xf32>
    %sub3A = vector.broadcast %broadcast_in_dim3A : vector<256x1xf32> to vector<256x2048xf32>
    %sub3A_24 = arith.subf %sub3A, %mul3A_23 : vector<256x2048xf32>
    %broadcast_in_dim3A_25 = vector.shape_cast %reduce_sum3A_15 : vector<2048xf32> to vector<1x2048xf32>
    %add3A_26 = vector.broadcast %broadcast_in_dim3A_25 : vector<1x2048xf32> to vector<256x2048xf32>
    %add3A_27 = arith.addf %sub3A_24, %add3A_26 : vector<256x2048xf32>
    %iota3A = tpu.iota {dimensions = array<i32: 1>} : vector<256x2048xi32>
    %broadcast_in_dim3A_28 = arith.constant 0 : i32
    %broadcast_in_dim3A_29 = vector.broadcast %broadcast_in_dim3A_28 : i32 to vector<256x128xi32>
    %iota3A_30 = tpu.iota {dimensions = array<i32: 1>} : vector<256x128xi32>
    %reduce_min3A = arith.constant dense<0x7F800000> : vector<256xf32>
    %reduce_min3A_31 = vector.multi_reduction <minimumf>, %add3A_27, %reduce_min3A [1] : vector<256x2048xf32> to vector<256xf32>
    %broadcast_in_dim3A_32 = vector.shape_cast %reduce_min3A_31 : vector<256xf32> to vector<256x1xf32>
    %eq3A = vector.broadcast %broadcast_in_dim3A_32 : vector<256x1xf32> to vector<256x2048xf32>
    %eq3A_33 = arith.cmpf oeq, %add3A_27, %eq3A : vector<256x2048xf32>
    %jit3A = arith.constant 2048 : i32
    %broadcast_in_dim3A_34 = vector.broadcast %jit3A : i32 to vector<256x2048xi32>
    %select_n3A = arith.select %eq3A_33, %iota3A, %broadcast_in_dim3A_34 : vector<256x2048xi1>, vector<256x2048xi32>
    %reduce_min3A_35 = arith.constant dense<2147483647> : vector<256xi32>
    %reduce_min3A_36 = vector.multi_reduction <minsi>, %select_n3A, %reduce_min3A_35 [1] : vector<256x2048xi32> to vector<256xi32>
    %eq3A_37 = arith.constant 0 : i32
    %eq3A_38 = vector.broadcast %eq3A_37 : i32 to vector<256x128xi32>
    %eq3A_39 = arith.cmpi eq, %iota3A_30, %eq3A_38 : vector<256x128xi32>
    %broadcast_in_dim3A_40 = vector.shape_cast %reduce_min3A_36 : vector<256xi32> to vector<256x1xi32>
    %broadcast_in_dim3A_41 = vector.shape_cast %broadcast_in_dim3A_40 : vector<256x1xi32> to vector<256x1xi32>
    %broadcast_in_dim3A_42 = vector.broadcast %broadcast_in_dim3A_41 : vector<256x1xi32> to vector<256x128xi32>
    %select_n3A_43 = arith.select %eq3A_39, %broadcast_in_dim3A_42, %broadcast_in_dim3A_29 : vector<256x128xi1>, vector<256x128xi32>
    %jit3A_44 = arith.constant 3.000000e+38 : f32
    %broadcast_in_dim3A_45 = vector.broadcast %jit3A_44 : f32 to vector<256x2048xf32>
    %select_n3A_46 = arith.select %eq3A_33, %broadcast_in_dim3A_45, %add3A_27 : vector<256x2048xi1>, vector<256x2048xf32>
    %reduce_min3A_47 = arith.constant dense<0x7F800000> : vector<256xf32>
    %reduce_min3A_48 = vector.multi_reduction <minimumf>, %select_n3A_46, %reduce_min3A_47 [1] : vector<256x2048xf32> to vector<256xf32>
    %broadcast_in_dim3A_49 = vector.shape_cast %reduce_min3A_48 : vector<256xf32> to vector<256x1xf32>
    %eq3A_50 = vector.broadcast %broadcast_in_dim3A_49 : vector<256x1xf32> to vector<256x2048xf32>
    %eq3A_51 = arith.cmpf oeq, %select_n3A_46, %eq3A_50 : vector<256x2048xf32>
    %jit3A_52 = arith.constant 2048 : i32
    %broadcast_in_dim3A_53 = vector.broadcast %jit3A_52 : i32 to vector<256x2048xi32>
    %select_n3A_54 = arith.select %eq3A_51, %iota3A, %broadcast_in_dim3A_53 : vector<256x2048xi1>, vector<256x2048xi32>
    %reduce_min3A_55 = arith.constant dense<2147483647> : vector<256xi32>
    %reduce_min3A_56 = vector.multi_reduction <minsi>, %select_n3A_54, %reduce_min3A_55 [1] : vector<256x2048xi32> to vector<256xi32>
    %eq3A_57 = arith.constant 1 : i32
    %eq3A_58 = vector.broadcast %eq3A_57 : i32 to vector<256x128xi32>
    %eq3A_59 = arith.cmpi eq, %iota3A_30, %eq3A_58 : vector<256x128xi32>
    %broadcast_in_dim3A_60 = vector.shape_cast %reduce_min3A_56 : vector<256xi32> to vector<256x1xi32>
    %broadcast_in_dim3A_61 = vector.shape_cast %broadcast_in_dim3A_60 : vector<256x1xi32> to vector<256x1xi32>
    %broadcast_in_dim3A_62 = vector.broadcast %broadcast_in_dim3A_61 : vector<256x1xi32> to vector<256x128xi32>
    %select_n3A_63 = arith.select %eq3A_59, %broadcast_in_dim3A_62, %select_n3A_43 : vector<256x128xi1>, vector<256x128xi32>
    %jit3A_64 = arith.constant 3.000000e+38 : f32
    %broadcast_in_dim3A_65 = vector.broadcast %jit3A_64 : f32 to vector<256x2048xf32>
    %select_n3A_66 = arith.select %eq3A_51, %broadcast_in_dim3A_65, %select_n3A_46 : vector<256x2048xi1>, vector<256x2048xf32>
    %reduce_min3A_67 = arith.constant dense<0x7F800000> : vector<256xf32>
    %reduce_min3A_68 = vector.multi_reduction <minimumf>, %select_n3A_66, %reduce_min3A_67 [1] : vector<256x2048xf32> to vector<256xf32>
    %broadcast_in_dim3A_69 = vector.shape_cast %reduce_min3A_68 : vector<256xf32> to vector<256x1xf32>
    %eq3A_70 = vector.broadcast %broadcast_in_dim3A_69 : vector<256x1xf32> to vector<256x2048xf32>
    %eq3A_71 = arith.cmpf oeq, %select_n3A_66, %eq3A_70 : vector<256x2048xf32>
    %jit3A_72 = arith.constant 2048 : i32
    %broadcast_in_dim3A_73 = vector.broadcast %jit3A_72 : i32 to vector<256x2048xi32>
    %select_n3A_74 = arith.select %eq3A_71, %iota3A, %broadcast_in_dim3A_73 : vector<256x2048xi1>, vector<256x2048xi32>
    %reduce_min3A_75 = arith.constant dense<2147483647> : vector<256xi32>
    %reduce_min3A_76 = vector.multi_reduction <minsi>, %select_n3A_74, %reduce_min3A_75 [1] : vector<256x2048xi32> to vector<256xi32>
    %eq3A_77 = arith.constant 2 : i32
    %eq3A_78 = vector.broadcast %eq3A_77 : i32 to vector<256x128xi32>
    %eq3A_79 = arith.cmpi eq, %iota3A_30, %eq3A_78 : vector<256x128xi32>
    %broadcast_in_dim3A_80 = vector.shape_cast %reduce_min3A_76 : vector<256xi32> to vector<256x1xi32>
    %broadcast_in_dim3A_81 = vector.shape_cast %broadcast_in_dim3A_80 : vector<256x1xi32> to vector<256x1xi32>
    %broadcast_in_dim3A_82 = vector.broadcast %broadcast_in_dim3A_81 : vector<256x1xi32> to vector<256x128xi32>
    %select_n3A_83 = arith.select %eq3A_79, %broadcast_in_dim3A_82, %select_n3A_63 : vector<256x128xi1>, vector<256x128xi32>
    %jit3A_84 = arith.constant 3.000000e+38 : f32
    %broadcast_in_dim3A_85 = vector.broadcast %jit3A_84 : f32 to vector<256x2048xf32>
    %select_n3A_86 = arith.select %eq3A_71, %broadcast_in_dim3A_85, %select_n3A_66 : vector<256x2048xi1>, vector<256x2048xf32>
    %reduce_min3A_87 = arith.constant dense<0x7F800000> : vector<256xf32>
    %reduce_min3A_88 = vector.multi_reduction <minimumf>, %select_n3A_86, %reduce_min3A_87 [1] : vector<256x2048xf32> to vector<256xf32>
    %broadcast_in_dim3A_89 = vector.shape_cast %reduce_min3A_88 : vector<256xf32> to vector<256x1xf32>
    %eq3A_90 = vector.broadcast %broadcast_in_dim3A_89 : vector<256x1xf32> to vector<256x2048xf32>
    %eq3A_91 = arith.cmpf oeq, %select_n3A_86, %eq3A_90 : vector<256x2048xf32>
    %jit3A_92 = arith.constant 2048 : i32
    %broadcast_in_dim3A_93 = vector.broadcast %jit3A_92 : i32 to vector<256x2048xi32>
    %select_n3A_94 = arith.select %eq3A_91, %iota3A, %broadcast_in_dim3A_93 : vector<256x2048xi1>, vector<256x2048xi32>
    %reduce_min3A_95 = arith.constant dense<2147483647> : vector<256xi32>
    %reduce_min3A_96 = vector.multi_reduction <minsi>, %select_n3A_94, %reduce_min3A_95 [1] : vector<256x2048xi32> to vector<256xi32>
    %eq3A_97 = arith.constant 3 : i32
    %eq3A_98 = vector.broadcast %eq3A_97 : i32 to vector<256x128xi32>
    %eq3A_99 = arith.cmpi eq, %iota3A_30, %eq3A_98 : vector<256x128xi32>
    %broadcast_in_dim3A_100 = vector.shape_cast %reduce_min3A_96 : vector<256xi32> to vector<256x1xi32>
    %broadcast_in_dim3A_101 = vector.shape_cast %broadcast_in_dim3A_100 : vector<256x1xi32> to vector<256x1xi32>
    %broadcast_in_dim3A_102 = vector.broadcast %broadcast_in_dim3A_101 : vector<256x1xi32> to vector<256x128xi32>
    %select_n3A_103 = arith.select %eq3A_99, %broadcast_in_dim3A_102, %select_n3A_83 : vector<256x128xi1>, vector<256x128xi32>
    %jit3A_104 = arith.constant 3.000000e+38 : f32
    %broadcast_in_dim3A_105 = vector.broadcast %jit3A_104 : f32 to vector<256x2048xf32>
    %select_n3A_106 = arith.select %eq3A_91, %broadcast_in_dim3A_105, %select_n3A_86 : vector<256x2048xi1>, vector<256x2048xf32>
    %reduce_min3A_107 = arith.constant dense<0x7F800000> : vector<256xf32>
    %reduce_min3A_108 = vector.multi_reduction <minimumf>, %select_n3A_106, %reduce_min3A_107 [1] : vector<256x2048xf32> to vector<256xf32>
    %broadcast_in_dim3A_109 = vector.shape_cast %reduce_min3A_108 : vector<256xf32> to vector<256x1xf32>
    %eq3A_110 = vector.broadcast %broadcast_in_dim3A_109 : vector<256x1xf32> to vector<256x2048xf32>
    %eq3A_111 = arith.cmpf oeq, %select_n3A_106, %eq3A_110 : vector<256x2048xf32>
    %jit3A_112 = arith.constant 2048 : i32
    %broadcast_in_dim3A_113 = vector.broadcast %jit3A_112 : i32 to vector<256x2048xi32>
    %select_n3A_114 = arith.select %eq3A_111, %iota3A, %broadcast_in_dim3A_113 : vector<256x2048xi1>, vector<256x2048xi32>
    %reduce_min3A_115 = arith.constant dense<2147483647> : vector<256xi32>
    %reduce_min3A_116 = vector.multi_reduction <minsi>, %select_n3A_114, %reduce_min3A_115 [1] : vector<256x2048xi32> to vector<256xi32>
    %eq3A_117 = arith.constant 4 : i32
    %eq3A_118 = vector.broadcast %eq3A_117 : i32 to vector<256x128xi32>
    %eq3A_119 = arith.cmpi eq, %iota3A_30, %eq3A_118 : vector<256x128xi32>
    %broadcast_in_dim3A_120 = vector.shape_cast %reduce_min3A_116 : vector<256xi32> to vector<256x1xi32>
    %broadcast_in_dim3A_121 = vector.shape_cast %broadcast_in_dim3A_120 : vector<256x1xi32> to vector<256x1xi32>
    %broadcast_in_dim3A_122 = vector.broadcast %broadcast_in_dim3A_121 : vector<256x1xi32> to vector<256x128xi32>
    %select_n3A_123 = arith.select %eq3A_119, %broadcast_in_dim3A_122, %select_n3A_103 : vector<256x128xi1>, vector<256x128xi32>
    %jit3A_124 = arith.constant 3.000000e+38 : f32
    %broadcast_in_dim3A_125 = vector.broadcast %jit3A_124 : f32 to vector<256x2048xf32>
    %select_n3A_126 = arith.select %eq3A_111, %broadcast_in_dim3A_125, %select_n3A_106 : vector<256x2048xi1>, vector<256x2048xf32>
    %reduce_min3A_127 = arith.constant dense<0x7F800000> : vector<256xf32>
    %reduce_min3A_128 = vector.multi_reduction <minimumf>, %select_n3A_126, %reduce_min3A_127 [1] : vector<256x2048xf32> to vector<256xf32>
    %broadcast_in_dim3A_129 = vector.shape_cast %reduce_min3A_128 : vector<256xf32> to vector<256x1xf32>
    %eq3A_130 = vector.broadcast %broadcast_in_dim3A_129 : vector<256x1xf32> to vector<256x2048xf32>
    %eq3A_131 = arith.cmpf oeq, %select_n3A_126, %eq3A_130 : vector<256x2048xf32>
    %jit3A_132 = arith.constant 2048 : i32
    %broadcast_in_dim3A_133 = vector.broadcast %jit3A_132 : i32 to vector<256x2048xi32>
    %select_n3A_134 = arith.select %eq3A_131, %iota3A, %broadcast_in_dim3A_133 : vector<256x2048xi1>, vector<256x2048xi32>
    %reduce_min3A_135 = arith.constant dense<2147483647> : vector<256xi32>
    %reduce_min3A_136 = vector.multi_reduction <minsi>, %select_n3A_134, %reduce_min3A_135 [1] : vector<256x2048xi32> to vector<256xi32>
    %eq3A_137 = arith.constant 5 : i32
    %eq3A_138 = vector.broadcast %eq3A_137 : i32 to vector<256x128xi32>
    %eq3A_139 = arith.cmpi eq, %iota3A_30, %eq3A_138 : vector<256x128xi32>
    %broadcast_in_dim3A_140 = vector.shape_cast %reduce_min3A_136 : vector<256xi32> to vector<256x1xi32>
    %broadcast_in_dim3A_141 = vector.shape_cast %broadcast_in_dim3A_140 : vector<256x1xi32> to vector<256x1xi32>
    %broadcast_in_dim3A_142 = vector.broadcast %broadcast_in_dim3A_141 : vector<256x1xi32> to vector<256x128xi32>
    %select_n3A_143 = arith.select %eq3A_139, %broadcast_in_dim3A_142, %select_n3A_123 : vector<256x128xi1>, vector<256x128xi32>
    %jit3A_144 = arith.constant 3.000000e+38 : f32
    %broadcast_in_dim3A_145 = vector.broadcast %jit3A_144 : f32 to vector<256x2048xf32>
    %select_n3A_146 = arith.select %eq3A_131, %broadcast_in_dim3A_145, %select_n3A_126 : vector<256x2048xi1>, vector<256x2048xf32>
    %reduce_min3A_147 = arith.constant dense<0x7F800000> : vector<256xf32>
    %reduce_min3A_148 = vector.multi_reduction <minimumf>, %select_n3A_146, %reduce_min3A_147 [1] : vector<256x2048xf32> to vector<256xf32>
    %broadcast_in_dim3A_149 = vector.shape_cast %reduce_min3A_148 : vector<256xf32> to vector<256x1xf32>
    %eq3A_150 = vector.broadcast %broadcast_in_dim3A_149 : vector<256x1xf32> to vector<256x2048xf32>
    %eq3A_151 = arith.cmpf oeq, %select_n3A_146, %eq3A_150 : vector<256x2048xf32>
    %jit3A_152 = arith.constant 2048 : i32
    %broadcast_in_dim3A_153 = vector.broadcast %jit3A_152 : i32 to vector<256x2048xi32>
    %select_n3A_154 = arith.select %eq3A_151, %iota3A, %broadcast_in_dim3A_153 : vector<256x2048xi1>, vector<256x2048xi32>
    %reduce_min3A_155 = arith.constant dense<2147483647> : vector<256xi32>
    %reduce_min3A_156 = vector.multi_reduction <minsi>, %select_n3A_154, %reduce_min3A_155 [1] : vector<256x2048xi32> to vector<256xi32>
    %eq3A_157 = arith.constant 6 : i32
    %eq3A_158 = vector.broadcast %eq3A_157 : i32 to vector<256x128xi32>
    %eq3A_159 = arith.cmpi eq, %iota3A_30, %eq3A_158 : vector<256x128xi32>
    %broadcast_in_dim3A_160 = vector.shape_cast %reduce_min3A_156 : vector<256xi32> to vector<256x1xi32>
    %broadcast_in_dim3A_161 = vector.shape_cast %broadcast_in_dim3A_160 : vector<256x1xi32> to vector<256x1xi32>
    %broadcast_in_dim3A_162 = vector.broadcast %broadcast_in_dim3A_161 : vector<256x1xi32> to vector<256x128xi32>
    %select_n3A_163 = arith.select %eq3A_159, %broadcast_in_dim3A_162, %select_n3A_143 : vector<256x128xi1>, vector<256x128xi32>
    %jit3A_164 = arith.constant 3.000000e+38 : f32
    %broadcast_in_dim3A_165 = vector.broadcast %jit3A_164 : f32 to vector<256x2048xf32>
    %select_n3A_166 = arith.select %eq3A_151, %broadcast_in_dim3A_165, %select_n3A_146 : vector<256x2048xi1>, vector<256x2048xf32>
    %reduce_min3A_167 = arith.constant dense<0x7F800000> : vector<256xf32>
    %reduce_min3A_168 = vector.multi_reduction <minimumf>, %select_n3A_166, %reduce_min3A_167 [1] : vector<256x2048xf32> to vector<256xf32>
    %broadcast_in_dim3A_169 = vector.shape_cast %reduce_min3A_168 : vector<256xf32> to vector<256x1xf32>
    %eq3A_170 = vector.broadcast %broadcast_in_dim3A_169 : vector<256x1xf32> to vector<256x2048xf32>
    %eq3A_171 = arith.cmpf oeq, %select_n3A_166, %eq3A_170 : vector<256x2048xf32>
    %jit3A_172 = arith.constant 2048 : i32
    %broadcast_in_dim3A_173 = vector.broadcast %jit3A_172 : i32 to vector<256x2048xi32>
    %select_n3A_174 = arith.select %eq3A_171, %iota3A, %broadcast_in_dim3A_173 : vector<256x2048xi1>, vector<256x2048xi32>
    %reduce_min3A_175 = arith.constant dense<2147483647> : vector<256xi32>
    %reduce_min3A_176 = vector.multi_reduction <minsi>, %select_n3A_174, %reduce_min3A_175 [1] : vector<256x2048xi32> to vector<256xi32>
    %eq3A_177 = arith.constant 7 : i32
    %eq3A_178 = vector.broadcast %eq3A_177 : i32 to vector<256x128xi32>
    %eq3A_179 = arith.cmpi eq, %iota3A_30, %eq3A_178 : vector<256x128xi32>
    %broadcast_in_dim3A_180 = vector.shape_cast %reduce_min3A_176 : vector<256xi32> to vector<256x1xi32>
    %broadcast_in_dim3A_181 = vector.shape_cast %broadcast_in_dim3A_180 : vector<256x1xi32> to vector<256x1xi32>
    %broadcast_in_dim3A_182 = vector.broadcast %broadcast_in_dim3A_181 : vector<256x1xi32> to vector<256x128xi32>
    %select_n3A_183 = arith.select %eq3A_179, %broadcast_in_dim3A_182, %select_n3A_163 : vector<256x128xi1>, vector<256x128xi32>
    %jit3A_184 = arith.constant 3.000000e+38 : f32
    %broadcast_in_dim3A_185 = vector.broadcast %jit3A_184 : f32 to vector<256x2048xf32>
    %select_n3A_186 = arith.select %eq3A_171, %broadcast_in_dim3A_185, %select_n3A_166 : vector<256x2048xi1>, vector<256x2048xf32>
    %reduce_min3A_187 = arith.constant dense<0x7F800000> : vector<256xf32>
    %reduce_min3A_188 = vector.multi_reduction <minimumf>, %select_n3A_186, %reduce_min3A_187 [1] : vector<256x2048xf32> to vector<256xf32>
    %broadcast_in_dim3A_189 = vector.shape_cast %reduce_min3A_188 : vector<256xf32> to vector<256x1xf32>
    %eq3A_190 = vector.broadcast %broadcast_in_dim3A_189 : vector<256x1xf32> to vector<256x2048xf32>
    %eq3A_191 = arith.cmpf oeq, %select_n3A_186, %eq3A_190 : vector<256x2048xf32>
    %jit3A_192 = arith.constant 2048 : i32
    %broadcast_in_dim3A_193 = vector.broadcast %jit3A_192 : i32 to vector<256x2048xi32>
    %select_n3A_194 = arith.select %eq3A_191, %iota3A, %broadcast_in_dim3A_193 : vector<256x2048xi1>, vector<256x2048xi32>
    %reduce_min3A_195 = arith.constant dense<2147483647> : vector<256xi32>
    %reduce_min3A_196 = vector.multi_reduction <minsi>, %select_n3A_194, %reduce_min3A_195 [1] : vector<256x2048xi32> to vector<256xi32>
    %eq3A_197 = arith.constant 8 : i32
    %eq3A_198 = vector.broadcast %eq3A_197 : i32 to vector<256x128xi32>
    %eq3A_199 = arith.cmpi eq, %iota3A_30, %eq3A_198 : vector<256x128xi32>
    %broadcast_in_dim3A_200 = vector.shape_cast %reduce_min3A_196 : vector<256xi32> to vector<256x1xi32>
    %broadcast_in_dim3A_201 = vector.shape_cast %broadcast_in_dim3A_200 : vector<256x1xi32> to vector<256x1xi32>
    %broadcast_in_dim3A_202 = vector.broadcast %broadcast_in_dim3A_201 : vector<256x1xi32> to vector<256x128xi32>
    %select_n3A_203 = arith.select %eq3A_199, %broadcast_in_dim3A_202, %select_n3A_183 : vector<256x128xi1>, vector<256x128xi32>
    %jit3A_204 = arith.constant 3.000000e+38 : f32
    %broadcast_in_dim3A_205 = vector.broadcast %jit3A_204 : f32 to vector<256x2048xf32>
    %select_n3A_206 = arith.select %eq3A_191, %broadcast_in_dim3A_205, %select_n3A_186 : vector<256x2048xi1>, vector<256x2048xf32>
    %reduce_min3A_207 = arith.constant dense<0x7F800000> : vector<256xf32>
    %reduce_min3A_208 = vector.multi_reduction <minimumf>, %select_n3A_206, %reduce_min3A_207 [1] : vector<256x2048xf32> to vector<256xf32>
    %broadcast_in_dim3A_209 = vector.shape_cast %reduce_min3A_208 : vector<256xf32> to vector<256x1xf32>
    %eq3A_210 = vector.broadcast %broadcast_in_dim3A_209 : vector<256x1xf32> to vector<256x2048xf32>
    %eq3A_211 = arith.cmpf oeq, %select_n3A_206, %eq3A_210 : vector<256x2048xf32>
    %jit3A_212 = arith.constant 2048 : i32
    %broadcast_in_dim3A_213 = vector.broadcast %jit3A_212 : i32 to vector<256x2048xi32>
    %select_n3A_214 = arith.select %eq3A_211, %iota3A, %broadcast_in_dim3A_213 : vector<256x2048xi1>, vector<256x2048xi32>
    %reduce_min3A_215 = arith.constant dense<2147483647> : vector<256xi32>
    %reduce_min3A_216 = vector.multi_reduction <minsi>, %select_n3A_214, %reduce_min3A_215 [1] : vector<256x2048xi32> to vector<256xi32>
    %eq3A_217 = arith.constant 9 : i32
    %eq3A_218 = vector.broadcast %eq3A_217 : i32 to vector<256x128xi32>
    %eq3A_219 = arith.cmpi eq, %iota3A_30, %eq3A_218 : vector<256x128xi32>
    %broadcast_in_dim3A_220 = vector.shape_cast %reduce_min3A_216 : vector<256xi32> to vector<256x1xi32>
    %broadcast_in_dim3A_221 = vector.shape_cast %broadcast_in_dim3A_220 : vector<256x1xi32> to vector<256x1xi32>
    %broadcast_in_dim3A_222 = vector.broadcast %broadcast_in_dim3A_221 : vector<256x1xi32> to vector<256x128xi32>
    %select_n3A_223 = arith.select %eq3A_219, %broadcast_in_dim3A_222, %select_n3A_203 : vector<256x128xi1>, vector<256x128xi32>
    %jit3A_224 = arith.constant 3.000000e+38 : f32
    %broadcast_in_dim3A_225 = vector.broadcast %jit3A_224 : f32 to vector<256x2048xf32>
    %select_n3A_226 = arith.select %eq3A_211, %broadcast_in_dim3A_225, %select_n3A_206 : vector<256x2048xi1>, vector<256x2048xf32>
    %reduce_min3A_227 = arith.constant dense<0x7F800000> : vector<256xf32>
    %reduce_min3A_228 = vector.multi_reduction <minimumf>, %select_n3A_226, %reduce_min3A_227 [1] : vector<256x2048xf32> to vector<256xf32>
    %broadcast_in_dim3A_229 = vector.shape_cast %reduce_min3A_228 : vector<256xf32> to vector<256x1xf32>
    %eq3A_230 = vector.broadcast %broadcast_in_dim3A_229 : vector<256x1xf32> to vector<256x2048xf32>
    %eq3A_231 = arith.cmpf oeq, %select_n3A_226, %eq3A_230 : vector<256x2048xf32>
    %jit3A_232 = arith.constant 2048 : i32
    %broadcast_in_dim3A_233 = vector.broadcast %jit3A_232 : i32 to vector<256x2048xi32>
    %select_n3A_234 = arith.select %eq3A_231, %iota3A, %broadcast_in_dim3A_233 : vector<256x2048xi1>, vector<256x2048xi32>
    %reduce_min3A_235 = arith.constant dense<2147483647> : vector<256xi32>
    %reduce_min3A_236 = vector.multi_reduction <minsi>, %select_n3A_234, %reduce_min3A_235 [1] : vector<256x2048xi32> to vector<256xi32>
    %eq3A_237 = arith.constant 10 : i32
    %eq3A_238 = vector.broadcast %eq3A_237 : i32 to vector<256x128xi32>
    %eq3A_239 = arith.cmpi eq, %iota3A_30, %eq3A_238 : vector<256x128xi32>
    %broadcast_in_dim3A_240 = vector.shape_cast %reduce_min3A_236 : vector<256xi32> to vector<256x1xi32>
    %broadcast_in_dim3A_241 = vector.shape_cast %broadcast_in_dim3A_240 : vector<256x1xi32> to vector<256x1xi32>
    %broadcast_in_dim3A_242 = vector.broadcast %broadcast_in_dim3A_241 : vector<256x1xi32> to vector<256x128xi32>
    %select_n3A_243 = arith.select %eq3A_239, %broadcast_in_dim3A_242, %select_n3A_223 : vector<256x128xi1>, vector<256x128xi32>
    %jit3A_244 = arith.constant 3.000000e+38 : f32
    %broadcast_in_dim3A_245 = vector.broadcast %jit3A_244 : f32 to vector<256x2048xf32>
    %select_n3A_246 = arith.select %eq3A_231, %broadcast_in_dim3A_245, %select_n3A_226 : vector<256x2048xi1>, vector<256x2048xf32>
    %reduce_min3A_247 = arith.constant dense<0x7F800000> : vector<256xf32>
    %reduce_min3A_248 = vector.multi_reduction <minimumf>, %select_n3A_246, %reduce_min3A_247 [1] : vector<256x2048xf32> to vector<256xf32>
    %broadcast_in_dim3A_249 = vector.shape_cast %reduce_min3A_248 : vector<256xf32> to vector<256x1xf32>
    %eq3A_250 = vector.broadcast %broadcast_in_dim3A_249 : vector<256x1xf32> to vector<256x2048xf32>
    %eq3A_251 = arith.cmpf oeq, %select_n3A_246, %eq3A_250 : vector<256x2048xf32>
    %jit3A_252 = arith.constant 2048 : i32
    %broadcast_in_dim3A_253 = vector.broadcast %jit3A_252 : i32 to vector<256x2048xi32>
    %select_n3A_254 = arith.select %eq3A_251, %iota3A, %broadcast_in_dim3A_253 : vector<256x2048xi1>, vector<256x2048xi32>
    %reduce_min3A_255 = arith.constant dense<2147483647> : vector<256xi32>
    %reduce_min3A_256 = vector.multi_reduction <minsi>, %select_n3A_254, %reduce_min3A_255 [1] : vector<256x2048xi32> to vector<256xi32>
    %eq3A_257 = arith.constant 11 : i32
    %eq3A_258 = vector.broadcast %eq3A_257 : i32 to vector<256x128xi32>
    %eq3A_259 = arith.cmpi eq, %iota3A_30, %eq3A_258 : vector<256x128xi32>
    %broadcast_in_dim3A_260 = vector.shape_cast %reduce_min3A_256 : vector<256xi32> to vector<256x1xi32>
    %broadcast_in_dim3A_261 = vector.shape_cast %broadcast_in_dim3A_260 : vector<256x1xi32> to vector<256x1xi32>
    %broadcast_in_dim3A_262 = vector.broadcast %broadcast_in_dim3A_261 : vector<256x1xi32> to vector<256x128xi32>
    %select_n3A_263 = arith.select %eq3A_259, %broadcast_in_dim3A_262, %select_n3A_243 : vector<256x128xi1>, vector<256x128xi32>
    %jit3A_264 = arith.constant 3.000000e+38 : f32
    %broadcast_in_dim3A_265 = vector.broadcast %jit3A_264 : f32 to vector<256x2048xf32>
    %select_n3A_266 = arith.select %eq3A_251, %broadcast_in_dim3A_265, %select_n3A_246 : vector<256x2048xi1>, vector<256x2048xf32>
    %reduce_min3A_267 = arith.constant dense<0x7F800000> : vector<256xf32>
    %reduce_min3A_268 = vector.multi_reduction <minimumf>, %select_n3A_266, %reduce_min3A_267 [1] : vector<256x2048xf32> to vector<256xf32>
    %broadcast_in_dim3A_269 = vector.shape_cast %reduce_min3A_268 : vector<256xf32> to vector<256x1xf32>
    %eq3A_270 = vector.broadcast %broadcast_in_dim3A_269 : vector<256x1xf32> to vector<256x2048xf32>
    %eq3A_271 = arith.cmpf oeq, %select_n3A_266, %eq3A_270 : vector<256x2048xf32>
    %jit3A_272 = arith.constant 2048 : i32
    %broadcast_in_dim3A_273 = vector.broadcast %jit3A_272 : i32 to vector<256x2048xi32>
    %select_n3A_274 = arith.select %eq3A_271, %iota3A, %broadcast_in_dim3A_273 : vector<256x2048xi1>, vector<256x2048xi32>
    %reduce_min3A_275 = arith.constant dense<2147483647> : vector<256xi32>
    %reduce_min3A_276 = vector.multi_reduction <minsi>, %select_n3A_274, %reduce_min3A_275 [1] : vector<256x2048xi32> to vector<256xi32>
    %eq3A_277 = arith.constant 12 : i32
    %eq3A_278 = vector.broadcast %eq3A_277 : i32 to vector<256x128xi32>
    %eq3A_279 = arith.cmpi eq, %iota3A_30, %eq3A_278 : vector<256x128xi32>
    %broadcast_in_dim3A_280 = vector.shape_cast %reduce_min3A_276 : vector<256xi32> to vector<256x1xi32>
    %broadcast_in_dim3A_281 = vector.shape_cast %broadcast_in_dim3A_280 : vector<256x1xi32> to vector<256x1xi32>
    %broadcast_in_dim3A_282 = vector.broadcast %broadcast_in_dim3A_281 : vector<256x1xi32> to vector<256x128xi32>
    %select_n3A_283 = arith.select %eq3A_279, %broadcast_in_dim3A_282, %select_n3A_263 : vector<256x128xi1>, vector<256x128xi32>
    %jit3A_284 = arith.constant 3.000000e+38 : f32
    %broadcast_in_dim3A_285 = vector.broadcast %jit3A_284 : f32 to vector<256x2048xf32>
    %select_n3A_286 = arith.select %eq3A_271, %broadcast_in_dim3A_285, %select_n3A_266 : vector<256x2048xi1>, vector<256x2048xf32>
    %reduce_min3A_287 = arith.constant dense<0x7F800000> : vector<256xf32>
    %reduce_min3A_288 = vector.multi_reduction <minimumf>, %select_n3A_286, %reduce_min3A_287 [1] : vector<256x2048xf32> to vector<256xf32>
    %broadcast_in_dim3A_289 = vector.shape_cast %reduce_min3A_288 : vector<256xf32> to vector<256x1xf32>
    %eq3A_290 = vector.broadcast %broadcast_in_dim3A_289 : vector<256x1xf32> to vector<256x2048xf32>
    %eq3A_291 = arith.cmpf oeq, %select_n3A_286, %eq3A_290 : vector<256x2048xf32>
    %jit3A_292 = arith.constant 2048 : i32
    %broadcast_in_dim3A_293 = vector.broadcast %jit3A_292 : i32 to vector<256x2048xi32>
    %select_n3A_294 = arith.select %eq3A_291, %iota3A, %broadcast_in_dim3A_293 : vector<256x2048xi1>, vector<256x2048xi32>
    %reduce_min3A_295 = arith.constant dense<2147483647> : vector<256xi32>
    %reduce_min3A_296 = vector.multi_reduction <minsi>, %select_n3A_294, %reduce_min3A_295 [1] : vector<256x2048xi32> to vector<256xi32>
    %eq3A_297 = arith.constant 13 : i32
    %eq3A_298 = vector.broadcast %eq3A_297 : i32 to vector<256x128xi32>
    %eq3A_299 = arith.cmpi eq, %iota3A_30, %eq3A_298 : vector<256x128xi32>
    %broadcast_in_dim3A_300 = vector.shape_cast %reduce_min3A_296 : vector<256xi32> to vector<256x1xi32>
    %broadcast_in_dim3A_301 = vector.shape_cast %broadcast_in_dim3A_300 : vector<256x1xi32> to vector<256x1xi32>
    %broadcast_in_dim3A_302 = vector.broadcast %broadcast_in_dim3A_301 : vector<256x1xi32> to vector<256x128xi32>
    %select_n3A_303 = arith.select %eq3A_299, %broadcast_in_dim3A_302, %select_n3A_283 : vector<256x128xi1>, vector<256x128xi32>
    %jit3A_304 = arith.constant 3.000000e+38 : f32
    %broadcast_in_dim3A_305 = vector.broadcast %jit3A_304 : f32 to vector<256x2048xf32>
    %select_n3A_306 = arith.select %eq3A_291, %broadcast_in_dim3A_305, %select_n3A_286 : vector<256x2048xi1>, vector<256x2048xf32>
    %reduce_min3A_307 = arith.constant dense<0x7F800000> : vector<256xf32>
    %reduce_min3A_308 = vector.multi_reduction <minimumf>, %select_n3A_306, %reduce_min3A_307 [1] : vector<256x2048xf32> to vector<256xf32>
    %broadcast_in_dim3A_309 = vector.shape_cast %reduce_min3A_308 : vector<256xf32> to vector<256x1xf32>
    %eq3A_310 = vector.broadcast %broadcast_in_dim3A_309 : vector<256x1xf32> to vector<256x2048xf32>
    %eq3A_311 = arith.cmpf oeq, %select_n3A_306, %eq3A_310 : vector<256x2048xf32>
    %jit3A_312 = arith.constant 2048 : i32
    %broadcast_in_dim3A_313 = vector.broadcast %jit3A_312 : i32 to vector<256x2048xi32>
    %select_n3A_314 = arith.select %eq3A_311, %iota3A, %broadcast_in_dim3A_313 : vector<256x2048xi1>, vector<256x2048xi32>
    %reduce_min3A_315 = arith.constant dense<2147483647> : vector<256xi32>
    %reduce_min3A_316 = vector.multi_reduction <minsi>, %select_n3A_314, %reduce_min3A_315 [1] : vector<256x2048xi32> to vector<256xi32>
    %eq3A_317 = arith.constant 14 : i32
    %eq3A_318 = vector.broadcast %eq3A_317 : i32 to vector<256x128xi32>
    %eq3A_319 = arith.cmpi eq, %iota3A_30, %eq3A_318 : vector<256x128xi32>
    %broadcast_in_dim3A_320 = vector.shape_cast %reduce_min3A_316 : vector<256xi32> to vector<256x1xi32>
    %broadcast_in_dim3A_321 = vector.shape_cast %broadcast_in_dim3A_320 : vector<256x1xi32> to vector<256x1xi32>
    %broadcast_in_dim3A_322 = vector.broadcast %broadcast_in_dim3A_321 : vector<256x1xi32> to vector<256x128xi32>
    %select_n3A_323 = arith.select %eq3A_319, %broadcast_in_dim3A_322, %select_n3A_303 : vector<256x128xi1>, vector<256x128xi32>
    %jit3A_324 = arith.constant 3.000000e+38 : f32
    %broadcast_in_dim3A_325 = vector.broadcast %jit3A_324 : f32 to vector<256x2048xf32>
    %select_n3A_326 = arith.select %eq3A_311, %broadcast_in_dim3A_325, %select_n3A_306 : vector<256x2048xi1>, vector<256x2048xf32>
    %reduce_min3A_327 = arith.constant dense<0x7F800000> : vector<256xf32>
    %reduce_min3A_328 = vector.multi_reduction <minimumf>, %select_n3A_326, %reduce_min3A_327 [1] : vector<256x2048xf32> to vector<256xf32>
    %broadcast_in_dim3A_329 = vector.shape_cast %reduce_min3A_328 : vector<256xf32> to vector<256x1xf32>
    %eq3A_330 = vector.broadcast %broadcast_in_dim3A_329 : vector<256x1xf32> to vector<256x2048xf32>
    %eq3A_331 = arith.cmpf oeq, %select_n3A_326, %eq3A_330 : vector<256x2048xf32>
    %jit3A_332 = arith.constant 2048 : i32
    %broadcast_in_dim3A_333 = vector.broadcast %jit3A_332 : i32 to vector<256x2048xi32>
    %select_n3A_334 = arith.select %eq3A_331, %iota3A, %broadcast_in_dim3A_333 : vector<256x2048xi1>, vector<256x2048xi32>
    %reduce_min3A_335 = arith.constant dense<2147483647> : vector<256xi32>
    %reduce_min3A_336 = vector.multi_reduction <minsi>, %select_n3A_334, %reduce_min3A_335 [1] : vector<256x2048xi32> to vector<256xi32>
    %eq3A_337 = arith.constant 15 : i32
    %eq3A_338 = vector.broadcast %eq3A_337 : i32 to vector<256x128xi32>
    %eq3A_339 = arith.cmpi eq, %iota3A_30, %eq3A_338 : vector<256x128xi32>
    %broadcast_in_dim3A_340 = vector.shape_cast %reduce_min3A_336 : vector<256xi32> to vector<256x1xi32>
    %broadcast_in_dim3A_341 = vector.shape_cast %broadcast_in_dim3A_340 : vector<256x1xi32> to vector<256x1xi32>
    %broadcast_in_dim3A_342 = vector.broadcast %broadcast_in_dim3A_341 : vector<256x1xi32> to vector<256x128xi32>
    %select_n3A_343 = arith.select %eq3A_339, %broadcast_in_dim3A_342, %select_n3A_323 : vector<256x128xi1>, vector<256x128xi32>
    %swap3A_344 = arith.constant 0 : index
    %swap3A_345 = arith.constant 0 : index
    %swap3A_346 = vector.load %arg5[%swap3A_344, %swap3A_345] : memref<256x128xi32, #tpu.memory_space<vmem>>, vector<256x128xi32>
    tpu.vector_store %arg5[%swap3A_344, %swap3A_345], %select_n3A_343 {strides = array<i32>} : memref<256x128xi32, #tpu.memory_space<vmem>>, vector<256x128xi32>,
    return
  }
  func.func @transform_0(%arg0: i32) -> (i32, i32) {
    %c0_i32 = arith.constant 0 : i32
    %c0_i32_0 = arith.constant 0 : i32
    return %arg0, %c0_i32 : i32, i32
  }
  func.func @transform_1(%arg0: i32) -> (i32, i32) {
    %c0_i32 = arith.constant 0 : i32
    %c0_i32_0 = arith.constant 0 : i32
    %c0_i32_1 = arith.constant 0 : i32
    return %c0_i32, %c0_i32_0 : i32, i32
  }
  func.func @transform_2(%arg0: i32) -> (i32, i32) {
    %c0_i32 = arith.constant 0 : i32
    %c0_i32_0 = arith.constant 0 : i32
    %c0_i32_1 = arith.constant 0 : i32
    return %c0_i32, %c0_i32_0 : i32, i32
  }
  func.func @transform_3(%arg0: i32) -> (i32, i32) {
    %c0_i32 = arith.constant 0 : i32
    %c0_i32_0 = arith.constant 0 : i32
    %c0_i32_1 = arith.constant 0 : i32
    return %c0_i32, %c0_i32_0 : i32, i32
  }
  func.func @transform_4(%arg0: i32) -> (i32, i32) {
    %c0_i32 = arith.constant 0 : i32
    %c0_i32_0 = arith.constant 0 : i32
    return %arg0, %c0_i32 : i32, i32
  }
  func.func @transform_5(%arg0: i32) -> (i32, i32) {
    %c0_i32 = arith.constant 0 : i32
    %c0_i32_0 = arith.constant 0 : i32
    return %arg0, %c0_i32 : i32, i32
  }
}

module attributes {stable_mosaic.version = 14 : i64} {
  func.func @_ecmax_lin_body(%arg0: i32, %arg1: memref<256x128xf32, #tpu.memory_space<vmem>>, %arg2: memref<256x512xf32, #tpu.memory_space<vmem>>, %arg3: memref<128x128xf32, #tpu.memory_space<vmem>>, %arg4: memref<1x128xf32, #tpu.memory_space<vmem>>, %arg5: memref<128x128xf32, #tpu.memory_space<vmem>>, %arg6: memref<1x128xf32, #tpu.memory_space<vmem>>, %arg7: memref<256x128xf32, #tpu.memory_space<vmem>>, %arg8: memref<256x128xf32, #tpu.memory_space<vmem>>) attributes {dimension_semantics = [#tpu.dimension_semantics<arbitrary>], iteration_bounds = array<i64: 8>, scalar_prefetch = 0 : i64, scratch_operands = 0 : i64, tpu.core_type = #tpu.core_type<tc>, window_params = [{transform_indices = @transform_0, window_bounds = array<i64: 256, 128>}, {transform_indices = @transform_1, window_bounds = array<i64: 256, 512>}, {pipeline_mode = #tpu.pipeline_mode<synchronous>, transform_indices = @transform_2, window_bounds = array<i64: 128, 128>}, {pipeline_mode = #tpu.pipeline_mode<synchronous>, transform_indices = @transform_3, window_bounds = array<i64: 1, 128>}, {pipeline_mode = #tpu.pipeline_mode<synchronous>, transform_indices = @transform_4, window_bounds = array<i64: 128, 128>}, {pipeline_mode = #tpu.pipeline_mode<synchronous>, transform_indices = @transform_5, window_bounds = array<i64: 1, 128>}, {transform_indices = @transform_6, window_bounds = array<i64: 256, 128>}, {transform_indices = @transform_7, window_bounds = array<i64: 256, 128>}]} {
    %get3A = arith.constant 0 : index
    %get3A_0 = arith.constant 0 : index
    %get3A_1 = vector.load %arg1[%get3A, %get3A_0] : memref<256x128xf32, #tpu.memory_space<vmem>>, vector<256x128xf32>
    %get3A_2 = arith.constant 0 : index
    %get3A_3 = arith.constant 0 : index
    %get3A_4 = vector.load %arg2[%get3A_2, %get3A_3] : memref<256x512xf32, #tpu.memory_space<vmem>>, vector<256x128xf32>
    %add3A = arith.addf %get3A_1, %get3A_4 : vector<256x128xf32>
    %max3A = arith.constant 0.000000e+00 : f32
    %max3A_5 = vector.broadcast %max3A : f32 to vector<256x128xf32>
    %max3A_6 = arith.maximumf %add3A, %max3A_5 : vector<256x128xf32>
    %get3A_7 = arith.constant 0 : index
    %get3A_8 = arith.constant 0 : index
    %get3A_9 = vector.load %arg3[%get3A_7, %get3A_8] : memref<128x128xf32, #tpu.memory_space<vmem>>, vector<128x128xf32>
    %dot_general3A = arith.constant dense<0.000000e+00> : vector<256x128xf32>
    %dot_general3A_10 = tpu.matmul %max3A_6, %get3A_9, %dot_general3A {dimension_numbers = #tpu.dot_dimension_numbers<[1], [0], [0], [1], [0, 0, 1, 1], [], []>, transpose_lhs_hint = false} : vector<256x128xf32>, vector<128x128xf32>, vector<256x128xf32> -> vector<256x128xf32>
    %get3A_11 = arith.constant 0 : index
    %get3A_12 = arith.constant 128 : index
    %get3A_13 = vector.load %arg2[%get3A_11, %get3A_12] : memref<256x512xf32, #tpu.memory_space<vmem>>, vector<256x128xf32>
    %add3A_14 = arith.addf %get3A_1, %get3A_13 : vector<256x128xf32>
    %max3A_15 = arith.constant 0.000000e+00 : f32
    %max3A_16 = vector.broadcast %max3A_15 : f32 to vector<256x128xf32>
    %max3A_17 = arith.maximumf %add3A_14, %max3A_16 : vector<256x128xf32>
    %get3A_18 = arith.constant 0 : index
    %get3A_19 = arith.constant 0 : index
    %get3A_20 = vector.load %arg3[%get3A_18, %get3A_19] : memref<128x128xf32, #tpu.memory_space<vmem>>, vector<128x128xf32>
    %dot_general3A_21 = arith.constant dense<0.000000e+00> : vector<256x128xf32>
    %dot_general3A_22 = tpu.matmul %max3A_17, %get3A_20, %dot_general3A_21 {dimension_numbers = #tpu.dot_dimension_numbers<[1], [0], [0], [1], [0, 0, 1, 1], [], []>, transpose_lhs_hint = false} : vector<256x128xf32>, vector<128x128xf32>, vector<256x128xf32> -> vector<256x128xf32>
    %max3A_23 = arith.maximumf %dot_general3A_10, %dot_general3A_22 : vector<256x128xf32>
    %get3A_24 = arith.constant 0 : index
    %get3A_25 = arith.constant 256 : index
    %get3A_26 = vector.load %arg2[%get3A_24, %get3A_25] : memref<256x512xf32, #tpu.memory_space<vmem>>, vector<256x128xf32>
    %add3A_27 = arith.addf %get3A_1, %get3A_26 : vector<256x128xf32>
    %max3A_28 = arith.constant 0.000000e+00 : f32
    %max3A_29 = vector.broadcast %max3A_28 : f32 to vector<256x128xf32>
    %max3A_30 = arith.maximumf %add3A_27, %max3A_29 : vector<256x128xf32>
    %get3A_31 = arith.constant 0 : index
    %get3A_32 = arith.constant 0 : index
    %get3A_33 = vector.load %arg3[%get3A_31, %get3A_32] : memref<128x128xf32, #tpu.memory_space<vmem>>, vector<128x128xf32>
    %dot_general3A_34 = arith.constant dense<0.000000e+00> : vector<256x128xf32>
    %dot_general3A_35 = tpu.matmul %max3A_30, %get3A_33, %dot_general3A_34 {dimension_numbers = #tpu.dot_dimension_numbers<[1], [0], [0], [1], [0, 0, 1, 1], [], []>, transpose_lhs_hint = false} : vector<256x128xf32>, vector<128x128xf32>, vector<256x128xf32> -> vector<256x128xf32>
    %max3A_36 = arith.maximumf %max3A_23, %dot_general3A_35 : vector<256x128xf32>
    %get3A_37 = arith.constant 0 : index
    %get3A_38 = arith.constant 384 : index
    %get3A_39 = vector.load %arg2[%get3A_37, %get3A_38] : memref<256x512xf32, #tpu.memory_space<vmem>>, vector<256x128xf32>
    %add3A_40 = arith.addf %get3A_1, %get3A_39 : vector<256x128xf32>
    %max3A_41 = arith.constant 0.000000e+00 : f32
    %max3A_42 = vector.broadcast %max3A_41 : f32 to vector<256x128xf32>
    %max3A_43 = arith.maximumf %add3A_40, %max3A_42 : vector<256x128xf32>
    %get3A_44 = arith.constant 0 : index
    %get3A_45 = arith.constant 0 : index
    %get3A_46 = vector.load %arg3[%get3A_44, %get3A_45] : memref<128x128xf32, #tpu.memory_space<vmem>>, vector<128x128xf32>
    %dot_general3A_47 = arith.constant dense<0.000000e+00> : vector<256x128xf32>
    %dot_general3A_48 = tpu.matmul %max3A_43, %get3A_46, %dot_general3A_47 {dimension_numbers = #tpu.dot_dimension_numbers<[1], [0], [0], [1], [0, 0, 1, 1], [], []>, transpose_lhs_hint = false} : vector<256x128xf32>, vector<128x128xf32>, vector<256x128xf32> -> vector<256x128xf32>
    %max3A_49 = arith.maximumf %max3A_36, %dot_general3A_48 : vector<256x128xf32>
    %get3A_50 = arith.constant 0 : index
    %get3A_51 = arith.constant 0 : index
    %get3A_52 = vector.load %arg4[%get3A_50, %get3A_51] : memref<1x128xf32, #tpu.memory_space<vmem>>, vector<1x128xf32>
    %add3A_53 = vector.broadcast %get3A_52 : vector<1x128xf32> to vector<256x128xf32>
    %add3A_54 = arith.addf %max3A_49, %add3A_53 : vector<256x128xf32>
    %swap3A = arith.constant 0 : index
    %swap3A_55 = arith.constant 0 : index
    %swap3A_56 = vector.load %arg7[%swap3A, %swap3A_55] : memref<256x128xf32, #tpu.memory_space<vmem>>, vector<256x128xf32>
    tpu.vector_store %arg7[%swap3A, %swap3A_55], %add3A_54 {strides = array<i32>} : memref<256x128xf32, #tpu.memory_space<vmem>>, vector<256x128xf32>,
    %get3A_57 = arith.constant 0 : index
    %get3A_58 = arith.constant 0 : index
    %get3A_59 = vector.load %arg5[%get3A_57, %get3A_58] : memref<128x128xf32, #tpu.memory_space<vmem>>, vector<128x128xf32>
    %dot_general3A_60 = arith.constant dense<0.000000e+00> : vector<256x128xf32>
    %dot_general3A_61 = tpu.matmul %add3A_54, %get3A_59, %dot_general3A_60 {dimension_numbers = #tpu.dot_dimension_numbers<[1], [0], [0], [1], [0, 0, 1, 1], [], []>, transpose_lhs_hint = false} : vector<256x128xf32>, vector<128x128xf32>, vector<256x128xf32> -> vector<256x128xf32>
    %get3A_62 = arith.constant 0 : index
    %get3A_63 = arith.constant 0 : index
    %get3A_64 = vector.load %arg6[%get3A_62, %get3A_63] : memref<1x128xf32, #tpu.memory_space<vmem>>, vector<1x128xf32>
    %add3A_65 = vector.broadcast %get3A_64 : vector<1x128xf32> to vector<256x128xf32>
    %add3A_66 = arith.addf %dot_general3A_61, %add3A_65 : vector<256x128xf32>
    %swap3A_67 = arith.constant 0 : index
    %swap3A_68 = arith.constant 0 : index
    %swap3A_69 = vector.load %arg8[%swap3A_67, %swap3A_68] : memref<256x128xf32, #tpu.memory_space<vmem>>, vector<256x128xf32>
    tpu.vector_store %arg8[%swap3A_67, %swap3A_68], %add3A_66 {strides = array<i32>} : memref<256x128xf32, #tpu.memory_space<vmem>>, vector<256x128xf32>,
    return
  }
  func.func @transform_0(%arg0: i32) -> (i32, i32) {
    %c0_i32 = arith.constant 0 : i32
    %c0_i32_0 = arith.constant 0 : i32
    return %arg0, %c0_i32 : i32, i32
  }
  func.func @transform_1(%arg0: i32) -> (i32, i32) {
    %c0_i32 = arith.constant 0 : i32
    %c0_i32_0 = arith.constant 0 : i32
    return %arg0, %c0_i32 : i32, i32
  }
  func.func @transform_2(%arg0: i32) -> (i32, i32) {
    %c0_i32 = arith.constant 0 : i32
    %c0_i32_0 = arith.constant 0 : i32
    %c0_i32_1 = arith.constant 0 : i32
    return %c0_i32, %c0_i32_0 : i32, i32
  }
  func.func @transform_3(%arg0: i32) -> (i32, i32) {
    %c0_i32 = arith.constant 0 : i32
    %c0_i32_0 = arith.constant 0 : i32
    %c0_i32_1 = arith.constant 0 : i32
    return %c0_i32, %c0_i32_0 : i32, i32
  }
  func.func @transform_4(%arg0: i32) -> (i32, i32) {
    %c0_i32 = arith.constant 0 : i32
    %c0_i32_0 = arith.constant 0 : i32
    %c0_i32_1 = arith.constant 0 : i32
    return %c0_i32, %c0_i32_0 : i32, i32
  }
  func.func @transform_5(%arg0: i32) -> (i32, i32) {
    %c0_i32 = arith.constant 0 : i32
    %c0_i32_0 = arith.constant 0 : i32
    %c0_i32_1 = arith.constant 0 : i32
    return %c0_i32, %c0_i32_0 : i32, i32
  }
  func.func @transform_6(%arg0: i32) -> (i32, i32) {
    %c0_i32 = arith.constant 0 : i32
    %c0_i32_0 = arith.constant 0 : i32
    return %arg0, %c0_i32 : i32, i32
  }
  func.func @transform_7(%arg0: i32) -> (i32, i32) {
    %c0_i32 = arith.constant 0 : i32
    %c0_i32_0 = arith.constant 0 : i32
    return %arg0, %c0_i32 : i32, i32
  }
}

module attributes {stable_mosaic.version = 14 : i64} {
  func.func @_knn_body(%arg0: i32, %arg1: memref<256x128xf32, #tpu.memory_space<vmem>>, %arg2: memref<2048x128xf32, #tpu.memory_space<vmem>>, %arg3: memref<256x128xi32, #tpu.memory_space<vmem>>) attributes {dimension_semantics = [#tpu.dimension_semantics<arbitrary>], iteration_bounds = array<i64: 8>, scalar_prefetch = 0 : i64, scratch_operands = 0 : i64, tpu.core_type = #tpu.core_type<tc>, window_params = [{transform_indices = @transform_0, window_bounds = array<i64: 256, 128>}, {pipeline_mode = #tpu.pipeline_mode<synchronous>, transform_indices = @transform_1, window_bounds = array<i64: 2048, 128>}, {transform_indices = @transform_2, window_bounds = array<i64: 256, 128>}]} {
    %get3A = arith.constant 0 : index
    %get3A_0 = arith.constant 0 : index
    %get3A_1 = vector.load %arg2[%get3A, %get3A_0] : memref<2048x128xf32, #tpu.memory_space<vmem>>, vector<2048x128xf32>
    %get3A_2 = arith.constant 0 : index
    %get3A_3 = arith.constant 0 : index
    %get3A_4 = vector.load %arg1[%get3A_2, %get3A_3] : memref<256x128xf32, #tpu.memory_space<vmem>>, vector<256x128xf32>
    %mul3A = arith.mulf %get3A_1, %get3A_1 : vector<2048x128xf32>
    %reduce_sum3A = arith.constant dense<0.000000e+00> : vector<2048xf32>
    %reduce_sum3A_5 = vector.multi_reduction <add>, %mul3A, %reduce_sum3A [1] : vector<2048x128xf32> to vector<2048xf32>
    %mul3A_6 = arith.mulf %get3A_4, %get3A_4 : vector<256x128xf32>
    %reduce_sum3A_7 = arith.constant dense<0.000000e+00> : vector<256xf32>
    %reduce_sum3A_8 = vector.multi_reduction <add>, %mul3A_6, %reduce_sum3A_7 [1] : vector<256x128xf32> to vector<256xf32>
    %broadcast_in_dim3A = vector.shape_cast %reduce_sum3A_8 : vector<256xf32> to vector<256x1xf32>
    %dot_general3A = arith.constant dense<0.000000e+00> : vector<256x2048xf32>
    %dot_general3A_9 = tpu.matmul %get3A_4, %get3A_1, %dot_general3A {dimension_numbers = #tpu.dot_dimension_numbers<[1], [1], [0], [0], [0, 0, 1, 0], [], []>, transpose_lhs_hint = false} : vector<256x128xf32>, vector<2048x128xf32>, vector<256x2048xf32> -> vector<256x2048xf32>
    %mul3A_10 = arith.constant 2.000000e+00 : f32
    %mul3A_11 = vector.broadcast %mul3A_10 : f32 to vector<256x2048xf32>
    %mul3A_12 = arith.mulf %mul3A_11, %dot_general3A_9 : vector<256x2048xf32>
    %sub3A = vector.broadcast %broadcast_in_dim3A : vector<256x1xf32> to vector<256x2048xf32>
    %sub3A_13 = arith.subf %sub3A, %mul3A_12 : vector<256x2048xf32>
    %broadcast_in_dim3A_14 = vector.shape_cast %reduce_sum3A_5 : vector<2048xf32> to vector<1x2048xf32>
    %add3A = vector.broadcast %broadcast_in_dim3A_14 : vector<1x2048xf32> to vector<256x2048xf32>
    %add3A_15 = arith.addf %sub3A_13, %add3A : vector<256x2048xf32>
    %iota3A = tpu.iota {dimensions = array<i32: 1>} : vector<256x2048xi32>
    %broadcast_in_dim3A_16 = arith.constant 0 : i32
    %broadcast_in_dim3A_17 = vector.broadcast %broadcast_in_dim3A_16 : i32 to vector<256x128xi32>
    %iota3A_18 = tpu.iota {dimensions = array<i32: 1>} : vector<256x128xi32>
    %reduce_min3A = arith.constant dense<0x7F800000> : vector<256xf32>
    %reduce_min3A_19 = vector.multi_reduction <minimumf>, %add3A_15, %reduce_min3A [1] : vector<256x2048xf32> to vector<256xf32>
    %broadcast_in_dim3A_20 = vector.shape_cast %reduce_min3A_19 : vector<256xf32> to vector<256x1xf32>
    %eq3A = vector.broadcast %broadcast_in_dim3A_20 : vector<256x1xf32> to vector<256x2048xf32>
    %eq3A_21 = arith.cmpf oeq, %add3A_15, %eq3A : vector<256x2048xf32>
    %jit3A = arith.constant 2048 : i32
    %broadcast_in_dim3A_22 = vector.broadcast %jit3A : i32 to vector<256x2048xi32>
    %select_n3A = arith.select %eq3A_21, %iota3A, %broadcast_in_dim3A_22 : vector<256x2048xi1>, vector<256x2048xi32>
    %reduce_min3A_23 = arith.constant dense<2147483647> : vector<256xi32>
    %reduce_min3A_24 = vector.multi_reduction <minsi>, %select_n3A, %reduce_min3A_23 [1] : vector<256x2048xi32> to vector<256xi32>
    %eq3A_25 = arith.constant 0 : i32
    %eq3A_26 = vector.broadcast %eq3A_25 : i32 to vector<256x128xi32>
    %eq3A_27 = arith.cmpi eq, %iota3A_18, %eq3A_26 : vector<256x128xi32>
    %broadcast_in_dim3A_28 = vector.shape_cast %reduce_min3A_24 : vector<256xi32> to vector<256x1xi32>
    %broadcast_in_dim3A_29 = vector.shape_cast %broadcast_in_dim3A_28 : vector<256x1xi32> to vector<256x1xi32>
    %broadcast_in_dim3A_30 = vector.broadcast %broadcast_in_dim3A_29 : vector<256x1xi32> to vector<256x128xi32>
    %select_n3A_31 = arith.select %eq3A_27, %broadcast_in_dim3A_30, %broadcast_in_dim3A_17 : vector<256x128xi1>, vector<256x128xi32>
    %jit3A_32 = arith.constant 3.000000e+38 : f32
    %broadcast_in_dim3A_33 = vector.broadcast %jit3A_32 : f32 to vector<256x2048xf32>
    %select_n3A_34 = arith.select %eq3A_21, %broadcast_in_dim3A_33, %add3A_15 : vector<256x2048xi1>, vector<256x2048xf32>
    %reduce_min3A_35 = arith.constant dense<0x7F800000> : vector<256xf32>
    %reduce_min3A_36 = vector.multi_reduction <minimumf>, %select_n3A_34, %reduce_min3A_35 [1] : vector<256x2048xf32> to vector<256xf32>
    %broadcast_in_dim3A_37 = vector.shape_cast %reduce_min3A_36 : vector<256xf32> to vector<256x1xf32>
    %eq3A_38 = vector.broadcast %broadcast_in_dim3A_37 : vector<256x1xf32> to vector<256x2048xf32>
    %eq3A_39 = arith.cmpf oeq, %select_n3A_34, %eq3A_38 : vector<256x2048xf32>
    %jit3A_40 = arith.constant 2048 : i32
    %broadcast_in_dim3A_41 = vector.broadcast %jit3A_40 : i32 to vector<256x2048xi32>
    %select_n3A_42 = arith.select %eq3A_39, %iota3A, %broadcast_in_dim3A_41 : vector<256x2048xi1>, vector<256x2048xi32>
    %reduce_min3A_43 = arith.constant dense<2147483647> : vector<256xi32>
    %reduce_min3A_44 = vector.multi_reduction <minsi>, %select_n3A_42, %reduce_min3A_43 [1] : vector<256x2048xi32> to vector<256xi32>
    %eq3A_45 = arith.constant 1 : i32
    %eq3A_46 = vector.broadcast %eq3A_45 : i32 to vector<256x128xi32>
    %eq3A_47 = arith.cmpi eq, %iota3A_18, %eq3A_46 : vector<256x128xi32>
    %broadcast_in_dim3A_48 = vector.shape_cast %reduce_min3A_44 : vector<256xi32> to vector<256x1xi32>
    %broadcast_in_dim3A_49 = vector.shape_cast %broadcast_in_dim3A_48 : vector<256x1xi32> to vector<256x1xi32>
    %broadcast_in_dim3A_50 = vector.broadcast %broadcast_in_dim3A_49 : vector<256x1xi32> to vector<256x128xi32>
    %select_n3A_51 = arith.select %eq3A_47, %broadcast_in_dim3A_50, %select_n3A_31 : vector<256x128xi1>, vector<256x128xi32>
    %swap3A = arith.constant 0 : index
    %swap3A_52 = arith.constant 0 : index
    %swap3A_53 = vector.load %arg3[%swap3A, %swap3A_52] : memref<256x128xi32, #tpu.memory_space<vmem>>, vector<256x128xi32>
    tpu.vector_store %arg3[%swap3A, %swap3A_52], %select_n3A_51 {strides = array<i32>} : memref<256x128xi32, #tpu.memory_space<vmem>>, vector<256x128xi32>,
    return
  }
  func.func @transform_0(%arg0: i32) -> (i32, i32) {
    %c0_i32 = arith.constant 0 : i32
    %c0_i32_0 = arith.constant 0 : i32
    return %arg0, %c0_i32 : i32, i32
  }
  func.func @transform_1(%arg0: i32) -> (i32, i32) {
    %c0_i32 = arith.constant 0 : i32
    %c0_i32_0 = arith.constant 0 : i32
    %c0_i32_1 = arith.constant 0 : i32
    return %c0_i32, %c0_i32_0 : i32, i32
  }
  func.func @transform_2(%arg0: i32) -> (i32, i32) {
    %c0_i32 = arith.constant 0 : i32
    %c0_i32_0 = arith.constant 0 : i32
    return %arg0, %c0_i32 : i32, i32
  }
}

module attributes {stable_mosaic.version = 14 : i64} {
  func.func @_ecmax_lin_body(%arg0: i32, %arg1: memref<256x128xf32, #tpu.memory_space<vmem>>, %arg2: memref<256x2048xf32, #tpu.memory_space<vmem>>, %arg3: memref<128x128xf32, #tpu.memory_space<vmem>>, %arg4: memref<1x128xf32, #tpu.memory_space<vmem>>, %arg5: memref<128x128xf32, #tpu.memory_space<vmem>>, %arg6: memref<1x128xf32, #tpu.memory_space<vmem>>, %arg7: memref<256x128xf32, #tpu.memory_space<vmem>>, %arg8: memref<256x128xf32, #tpu.memory_space<vmem>>) attributes {dimension_semantics = [#tpu.dimension_semantics<arbitrary>], iteration_bounds = array<i64: 8>, scalar_prefetch = 0 : i64, scratch_operands = 0 : i64, tpu.core_type = #tpu.core_type<tc>, window_params = [{transform_indices = @transform_0, window_bounds = array<i64: 256, 128>}, {transform_indices = @transform_1, window_bounds = array<i64: 256, 2048>}, {pipeline_mode = #tpu.pipeline_mode<synchronous>, transform_indices = @transform_2, window_bounds = array<i64: 128, 128>}, {pipeline_mode = #tpu.pipeline_mode<synchronous>, transform_indices = @transform_3, window_bounds = array<i64: 1, 128>}, {pipeline_mode = #tpu.pipeline_mode<synchronous>, transform_indices = @transform_4, window_bounds = array<i64: 128, 128>}, {pipeline_mode = #tpu.pipeline_mode<synchronous>, transform_indices = @transform_5, window_bounds = array<i64: 1, 128>}, {transform_indices = @transform_6, window_bounds = array<i64: 256, 128>}, {transform_indices = @transform_7, window_bounds = array<i64: 256, 128>}]} {
    %get3A = arith.constant 0 : index
    %get3A_0 = arith.constant 0 : index
    %get3A_1 = vector.load %arg1[%get3A, %get3A_0] : memref<256x128xf32, #tpu.memory_space<vmem>>, vector<256x128xf32>
    %get3A_2 = arith.constant 0 : index
    %get3A_3 = arith.constant 0 : index
    %get3A_4 = vector.load %arg2[%get3A_2, %get3A_3] : memref<256x2048xf32, #tpu.memory_space<vmem>>, vector<256x128xf32>
    %add3A = arith.addf %get3A_1, %get3A_4 : vector<256x128xf32>
    %max3A = arith.constant 0.000000e+00 : f32
    %max3A_5 = vector.broadcast %max3A : f32 to vector<256x128xf32>
    %max3A_6 = arith.maximumf %add3A, %max3A_5 : vector<256x128xf32>
    %get3A_7 = arith.constant 0 : index
    %get3A_8 = arith.constant 0 : index
    %get3A_9 = vector.load %arg3[%get3A_7, %get3A_8] : memref<128x128xf32, #tpu.memory_space<vmem>>, vector<128x128xf32>
    %dot_general3A = arith.constant dense<0.000000e+00> : vector<256x128xf32>
    %dot_general3A_10 = tpu.matmul %max3A_6, %get3A_9, %dot_general3A {dimension_numbers = #tpu.dot_dimension_numbers<[1], [0], [0], [1], [0, 0, 1, 1], [], []>, transpose_lhs_hint = false} : vector<256x128xf32>, vector<128x128xf32>, vector<256x128xf32> -> vector<256x128xf32>
    %get3A_11 = arith.constant 0 : index
    %get3A_12 = arith.constant 128 : index
    %get3A_13 = vector.load %arg2[%get3A_11, %get3A_12] : memref<256x2048xf32, #tpu.memory_space<vmem>>, vector<256x128xf32>
    %add3A_14 = arith.addf %get3A_1, %get3A_13 : vector<256x128xf32>
    %max3A_15 = arith.constant 0.000000e+00 : f32
    %max3A_16 = vector.broadcast %max3A_15 : f32 to vector<256x128xf32>
    %max3A_17 = arith.maximumf %add3A_14, %max3A_16 : vector<256x128xf32>
    %get3A_18 = arith.constant 0 : index
    %get3A_19 = arith.constant 0 : index
    %get3A_20 = vector.load %arg3[%get3A_18, %get3A_19] : memref<128x128xf32, #tpu.memory_space<vmem>>, vector<128x128xf32>
    %dot_general3A_21 = arith.constant dense<0.000000e+00> : vector<256x128xf32>
    %dot_general3A_22 = tpu.matmul %max3A_17, %get3A_20, %dot_general3A_21 {dimension_numbers = #tpu.dot_dimension_numbers<[1], [0], [0], [1], [0, 0, 1, 1], [], []>, transpose_lhs_hint = false} : vector<256x128xf32>, vector<128x128xf32>, vector<256x128xf32> -> vector<256x128xf32>
    %max3A_23 = arith.maximumf %dot_general3A_10, %dot_general3A_22 : vector<256x128xf32>
    %get3A_24 = arith.constant 0 : index
    %get3A_25 = arith.constant 256 : index
    %get3A_26 = vector.load %arg2[%get3A_24, %get3A_25] : memref<256x2048xf32, #tpu.memory_space<vmem>>, vector<256x128xf32>
    %add3A_27 = arith.addf %get3A_1, %get3A_26 : vector<256x128xf32>
    %max3A_28 = arith.constant 0.000000e+00 : f32
    %max3A_29 = vector.broadcast %max3A_28 : f32 to vector<256x128xf32>
    %max3A_30 = arith.maximumf %add3A_27, %max3A_29 : vector<256x128xf32>
    %get3A_31 = arith.constant 0 : index
    %get3A_32 = arith.constant 0 : index
    %get3A_33 = vector.load %arg3[%get3A_31, %get3A_32] : memref<128x128xf32, #tpu.memory_space<vmem>>, vector<128x128xf32>
    %dot_general3A_34 = arith.constant dense<0.000000e+00> : vector<256x128xf32>
    %dot_general3A_35 = tpu.matmul %max3A_30, %get3A_33, %dot_general3A_34 {dimension_numbers = #tpu.dot_dimension_numbers<[1], [0], [0], [1], [0, 0, 1, 1], [], []>, transpose_lhs_hint = false} : vector<256x128xf32>, vector<128x128xf32>, vector<256x128xf32> -> vector<256x128xf32>
    %max3A_36 = arith.maximumf %max3A_23, %dot_general3A_35 : vector<256x128xf32>
    %get3A_37 = arith.constant 0 : index
    %get3A_38 = arith.constant 384 : index
    %get3A_39 = vector.load %arg2[%get3A_37, %get3A_38] : memref<256x2048xf32, #tpu.memory_space<vmem>>, vector<256x128xf32>
    %add3A_40 = arith.addf %get3A_1, %get3A_39 : vector<256x128xf32>
    %max3A_41 = arith.constant 0.000000e+00 : f32
    %max3A_42 = vector.broadcast %max3A_41 : f32 to vector<256x128xf32>
    %max3A_43 = arith.maximumf %add3A_40, %max3A_42 : vector<256x128xf32>
    %get3A_44 = arith.constant 0 : index
    %get3A_45 = arith.constant 0 : index
    %get3A_46 = vector.load %arg3[%get3A_44, %get3A_45] : memref<128x128xf32, #tpu.memory_space<vmem>>, vector<128x128xf32>
    %dot_general3A_47 = arith.constant dense<0.000000e+00> : vector<256x128xf32>
    %dot_general3A_48 = tpu.matmul %max3A_43, %get3A_46, %dot_general3A_47 {dimension_numbers = #tpu.dot_dimension_numbers<[1], [0], [0], [1], [0, 0, 1, 1], [], []>, transpose_lhs_hint = false} : vector<256x128xf32>, vector<128x128xf32>, vector<256x128xf32> -> vector<256x128xf32>
    %max3A_49 = arith.maximumf %max3A_36, %dot_general3A_48 : vector<256x128xf32>
    %get3A_50 = arith.constant 0 : index
    %get3A_51 = arith.constant 512 : index
    %get3A_52 = vector.load %arg2[%get3A_50, %get3A_51] : memref<256x2048xf32, #tpu.memory_space<vmem>>, vector<256x128xf32>
    %add3A_53 = arith.addf %get3A_1, %get3A_52 : vector<256x128xf32>
    %max3A_54 = arith.constant 0.000000e+00 : f32
    %max3A_55 = vector.broadcast %max3A_54 : f32 to vector<256x128xf32>
    %max3A_56 = arith.maximumf %add3A_53, %max3A_55 : vector<256x128xf32>
    %get3A_57 = arith.constant 0 : index
    %get3A_58 = arith.constant 0 : index
    %get3A_59 = vector.load %arg3[%get3A_57, %get3A_58] : memref<128x128xf32, #tpu.memory_space<vmem>>, vector<128x128xf32>
    %dot_general3A_60 = arith.constant dense<0.000000e+00> : vector<256x128xf32>
    %dot_general3A_61 = tpu.matmul %max3A_56, %get3A_59, %dot_general3A_60 {dimension_numbers = #tpu.dot_dimension_numbers<[1], [0], [0], [1], [0, 0, 1, 1], [], []>, transpose_lhs_hint = false} : vector<256x128xf32>, vector<128x128xf32>, vector<256x128xf32> -> vector<256x128xf32>
    %max3A_62 = arith.maximumf %max3A_49, %dot_general3A_61 : vector<256x128xf32>
    %get3A_63 = arith.constant 0 : index
    %get3A_64 = arith.constant 640 : index
    %get3A_65 = vector.load %arg2[%get3A_63, %get3A_64] : memref<256x2048xf32, #tpu.memory_space<vmem>>, vector<256x128xf32>
    %add3A_66 = arith.addf %get3A_1, %get3A_65 : vector<256x128xf32>
    %max3A_67 = arith.constant 0.000000e+00 : f32
    %max3A_68 = vector.broadcast %max3A_67 : f32 to vector<256x128xf32>
    %max3A_69 = arith.maximumf %add3A_66, %max3A_68 : vector<256x128xf32>
    %get3A_70 = arith.constant 0 : index
    %get3A_71 = arith.constant 0 : index
    %get3A_72 = vector.load %arg3[%get3A_70, %get3A_71] : memref<128x128xf32, #tpu.memory_space<vmem>>, vector<128x128xf32>
    %dot_general3A_73 = arith.constant dense<0.000000e+00> : vector<256x128xf32>
    %dot_general3A_74 = tpu.matmul %max3A_69, %get3A_72, %dot_general3A_73 {dimension_numbers = #tpu.dot_dimension_numbers<[1], [0], [0], [1], [0, 0, 1, 1], [], []>, transpose_lhs_hint = false} : vector<256x128xf32>, vector<128x128xf32>, vector<256x128xf32> -> vector<256x128xf32>
    %max3A_75 = arith.maximumf %max3A_62, %dot_general3A_74 : vector<256x128xf32>
    %get3A_76 = arith.constant 0 : index
    %get3A_77 = arith.constant 768 : index
    %get3A_78 = vector.load %arg2[%get3A_76, %get3A_77] : memref<256x2048xf32, #tpu.memory_space<vmem>>, vector<256x128xf32>
    %add3A_79 = arith.addf %get3A_1, %get3A_78 : vector<256x128xf32>
    %max3A_80 = arith.constant 0.000000e+00 : f32
    %max3A_81 = vector.broadcast %max3A_80 : f32 to vector<256x128xf32>
    %max3A_82 = arith.maximumf %add3A_79, %max3A_81 : vector<256x128xf32>
    %get3A_83 = arith.constant 0 : index
    %get3A_84 = arith.constant 0 : index
    %get3A_85 = vector.load %arg3[%get3A_83, %get3A_84] : memref<128x128xf32, #tpu.memory_space<vmem>>, vector<128x128xf32>
    %dot_general3A_86 = arith.constant dense<0.000000e+00> : vector<256x128xf32>
    %dot_general3A_87 = tpu.matmul %max3A_82, %get3A_85, %dot_general3A_86 {dimension_numbers = #tpu.dot_dimension_numbers<[1], [0], [0], [1], [0, 0, 1, 1], [], []>, transpose_lhs_hint = false} : vector<256x128xf32>, vector<128x128xf32>, vector<256x128xf32> -> vector<256x128xf32>
    %max3A_88 = arith.maximumf %max3A_75, %dot_general3A_87 : vector<256x128xf32>
    %get3A_89 = arith.constant 0 : index
    %get3A_90 = arith.constant 896 : index
    %get3A_91 = vector.load %arg2[%get3A_89, %get3A_90] : memref<256x2048xf32, #tpu.memory_space<vmem>>, vector<256x128xf32>
    %add3A_92 = arith.addf %get3A_1, %get3A_91 : vector<256x128xf32>
    %max3A_93 = arith.constant 0.000000e+00 : f32
    %max3A_94 = vector.broadcast %max3A_93 : f32 to vector<256x128xf32>
    %max3A_95 = arith.maximumf %add3A_92, %max3A_94 : vector<256x128xf32>
    %get3A_96 = arith.constant 0 : index
    %get3A_97 = arith.constant 0 : index
    %get3A_98 = vector.load %arg3[%get3A_96, %get3A_97] : memref<128x128xf32, #tpu.memory_space<vmem>>, vector<128x128xf32>
    %dot_general3A_99 = arith.constant dense<0.000000e+00> : vector<256x128xf32>
    %dot_general3A_100 = tpu.matmul %max3A_95, %get3A_98, %dot_general3A_99 {dimension_numbers = #tpu.dot_dimension_numbers<[1], [0], [0], [1], [0, 0, 1, 1], [], []>, transpose_lhs_hint = false} : vector<256x128xf32>, vector<128x128xf32>, vector<256x128xf32> -> vector<256x128xf32>
    %max3A_101 = arith.maximumf %max3A_88, %dot_general3A_100 : vector<256x128xf32>
    %get3A_102 = arith.constant 0 : index
    %get3A_103 = arith.constant 1024 : index
    %get3A_104 = vector.load %arg2[%get3A_102, %get3A_103] : memref<256x2048xf32, #tpu.memory_space<vmem>>, vector<256x128xf32>
    %add3A_105 = arith.addf %get3A_1, %get3A_104 : vector<256x128xf32>
    %max3A_106 = arith.constant 0.000000e+00 : f32
    %max3A_107 = vector.broadcast %max3A_106 : f32 to vector<256x128xf32>
    %max3A_108 = arith.maximumf %add3A_105, %max3A_107 : vector<256x128xf32>
    %get3A_109 = arith.constant 0 : index
    %get3A_110 = arith.constant 0 : index
    %get3A_111 = vector.load %arg3[%get3A_109, %get3A_110] : memref<128x128xf32, #tpu.memory_space<vmem>>, vector<128x128xf32>
    %dot_general3A_112 = arith.constant dense<0.000000e+00> : vector<256x128xf32>
    %dot_general3A_113 = tpu.matmul %max3A_108, %get3A_111, %dot_general3A_112 {dimension_numbers = #tpu.dot_dimension_numbers<[1], [0], [0], [1], [0, 0, 1, 1], [], []>, transpose_lhs_hint = false} : vector<256x128xf32>, vector<128x128xf32>, vector<256x128xf32> -> vector<256x128xf32>
    %max3A_114 = arith.maximumf %max3A_101, %dot_general3A_113 : vector<256x128xf32>
    %get3A_115 = arith.constant 0 : index
    %get3A_116 = arith.constant 1152 : index
    %get3A_117 = vector.load %arg2[%get3A_115, %get3A_116] : memref<256x2048xf32, #tpu.memory_space<vmem>>, vector<256x128xf32>
    %add3A_118 = arith.addf %get3A_1, %get3A_117 : vector<256x128xf32>
    %max3A_119 = arith.constant 0.000000e+00 : f32
    %max3A_120 = vector.broadcast %max3A_119 : f32 to vector<256x128xf32>
    %max3A_121 = arith.maximumf %add3A_118, %max3A_120 : vector<256x128xf32>
    %get3A_122 = arith.constant 0 : index
    %get3A_123 = arith.constant 0 : index
    %get3A_124 = vector.load %arg3[%get3A_122, %get3A_123] : memref<128x128xf32, #tpu.memory_space<vmem>>, vector<128x128xf32>
    %dot_general3A_125 = arith.constant dense<0.000000e+00> : vector<256x128xf32>
    %dot_general3A_126 = tpu.matmul %max3A_121, %get3A_124, %dot_general3A_125 {dimension_numbers = #tpu.dot_dimension_numbers<[1], [0], [0], [1], [0, 0, 1, 1], [], []>, transpose_lhs_hint = false} : vector<256x128xf32>, vector<128x128xf32>, vector<256x128xf32> -> vector<256x128xf32>
    %max3A_127 = arith.maximumf %max3A_114, %dot_general3A_126 : vector<256x128xf32>
    %get3A_128 = arith.constant 0 : index
    %get3A_129 = arith.constant 1280 : index
    %get3A_130 = vector.load %arg2[%get3A_128, %get3A_129] : memref<256x2048xf32, #tpu.memory_space<vmem>>, vector<256x128xf32>
    %add3A_131 = arith.addf %get3A_1, %get3A_130 : vector<256x128xf32>
    %max3A_132 = arith.constant 0.000000e+00 : f32
    %max3A_133 = vector.broadcast %max3A_132 : f32 to vector<256x128xf32>
    %max3A_134 = arith.maximumf %add3A_131, %max3A_133 : vector<256x128xf32>
    %get3A_135 = arith.constant 0 : index
    %get3A_136 = arith.constant 0 : index
    %get3A_137 = vector.load %arg3[%get3A_135, %get3A_136] : memref<128x128xf32, #tpu.memory_space<vmem>>, vector<128x128xf32>
    %dot_general3A_138 = arith.constant dense<0.000000e+00> : vector<256x128xf32>
    %dot_general3A_139 = tpu.matmul %max3A_134, %get3A_137, %dot_general3A_138 {dimension_numbers = #tpu.dot_dimension_numbers<[1], [0], [0], [1], [0, 0, 1, 1], [], []>, transpose_lhs_hint = false} : vector<256x128xf32>, vector<128x128xf32>, vector<256x128xf32> -> vector<256x128xf32>
    %max3A_140 = arith.maximumf %max3A_127, %dot_general3A_139 : vector<256x128xf32>
    %get3A_141 = arith.constant 0 : index
    %get3A_142 = arith.constant 1408 : index
    %get3A_143 = vector.load %arg2[%get3A_141, %get3A_142] : memref<256x2048xf32, #tpu.memory_space<vmem>>, vector<256x128xf32>
    %add3A_144 = arith.addf %get3A_1, %get3A_143 : vector<256x128xf32>
    %max3A_145 = arith.constant 0.000000e+00 : f32
    %max3A_146 = vector.broadcast %max3A_145 : f32 to vector<256x128xf32>
    %max3A_147 = arith.maximumf %add3A_144, %max3A_146 : vector<256x128xf32>
    %get3A_148 = arith.constant 0 : index
    %get3A_149 = arith.constant 0 : index
    %get3A_150 = vector.load %arg3[%get3A_148, %get3A_149] : memref<128x128xf32, #tpu.memory_space<vmem>>, vector<128x128xf32>
    %dot_general3A_151 = arith.constant dense<0.000000e+00> : vector<256x128xf32>
    %dot_general3A_152 = tpu.matmul %max3A_147, %get3A_150, %dot_general3A_151 {dimension_numbers = #tpu.dot_dimension_numbers<[1], [0], [0], [1], [0, 0, 1, 1], [], []>, transpose_lhs_hint = false} : vector<256x128xf32>, vector<128x128xf32>, vector<256x128xf32> -> vector<256x128xf32>
    %max3A_153 = arith.maximumf %max3A_140, %dot_general3A_152 : vector<256x128xf32>
    %get3A_154 = arith.constant 0 : index
    %get3A_155 = arith.constant 1536 : index
    %get3A_156 = vector.load %arg2[%get3A_154, %get3A_155] : memref<256x2048xf32, #tpu.memory_space<vmem>>, vector<256x128xf32>
    %add3A_157 = arith.addf %get3A_1, %get3A_156 : vector<256x128xf32>
    %max3A_158 = arith.constant 0.000000e+00 : f32
    %max3A_159 = vector.broadcast %max3A_158 : f32 to vector<256x128xf32>
    %max3A_160 = arith.maximumf %add3A_157, %max3A_159 : vector<256x128xf32>
    %get3A_161 = arith.constant 0 : index
    %get3A_162 = arith.constant 0 : index
    %get3A_163 = vector.load %arg3[%get3A_161, %get3A_162] : memref<128x128xf32, #tpu.memory_space<vmem>>, vector<128x128xf32>
    %dot_general3A_164 = arith.constant dense<0.000000e+00> : vector<256x128xf32>
    %dot_general3A_165 = tpu.matmul %max3A_160, %get3A_163, %dot_general3A_164 {dimension_numbers = #tpu.dot_dimension_numbers<[1], [0], [0], [1], [0, 0, 1, 1], [], []>, transpose_lhs_hint = false} : vector<256x128xf32>, vector<128x128xf32>, vector<256x128xf32> -> vector<256x128xf32>
    %max3A_166 = arith.maximumf %max3A_153, %dot_general3A_165 : vector<256x128xf32>
    %get3A_167 = arith.constant 0 : index
    %get3A_168 = arith.constant 1664 : index
    %get3A_169 = vector.load %arg2[%get3A_167, %get3A_168] : memref<256x2048xf32, #tpu.memory_space<vmem>>, vector<256x128xf32>
    %add3A_170 = arith.addf %get3A_1, %get3A_169 : vector<256x128xf32>
    %max3A_171 = arith.constant 0.000000e+00 : f32
    %max3A_172 = vector.broadcast %max3A_171 : f32 to vector<256x128xf32>
    %max3A_173 = arith.maximumf %add3A_170, %max3A_172 : vector<256x128xf32>
    %get3A_174 = arith.constant 0 : index
    %get3A_175 = arith.constant 0 : index
    %get3A_176 = vector.load %arg3[%get3A_174, %get3A_175] : memref<128x128xf32, #tpu.memory_space<vmem>>, vector<128x128xf32>
    %dot_general3A_177 = arith.constant dense<0.000000e+00> : vector<256x128xf32>
    %dot_general3A_178 = tpu.matmul %max3A_173, %get3A_176, %dot_general3A_177 {dimension_numbers = #tpu.dot_dimension_numbers<[1], [0], [0], [1], [0, 0, 1, 1], [], []>, transpose_lhs_hint = false} : vector<256x128xf32>, vector<128x128xf32>, vector<256x128xf32> -> vector<256x128xf32>
    %max3A_179 = arith.maximumf %max3A_166, %dot_general3A_178 : vector<256x128xf32>
    %get3A_180 = arith.constant 0 : index
    %get3A_181 = arith.constant 1792 : index
    %get3A_182 = vector.load %arg2[%get3A_180, %get3A_181] : memref<256x2048xf32, #tpu.memory_space<vmem>>, vector<256x128xf32>
    %add3A_183 = arith.addf %get3A_1, %get3A_182 : vector<256x128xf32>
    %max3A_184 = arith.constant 0.000000e+00 : f32
    %max3A_185 = vector.broadcast %max3A_184 : f32 to vector<256x128xf32>
    %max3A_186 = arith.maximumf %add3A_183, %max3A_185 : vector<256x128xf32>
    %get3A_187 = arith.constant 0 : index
    %get3A_188 = arith.constant 0 : index
    %get3A_189 = vector.load %arg3[%get3A_187, %get3A_188] : memref<128x128xf32, #tpu.memory_space<vmem>>, vector<128x128xf32>
    %dot_general3A_190 = arith.constant dense<0.000000e+00> : vector<256x128xf32>
    %dot_general3A_191 = tpu.matmul %max3A_186, %get3A_189, %dot_general3A_190 {dimension_numbers = #tpu.dot_dimension_numbers<[1], [0], [0], [1], [0, 0, 1, 1], [], []>, transpose_lhs_hint = false} : vector<256x128xf32>, vector<128x128xf32>, vector<256x128xf32> -> vector<256x128xf32>
    %max3A_192 = arith.maximumf %max3A_179, %dot_general3A_191 : vector<256x128xf32>
    %get3A_193 = arith.constant 0 : index
    %get3A_194 = arith.constant 1920 : index
    %get3A_195 = vector.load %arg2[%get3A_193, %get3A_194] : memref<256x2048xf32, #tpu.memory_space<vmem>>, vector<256x128xf32>
    %add3A_196 = arith.addf %get3A_1, %get3A_195 : vector<256x128xf32>
    %max3A_197 = arith.constant 0.000000e+00 : f32
    %max3A_198 = vector.broadcast %max3A_197 : f32 to vector<256x128xf32>
    %max3A_199 = arith.maximumf %add3A_196, %max3A_198 : vector<256x128xf32>
    %get3A_200 = arith.constant 0 : index
    %get3A_201 = arith.constant 0 : index
    %get3A_202 = vector.load %arg3[%get3A_200, %get3A_201] : memref<128x128xf32, #tpu.memory_space<vmem>>, vector<128x128xf32>
    %dot_general3A_203 = arith.constant dense<0.000000e+00> : vector<256x128xf32>
    %dot_general3A_204 = tpu.matmul %max3A_199, %get3A_202, %dot_general3A_203 {dimension_numbers = #tpu.dot_dimension_numbers<[1], [0], [0], [1], [0, 0, 1, 1], [], []>, transpose_lhs_hint = false} : vector<256x128xf32>, vector<128x128xf32>, vector<256x128xf32> -> vector<256x128xf32>
    %max3A_205 = arith.maximumf %max3A_192, %dot_general3A_204 : vector<256x128xf32>
    %get3A_206 = arith.constant 0 : index
    %get3A_207 = arith.constant 0 : index
    %get3A_208 = vector.load %arg4[%get3A_206, %get3A_207] : memref<1x128xf32, #tpu.memory_space<vmem>>, vector<1x128xf32>
    %add3A_209 = vector.broadcast %get3A_208 : vector<1x128xf32> to vector<256x128xf32>
    %add3A_210 = arith.addf %max3A_205, %add3A_209 : vector<256x128xf32>
    %swap3A = arith.constant 0 : index
    %swap3A_211 = arith.constant 0 : index
    %swap3A_212 = vector.load %arg7[%swap3A, %swap3A_211] : memref<256x128xf32, #tpu.memory_space<vmem>>, vector<256x128xf32>
    tpu.vector_store %arg7[%swap3A, %swap3A_211], %add3A_210 {strides = array<i32>} : memref<256x128xf32, #tpu.memory_space<vmem>>, vector<256x128xf32>,
    %get3A_213 = arith.constant 0 : index
    %get3A_214 = arith.constant 0 : index
    %get3A_215 = vector.load %arg5[%get3A_213, %get3A_214] : memref<128x128xf32, #tpu.memory_space<vmem>>, vector<128x128xf32>
    %dot_general3A_216 = arith.constant dense<0.000000e+00> : vector<256x128xf32>
    %dot_general3A_217 = tpu.matmul %add3A_210, %get3A_215, %dot_general3A_216 {dimension_numbers = #tpu.dot_dimension_numbers<[1], [0], [0], [1], [0, 0, 1, 1], [], []>, transpose_lhs_hint = false} : vector<256x128xf32>, vector<128x128xf32>, vector<256x128xf32> -> vector<256x128xf32>
    %get3A_218 = arith.constant 0 : index
    %get3A_219 = arith.constant 0 : index
    %get3A_220 = vector.load %arg6[%get3A_218, %get3A_219] : memref<1x128xf32, #tpu.memory_space<vmem>>, vector<1x128xf32>
    %add3A_221 = vector.broadcast %get3A_220 : vector<1x128xf32> to vector<256x128xf32>
    %add3A_222 = arith.addf %dot_general3A_217, %add3A_221 : vector<256x128xf32>
    %swap3A_223 = arith.constant 0 : index
    %swap3A_224 = arith.constant 0 : index
    %swap3A_225 = vector.load %arg8[%swap3A_223, %swap3A_224] : memref<256x128xf32, #tpu.memory_space<vmem>>, vector<256x128xf32>
    tpu.vector_store %arg8[%swap3A_223, %swap3A_224], %add3A_222 {strides = array<i32>} : memref<256x128xf32, #tpu.memory_space<vmem>>, vector<256x128xf32>,
    return
  }
  func.func @transform_0(%arg0: i32) -> (i32, i32) {
    %c0_i32 = arith.constant 0 : i32
    %c0_i32_0 = arith.constant 0 : i32
    return %arg0, %c0_i32 : i32, i32
  }
  func.func @transform_1(%arg0: i32) -> (i32, i32) {
    %c0_i32 = arith.constant 0 : i32
    %c0_i32_0 = arith.constant 0 : i32
    return %arg0, %c0_i32 : i32, i32
  }
  func.func @transform_2(%arg0: i32) -> (i32, i32) {
    %c0_i32 = arith.constant 0 : i32
    %c0_i32_0 = arith.constant 0 : i32
    %c0_i32_1 = arith.constant 0 : i32
    return %c0_i32, %c0_i32_0 : i32, i32
  }
  func.func @transform_3(%arg0: i32) -> (i32, i32) {
    %c0_i32 = arith.constant 0 : i32
    %c0_i32_0 = arith.constant 0 : i32
    %c0_i32_1 = arith.constant 0 : i32
    return %c0_i32, %c0_i32_0 : i32, i32
  }
  func.func @transform_4(%arg0: i32) -> (i32, i32) {
    %c0_i32 = arith.constant 0 : i32
    %c0_i32_0 = arith.constant 0 : i32
    %c0_i32_1 = arith.constant 0 : i32
    return %c0_i32, %c0_i32_0 : i32, i32
  }
  func.func @transform_5(%arg0: i32) -> (i32, i32) {
    %c0_i32 = arith.constant 0 : i32
    %c0_i32_0 = arith.constant 0 : i32
    %c0_i32_1 = arith.constant 0 : i32
    return %c0_i32, %c0_i32_0 : i32, i32
  }
  func.func @transform_6(%arg0: i32) -> (i32, i32) {
    %c0_i32 = arith.constant 0 : i32
    %c0_i32_0 = arith.constant 0 : i32
    return %arg0, %c0_i32 : i32, i32
  }
  func.func @transform_7(%arg0: i32) -> (i32, i32) {
    %c0_i32 = arith.constant 0 : i32
    %c0_i32_0 = arith.constant 0 : i32
    return %arg0, %c0_i32 : i32, i32
  }
}

module attributes {stable_mosaic.version = 14 : i64} {
  func.func @_knn_body(%arg0: i32, %arg1: memref<256x128xf32, #tpu.memory_space<vmem>>, %arg2: memref<2048x128xf32, #tpu.memory_space<vmem>>, %arg3: memref<256x128xi32, #tpu.memory_space<vmem>>) attributes {dimension_semantics = [#tpu.dimension_semantics<arbitrary>], iteration_bounds = array<i64: 8>, scalar_prefetch = 0 : i64, scratch_operands = 0 : i64, tpu.core_type = #tpu.core_type<tc>, window_params = [{transform_indices = @transform_0, window_bounds = array<i64: 256, 128>}, {pipeline_mode = #tpu.pipeline_mode<synchronous>, transform_indices = @transform_1, window_bounds = array<i64: 2048, 128>}, {transform_indices = @transform_2, window_bounds = array<i64: 256, 128>}]} {
    %get3A = arith.constant 0 : index
    %get3A_0 = arith.constant 0 : index
    %get3A_1 = vector.load %arg2[%get3A, %get3A_0] : memref<2048x128xf32, #tpu.memory_space<vmem>>, vector<2048x128xf32>
    %get3A_2 = arith.constant 0 : index
    %get3A_3 = arith.constant 0 : index
    %get3A_4 = vector.load %arg1[%get3A_2, %get3A_3] : memref<256x128xf32, #tpu.memory_space<vmem>>, vector<256x128xf32>
    %mul3A = arith.mulf %get3A_1, %get3A_1 : vector<2048x128xf32>
    %reduce_sum3A = arith.constant dense<0.000000e+00> : vector<2048xf32>
    %reduce_sum3A_5 = vector.multi_reduction <add>, %mul3A, %reduce_sum3A [1] : vector<2048x128xf32> to vector<2048xf32>
    %mul3A_6 = arith.mulf %get3A_4, %get3A_4 : vector<256x128xf32>
    %reduce_sum3A_7 = arith.constant dense<0.000000e+00> : vector<256xf32>
    %reduce_sum3A_8 = vector.multi_reduction <add>, %mul3A_6, %reduce_sum3A_7 [1] : vector<256x128xf32> to vector<256xf32>
    %broadcast_in_dim3A = vector.shape_cast %reduce_sum3A_8 : vector<256xf32> to vector<256x1xf32>
    %dot_general3A = arith.constant dense<0.000000e+00> : vector<256x2048xf32>
    %dot_general3A_9 = tpu.matmul %get3A_4, %get3A_1, %dot_general3A {dimension_numbers = #tpu.dot_dimension_numbers<[1], [1], [0], [0], [0, 0, 1, 0], [], []>, transpose_lhs_hint = false} : vector<256x128xf32>, vector<2048x128xf32>, vector<256x2048xf32> -> vector<256x2048xf32>
    %mul3A_10 = arith.constant 2.000000e+00 : f32
    %mul3A_11 = vector.broadcast %mul3A_10 : f32 to vector<256x2048xf32>
    %mul3A_12 = arith.mulf %mul3A_11, %dot_general3A_9 : vector<256x2048xf32>
    %sub3A = vector.broadcast %broadcast_in_dim3A : vector<256x1xf32> to vector<256x2048xf32>
    %sub3A_13 = arith.subf %sub3A, %mul3A_12 : vector<256x2048xf32>
    %broadcast_in_dim3A_14 = vector.shape_cast %reduce_sum3A_5 : vector<2048xf32> to vector<1x2048xf32>
    %add3A = vector.broadcast %broadcast_in_dim3A_14 : vector<1x2048xf32> to vector<256x2048xf32>
    %add3A_15 = arith.addf %sub3A_13, %add3A : vector<256x2048xf32>
    %iota3A = tpu.iota {dimensions = array<i32: 1>} : vector<256x2048xi32>
    %broadcast_in_dim3A_16 = arith.constant 0 : i32
    %broadcast_in_dim3A_17 = vector.broadcast %broadcast_in_dim3A_16 : i32 to vector<256x128xi32>
    %iota3A_18 = tpu.iota {dimensions = array<i32: 1>} : vector<256x128xi32>
    %reduce_min3A = arith.constant dense<0x7F800000> : vector<256xf32>
    %reduce_min3A_19 = vector.multi_reduction <minimumf>, %add3A_15, %reduce_min3A [1] : vector<256x2048xf32> to vector<256xf32>
    %broadcast_in_dim3A_20 = vector.shape_cast %reduce_min3A_19 : vector<256xf32> to vector<256x1xf32>
    %eq3A = vector.broadcast %broadcast_in_dim3A_20 : vector<256x1xf32> to vector<256x2048xf32>
    %eq3A_21 = arith.cmpf oeq, %add3A_15, %eq3A : vector<256x2048xf32>
    %jit3A = arith.constant 2048 : i32
    %broadcast_in_dim3A_22 = vector.broadcast %jit3A : i32 to vector<256x2048xi32>
    %select_n3A = arith.select %eq3A_21, %iota3A, %broadcast_in_dim3A_22 : vector<256x2048xi1>, vector<256x2048xi32>
    %reduce_min3A_23 = arith.constant dense<2147483647> : vector<256xi32>
    %reduce_min3A_24 = vector.multi_reduction <minsi>, %select_n3A, %reduce_min3A_23 [1] : vector<256x2048xi32> to vector<256xi32>
    %eq3A_25 = arith.constant 0 : i32
    %eq3A_26 = vector.broadcast %eq3A_25 : i32 to vector<256x128xi32>
    %eq3A_27 = arith.cmpi eq, %iota3A_18, %eq3A_26 : vector<256x128xi32>
    %broadcast_in_dim3A_28 = vector.shape_cast %reduce_min3A_24 : vector<256xi32> to vector<256x1xi32>
    %broadcast_in_dim3A_29 = vector.shape_cast %broadcast_in_dim3A_28 : vector<256x1xi32> to vector<256x1xi32>
    %broadcast_in_dim3A_30 = vector.broadcast %broadcast_in_dim3A_29 : vector<256x1xi32> to vector<256x128xi32>
    %select_n3A_31 = arith.select %eq3A_27, %broadcast_in_dim3A_30, %broadcast_in_dim3A_17 : vector<256x128xi1>, vector<256x128xi32>
    %jit3A_32 = arith.constant 3.000000e+38 : f32
    %broadcast_in_dim3A_33 = vector.broadcast %jit3A_32 : f32 to vector<256x2048xf32>
    %select_n3A_34 = arith.select %eq3A_21, %broadcast_in_dim3A_33, %add3A_15 : vector<256x2048xi1>, vector<256x2048xf32>
    %reduce_min3A_35 = arith.constant dense<0x7F800000> : vector<256xf32>
    %reduce_min3A_36 = vector.multi_reduction <minimumf>, %select_n3A_34, %reduce_min3A_35 [1] : vector<256x2048xf32> to vector<256xf32>
    %broadcast_in_dim3A_37 = vector.shape_cast %reduce_min3A_36 : vector<256xf32> to vector<256x1xf32>
    %eq3A_38 = vector.broadcast %broadcast_in_dim3A_37 : vector<256x1xf32> to vector<256x2048xf32>
    %eq3A_39 = arith.cmpf oeq, %select_n3A_34, %eq3A_38 : vector<256x2048xf32>
    %jit3A_40 = arith.constant 2048 : i32
    %broadcast_in_dim3A_41 = vector.broadcast %jit3A_40 : i32 to vector<256x2048xi32>
    %select_n3A_42 = arith.select %eq3A_39, %iota3A, %broadcast_in_dim3A_41 : vector<256x2048xi1>, vector<256x2048xi32>
    %reduce_min3A_43 = arith.constant dense<2147483647> : vector<256xi32>
    %reduce_min3A_44 = vector.multi_reduction <minsi>, %select_n3A_42, %reduce_min3A_43 [1] : vector<256x2048xi32> to vector<256xi32>
    %eq3A_45 = arith.constant 1 : i32
    %eq3A_46 = vector.broadcast %eq3A_45 : i32 to vector<256x128xi32>
    %eq3A_47 = arith.cmpi eq, %iota3A_18, %eq3A_46 : vector<256x128xi32>
    %broadcast_in_dim3A_48 = vector.shape_cast %reduce_min3A_44 : vector<256xi32> to vector<256x1xi32>
    %broadcast_in_dim3A_49 = vector.shape_cast %broadcast_in_dim3A_48 : vector<256x1xi32> to vector<256x1xi32>
    %broadcast_in_dim3A_50 = vector.broadcast %broadcast_in_dim3A_49 : vector<256x1xi32> to vector<256x128xi32>
    %select_n3A_51 = arith.select %eq3A_47, %broadcast_in_dim3A_50, %select_n3A_31 : vector<256x128xi1>, vector<256x128xi32>
    %jit3A_52 = arith.constant 3.000000e+38 : f32
    %broadcast_in_dim3A_53 = vector.broadcast %jit3A_52 : f32 to vector<256x2048xf32>
    %select_n3A_54 = arith.select %eq3A_39, %broadcast_in_dim3A_53, %select_n3A_34 : vector<256x2048xi1>, vector<256x2048xf32>
    %reduce_min3A_55 = arith.constant dense<0x7F800000> : vector<256xf32>
    %reduce_min3A_56 = vector.multi_reduction <minimumf>, %select_n3A_54, %reduce_min3A_55 [1] : vector<256x2048xf32> to vector<256xf32>
    %broadcast_in_dim3A_57 = vector.shape_cast %reduce_min3A_56 : vector<256xf32> to vector<256x1xf32>
    %eq3A_58 = vector.broadcast %broadcast_in_dim3A_57 : vector<256x1xf32> to vector<256x2048xf32>
    %eq3A_59 = arith.cmpf oeq, %select_n3A_54, %eq3A_58 : vector<256x2048xf32>
    %jit3A_60 = arith.constant 2048 : i32
    %broadcast_in_dim3A_61 = vector.broadcast %jit3A_60 : i32 to vector<256x2048xi32>
    %select_n3A_62 = arith.select %eq3A_59, %iota3A, %broadcast_in_dim3A_61 : vector<256x2048xi1>, vector<256x2048xi32>
    %reduce_min3A_63 = arith.constant dense<2147483647> : vector<256xi32>
    %reduce_min3A_64 = vector.multi_reduction <minsi>, %select_n3A_62, %reduce_min3A_63 [1] : vector<256x2048xi32> to vector<256xi32>
    %eq3A_65 = arith.constant 2 : i32
    %eq3A_66 = vector.broadcast %eq3A_65 : i32 to vector<256x128xi32>
    %eq3A_67 = arith.cmpi eq, %iota3A_18, %eq3A_66 : vector<256x128xi32>
    %broadcast_in_dim3A_68 = vector.shape_cast %reduce_min3A_64 : vector<256xi32> to vector<256x1xi32>
    %broadcast_in_dim3A_69 = vector.shape_cast %broadcast_in_dim3A_68 : vector<256x1xi32> to vector<256x1xi32>
    %broadcast_in_dim3A_70 = vector.broadcast %broadcast_in_dim3A_69 : vector<256x1xi32> to vector<256x128xi32>
    %select_n3A_71 = arith.select %eq3A_67, %broadcast_in_dim3A_70, %select_n3A_51 : vector<256x128xi1>, vector<256x128xi32>
    %jit3A_72 = arith.constant 3.000000e+38 : f32
    %broadcast_in_dim3A_73 = vector.broadcast %jit3A_72 : f32 to vector<256x2048xf32>
    %select_n3A_74 = arith.select %eq3A_59, %broadcast_in_dim3A_73, %select_n3A_54 : vector<256x2048xi1>, vector<256x2048xf32>
    %reduce_min3A_75 = arith.constant dense<0x7F800000> : vector<256xf32>
    %reduce_min3A_76 = vector.multi_reduction <minimumf>, %select_n3A_74, %reduce_min3A_75 [1] : vector<256x2048xf32> to vector<256xf32>
    %broadcast_in_dim3A_77 = vector.shape_cast %reduce_min3A_76 : vector<256xf32> to vector<256x1xf32>
    %eq3A_78 = vector.broadcast %broadcast_in_dim3A_77 : vector<256x1xf32> to vector<256x2048xf32>
    %eq3A_79 = arith.cmpf oeq, %select_n3A_74, %eq3A_78 : vector<256x2048xf32>
    %jit3A_80 = arith.constant 2048 : i32
    %broadcast_in_dim3A_81 = vector.broadcast %jit3A_80 : i32 to vector<256x2048xi32>
    %select_n3A_82 = arith.select %eq3A_79, %iota3A, %broadcast_in_dim3A_81 : vector<256x2048xi1>, vector<256x2048xi32>
    %reduce_min3A_83 = arith.constant dense<2147483647> : vector<256xi32>
    %reduce_min3A_84 = vector.multi_reduction <minsi>, %select_n3A_82, %reduce_min3A_83 [1] : vector<256x2048xi32> to vector<256xi32>
    %eq3A_85 = arith.constant 3 : i32
    %eq3A_86 = vector.broadcast %eq3A_85 : i32 to vector<256x128xi32>
    %eq3A_87 = arith.cmpi eq, %iota3A_18, %eq3A_86 : vector<256x128xi32>
    %broadcast_in_dim3A_88 = vector.shape_cast %reduce_min3A_84 : vector<256xi32> to vector<256x1xi32>
    %broadcast_in_dim3A_89 = vector.shape_cast %broadcast_in_dim3A_88 : vector<256x1xi32> to vector<256x1xi32>
    %broadcast_in_dim3A_90 = vector.broadcast %broadcast_in_dim3A_89 : vector<256x1xi32> to vector<256x128xi32>
    %select_n3A_91 = arith.select %eq3A_87, %broadcast_in_dim3A_90, %select_n3A_71 : vector<256x128xi1>, vector<256x128xi32>
    %jit3A_92 = arith.constant 3.000000e+38 : f32
    %broadcast_in_dim3A_93 = vector.broadcast %jit3A_92 : f32 to vector<256x2048xf32>
    %select_n3A_94 = arith.select %eq3A_79, %broadcast_in_dim3A_93, %select_n3A_74 : vector<256x2048xi1>, vector<256x2048xf32>
    %reduce_min3A_95 = arith.constant dense<0x7F800000> : vector<256xf32>
    %reduce_min3A_96 = vector.multi_reduction <minimumf>, %select_n3A_94, %reduce_min3A_95 [1] : vector<256x2048xf32> to vector<256xf32>
    %broadcast_in_dim3A_97 = vector.shape_cast %reduce_min3A_96 : vector<256xf32> to vector<256x1xf32>
    %eq3A_98 = vector.broadcast %broadcast_in_dim3A_97 : vector<256x1xf32> to vector<256x2048xf32>
    %eq3A_99 = arith.cmpf oeq, %select_n3A_94, %eq3A_98 : vector<256x2048xf32>
    %jit3A_100 = arith.constant 2048 : i32
    %broadcast_in_dim3A_101 = vector.broadcast %jit3A_100 : i32 to vector<256x2048xi32>
    %select_n3A_102 = arith.select %eq3A_99, %iota3A, %broadcast_in_dim3A_101 : vector<256x2048xi1>, vector<256x2048xi32>
    %reduce_min3A_103 = arith.constant dense<2147483647> : vector<256xi32>
    %reduce_min3A_104 = vector.multi_reduction <minsi>, %select_n3A_102, %reduce_min3A_103 [1] : vector<256x2048xi32> to vector<256xi32>
    %eq3A_105 = arith.constant 4 : i32
    %eq3A_106 = vector.broadcast %eq3A_105 : i32 to vector<256x128xi32>
    %eq3A_107 = arith.cmpi eq, %iota3A_18, %eq3A_106 : vector<256x128xi32>
    %broadcast_in_dim3A_108 = vector.shape_cast %reduce_min3A_104 : vector<256xi32> to vector<256x1xi32>
    %broadcast_in_dim3A_109 = vector.shape_cast %broadcast_in_dim3A_108 : vector<256x1xi32> to vector<256x1xi32>
    %broadcast_in_dim3A_110 = vector.broadcast %broadcast_in_dim3A_109 : vector<256x1xi32> to vector<256x128xi32>
    %select_n3A_111 = arith.select %eq3A_107, %broadcast_in_dim3A_110, %select_n3A_91 : vector<256x128xi1>, vector<256x128xi32>
    %jit3A_112 = arith.constant 3.000000e+38 : f32
    %broadcast_in_dim3A_113 = vector.broadcast %jit3A_112 : f32 to vector<256x2048xf32>
    %select_n3A_114 = arith.select %eq3A_99, %broadcast_in_dim3A_113, %select_n3A_94 : vector<256x2048xi1>, vector<256x2048xf32>
    %reduce_min3A_115 = arith.constant dense<0x7F800000> : vector<256xf32>
    %reduce_min3A_116 = vector.multi_reduction <minimumf>, %select_n3A_114, %reduce_min3A_115 [1] : vector<256x2048xf32> to vector<256xf32>
    %broadcast_in_dim3A_117 = vector.shape_cast %reduce_min3A_116 : vector<256xf32> to vector<256x1xf32>
    %eq3A_118 = vector.broadcast %broadcast_in_dim3A_117 : vector<256x1xf32> to vector<256x2048xf32>
    %eq3A_119 = arith.cmpf oeq, %select_n3A_114, %eq3A_118 : vector<256x2048xf32>
    %jit3A_120 = arith.constant 2048 : i32
    %broadcast_in_dim3A_121 = vector.broadcast %jit3A_120 : i32 to vector<256x2048xi32>
    %select_n3A_122 = arith.select %eq3A_119, %iota3A, %broadcast_in_dim3A_121 : vector<256x2048xi1>, vector<256x2048xi32>
    %reduce_min3A_123 = arith.constant dense<2147483647> : vector<256xi32>
    %reduce_min3A_124 = vector.multi_reduction <minsi>, %select_n3A_122, %reduce_min3A_123 [1] : vector<256x2048xi32> to vector<256xi32>
    %eq3A_125 = arith.constant 5 : i32
    %eq3A_126 = vector.broadcast %eq3A_125 : i32 to vector<256x128xi32>
    %eq3A_127 = arith.cmpi eq, %iota3A_18, %eq3A_126 : vector<256x128xi32>
    %broadcast_in_dim3A_128 = vector.shape_cast %reduce_min3A_124 : vector<256xi32> to vector<256x1xi32>
    %broadcast_in_dim3A_129 = vector.shape_cast %broadcast_in_dim3A_128 : vector<256x1xi32> to vector<256x1xi32>
    %broadcast_in_dim3A_130 = vector.broadcast %broadcast_in_dim3A_129 : vector<256x1xi32> to vector<256x128xi32>
    %select_n3A_131 = arith.select %eq3A_127, %broadcast_in_dim3A_130, %select_n3A_111 : vector<256x128xi1>, vector<256x128xi32>
    %jit3A_132 = arith.constant 3.000000e+38 : f32
    %broadcast_in_dim3A_133 = vector.broadcast %jit3A_132 : f32 to vector<256x2048xf32>
    %select_n3A_134 = arith.select %eq3A_119, %broadcast_in_dim3A_133, %select_n3A_114 : vector<256x2048xi1>, vector<256x2048xf32>
    %reduce_min3A_135 = arith.constant dense<0x7F800000> : vector<256xf32>
    %reduce_min3A_136 = vector.multi_reduction <minimumf>, %select_n3A_134, %reduce_min3A_135 [1] : vector<256x2048xf32> to vector<256xf32>
    %broadcast_in_dim3A_137 = vector.shape_cast %reduce_min3A_136 : vector<256xf32> to vector<256x1xf32>
    %eq3A_138 = vector.broadcast %broadcast_in_dim3A_137 : vector<256x1xf32> to vector<256x2048xf32>
    %eq3A_139 = arith.cmpf oeq, %select_n3A_134, %eq3A_138 : vector<256x2048xf32>
    %jit3A_140 = arith.constant 2048 : i32
    %broadcast_in_dim3A_141 = vector.broadcast %jit3A_140 : i32 to vector<256x2048xi32>
    %select_n3A_142 = arith.select %eq3A_139, %iota3A, %broadcast_in_dim3A_141 : vector<256x2048xi1>, vector<256x2048xi32>
    %reduce_min3A_143 = arith.constant dense<2147483647> : vector<256xi32>
    %reduce_min3A_144 = vector.multi_reduction <minsi>, %select_n3A_142, %reduce_min3A_143 [1] : vector<256x2048xi32> to vector<256xi32>
    %eq3A_145 = arith.constant 6 : i32
    %eq3A_146 = vector.broadcast %eq3A_145 : i32 to vector<256x128xi32>
    %eq3A_147 = arith.cmpi eq, %iota3A_18, %eq3A_146 : vector<256x128xi32>
    %broadcast_in_dim3A_148 = vector.shape_cast %reduce_min3A_144 : vector<256xi32> to vector<256x1xi32>
    %broadcast_in_dim3A_149 = vector.shape_cast %broadcast_in_dim3A_148 : vector<256x1xi32> to vector<256x1xi32>
    %broadcast_in_dim3A_150 = vector.broadcast %broadcast_in_dim3A_149 : vector<256x1xi32> to vector<256x128xi32>
    %select_n3A_151 = arith.select %eq3A_147, %broadcast_in_dim3A_150, %select_n3A_131 : vector<256x128xi1>, vector<256x128xi32>
    %jit3A_152 = arith.constant 3.000000e+38 : f32
    %broadcast_in_dim3A_153 = vector.broadcast %jit3A_152 : f32 to vector<256x2048xf32>
    %select_n3A_154 = arith.select %eq3A_139, %broadcast_in_dim3A_153, %select_n3A_134 : vector<256x2048xi1>, vector<256x2048xf32>
    %reduce_min3A_155 = arith.constant dense<0x7F800000> : vector<256xf32>
    %reduce_min3A_156 = vector.multi_reduction <minimumf>, %select_n3A_154, %reduce_min3A_155 [1] : vector<256x2048xf32> to vector<256xf32>
    %broadcast_in_dim3A_157 = vector.shape_cast %reduce_min3A_156 : vector<256xf32> to vector<256x1xf32>
    %eq3A_158 = vector.broadcast %broadcast_in_dim3A_157 : vector<256x1xf32> to vector<256x2048xf32>
    %eq3A_159 = arith.cmpf oeq, %select_n3A_154, %eq3A_158 : vector<256x2048xf32>
    %jit3A_160 = arith.constant 2048 : i32
    %broadcast_in_dim3A_161 = vector.broadcast %jit3A_160 : i32 to vector<256x2048xi32>
    %select_n3A_162 = arith.select %eq3A_159, %iota3A, %broadcast_in_dim3A_161 : vector<256x2048xi1>, vector<256x2048xi32>
    %reduce_min3A_163 = arith.constant dense<2147483647> : vector<256xi32>
    %reduce_min3A_164 = vector.multi_reduction <minsi>, %select_n3A_162, %reduce_min3A_163 [1] : vector<256x2048xi32> to vector<256xi32>
    %eq3A_165 = arith.constant 7 : i32
    %eq3A_166 = vector.broadcast %eq3A_165 : i32 to vector<256x128xi32>
    %eq3A_167 = arith.cmpi eq, %iota3A_18, %eq3A_166 : vector<256x128xi32>
    %broadcast_in_dim3A_168 = vector.shape_cast %reduce_min3A_164 : vector<256xi32> to vector<256x1xi32>
    %broadcast_in_dim3A_169 = vector.shape_cast %broadcast_in_dim3A_168 : vector<256x1xi32> to vector<256x1xi32>
    %broadcast_in_dim3A_170 = vector.broadcast %broadcast_in_dim3A_169 : vector<256x1xi32> to vector<256x128xi32>
    %select_n3A_171 = arith.select %eq3A_167, %broadcast_in_dim3A_170, %select_n3A_151 : vector<256x128xi1>, vector<256x128xi32>
    %swap3A = arith.constant 0 : index
    %swap3A_172 = arith.constant 0 : index
    %swap3A_173 = vector.load %arg3[%swap3A, %swap3A_172] : memref<256x128xi32, #tpu.memory_space<vmem>>, vector<256x128xi32>
    tpu.vector_store %arg3[%swap3A, %swap3A_172], %select_n3A_171 {strides = array<i32>} : memref<256x128xi32, #tpu.memory_space<vmem>>, vector<256x128xi32>,
    return
  }
  func.func @transform_0(%arg0: i32) -> (i32, i32) {
    %c0_i32 = arith.constant 0 : i32
    %c0_i32_0 = arith.constant 0 : i32
    return %arg0, %c0_i32 : i32, i32
  }
  func.func @transform_1(%arg0: i32) -> (i32, i32) {
    %c0_i32 = arith.constant 0 : i32
    %c0_i32_0 = arith.constant 0 : i32
    %c0_i32_1 = arith.constant 0 : i32
    return %c0_i32, %c0_i32_0 : i32, i32
  }
  func.func @transform_2(%arg0: i32) -> (i32, i32) {
    %c0_i32 = arith.constant 0 : i32
    %c0_i32_0 = arith.constant 0 : i32
    return %arg0, %c0_i32 : i32, i32
  }
}

module attributes {stable_mosaic.version = 14 : i64} {
  func.func @_ecmax_body(%arg0: i32, %arg1: memref<256x64xf32, #tpu.memory_space<vmem>>, %arg2: memref<256x128xf32, #tpu.memory_space<vmem>>, %arg3: memref<64x64xf32, #tpu.memory_space<vmem>>, %arg4: memref<1x64xf32, #tpu.memory_space<vmem>>, %arg5: memref<256x64xf32, #tpu.memory_space<vmem>>, %arg6: memref<256x64xf32, #tpu.memory_space<vmem>>) attributes {dimension_semantics = [#tpu.dimension_semantics<arbitrary>], iteration_bounds = array<i64: 8>, scalar_prefetch = 0 : i64, scratch_operands = 0 : i64, tpu.core_type = #tpu.core_type<tc>, window_params = [{transform_indices = @transform_0, window_bounds = array<i64: 256, 64>}, {transform_indices = @transform_1, window_bounds = array<i64: 256, 128>}, {pipeline_mode = #tpu.pipeline_mode<synchronous>, transform_indices = @transform_2, window_bounds = array<i64: 64, 64>}, {pipeline_mode = #tpu.pipeline_mode<synchronous>, transform_indices = @transform_3, window_bounds = array<i64: 1, 64>}, {transform_indices = @transform_4, window_bounds = array<i64: 256, 64>}, {transform_indices = @transform_5, window_bounds = array<i64: 256, 64>}]} {
    %get3A = arith.constant 0 : index
    %get3A_0 = arith.constant 0 : index
    %get3A_1 = vector.load %arg1[%get3A, %get3A_0] : memref<256x64xf32, #tpu.memory_space<vmem>>, vector<256x64xf32>
    %get3A_2 = arith.constant 0 : index
    %get3A_3 = arith.constant 0 : index
    %get3A_4 = vector.load %arg2[%get3A_2, %get3A_3] : memref<256x128xf32, #tpu.memory_space<vmem>>, vector<256x64xf32>
    %add3A = arith.addf %get3A_1, %get3A_4 : vector<256x64xf32>
    %max3A = arith.constant 0.000000e+00 : f32
    %max3A_5 = vector.broadcast %max3A : f32 to vector<256x64xf32>
    %max3A_6 = arith.maximumf %add3A, %max3A_5 : vector<256x64xf32>
    %get3A_7 = arith.constant 0 : index
    %get3A_8 = arith.constant 0 : index
    %get3A_9 = vector.load %arg3[%get3A_7, %get3A_8] : memref<64x64xf32, #tpu.memory_space<vmem>>, vector<64x64xf32>
    %dot_general3A = arith.constant dense<0.000000e+00> : vector<256x64xf32>
    %dot_general3A_10 = tpu.matmul %max3A_6, %get3A_9, %dot_general3A {dimension_numbers = #tpu.dot_dimension_numbers<[1], [0], [0], [1], [0, 0, 1, 1], [], []>, transpose_lhs_hint = false} : vector<256x64xf32>, vector<64x64xf32>, vector<256x64xf32> -> vector<256x64xf32>
    %get3A_11 = arith.constant 0 : index
    %get3A_12 = arith.constant 64 : index
    %get3A_13 = vector.load %arg2[%get3A_11, %get3A_12] : memref<256x128xf32, #tpu.memory_space<vmem>>, vector<256x64xf32>
    %add3A_14 = arith.addf %get3A_1, %get3A_13 : vector<256x64xf32>
    %max3A_15 = arith.constant 0.000000e+00 : f32
    %max3A_16 = vector.broadcast %max3A_15 : f32 to vector<256x64xf32>
    %max3A_17 = arith.maximumf %add3A_14, %max3A_16 : vector<256x64xf32>
    %get3A_18 = arith.constant 0 : index
    %get3A_19 = arith.constant 0 : index
    %get3A_20 = vector.load %arg3[%get3A_18, %get3A_19] : memref<64x64xf32, #tpu.memory_space<vmem>>, vector<64x64xf32>
    %dot_general3A_21 = arith.constant dense<0.000000e+00> : vector<256x64xf32>
    %dot_general3A_22 = tpu.matmul %max3A_17, %get3A_20, %dot_general3A_21 {dimension_numbers = #tpu.dot_dimension_numbers<[1], [0], [0], [1], [0, 0, 1, 1], [], []>, transpose_lhs_hint = false} : vector<256x64xf32>, vector<64x64xf32>, vector<256x64xf32> -> vector<256x64xf32>
    %max3A_23 = arith.maximumf %dot_general3A_10, %dot_general3A_22 : vector<256x64xf32>
    %get3A_24 = arith.constant 0 : index
    %get3A_25 = arith.constant 0 : index
    %get3A_26 = vector.load %arg4[%get3A_24, %get3A_25] : memref<1x64xf32, #tpu.memory_space<vmem>>, vector<1x64xf32>
    %add3A_27 = vector.broadcast %get3A_26 : vector<1x64xf32> to vector<256x64xf32>
    %add3A_28 = arith.addf %max3A_23, %add3A_27 : vector<256x64xf32>
    %get3A_29 = arith.constant 0 : index
    %get3A_30 = arith.constant 0 : index
    %get3A_31 = vector.load %arg5[%get3A_29, %get3A_30] : memref<256x64xf32, #tpu.memory_space<vmem>>, vector<256x64xf32>
    %add3A_32 = arith.addf %add3A_28, %get3A_31 : vector<256x64xf32>
    %swap3A = arith.constant 0 : index
    %swap3A_33 = arith.constant 0 : index
    %swap3A_34 = vector.load %arg6[%swap3A, %swap3A_33] : memref<256x64xf32, #tpu.memory_space<vmem>>, vector<256x64xf32>
    tpu.vector_store %arg6[%swap3A, %swap3A_33], %add3A_32 {strides = array<i32>} : memref<256x64xf32, #tpu.memory_space<vmem>>, vector<256x64xf32>,
    return
  }
  func.func @transform_0(%arg0: i32) -> (i32, i32) {
    %c0_i32 = arith.constant 0 : i32
    %c0_i32_0 = arith.constant 0 : i32
    return %arg0, %c0_i32 : i32, i32
  }
  func.func @transform_1(%arg0: i32) -> (i32, i32) {
    %c0_i32 = arith.constant 0 : i32
    %c0_i32_0 = arith.constant 0 : i32
    return %arg0, %c0_i32 : i32, i32
  }
  func.func @transform_2(%arg0: i32) -> (i32, i32) {
    %c0_i32 = arith.constant 0 : i32
    %c0_i32_0 = arith.constant 0 : i32
    %c0_i32_1 = arith.constant 0 : i32
    return %c0_i32, %c0_i32_0 : i32, i32
  }
  func.func @transform_3(%arg0: i32) -> (i32, i32) {
    %c0_i32 = arith.constant 0 : i32
    %c0_i32_0 = arith.constant 0 : i32
    %c0_i32_1 = arith.constant 0 : i32
    return %c0_i32, %c0_i32_0 : i32, i32
  }
  func.func @transform_4(%arg0: i32) -> (i32, i32) {
    %c0_i32 = arith.constant 0 : i32
    %c0_i32_0 = arith.constant 0 : i32
    return %arg0, %c0_i32 : i32, i32
  }
  func.func @transform_5(%arg0: i32) -> (i32, i32) {
    %c0_i32 = arith.constant 0 : i32
    %c0_i32_0 = arith.constant 0 : i32
    return %arg0, %c0_i32 : i32, i32
  }
}

module attributes {stable_mosaic.version = 14 : i64} {
  func.func @_fo_body(%arg0: memref<8192x67xf32, #tpu.memory_space<vmem>>, %arg1: memref<8192x3xf32, #tpu.memory_space<vmem>>, %arg2: memref<67x256xf32, #tpu.memory_space<vmem>>, %arg3: memref<1x256xf32, #tpu.memory_space<vmem>>, %arg4: memref<256x256xf32, #tpu.memory_space<vmem>>, %arg5: memref<1x256xf32, #tpu.memory_space<vmem>>, %arg6: memref<256x3xf32, #tpu.memory_space<vmem>>, %arg7: memref<1x3xf32, #tpu.memory_space<vmem>>, %arg8: memref<67x128xf32, #tpu.memory_space<vmem>>, %arg9: memref<1x128xf32, #tpu.memory_space<vmem>>, %arg10: memref<8192x3xf32, #tpu.memory_space<vmem>>, %arg11: memref<8192x128xf32, #tpu.memory_space<vmem>>) attributes {dimension_semantics = [], scalar_prefetch = 0 : i64, scratch_operands = 0 : i64, tpu.core_type = #tpu.core_type<tc>} {
    %get3A = arith.constant 0 : index
    %get3A_0 = arith.constant 0 : index
    %get3A_1 = vector.load %arg0[%get3A, %get3A_0] : memref<8192x67xf32, #tpu.memory_space<vmem>>, vector<8192x67xf32>
    %get3A_2 = arith.constant 0 : index
    %get3A_3 = arith.constant 0 : index
    %get3A_4 = vector.load %arg2[%get3A_2, %get3A_3] : memref<67x256xf32, #tpu.memory_space<vmem>>, vector<67x256xf32>
    %dot_general3A = arith.constant dense<0.000000e+00> : vector<8192x256xf32>
    %dot_general3A_5 = tpu.matmul %get3A_1, %get3A_4, %dot_general3A {dimension_numbers = #tpu.dot_dimension_numbers<[1], [0], [0], [1], [0, 0, 1, 1], [], []>, transpose_lhs_hint = false} : vector<8192x67xf32>, vector<67x256xf32>, vector<8192x256xf32> -> vector<8192x256xf32>
    %get3A_6 = arith.constant 0 : index
    %get3A_7 = arith.constant 0 : index
    %get3A_8 = vector.load %arg3[%get3A_6, %get3A_7] : memref<1x256xf32, #tpu.memory_space<vmem>>, vector<1x256xf32>
    %add3A = vector.broadcast %get3A_8 : vector<1x256xf32> to vector<8192x256xf32>
    %add3A_9 = arith.addf %dot_general3A_5, %add3A : vector<8192x256xf32>
    %max3A = arith.constant 0.000000e+00 : f32
    %max3A_10 = vector.broadcast %max3A : f32 to vector<8192x256xf32>
    %max3A_11 = arith.maximumf %add3A_9, %max3A_10 : vector<8192x256xf32>
    %get3A_12 = arith.constant 0 : index
    %get3A_13 = arith.constant 0 : index
    %get3A_14 = vector.load %arg4[%get3A_12, %get3A_13] : memref<256x256xf32, #tpu.memory_space<vmem>>, vector<256x256xf32>
    %dot_general3A_15 = arith.constant dense<0.000000e+00> : vector<8192x256xf32>
    %dot_general3A_16 = tpu.matmul %max3A_11, %get3A_14, %dot_general3A_15 {dimension_numbers = #tpu.dot_dimension_numbers<[1], [0], [0], [1], [0, 0, 1, 1], [], []>, transpose_lhs_hint = false} : vector<8192x256xf32>, vector<256x256xf32>, vector<8192x256xf32> -> vector<8192x256xf32>
    %get3A_17 = arith.constant 0 : index
    %get3A_18 = arith.constant 0 : index
    %get3A_19 = vector.load %arg5[%get3A_17, %get3A_18] : memref<1x256xf32, #tpu.memory_space<vmem>>, vector<1x256xf32>
    %add3A_20 = vector.broadcast %get3A_19 : vector<1x256xf32> to vector<8192x256xf32>
    %add3A_21 = arith.addf %dot_general3A_16, %add3A_20 : vector<8192x256xf32>
    %max3A_22 = arith.constant 0.000000e+00 : f32
    %max3A_23 = vector.broadcast %max3A_22 : f32 to vector<8192x256xf32>
    %max3A_24 = arith.maximumf %add3A_21, %max3A_23 : vector<8192x256xf32>
    %get3A_25 = arith.constant 0 : index
    %get3A_26 = arith.constant 0 : index
    %get3A_27 = vector.load %arg6[%get3A_25, %get3A_26] : memref<256x3xf32, #tpu.memory_space<vmem>>, vector<256x3xf32>
    %dot_general3A_28 = arith.constant dense<0.000000e+00> : vector<8192x3xf32>
    %dot_general3A_29 = tpu.matmul %max3A_24, %get3A_27, %dot_general3A_28 {dimension_numbers = #tpu.dot_dimension_numbers<[1], [0], [0], [1], [0, 0, 1, 1], [], []>, transpose_lhs_hint = false} : vector<8192x256xf32>, vector<256x3xf32>, vector<8192x3xf32> -> vector<8192x3xf32>
    %get3A_30 = arith.constant 0 : index
    %get3A_31 = arith.constant 0 : index
    %get3A_32 = vector.load %arg7[%get3A_30, %get3A_31] : memref<1x3xf32, #tpu.memory_space<vmem>>, vector<1x3xf32>
    %add3A_33 = vector.broadcast %get3A_32 : vector<1x3xf32> to vector<8192x3xf32>
    %add3A_34 = arith.addf %dot_general3A_29, %add3A_33 : vector<8192x3xf32>
    %get3A_35 = arith.constant 0 : index
    %get3A_36 = arith.constant 0 : index
    %get3A_37 = vector.load %arg1[%get3A_35, %get3A_36] : memref<8192x3xf32, #tpu.memory_space<vmem>>, vector<8192x3xf32>
    %add3A_38 = arith.addf %get3A_37, %add3A_34 : vector<8192x3xf32>
    %swap3A = arith.constant 0 : index
    %swap3A_39 = arith.constant 0 : index
    %swap3A_40 = vector.load %arg10[%swap3A, %swap3A_39] : memref<8192x3xf32, #tpu.memory_space<vmem>>, vector<8192x3xf32>
    tpu.vector_store %arg10[%swap3A, %swap3A_39], %add3A_38 {strides = array<i32>} : memref<8192x3xf32, #tpu.memory_space<vmem>>, vector<8192x3xf32>,
    %slice3A = vector.extract_strided_slice %get3A_1 {offsets = [0, 3], sizes = [8192, 64], strides = [1, 1]} : vector<8192x67xf32> to vector<8192x64xf32>
    %concatenate3A = tpu.concatenate %slice3A, %add3A_38 in 1 : vector<8192x64xf32>, vector<8192x3xf32> -> vector<8192x67xf32>
    %get3A_41 = arith.constant 0 : index
    %get3A_42 = arith.constant 0 : index
    %get3A_43 = vector.load %arg8[%get3A_41, %get3A_42] : memref<67x128xf32, #tpu.memory_space<vmem>>, vector<67x128xf32>
    %dot_general3A_44 = arith.constant dense<0.000000e+00> : vector<8192x128xf32>
    %dot_general3A_45 = tpu.matmul %concatenate3A, %get3A_43, %dot_general3A_44 {dimension_numbers = #tpu.dot_dimension_numbers<[1], [0], [0], [1], [0, 0, 1, 1], [], []>, transpose_lhs_hint = false} : vector<8192x67xf32>, vector<67x128xf32>, vector<8192x128xf32> -> vector<8192x128xf32>
    %get3A_46 = arith.constant 0 : index
    %get3A_47 = arith.constant 0 : index
    %get3A_48 = vector.load %arg9[%get3A_46, %get3A_47] : memref<1x128xf32, #tpu.memory_space<vmem>>, vector<1x128xf32>
    %add3A_49 = vector.broadcast %get3A_48 : vector<1x128xf32> to vector<8192x128xf32>
    %add3A_50 = arith.addf %dot_general3A_45, %add3A_49 : vector<8192x128xf32>
    %swap3A_51 = arith.constant 0 : index
    %swap3A_52 = arith.constant 0 : index
    %swap3A_53 = vector.load %arg11[%swap3A_51, %swap3A_52] : memref<8192x128xf32, #tpu.memory_space<vmem>>, vector<8192x128xf32>
    tpu.vector_store %arg11[%swap3A_51, %swap3A_52], %add3A_50 {strides = array<i32>} : memref<8192x128xf32, #tpu.memory_space<vmem>>, vector<8192x128xf32>,
    return
  }
}

module attributes {stable_mosaic.version = 14 : i64} {
  func.func @_knn_body(%arg0: i32, %arg1: memref<256x3xf32, #tpu.memory_space<vmem>>, %arg2: memref<8192x3xf32, #tpu.memory_space<vmem>>, %arg3: memref<256x128xi32, #tpu.memory_space<vmem>>) attributes {dimension_semantics = [#tpu.dimension_semantics<arbitrary>], iteration_bounds = array<i64: 32>, scalar_prefetch = 0 : i64, scratch_operands = 0 : i64, tpu.core_type = #tpu.core_type<tc>, window_params = [{transform_indices = @transform_0, window_bounds = array<i64: 256, 3>}, {pipeline_mode = #tpu.pipeline_mode<synchronous>, transform_indices = @transform_1, window_bounds = array<i64: 8192, 3>}, {transform_indices = @transform_2, window_bounds = array<i64: 256, 128>}]} {
    %get3A = arith.constant 0 : index
    %get3A_0 = arith.constant 0 : index
    %get3A_1 = vector.load %arg2[%get3A, %get3A_0] : memref<8192x3xf32, #tpu.memory_space<vmem>>, vector<8192x3xf32>
    %get3A_2 = arith.constant 0 : index
    %get3A_3 = arith.constant 0 : index
    %get3A_4 = vector.load %arg1[%get3A_2, %get3A_3] : memref<256x3xf32, #tpu.memory_space<vmem>>, vector<256x3xf32>
    %mul3A = arith.mulf %get3A_1, %get3A_1 : vector<8192x3xf32>
    %reduce_sum3A = arith.constant dense<0.000000e+00> : vector<8192xf32>
    %reduce_sum3A_5 = vector.multi_reduction <add>, %mul3A, %reduce_sum3A [1] : vector<8192x3xf32> to vector<8192xf32>
    %mul3A_6 = arith.mulf %get3A_4, %get3A_4 : vector<256x3xf32>
    %reduce_sum3A_7 = arith.constant dense<0.000000e+00> : vector<256xf32>
    %reduce_sum3A_8 = vector.multi_reduction <add>, %mul3A_6, %reduce_sum3A_7 [1] : vector<256x3xf32> to vector<256xf32>
    %broadcast_in_dim3A = vector.shape_cast %reduce_sum3A_8 : vector<256xf32> to vector<256x1xf32>
    %dot_general3A = arith.constant dense<0.000000e+00> : vector<256x8192xf32>
    %dot_general3A_9 = tpu.matmul %get3A_4, %get3A_1, %dot_general3A {dimension_numbers = #tpu.dot_dimension_numbers<[1], [1], [0], [0], [0, 0, 1, 0], [], []>, transpose_lhs_hint = false} : vector<256x3xf32>, vector<8192x3xf32>, vector<256x8192xf32> -> vector<256x8192xf32>
    %mul3A_10 = arith.constant 2.000000e+00 : f32
    %mul3A_11 = vector.broadcast %mul3A_10 : f32 to vector<256x8192xf32>
    %mul3A_12 = arith.mulf %mul3A_11, %dot_general3A_9 : vector<256x8192xf32>
    %sub3A = vector.broadcast %broadcast_in_dim3A : vector<256x1xf32> to vector<256x8192xf32>
    %sub3A_13 = arith.subf %sub3A, %mul3A_12 : vector<256x8192xf32>
    %broadcast_in_dim3A_14 = vector.shape_cast %reduce_sum3A_5 : vector<8192xf32> to vector<1x8192xf32>
    %add3A = vector.broadcast %broadcast_in_dim3A_14 : vector<1x8192xf32> to vector<256x8192xf32>
    %add3A_15 = arith.addf %sub3A_13, %add3A : vector<256x8192xf32>
    %iota3A = tpu.iota {dimensions = array<i32: 1>} : vector<256x8192xi32>
    %mul3A_16 = arith.constant 256 : i32
    %mul3A_17 = arith.muli %arg0, %mul3A_16 : i32
    %iota3A_18 = tpu.iota {dimensions = array<i32: 0>} : vector<256x8192xi32>
    %add3A_19 = vector.broadcast %mul3A_17 : i32 to vector<256x8192xi32>
    %add3A_20 = arith.addi %add3A_19, %iota3A_18 : vector<256x8192xi32>
    %eq3A = arith.cmpi eq, %iota3A, %add3A_20 : vector<256x8192xi32>
    %jit3A = arith.constant 3.000000e+38 : f32
    %broadcast_in_dim3A_21 = vector.broadcast %jit3A : f32 to vector<256x8192xf32>
    %select_n3A = arith.select %eq3A, %broadcast_in_dim3A_21, %add3A_15 : vector<256x8192xi1>, vector<256x8192xf32>
    %broadcast_in_dim3A_22 = arith.constant 0 : i32
    %broadcast_in_dim3A_23 = vector.broadcast %broadcast_in_dim3A_22 : i32 to vector<256x128xi32>
    %iota3A_24 = tpu.iota {dimensions = array<i32: 1>} : vector<256x128xi32>
    %reduce_min3A = arith.constant dense<0x7F800000> : vector<256xf32>
    %reduce_min3A_25 = vector.multi_reduction <minimumf>, %select_n3A, %reduce_min3A [1] : vector<256x8192xf32> to vector<256xf32>
    %broadcast_in_dim3A_26 = vector.shape_cast %reduce_min3A_25 : vector<256xf32> to vector<256x1xf32>
    %eq3A_27 = vector.broadcast %broadcast_in_dim3A_26 : vector<256x1xf32> to vector<256x8192xf32>
    %eq3A_28 = arith.cmpf oeq, %select_n3A, %eq3A_27 : vector<256x8192xf32>
    %jit3A_29 = arith.constant 8192 : i32
    %broadcast_in_dim3A_30 = vector.broadcast %jit3A_29 : i32 to vector<256x8192xi32>
    %select_n3A_31 = arith.select %eq3A_28, %iota3A, %broadcast_in_dim3A_30 : vector<256x8192xi1>, vector<256x8192xi32>
    %reduce_min3A_32 = arith.constant dense<2147483647> : vector<256xi32>
    %reduce_min3A_33 = vector.multi_reduction <minsi>, %select_n3A_31, %reduce_min3A_32 [1] : vector<256x8192xi32> to vector<256xi32>
    %eq3A_34 = arith.constant 0 : i32
    %eq3A_35 = vector.broadcast %eq3A_34 : i32 to vector<256x128xi32>
    %eq3A_36 = arith.cmpi eq, %iota3A_24, %eq3A_35 : vector<256x128xi32>
    %broadcast_in_dim3A_37 = vector.shape_cast %reduce_min3A_33 : vector<256xi32> to vector<256x1xi32>
    %broadcast_in_dim3A_38 = vector.shape_cast %broadcast_in_dim3A_37 : vector<256x1xi32> to vector<256x1xi32>
    %broadcast_in_dim3A_39 = vector.broadcast %broadcast_in_dim3A_38 : vector<256x1xi32> to vector<256x128xi32>
    %select_n3A_40 = arith.select %eq3A_36, %broadcast_in_dim3A_39, %broadcast_in_dim3A_23 : vector<256x128xi1>, vector<256x128xi32>
    %jit3A_41 = arith.constant 3.000000e+38 : f32
    %broadcast_in_dim3A_42 = vector.broadcast %jit3A_41 : f32 to vector<256x8192xf32>
    %select_n3A_43 = arith.select %eq3A_28, %broadcast_in_dim3A_42, %select_n3A : vector<256x8192xi1>, vector<256x8192xf32>
    %reduce_min3A_44 = arith.constant dense<0x7F800000> : vector<256xf32>
    %reduce_min3A_45 = vector.multi_reduction <minimumf>, %select_n3A_43, %reduce_min3A_44 [1] : vector<256x8192xf32> to vector<256xf32>
    %broadcast_in_dim3A_46 = vector.shape_cast %reduce_min3A_45 : vector<256xf32> to vector<256x1xf32>
    %eq3A_47 = vector.broadcast %broadcast_in_dim3A_46 : vector<256x1xf32> to vector<256x8192xf32>
    %eq3A_48 = arith.cmpf oeq, %select_n3A_43, %eq3A_47 : vector<256x8192xf32>
    %jit3A_49 = arith.constant 8192 : i32
    %broadcast_in_dim3A_50 = vector.broadcast %jit3A_49 : i32 to vector<256x8192xi32>
    %select_n3A_51 = arith.select %eq3A_48, %iota3A, %broadcast_in_dim3A_50 : vector<256x8192xi1>, vector<256x8192xi32>
    %reduce_min3A_52 = arith.constant dense<2147483647> : vector<256xi32>
    %reduce_min3A_53 = vector.multi_reduction <minsi>, %select_n3A_51, %reduce_min3A_52 [1] : vector<256x8192xi32> to vector<256xi32>
    %eq3A_54 = arith.constant 1 : i32
    %eq3A_55 = vector.broadcast %eq3A_54 : i32 to vector<256x128xi32>
    %eq3A_56 = arith.cmpi eq, %iota3A_24, %eq3A_55 : vector<256x128xi32>
    %broadcast_in_dim3A_57 = vector.shape_cast %reduce_min3A_53 : vector<256xi32> to vector<256x1xi32>
    %broadcast_in_dim3A_58 = vector.shape_cast %broadcast_in_dim3A_57 : vector<256x1xi32> to vector<256x1xi32>
    %broadcast_in_dim3A_59 = vector.broadcast %broadcast_in_dim3A_58 : vector<256x1xi32> to vector<256x128xi32>
    %select_n3A_60 = arith.select %eq3A_56, %broadcast_in_dim3A_59, %select_n3A_40 : vector<256x128xi1>, vector<256x128xi32>
    %jit3A_61 = arith.constant 3.000000e+38 : f32
    %broadcast_in_dim3A_62 = vector.broadcast %jit3A_61 : f32 to vector<256x8192xf32>
    %select_n3A_63 = arith.select %eq3A_48, %broadcast_in_dim3A_62, %select_n3A_43 : vector<256x8192xi1>, vector<256x8192xf32>
    %reduce_min3A_64 = arith.constant dense<0x7F800000> : vector<256xf32>
    %reduce_min3A_65 = vector.multi_reduction <minimumf>, %select_n3A_63, %reduce_min3A_64 [1] : vector<256x8192xf32> to vector<256xf32>
    %broadcast_in_dim3A_66 = vector.shape_cast %reduce_min3A_65 : vector<256xf32> to vector<256x1xf32>
    %eq3A_67 = vector.broadcast %broadcast_in_dim3A_66 : vector<256x1xf32> to vector<256x8192xf32>
    %eq3A_68 = arith.cmpf oeq, %select_n3A_63, %eq3A_67 : vector<256x8192xf32>
    %jit3A_69 = arith.constant 8192 : i32
    %broadcast_in_dim3A_70 = vector.broadcast %jit3A_69 : i32 to vector<256x8192xi32>
    %select_n3A_71 = arith.select %eq3A_68, %iota3A, %broadcast_in_dim3A_70 : vector<256x8192xi1>, vector<256x8192xi32>
    %reduce_min3A_72 = arith.constant dense<2147483647> : vector<256xi32>
    %reduce_min3A_73 = vector.multi_reduction <minsi>, %select_n3A_71, %reduce_min3A_72 [1] : vector<256x8192xi32> to vector<256xi32>
    %eq3A_74 = arith.constant 2 : i32
    %eq3A_75 = vector.broadcast %eq3A_74 : i32 to vector<256x128xi32>
    %eq3A_76 = arith.cmpi eq, %iota3A_24, %eq3A_75 : vector<256x128xi32>
    %broadcast_in_dim3A_77 = vector.shape_cast %reduce_min3A_73 : vector<256xi32> to vector<256x1xi32>
    %broadcast_in_dim3A_78 = vector.shape_cast %broadcast_in_dim3A_77 : vector<256x1xi32> to vector<256x1xi32>
    %broadcast_in_dim3A_79 = vector.broadcast %broadcast_in_dim3A_78 : vector<256x1xi32> to vector<256x128xi32>
    %select_n3A_80 = arith.select %eq3A_76, %broadcast_in_dim3A_79, %select_n3A_60 : vector<256x128xi1>, vector<256x128xi32>
    %jit3A_81 = arith.constant 3.000000e+38 : f32
    %broadcast_in_dim3A_82 = vector.broadcast %jit3A_81 : f32 to vector<256x8192xf32>
    %select_n3A_83 = arith.select %eq3A_68, %broadcast_in_dim3A_82, %select_n3A_63 : vector<256x8192xi1>, vector<256x8192xf32>
    %reduce_min3A_84 = arith.constant dense<0x7F800000> : vector<256xf32>
    %reduce_min3A_85 = vector.multi_reduction <minimumf>, %select_n3A_83, %reduce_min3A_84 [1] : vector<256x8192xf32> to vector<256xf32>
    %broadcast_in_dim3A_86 = vector.shape_cast %reduce_min3A_85 : vector<256xf32> to vector<256x1xf32>
    %eq3A_87 = vector.broadcast %broadcast_in_dim3A_86 : vector<256x1xf32> to vector<256x8192xf32>
    %eq3A_88 = arith.cmpf oeq, %select_n3A_83, %eq3A_87 : vector<256x8192xf32>
    %jit3A_89 = arith.constant 8192 : i32
    %broadcast_in_dim3A_90 = vector.broadcast %jit3A_89 : i32 to vector<256x8192xi32>
    %select_n3A_91 = arith.select %eq3A_88, %iota3A, %broadcast_in_dim3A_90 : vector<256x8192xi1>, vector<256x8192xi32>
    %reduce_min3A_92 = arith.constant dense<2147483647> : vector<256xi32>
    %reduce_min3A_93 = vector.multi_reduction <minsi>, %select_n3A_91, %reduce_min3A_92 [1] : vector<256x8192xi32> to vector<256xi32>
    %eq3A_94 = arith.constant 3 : i32
    %eq3A_95 = vector.broadcast %eq3A_94 : i32 to vector<256x128xi32>
    %eq3A_96 = arith.cmpi eq, %iota3A_24, %eq3A_95 : vector<256x128xi32>
    %broadcast_in_dim3A_97 = vector.shape_cast %reduce_min3A_93 : vector<256xi32> to vector<256x1xi32>
    %broadcast_in_dim3A_98 = vector.shape_cast %broadcast_in_dim3A_97 : vector<256x1xi32> to vector<256x1xi32>
    %broadcast_in_dim3A_99 = vector.broadcast %broadcast_in_dim3A_98 : vector<256x1xi32> to vector<256x128xi32>
    %select_n3A_100 = arith.select %eq3A_96, %broadcast_in_dim3A_99, %select_n3A_80 : vector<256x128xi1>, vector<256x128xi32>
    %jit3A_101 = arith.constant 3.000000e+38 : f32
    %broadcast_in_dim3A_102 = vector.broadcast %jit3A_101 : f32 to vector<256x8192xf32>
    %select_n3A_103 = arith.select %eq3A_88, %broadcast_in_dim3A_102, %select_n3A_83 : vector<256x8192xi1>, vector<256x8192xf32>
    %reduce_min3A_104 = arith.constant dense<0x7F800000> : vector<256xf32>
    %reduce_min3A_105 = vector.multi_reduction <minimumf>, %select_n3A_103, %reduce_min3A_104 [1] : vector<256x8192xf32> to vector<256xf32>
    %broadcast_in_dim3A_106 = vector.shape_cast %reduce_min3A_105 : vector<256xf32> to vector<256x1xf32>
    %eq3A_107 = vector.broadcast %broadcast_in_dim3A_106 : vector<256x1xf32> to vector<256x8192xf32>
    %eq3A_108 = arith.cmpf oeq, %select_n3A_103, %eq3A_107 : vector<256x8192xf32>
    %jit3A_109 = arith.constant 8192 : i32
    %broadcast_in_dim3A_110 = vector.broadcast %jit3A_109 : i32 to vector<256x8192xi32>
    %select_n3A_111 = arith.select %eq3A_108, %iota3A, %broadcast_in_dim3A_110 : vector<256x8192xi1>, vector<256x8192xi32>
    %reduce_min3A_112 = arith.constant dense<2147483647> : vector<256xi32>
    %reduce_min3A_113 = vector.multi_reduction <minsi>, %select_n3A_111, %reduce_min3A_112 [1] : vector<256x8192xi32> to vector<256xi32>
    %eq3A_114 = arith.constant 4 : i32
    %eq3A_115 = vector.broadcast %eq3A_114 : i32 to vector<256x128xi32>
    %eq3A_116 = arith.cmpi eq, %iota3A_24, %eq3A_115 : vector<256x128xi32>
    %broadcast_in_dim3A_117 = vector.shape_cast %reduce_min3A_113 : vector<256xi32> to vector<256x1xi32>
    %broadcast_in_dim3A_118 = vector.shape_cast %broadcast_in_dim3A_117 : vector<256x1xi32> to vector<256x1xi32>
    %broadcast_in_dim3A_119 = vector.broadcast %broadcast_in_dim3A_118 : vector<256x1xi32> to vector<256x128xi32>
    %select_n3A_120 = arith.select %eq3A_116, %broadcast_in_dim3A_119, %select_n3A_100 : vector<256x128xi1>, vector<256x128xi32>
    %jit3A_121 = arith.constant 3.000000e+38 : f32
    %broadcast_in_dim3A_122 = vector.broadcast %jit3A_121 : f32 to vector<256x8192xf32>
    %select_n3A_123 = arith.select %eq3A_108, %broadcast_in_dim3A_122, %select_n3A_103 : vector<256x8192xi1>, vector<256x8192xf32>
    %reduce_min3A_124 = arith.constant dense<0x7F800000> : vector<256xf32>
    %reduce_min3A_125 = vector.multi_reduction <minimumf>, %select_n3A_123, %reduce_min3A_124 [1] : vector<256x8192xf32> to vector<256xf32>
    %broadcast_in_dim3A_126 = vector.shape_cast %reduce_min3A_125 : vector<256xf32> to vector<256x1xf32>
    %eq3A_127 = vector.broadcast %broadcast_in_dim3A_126 : vector<256x1xf32> to vector<256x8192xf32>
    %eq3A_128 = arith.cmpf oeq, %select_n3A_123, %eq3A_127 : vector<256x8192xf32>
    %jit3A_129 = arith.constant 8192 : i32
    %broadcast_in_dim3A_130 = vector.broadcast %jit3A_129 : i32 to vector<256x8192xi32>
    %select_n3A_131 = arith.select %eq3A_128, %iota3A, %broadcast_in_dim3A_130 : vector<256x8192xi1>, vector<256x8192xi32>
    %reduce_min3A_132 = arith.constant dense<2147483647> : vector<256xi32>
    %reduce_min3A_133 = vector.multi_reduction <minsi>, %select_n3A_131, %reduce_min3A_132 [1] : vector<256x8192xi32> to vector<256xi32>
    %eq3A_134 = arith.constant 5 : i32
    %eq3A_135 = vector.broadcast %eq3A_134 : i32 to vector<256x128xi32>
    %eq3A_136 = arith.cmpi eq, %iota3A_24, %eq3A_135 : vector<256x128xi32>
    %broadcast_in_dim3A_137 = vector.shape_cast %reduce_min3A_133 : vector<256xi32> to vector<256x1xi32>
    %broadcast_in_dim3A_138 = vector.shape_cast %broadcast_in_dim3A_137 : vector<256x1xi32> to vector<256x1xi32>
    %broadcast_in_dim3A_139 = vector.broadcast %broadcast_in_dim3A_138 : vector<256x1xi32> to vector<256x128xi32>
    %select_n3A_140 = arith.select %eq3A_136, %broadcast_in_dim3A_139, %select_n3A_120 : vector<256x128xi1>, vector<256x128xi32>
    %jit3A_141 = arith.constant 3.000000e+38 : f32
    %broadcast_in_dim3A_142 = vector.broadcast %jit3A_141 : f32 to vector<256x8192xf32>
    %select_n3A_143 = arith.select %eq3A_128, %broadcast_in_dim3A_142, %select_n3A_123 : vector<256x8192xi1>, vector<256x8192xf32>
    %reduce_min3A_144 = arith.constant dense<0x7F800000> : vector<256xf32>
    %reduce_min3A_145 = vector.multi_reduction <minimumf>, %select_n3A_143, %reduce_min3A_144 [1] : vector<256x8192xf32> to vector<256xf32>
    %broadcast_in_dim3A_146 = vector.shape_cast %reduce_min3A_145 : vector<256xf32> to vector<256x1xf32>
    %eq3A_147 = vector.broadcast %broadcast_in_dim3A_146 : vector<256x1xf32> to vector<256x8192xf32>
    %eq3A_148 = arith.cmpf oeq, %select_n3A_143, %eq3A_147 : vector<256x8192xf32>
    %jit3A_149 = arith.constant 8192 : i32
    %broadcast_in_dim3A_150 = vector.broadcast %jit3A_149 : i32 to vector<256x8192xi32>
    %select_n3A_151 = arith.select %eq3A_148, %iota3A, %broadcast_in_dim3A_150 : vector<256x8192xi1>, vector<256x8192xi32>
    %reduce_min3A_152 = arith.constant dense<2147483647> : vector<256xi32>
    %reduce_min3A_153 = vector.multi_reduction <minsi>, %select_n3A_151, %reduce_min3A_152 [1] : vector<256x8192xi32> to vector<256xi32>
    %eq3A_154 = arith.constant 6 : i32
    %eq3A_155 = vector.broadcast %eq3A_154 : i32 to vector<256x128xi32>
    %eq3A_156 = arith.cmpi eq, %iota3A_24, %eq3A_155 : vector<256x128xi32>
    %broadcast_in_dim3A_157 = vector.shape_cast %reduce_min3A_153 : vector<256xi32> to vector<256x1xi32>
    %broadcast_in_dim3A_158 = vector.shape_cast %broadcast_in_dim3A_157 : vector<256x1xi32> to vector<256x1xi32>
    %broadcast_in_dim3A_159 = vector.broadcast %broadcast_in_dim3A_158 : vector<256x1xi32> to vector<256x128xi32>
    %select_n3A_160 = arith.select %eq3A_156, %broadcast_in_dim3A_159, %select_n3A_140 : vector<256x128xi1>, vector<256x128xi32>
    %jit3A_161 = arith.constant 3.000000e+38 : f32
    %broadcast_in_dim3A_162 = vector.broadcast %jit3A_161 : f32 to vector<256x8192xf32>
    %select_n3A_163 = arith.select %eq3A_148, %broadcast_in_dim3A_162, %select_n3A_143 : vector<256x8192xi1>, vector<256x8192xf32>
    %reduce_min3A_164 = arith.constant dense<0x7F800000> : vector<256xf32>
    %reduce_min3A_165 = vector.multi_reduction <minimumf>, %select_n3A_163, %reduce_min3A_164 [1] : vector<256x8192xf32> to vector<256xf32>
    %broadcast_in_dim3A_166 = vector.shape_cast %reduce_min3A_165 : vector<256xf32> to vector<256x1xf32>
    %eq3A_167 = vector.broadcast %broadcast_in_dim3A_166 : vector<256x1xf32> to vector<256x8192xf32>
    %eq3A_168 = arith.cmpf oeq, %select_n3A_163, %eq3A_167 : vector<256x8192xf32>
    %jit3A_169 = arith.constant 8192 : i32
    %broadcast_in_dim3A_170 = vector.broadcast %jit3A_169 : i32 to vector<256x8192xi32>
    %select_n3A_171 = arith.select %eq3A_168, %iota3A, %broadcast_in_dim3A_170 : vector<256x8192xi1>, vector<256x8192xi32>
    %reduce_min3A_172 = arith.constant dense<2147483647> : vector<256xi32>
    %reduce_min3A_173 = vector.multi_reduction <minsi>, %select_n3A_171, %reduce_min3A_172 [1] : vector<256x8192xi32> to vector<256xi32>
    %eq3A_174 = arith.constant 7 : i32
    %eq3A_175 = vector.broadcast %eq3A_174 : i32 to vector<256x128xi32>
    %eq3A_176 = arith.cmpi eq, %iota3A_24, %eq3A_175 : vector<256x128xi32>
    %broadcast_in_dim3A_177 = vector.shape_cast %reduce_min3A_173 : vector<256xi32> to vector<256x1xi32>
    %broadcast_in_dim3A_178 = vector.shape_cast %broadcast_in_dim3A_177 : vector<256x1xi32> to vector<256x1xi32>
    %broadcast_in_dim3A_179 = vector.broadcast %broadcast_in_dim3A_178 : vector<256x1xi32> to vector<256x128xi32>
    %select_n3A_180 = arith.select %eq3A_176, %broadcast_in_dim3A_179, %select_n3A_160 : vector<256x128xi1>, vector<256x128xi32>
    %jit3A_181 = arith.constant 3.000000e+38 : f32
    %broadcast_in_dim3A_182 = vector.broadcast %jit3A_181 : f32 to vector<256x8192xf32>
    %select_n3A_183 = arith.select %eq3A_168, %broadcast_in_dim3A_182, %select_n3A_163 : vector<256x8192xi1>, vector<256x8192xf32>
    %reduce_min3A_184 = arith.constant dense<0x7F800000> : vector<256xf32>
    %reduce_min3A_185 = vector.multi_reduction <minimumf>, %select_n3A_183, %reduce_min3A_184 [1] : vector<256x8192xf32> to vector<256xf32>
    %broadcast_in_dim3A_186 = vector.shape_cast %reduce_min3A_185 : vector<256xf32> to vector<256x1xf32>
    %eq3A_187 = vector.broadcast %broadcast_in_dim3A_186 : vector<256x1xf32> to vector<256x8192xf32>
    %eq3A_188 = arith.cmpf oeq, %select_n3A_183, %eq3A_187 : vector<256x8192xf32>
    %jit3A_189 = arith.constant 8192 : i32
    %broadcast_in_dim3A_190 = vector.broadcast %jit3A_189 : i32 to vector<256x8192xi32>
    %select_n3A_191 = arith.select %eq3A_188, %iota3A, %broadcast_in_dim3A_190 : vector<256x8192xi1>, vector<256x8192xi32>
    %reduce_min3A_192 = arith.constant dense<2147483647> : vector<256xi32>
    %reduce_min3A_193 = vector.multi_reduction <minsi>, %select_n3A_191, %reduce_min3A_192 [1] : vector<256x8192xi32> to vector<256xi32>
    %eq3A_194 = arith.constant 8 : i32
    %eq3A_195 = vector.broadcast %eq3A_194 : i32 to vector<256x128xi32>
    %eq3A_196 = arith.cmpi eq, %iota3A_24, %eq3A_195 : vector<256x128xi32>
    %broadcast_in_dim3A_197 = vector.shape_cast %reduce_min3A_193 : vector<256xi32> to vector<256x1xi32>
    %broadcast_in_dim3A_198 = vector.shape_cast %broadcast_in_dim3A_197 : vector<256x1xi32> to vector<256x1xi32>
    %broadcast_in_dim3A_199 = vector.broadcast %broadcast_in_dim3A_198 : vector<256x1xi32> to vector<256x128xi32>
    %select_n3A_200 = arith.select %eq3A_196, %broadcast_in_dim3A_199, %select_n3A_180 : vector<256x128xi1>, vector<256x128xi32>
    %jit3A_201 = arith.constant 3.000000e+38 : f32
    %broadcast_in_dim3A_202 = vector.broadcast %jit3A_201 : f32 to vector<256x8192xf32>
    %select_n3A_203 = arith.select %eq3A_188, %broadcast_in_dim3A_202, %select_n3A_183 : vector<256x8192xi1>, vector<256x8192xf32>
    %reduce_min3A_204 = arith.constant dense<0x7F800000> : vector<256xf32>
    %reduce_min3A_205 = vector.multi_reduction <minimumf>, %select_n3A_203, %reduce_min3A_204 [1] : vector<256x8192xf32> to vector<256xf32>
    %broadcast_in_dim3A_206 = vector.shape_cast %reduce_min3A_205 : vector<256xf32> to vector<256x1xf32>
    %eq3A_207 = vector.broadcast %broadcast_in_dim3A_206 : vector<256x1xf32> to vector<256x8192xf32>
    %eq3A_208 = arith.cmpf oeq, %select_n3A_203, %eq3A_207 : vector<256x8192xf32>
    %jit3A_209 = arith.constant 8192 : i32
    %broadcast_in_dim3A_210 = vector.broadcast %jit3A_209 : i32 to vector<256x8192xi32>
    %select_n3A_211 = arith.select %eq3A_208, %iota3A, %broadcast_in_dim3A_210 : vector<256x8192xi1>, vector<256x8192xi32>
    %reduce_min3A_212 = arith.constant dense<2147483647> : vector<256xi32>
    %reduce_min3A_213 = vector.multi_reduction <minsi>, %select_n3A_211, %reduce_min3A_212 [1] : vector<256x8192xi32> to vector<256xi32>
    %eq3A_214 = arith.constant 9 : i32
    %eq3A_215 = vector.broadcast %eq3A_214 : i32 to vector<256x128xi32>
    %eq3A_216 = arith.cmpi eq, %iota3A_24, %eq3A_215 : vector<256x128xi32>
    %broadcast_in_dim3A_217 = vector.shape_cast %reduce_min3A_213 : vector<256xi32> to vector<256x1xi32>
    %broadcast_in_dim3A_218 = vector.shape_cast %broadcast_in_dim3A_217 : vector<256x1xi32> to vector<256x1xi32>
    %broadcast_in_dim3A_219 = vector.broadcast %broadcast_in_dim3A_218 : vector<256x1xi32> to vector<256x128xi32>
    %select_n3A_220 = arith.select %eq3A_216, %broadcast_in_dim3A_219, %select_n3A_200 : vector<256x128xi1>, vector<256x128xi32>
    %jit3A_221 = arith.constant 3.000000e+38 : f32
    %broadcast_in_dim3A_222 = vector.broadcast %jit3A_221 : f32 to vector<256x8192xf32>
    %select_n3A_223 = arith.select %eq3A_208, %broadcast_in_dim3A_222, %select_n3A_203 : vector<256x8192xi1>, vector<256x8192xf32>
    %reduce_min3A_224 = arith.constant dense<0x7F800000> : vector<256xf32>
    %reduce_min3A_225 = vector.multi_reduction <minimumf>, %select_n3A_223, %reduce_min3A_224 [1] : vector<256x8192xf32> to vector<256xf32>
    %broadcast_in_dim3A_226 = vector.shape_cast %reduce_min3A_225 : vector<256xf32> to vector<256x1xf32>
    %eq3A_227 = vector.broadcast %broadcast_in_dim3A_226 : vector<256x1xf32> to vector<256x8192xf32>
    %eq3A_228 = arith.cmpf oeq, %select_n3A_223, %eq3A_227 : vector<256x8192xf32>
    %jit3A_229 = arith.constant 8192 : i32
    %broadcast_in_dim3A_230 = vector.broadcast %jit3A_229 : i32 to vector<256x8192xi32>
    %select_n3A_231 = arith.select %eq3A_228, %iota3A, %broadcast_in_dim3A_230 : vector<256x8192xi1>, vector<256x8192xi32>
    %reduce_min3A_232 = arith.constant dense<2147483647> : vector<256xi32>
    %reduce_min3A_233 = vector.multi_reduction <minsi>, %select_n3A_231, %reduce_min3A_232 [1] : vector<256x8192xi32> to vector<256xi32>
    %eq3A_234 = arith.constant 10 : i32
    %eq3A_235 = vector.broadcast %eq3A_234 : i32 to vector<256x128xi32>
    %eq3A_236 = arith.cmpi eq, %iota3A_24, %eq3A_235 : vector<256x128xi32>
    %broadcast_in_dim3A_237 = vector.shape_cast %reduce_min3A_233 : vector<256xi32> to vector<256x1xi32>
    %broadcast_in_dim3A_238 = vector.shape_cast %broadcast_in_dim3A_237 : vector<256x1xi32> to vector<256x1xi32>
    %broadcast_in_dim3A_239 = vector.broadcast %broadcast_in_dim3A_238 : vector<256x1xi32> to vector<256x128xi32>
    %select_n3A_240 = arith.select %eq3A_236, %broadcast_in_dim3A_239, %select_n3A_220 : vector<256x128xi1>, vector<256x128xi32>
    %jit3A_241 = arith.constant 3.000000e+38 : f32
    %broadcast_in_dim3A_242 = vector.broadcast %jit3A_241 : f32 to vector<256x8192xf32>
    %select_n3A_243 = arith.select %eq3A_228, %broadcast_in_dim3A_242, %select_n3A_223 : vector<256x8192xi1>, vector<256x8192xf32>
    %reduce_min3A_244 = arith.constant dense<0x7F800000> : vector<256xf32>
    %reduce_min3A_245 = vector.multi_reduction <minimumf>, %select_n3A_243, %reduce_min3A_244 [1] : vector<256x8192xf32> to vector<256xf32>
    %broadcast_in_dim3A_246 = vector.shape_cast %reduce_min3A_245 : vector<256xf32> to vector<256x1xf32>
    %eq3A_247 = vector.broadcast %broadcast_in_dim3A_246 : vector<256x1xf32> to vector<256x8192xf32>
    %eq3A_248 = arith.cmpf oeq, %select_n3A_243, %eq3A_247 : vector<256x8192xf32>
    %jit3A_249 = arith.constant 8192 : i32
    %broadcast_in_dim3A_250 = vector.broadcast %jit3A_249 : i32 to vector<256x8192xi32>
    %select_n3A_251 = arith.select %eq3A_248, %iota3A, %broadcast_in_dim3A_250 : vector<256x8192xi1>, vector<256x8192xi32>
    %reduce_min3A_252 = arith.constant dense<2147483647> : vector<256xi32>
    %reduce_min3A_253 = vector.multi_reduction <minsi>, %select_n3A_251, %reduce_min3A_252 [1] : vector<256x8192xi32> to vector<256xi32>
    %eq3A_254 = arith.constant 11 : i32
    %eq3A_255 = vector.broadcast %eq3A_254 : i32 to vector<256x128xi32>
    %eq3A_256 = arith.cmpi eq, %iota3A_24, %eq3A_255 : vector<256x128xi32>
    %broadcast_in_dim3A_257 = vector.shape_cast %reduce_min3A_253 : vector<256xi32> to vector<256x1xi32>
    %broadcast_in_dim3A_258 = vector.shape_cast %broadcast_in_dim3A_257 : vector<256x1xi32> to vector<256x1xi32>
    %broadcast_in_dim3A_259 = vector.broadcast %broadcast_in_dim3A_258 : vector<256x1xi32> to vector<256x128xi32>
    %select_n3A_260 = arith.select %eq3A_256, %broadcast_in_dim3A_259, %select_n3A_240 : vector<256x128xi1>, vector<256x128xi32>
    %jit3A_261 = arith.constant 3.000000e+38 : f32
    %broadcast_in_dim3A_262 = vector.broadcast %jit3A_261 : f32 to vector<256x8192xf32>
    %select_n3A_263 = arith.select %eq3A_248, %broadcast_in_dim3A_262, %select_n3A_243 : vector<256x8192xi1>, vector<256x8192xf32>
    %reduce_min3A_264 = arith.constant dense<0x7F800000> : vector<256xf32>
    %reduce_min3A_265 = vector.multi_reduction <minimumf>, %select_n3A_263, %reduce_min3A_264 [1] : vector<256x8192xf32> to vector<256xf32>
    %broadcast_in_dim3A_266 = vector.shape_cast %reduce_min3A_265 : vector<256xf32> to vector<256x1xf32>
    %eq3A_267 = vector.broadcast %broadcast_in_dim3A_266 : vector<256x1xf32> to vector<256x8192xf32>
    %eq3A_268 = arith.cmpf oeq, %select_n3A_263, %eq3A_267 : vector<256x8192xf32>
    %jit3A_269 = arith.constant 8192 : i32
    %broadcast_in_dim3A_270 = vector.broadcast %jit3A_269 : i32 to vector<256x8192xi32>
    %select_n3A_271 = arith.select %eq3A_268, %iota3A, %broadcast_in_dim3A_270 : vector<256x8192xi1>, vector<256x8192xi32>
    %reduce_min3A_272 = arith.constant dense<2147483647> : vector<256xi32>
    %reduce_min3A_273 = vector.multi_reduction <minsi>, %select_n3A_271, %reduce_min3A_272 [1] : vector<256x8192xi32> to vector<256xi32>
    %eq3A_274 = arith.constant 12 : i32
    %eq3A_275 = vector.broadcast %eq3A_274 : i32 to vector<256x128xi32>
    %eq3A_276 = arith.cmpi eq, %iota3A_24, %eq3A_275 : vector<256x128xi32>
    %broadcast_in_dim3A_277 = vector.shape_cast %reduce_min3A_273 : vector<256xi32> to vector<256x1xi32>
    %broadcast_in_dim3A_278 = vector.shape_cast %broadcast_in_dim3A_277 : vector<256x1xi32> to vector<256x1xi32>
    %broadcast_in_dim3A_279 = vector.broadcast %broadcast_in_dim3A_278 : vector<256x1xi32> to vector<256x128xi32>
    %select_n3A_280 = arith.select %eq3A_276, %broadcast_in_dim3A_279, %select_n3A_260 : vector<256x128xi1>, vector<256x128xi32>
    %jit3A_281 = arith.constant 3.000000e+38 : f32
    %broadcast_in_dim3A_282 = vector.broadcast %jit3A_281 : f32 to vector<256x8192xf32>
    %select_n3A_283 = arith.select %eq3A_268, %broadcast_in_dim3A_282, %select_n3A_263 : vector<256x8192xi1>, vector<256x8192xf32>
    %reduce_min3A_284 = arith.constant dense<0x7F800000> : vector<256xf32>
    %reduce_min3A_285 = vector.multi_reduction <minimumf>, %select_n3A_283, %reduce_min3A_284 [1] : vector<256x8192xf32> to vector<256xf32>
    %broadcast_in_dim3A_286 = vector.shape_cast %reduce_min3A_285 : vector<256xf32> to vector<256x1xf32>
    %eq3A_287 = vector.broadcast %broadcast_in_dim3A_286 : vector<256x1xf32> to vector<256x8192xf32>
    %eq3A_288 = arith.cmpf oeq, %select_n3A_283, %eq3A_287 : vector<256x8192xf32>
    %jit3A_289 = arith.constant 8192 : i32
    %broadcast_in_dim3A_290 = vector.broadcast %jit3A_289 : i32 to vector<256x8192xi32>
    %select_n3A_291 = arith.select %eq3A_288, %iota3A, %broadcast_in_dim3A_290 : vector<256x8192xi1>, vector<256x8192xi32>
    %reduce_min3A_292 = arith.constant dense<2147483647> : vector<256xi32>
    %reduce_min3A_293 = vector.multi_reduction <minsi>, %select_n3A_291, %reduce_min3A_292 [1] : vector<256x8192xi32> to vector<256xi32>
    %eq3A_294 = arith.constant 13 : i32
    %eq3A_295 = vector.broadcast %eq3A_294 : i32 to vector<256x128xi32>
    %eq3A_296 = arith.cmpi eq, %iota3A_24, %eq3A_295 : vector<256x128xi32>
    %broadcast_in_dim3A_297 = vector.shape_cast %reduce_min3A_293 : vector<256xi32> to vector<256x1xi32>
    %broadcast_in_dim3A_298 = vector.shape_cast %broadcast_in_dim3A_297 : vector<256x1xi32> to vector<256x1xi32>
    %broadcast_in_dim3A_299 = vector.broadcast %broadcast_in_dim3A_298 : vector<256x1xi32> to vector<256x128xi32>
    %select_n3A_300 = arith.select %eq3A_296, %broadcast_in_dim3A_299, %select_n3A_280 : vector<256x128xi1>, vector<256x128xi32>
    %jit3A_301 = arith.constant 3.000000e+38 : f32
    %broadcast_in_dim3A_302 = vector.broadcast %jit3A_301 : f32 to vector<256x8192xf32>
    %select_n3A_303 = arith.select %eq3A_288, %broadcast_in_dim3A_302, %select_n3A_283 : vector<256x8192xi1>, vector<256x8192xf32>
    %reduce_min3A_304 = arith.constant dense<0x7F800000> : vector<256xf32>
    %reduce_min3A_305 = vector.multi_reduction <minimumf>, %select_n3A_303, %reduce_min3A_304 [1] : vector<256x8192xf32> to vector<256xf32>
    %broadcast_in_dim3A_306 = vector.shape_cast %reduce_min3A_305 : vector<256xf32> to vector<256x1xf32>
    %eq3A_307 = vector.broadcast %broadcast_in_dim3A_306 : vector<256x1xf32> to vector<256x8192xf32>
    %eq3A_308 = arith.cmpf oeq, %select_n3A_303, %eq3A_307 : vector<256x8192xf32>
    %jit3A_309 = arith.constant 8192 : i32
    %broadcast_in_dim3A_310 = vector.broadcast %jit3A_309 : i32 to vector<256x8192xi32>
    %select_n3A_311 = arith.select %eq3A_308, %iota3A, %broadcast_in_dim3A_310 : vector<256x8192xi1>, vector<256x8192xi32>
    %reduce_min3A_312 = arith.constant dense<2147483647> : vector<256xi32>
    %reduce_min3A_313 = vector.multi_reduction <minsi>, %select_n3A_311, %reduce_min3A_312 [1] : vector<256x8192xi32> to vector<256xi32>
    %eq3A_314 = arith.constant 14 : i32
    %eq3A_315 = vector.broadcast %eq3A_314 : i32 to vector<256x128xi32>
    %eq3A_316 = arith.cmpi eq, %iota3A_24, %eq3A_315 : vector<256x128xi32>
    %broadcast_in_dim3A_317 = vector.shape_cast %reduce_min3A_313 : vector<256xi32> to vector<256x1xi32>
    %broadcast_in_dim3A_318 = vector.shape_cast %broadcast_in_dim3A_317 : vector<256x1xi32> to vector<256x1xi32>
    %broadcast_in_dim3A_319 = vector.broadcast %broadcast_in_dim3A_318 : vector<256x1xi32> to vector<256x128xi32>
    %select_n3A_320 = arith.select %eq3A_316, %broadcast_in_dim3A_319, %select_n3A_300 : vector<256x128xi1>, vector<256x128xi32>
    %jit3A_321 = arith.constant 3.000000e+38 : f32
    %broadcast_in_dim3A_322 = vector.broadcast %jit3A_321 : f32 to vector<256x8192xf32>
    %select_n3A_323 = arith.select %eq3A_308, %broadcast_in_dim3A_322, %select_n3A_303 : vector<256x8192xi1>, vector<256x8192xf32>
    %reduce_min3A_324 = arith.constant dense<0x7F800000> : vector<256xf32>
    %reduce_min3A_325 = vector.multi_reduction <minimumf>, %select_n3A_323, %reduce_min3A_324 [1] : vector<256x8192xf32> to vector<256xf32>
    %broadcast_in_dim3A_326 = vector.shape_cast %reduce_min3A_325 : vector<256xf32> to vector<256x1xf32>
    %eq3A_327 = vector.broadcast %broadcast_in_dim3A_326 : vector<256x1xf32> to vector<256x8192xf32>
    %eq3A_328 = arith.cmpf oeq, %select_n3A_323, %eq3A_327 : vector<256x8192xf32>
    %jit3A_329 = arith.constant 8192 : i32
    %broadcast_in_dim3A_330 = vector.broadcast %jit3A_329 : i32 to vector<256x8192xi32>
    %select_n3A_331 = arith.select %eq3A_328, %iota3A, %broadcast_in_dim3A_330 : vector<256x8192xi1>, vector<256x8192xi32>
    %reduce_min3A_332 = arith.constant dense<2147483647> : vector<256xi32>
    %reduce_min3A_333 = vector.multi_reduction <minsi>, %select_n3A_331, %reduce_min3A_332 [1] : vector<256x8192xi32> to vector<256xi32>
    %eq3A_334 = arith.constant 15 : i32
    %eq3A_335 = vector.broadcast %eq3A_334 : i32 to vector<256x128xi32>
    %eq3A_336 = arith.cmpi eq, %iota3A_24, %eq3A_335 : vector<256x128xi32>
    %broadcast_in_dim3A_337 = vector.shape_cast %reduce_min3A_333 : vector<256xi32> to vector<256x1xi32>
    %broadcast_in_dim3A_338 = vector.shape_cast %broadcast_in_dim3A_337 : vector<256x1xi32> to vector<256x1xi32>
    %broadcast_in_dim3A_339 = vector.broadcast %broadcast_in_dim3A_338 : vector<256x1xi32> to vector<256x128xi32>
    %select_n3A_340 = arith.select %eq3A_336, %broadcast_in_dim3A_339, %select_n3A_320 : vector<256x128xi1>, vector<256x128xi32>
    %swap3A = arith.constant 0 : index
    %swap3A_341 = arith.constant 0 : index
    %swap3A_342 = vector.load %arg3[%swap3A, %swap3A_341] : memref<256x128xi32, #tpu.memory_space<vmem>>, vector<256x128xi32>
    tpu.vector_store %arg3[%swap3A, %swap3A_341], %select_n3A_340 {strides = array<i32>} : memref<256x128xi32, #tpu.memory_space<vmem>>, vector<256x128xi32>,
    return
  }
  func.func @transform_0(%arg0: i32) -> (i32, i32) {
    %c0_i32 = arith.constant 0 : i32
    %c0_i32_0 = arith.constant 0 : i32
    return %arg0, %c0_i32 : i32, i32
  }
  func.func @transform_1(%arg0: i32) -> (i32, i32) {
    %c0_i32 = arith.constant 0 : i32
    %c0_i32_0 = arith.constant 0 : i32
    %c0_i32_1 = arith.constant 0 : i32
    return %c0_i32, %c0_i32_0 : i32, i32
  }
  func.func @transform_2(%arg0: i32) -> (i32, i32) {
    %c0_i32 = arith.constant 0 : i32
    %c0_i32_0 = arith.constant 0 : i32
    return %arg0, %c0_i32 : i32, i32
  }
}

module attributes {stable_mosaic.version = 14 : i64} {
  func.func @_ecmax_mlp2_body(%arg0: i32, %arg1: memref<256x64xf32, #tpu.memory_space<vmem>>, %arg2: memref<256x512xf32, #tpu.memory_space<vmem>>, %arg3: memref<64x64xf32, #tpu.memory_space<vmem>>, %arg4: memref<1x64xf32, #tpu.memory_space<vmem>>, %arg5: memref<64x32xf32, #tpu.memory_space<vmem>>, %arg6: memref<1x32xf32, #tpu.memory_space<vmem>>, %arg7: memref<32x3xf32, #tpu.memory_space<vmem>>, %arg8: memref<1x3xf32, #tpu.memory_space<vmem>>, %arg9: memref<256x3xf32, #tpu.memory_space<vmem>>, %arg10: memref<256x3xf32, #tpu.memory_space<vmem>>) attributes {dimension_semantics = [#tpu.dimension_semantics<arbitrary>], iteration_bounds = array<i64: 8>, scalar_prefetch = 0 : i64, scratch_operands = 0 : i64, tpu.core_type = #tpu.core_type<tc>, window_params = [{transform_indices = @transform_0, window_bounds = array<i64: 256, 64>}, {transform_indices = @transform_1, window_bounds = array<i64: 256, 512>}, {pipeline_mode = #tpu.pipeline_mode<synchronous>, transform_indices = @transform_2, window_bounds = array<i64: 64, 64>}, {pipeline_mode = #tpu.pipeline_mode<synchronous>, transform_indices = @transform_3, window_bounds = array<i64: 1, 64>}, {pipeline_mode = #tpu.pipeline_mode<synchronous>, transform_indices = @transform_4, window_bounds = array<i64: 64, 32>}, {pipeline_mode = #tpu.pipeline_mode<synchronous>, transform_indices = @transform_5, window_bounds = array<i64: 1, 32>}, {pipeline_mode = #tpu.pipeline_mode<synchronous>, transform_indices = @transform_6, window_bounds = array<i64: 32, 3>}, {pipeline_mode = #tpu.pipeline_mode<synchronous>, transform_indices = @transform_7, window_bounds = array<i64: 1, 3>}, {transform_indices = @transform_8, window_bounds = array<i64: 256, 3>}, {transform_indices = @transform_9, window_bounds = array<i64: 256, 3>}]} {
    %get3A = arith.constant 0 : index
    %get3A_0 = arith.constant 0 : index
    %get3A_1 = vector.load %arg1[%get3A, %get3A_0] : memref<256x64xf32, #tpu.memory_space<vmem>>, vector<256x64xf32>
    %get3A_2 = arith.constant 0 : index
    %get3A_3 = arith.constant 0 : index
    %get3A_4 = vector.load %arg2[%get3A_2, %get3A_3] : memref<256x512xf32, #tpu.memory_space<vmem>>, vector<256x64xf32>
    %add3A = arith.addf %get3A_1, %get3A_4 : vector<256x64xf32>
    %max3A = arith.constant 0.000000e+00 : f32
    %max3A_5 = vector.broadcast %max3A : f32 to vector<256x64xf32>
    %max3A_6 = arith.maximumf %add3A, %max3A_5 : vector<256x64xf32>
    %get3A_7 = arith.constant 0 : index
    %get3A_8 = arith.constant 0 : index
    %get3A_9 = vector.load %arg3[%get3A_7, %get3A_8] : memref<64x64xf32, #tpu.memory_space<vmem>>, vector<64x64xf32>
    %dot_general3A = arith.constant dense<0.000000e+00> : vector<256x64xf32>
    %dot_general3A_10 = tpu.matmul %max3A_6, %get3A_9, %dot_general3A {dimension_numbers = #tpu.dot_dimension_numbers<[1], [0], [0], [1], [0, 0, 1, 1], [], []>, transpose_lhs_hint = false} : vector<256x64xf32>, vector<64x64xf32>, vector<256x64xf32> -> vector<256x64xf32>
    %get3A_11 = arith.constant 0 : index
    %get3A_12 = arith.constant 64 : index
    %get3A_13 = vector.load %arg2[%get3A_11, %get3A_12] : memref<256x512xf32, #tpu.memory_space<vmem>>, vector<256x64xf32>
    %add3A_14 = arith.addf %get3A_1, %get3A_13 : vector<256x64xf32>
    %max3A_15 = arith.constant 0.000000e+00 : f32
    %max3A_16 = vector.broadcast %max3A_15 : f32 to vector<256x64xf32>
    %max3A_17 = arith.maximumf %add3A_14, %max3A_16 : vector<256x64xf32>
    %get3A_18 = arith.constant 0 : index
    %get3A_19 = arith.constant 0 : index
    %get3A_20 = vector.load %arg3[%get3A_18, %get3A_19] : memref<64x64xf32, #tpu.memory_space<vmem>>, vector<64x64xf32>
    %dot_general3A_21 = arith.constant dense<0.000000e+00> : vector<256x64xf32>
    %dot_general3A_22 = tpu.matmul %max3A_17, %get3A_20, %dot_general3A_21 {dimension_numbers = #tpu.dot_dimension_numbers<[1], [0], [0], [1], [0, 0, 1, 1], [], []>, transpose_lhs_hint = false} : vector<256x64xf32>, vector<64x64xf32>, vector<256x64xf32> -> vector<256x64xf32>
    %max3A_23 = arith.maximumf %dot_general3A_10, %dot_general3A_22 : vector<256x64xf32>
    %get3A_24 = arith.constant 0 : index
    %get3A_25 = arith.constant 128 : index
    %get3A_26 = vector.load %arg2[%get3A_24, %get3A_25] : memref<256x512xf32, #tpu.memory_space<vmem>>, vector<256x64xf32>
    %add3A_27 = arith.addf %get3A_1, %get3A_26 : vector<256x64xf32>
    %max3A_28 = arith.constant 0.000000e+00 : f32
    %max3A_29 = vector.broadcast %max3A_28 : f32 to vector<256x64xf32>
    %max3A_30 = arith.maximumf %add3A_27, %max3A_29 : vector<256x64xf32>
    %get3A_31 = arith.constant 0 : index
    %get3A_32 = arith.constant 0 : index
    %get3A_33 = vector.load %arg3[%get3A_31, %get3A_32] : memref<64x64xf32, #tpu.memory_space<vmem>>, vector<64x64xf32>
    %dot_general3A_34 = arith.constant dense<0.000000e+00> : vector<256x64xf32>
    %dot_general3A_35 = tpu.matmul %max3A_30, %get3A_33, %dot_general3A_34 {dimension_numbers = #tpu.dot_dimension_numbers<[1], [0], [0], [1], [0, 0, 1, 1], [], []>, transpose_lhs_hint = false} : vector<256x64xf32>, vector<64x64xf32>, vector<256x64xf32> -> vector<256x64xf32>
    %max3A_36 = arith.maximumf %max3A_23, %dot_general3A_35 : vector<256x64xf32>
    %get3A_37 = arith.constant 0 : index
    %get3A_38 = arith.constant 192 : index
    %get3A_39 = vector.load %arg2[%get3A_37, %get3A_38] : memref<256x512xf32, #tpu.memory_space<vmem>>, vector<256x64xf32>
    %add3A_40 = arith.addf %get3A_1, %get3A_39 : vector<256x64xf32>
    %max3A_41 = arith.constant 0.000000e+00 : f32
    %max3A_42 = vector.broadcast %max3A_41 : f32 to vector<256x64xf32>
    %max3A_43 = arith.maximumf %add3A_40, %max3A_42 : vector<256x64xf32>
    %get3A_44 = arith.constant 0 : index
    %get3A_45 = arith.constant 0 : index
    %get3A_46 = vector.load %arg3[%get3A_44, %get3A_45] : memref<64x64xf32, #tpu.memory_space<vmem>>, vector<64x64xf32>
    %dot_general3A_47 = arith.constant dense<0.000000e+00> : vector<256x64xf32>
    %dot_general3A_48 = tpu.matmul %max3A_43, %get3A_46, %dot_general3A_47 {dimension_numbers = #tpu.dot_dimension_numbers<[1], [0], [0], [1], [0, 0, 1, 1], [], []>, transpose_lhs_hint = false} : vector<256x64xf32>, vector<64x64xf32>, vector<256x64xf32> -> vector<256x64xf32>
    %max3A_49 = arith.maximumf %max3A_36, %dot_general3A_48 : vector<256x64xf32>
    %get3A_50 = arith.constant 0 : index
    %get3A_51 = arith.constant 256 : index
    %get3A_52 = vector.load %arg2[%get3A_50, %get3A_51] : memref<256x512xf32, #tpu.memory_space<vmem>>, vector<256x64xf32>
    %add3A_53 = arith.addf %get3A_1, %get3A_52 : vector<256x64xf32>
    %max3A_54 = arith.constant 0.000000e+00 : f32
    %max3A_55 = vector.broadcast %max3A_54 : f32 to vector<256x64xf32>
    %max3A_56 = arith.maximumf %add3A_53, %max3A_55 : vector<256x64xf32>
    %get3A_57 = arith.constant 0 : index
    %get3A_58 = arith.constant 0 : index
    %get3A_59 = vector.load %arg3[%get3A_57, %get3A_58] : memref<64x64xf32, #tpu.memory_space<vmem>>, vector<64x64xf32>
    %dot_general3A_60 = arith.constant dense<0.000000e+00> : vector<256x64xf32>
    %dot_general3A_61 = tpu.matmul %max3A_56, %get3A_59, %dot_general3A_60 {dimension_numbers = #tpu.dot_dimension_numbers<[1], [0], [0], [1], [0, 0, 1, 1], [], []>, transpose_lhs_hint = false} : vector<256x64xf32>, vector<64x64xf32>, vector<256x64xf32> -> vector<256x64xf32>
    %max3A_62 = arith.maximumf %max3A_49, %dot_general3A_61 : vector<256x64xf32>
    %get3A_63 = arith.constant 0 : index
    %get3A_64 = arith.constant 320 : index
    %get3A_65 = vector.load %arg2[%get3A_63, %get3A_64] : memref<256x512xf32, #tpu.memory_space<vmem>>, vector<256x64xf32>
    %add3A_66 = arith.addf %get3A_1, %get3A_65 : vector<256x64xf32>
    %max3A_67 = arith.constant 0.000000e+00 : f32
    %max3A_68 = vector.broadcast %max3A_67 : f32 to vector<256x64xf32>
    %max3A_69 = arith.maximumf %add3A_66, %max3A_68 : vector<256x64xf32>
    %get3A_70 = arith.constant 0 : index
    %get3A_71 = arith.constant 0 : index
    %get3A_72 = vector.load %arg3[%get3A_70, %get3A_71] : memref<64x64xf32, #tpu.memory_space<vmem>>, vector<64x64xf32>
    %dot_general3A_73 = arith.constant dense<0.000000e+00> : vector<256x64xf32>
    %dot_general3A_74 = tpu.matmul %max3A_69, %get3A_72, %dot_general3A_73 {dimension_numbers = #tpu.dot_dimension_numbers<[1], [0], [0], [1], [0, 0, 1, 1], [], []>, transpose_lhs_hint = false} : vector<256x64xf32>, vector<64x64xf32>, vector<256x64xf32> -> vector<256x64xf32>
    %max3A_75 = arith.maximumf %max3A_62, %dot_general3A_74 : vector<256x64xf32>
    %get3A_76 = arith.constant 0 : index
    %get3A_77 = arith.constant 384 : index
    %get3A_78 = vector.load %arg2[%get3A_76, %get3A_77] : memref<256x512xf32, #tpu.memory_space<vmem>>, vector<256x64xf32>
    %add3A_79 = arith.addf %get3A_1, %get3A_78 : vector<256x64xf32>
    %max3A_80 = arith.constant 0.000000e+00 : f32
    %max3A_81 = vector.broadcast %max3A_80 : f32 to vector<256x64xf32>
    %max3A_82 = arith.maximumf %add3A_79, %max3A_81 : vector<256x64xf32>
    %get3A_83 = arith.constant 0 : index
    %get3A_84 = arith.constant 0 : index
    %get3A_85 = vector.load %arg3[%get3A_83, %get3A_84] : memref<64x64xf32, #tpu.memory_space<vmem>>, vector<64x64xf32>
    %dot_general3A_86 = arith.constant dense<0.000000e+00> : vector<256x64xf32>
    %dot_general3A_87 = tpu.matmul %max3A_82, %get3A_85, %dot_general3A_86 {dimension_numbers = #tpu.dot_dimension_numbers<[1], [0], [0], [1], [0, 0, 1, 1], [], []>, transpose_lhs_hint = false} : vector<256x64xf32>, vector<64x64xf32>, vector<256x64xf32> -> vector<256x64xf32>
    %max3A_88 = arith.maximumf %max3A_75, %dot_general3A_87 : vector<256x64xf32>
    %get3A_89 = arith.constant 0 : index
    %get3A_90 = arith.constant 448 : index
    %get3A_91 = vector.load %arg2[%get3A_89, %get3A_90] : memref<256x512xf32, #tpu.memory_space<vmem>>, vector<256x64xf32>
    %add3A_92 = arith.addf %get3A_1, %get3A_91 : vector<256x64xf32>
    %max3A_93 = arith.constant 0.000000e+00 : f32
    %max3A_94 = vector.broadcast %max3A_93 : f32 to vector<256x64xf32>
    %max3A_95 = arith.maximumf %add3A_92, %max3A_94 : vector<256x64xf32>
    %get3A_96 = arith.constant 0 : index
    %get3A_97 = arith.constant 0 : index
    %get3A_98 = vector.load %arg3[%get3A_96, %get3A_97] : memref<64x64xf32, #tpu.memory_space<vmem>>, vector<64x64xf32>
    %dot_general3A_99 = arith.constant dense<0.000000e+00> : vector<256x64xf32>
    %dot_general3A_100 = tpu.matmul %max3A_95, %get3A_98, %dot_general3A_99 {dimension_numbers = #tpu.dot_dimension_numbers<[1], [0], [0], [1], [0, 0, 1, 1], [], []>, transpose_lhs_hint = false} : vector<256x64xf32>, vector<64x64xf32>, vector<256x64xf32> -> vector<256x64xf32>
    %max3A_101 = arith.maximumf %max3A_88, %dot_general3A_100 : vector<256x64xf32>
    %get3A_102 = arith.constant 0 : index
    %get3A_103 = arith.constant 0 : index
    %get3A_104 = vector.load %arg4[%get3A_102, %get3A_103] : memref<1x64xf32, #tpu.memory_space<vmem>>, vector<1x64xf32>
    %add3A_105 = vector.broadcast %get3A_104 : vector<1x64xf32> to vector<256x64xf32>
    %add3A_106 = arith.addf %max3A_101, %add3A_105 : vector<256x64xf32>
    %get3A_107 = arith.constant 0 : index
    %get3A_108 = arith.constant 0 : index
    %get3A_109 = vector.load %arg5[%get3A_107, %get3A_108] : memref<64x32xf32, #tpu.memory_space<vmem>>, vector<64x32xf32>
    %dot_general3A_110 = arith.constant dense<0.000000e+00> : vector<256x32xf32>
    %dot_general3A_111 = tpu.matmul %add3A_106, %get3A_109, %dot_general3A_110 {dimension_numbers = #tpu.dot_dimension_numbers<[1], [0], [0], [1], [0, 0, 1, 1], [], []>, transpose_lhs_hint = false} : vector<256x64xf32>, vector<64x32xf32>, vector<256x32xf32> -> vector<256x32xf32>
    %get3A_112 = arith.constant 0 : index
    %get3A_113 = arith.constant 0 : index
    %get3A_114 = vector.load %arg6[%get3A_112, %get3A_113] : memref<1x32xf32, #tpu.memory_space<vmem>>, vector<1x32xf32>
    %add3A_115 = vector.broadcast %get3A_114 : vector<1x32xf32> to vector<256x32xf32>
    %add3A_116 = arith.addf %dot_general3A_111, %add3A_115 : vector<256x32xf32>
    %max3A_117 = arith.constant 0.000000e+00 : f32
    %max3A_118 = vector.broadcast %max3A_117 : f32 to vector<256x32xf32>
    %max3A_119 = arith.maximumf %add3A_116, %max3A_118 : vector<256x32xf32>
    %get3A_120 = arith.constant 0 : index
    %get3A_121 = arith.constant 0 : index
    %get3A_122 = vector.load %arg7[%get3A_120, %get3A_121] : memref<32x3xf32, #tpu.memory_space<vmem>>, vector<32x3xf32>
    %dot_general3A_123 = arith.constant dense<0.000000e+00> : vector<256x3xf32>
    %dot_general3A_124 = tpu.matmul %max3A_119, %get3A_122, %dot_general3A_123 {dimension_numbers = #tpu.dot_dimension_numbers<[1], [0], [0], [1], [0, 0, 1, 1], [], []>, transpose_lhs_hint = false} : vector<256x32xf32>, vector<32x3xf32>, vector<256x3xf32> -> vector<256x3xf32>
    %get3A_125 = arith.constant 0 : index
    %get3A_126 = arith.constant 0 : index
    %get3A_127 = vector.load %arg9[%get3A_125, %get3A_126] : memref<256x3xf32, #tpu.memory_space<vmem>>, vector<256x3xf32>
    %get3A_128 = arith.constant 0 : index
    %get3A_129 = arith.constant 0 : index
    %get3A_130 = vector.load %arg8[%get3A_128, %get3A_129] : memref<1x3xf32, #tpu.memory_space<vmem>>, vector<1x3xf32>
    %add3A_131 = vector.broadcast %get3A_130 : vector<1x3xf32> to vector<256x3xf32>
    %add3A_132 = arith.addf %dot_general3A_124, %add3A_131 : vector<256x3xf32>
    %mul3A = arith.constant 5.000000e-02 : f32
    %mul3A_133 = vector.broadcast %mul3A : f32 to vector<256x3xf32>
    %mul3A_134 = arith.mulf %mul3A_133, %add3A_132 : vector<256x3xf32>
    %add3A_135 = arith.addf %get3A_127, %mul3A_134 : vector<256x3xf32>
    %swap3A = arith.constant 0 : index
    %swap3A_136 = arith.constant 0 : index
    %swap3A_137 = vector.load %arg10[%swap3A, %swap3A_136] : memref<256x3xf32, #tpu.memory_space<vmem>>, vector<256x3xf32>
    tpu.vector_store %arg10[%swap3A, %swap3A_136], %add3A_135 {strides = array<i32>} : memref<256x3xf32, #tpu.memory_space<vmem>>, vector<256x3xf32>,
    return
  }
  func.func @transform_0(%arg0: i32) -> (i32, i32) {
    %c0_i32 = arith.constant 0 : i32
    %c0_i32_0 = arith.constant 0 : i32
    return %arg0, %c0_i32 : i32, i32
  }
  func.func @transform_1(%arg0: i32) -> (i32, i32) {
    %c0_i32 = arith.constant 0 : i32
    %c0_i32_0 = arith.constant 0 : i32
    return %arg0, %c0_i32 : i32, i32
  }
  func.func @transform_2(%arg0: i32) -> (i32, i32) {
    %c0_i32 = arith.constant 0 : i32
    %c0_i32_0 = arith.constant 0 : i32
    %c0_i32_1 = arith.constant 0 : i32
    return %c0_i32, %c0_i32_0 : i32, i32
  }
  func.func @transform_3(%arg0: i32) -> (i32, i32) {
    %c0_i32 = arith.constant 0 : i32
    %c0_i32_0 = arith.constant 0 : i32
    %c0_i32_1 = arith.constant 0 : i32
    return %c0_i32, %c0_i32_0 : i32, i32
  }
  func.func @transform_4(%arg0: i32) -> (i32, i32) {
    %c0_i32 = arith.constant 0 : i32
    %c0_i32_0 = arith.constant 0 : i32
    %c0_i32_1 = arith.constant 0 : i32
    return %c0_i32, %c0_i32_0 : i32, i32
  }
  func.func @transform_5(%arg0: i32) -> (i32, i32) {
    %c0_i32 = arith.constant 0 : i32
    %c0_i32_0 = arith.constant 0 : i32
    %c0_i32_1 = arith.constant 0 : i32
    return %c0_i32, %c0_i32_0 : i32, i32
  }
  func.func @transform_6(%arg0: i32) -> (i32, i32) {
    %c0_i32 = arith.constant 0 : i32
    %c0_i32_0 = arith.constant 0 : i32
    %c0_i32_1 = arith.constant 0 : i32
    return %c0_i32, %c0_i32_0 : i32, i32
  }
  func.func @transform_7(%arg0: i32) -> (i32, i32) {
    %c0_i32 = arith.constant 0 : i32
    %c0_i32_0 = arith.constant 0 : i32
    %c0_i32_1 = arith.constant 0 : i32
    return %c0_i32, %c0_i32_0 : i32, i32
  }
  func.func @transform_8(%arg0: i32) -> (i32, i32) {
    %c0_i32 = arith.constant 0 : i32
    %c0_i32_0 = arith.constant 0 : i32
    return %arg0, %c0_i32 : i32, i32
  }
  func.func @transform_9(%arg0: i32) -> (i32, i32) {
    %c0_i32 = arith.constant 0 : i32
    %c0_i32_0 = arith.constant 0 : i32
    return %arg0, %c0_i32 : i32, i32
  }
}

module attributes {stable_mosaic.version = 14 : i64} {
  func.func @_ecmax_body(%arg0: i32, %arg1: memref<256x64xf32, #tpu.memory_space<vmem>>, %arg2: memref<256x1024xf32, #tpu.memory_space<vmem>>, %arg3: memref<64x3xf32, #tpu.memory_space<vmem>>, %arg4: memref<1x3xf32, #tpu.memory_space<vmem>>, %arg5: memref<256x3xf32, #tpu.memory_space<vmem>>, %arg6: memref<256x3xf32, #tpu.memory_space<vmem>>) attributes {dimension_semantics = [#tpu.dimension_semantics<arbitrary>], iteration_bounds = array<i64: 32>, scalar_prefetch = 0 : i64, scratch_operands = 0 : i64, tpu.core_type = #tpu.core_type<tc>, window_params = [{transform_indices = @transform_0, window_bounds = array<i64: 256, 64>}, {transform_indices = @transform_1, window_bounds = array<i64: 256, 1024>}, {pipeline_mode = #tpu.pipeline_mode<synchronous>, transform_indices = @transform_2, window_bounds = array<i64: 64, 3>}, {pipeline_mode = #tpu.pipeline_mode<synchronous>, transform_indices = @transform_3, window_bounds = array<i64: 1, 3>}, {transform_indices = @transform_4, window_bounds = array<i64: 256, 3>}, {transform_indices = @transform_5, window_bounds = array<i64: 256, 3>}]} {
    %get3A = arith.constant 0 : index
    %get3A_0 = arith.constant 0 : index
    %get3A_1 = vector.load %arg1[%get3A, %get3A_0] : memref<256x64xf32, #tpu.memory_space<vmem>>, vector<256x64xf32>
    %get3A_2 = arith.constant 0 : index
    %get3A_3 = arith.constant 0 : index
    %get3A_4 = vector.load %arg2[%get3A_2, %get3A_3] : memref<256x1024xf32, #tpu.memory_space<vmem>>, vector<256x64xf32>
    %add3A = arith.addf %get3A_1, %get3A_4 : vector<256x64xf32>
    %max3A = arith.constant 0.000000e+00 : f32
    %max3A_5 = vector.broadcast %max3A : f32 to vector<256x64xf32>
    %max3A_6 = arith.maximumf %add3A, %max3A_5 : vector<256x64xf32>
    %get3A_7 = arith.constant 0 : index
    %get3A_8 = arith.constant 0 : index
    %get3A_9 = vector.load %arg3[%get3A_7, %get3A_8] : memref<64x3xf32, #tpu.memory_space<vmem>>, vector<64x3xf32>
    %dot_general3A = arith.constant dense<0.000000e+00> : vector<256x3xf32>
    %dot_general3A_10 = tpu.matmul %max3A_6, %get3A_9, %dot_general3A {dimension_numbers = #tpu.dot_dimension_numbers<[1], [0], [0], [1], [0, 0, 1, 1], [], []>, transpose_lhs_hint = false} : vector<256x64xf32>, vector<64x3xf32>, vector<256x3xf32> -> vector<256x3xf32>
    %get3A_11 = arith.constant 0 : index
    %get3A_12 = arith.constant 64 : index
    %get3A_13 = vector.load %arg2[%get3A_11, %get3A_12] : memref<256x1024xf32, #tpu.memory_space<vmem>>, vector<256x64xf32>
    %add3A_14 = arith.addf %get3A_1, %get3A_13 : vector<256x64xf32>
    %max3A_15 = arith.constant 0.000000e+00 : f32
    %max3A_16 = vector.broadcast %max3A_15 : f32 to vector<256x64xf32>
    %max3A_17 = arith.maximumf %add3A_14, %max3A_16 : vector<256x64xf32>
    %get3A_18 = arith.constant 0 : index
    %get3A_19 = arith.constant 0 : index
    %get3A_20 = vector.load %arg3[%get3A_18, %get3A_19] : memref<64x3xf32, #tpu.memory_space<vmem>>, vector<64x3xf32>
    %dot_general3A_21 = arith.constant dense<0.000000e+00> : vector<256x3xf32>
    %dot_general3A_22 = tpu.matmul %max3A_17, %get3A_20, %dot_general3A_21 {dimension_numbers = #tpu.dot_dimension_numbers<[1], [0], [0], [1], [0, 0, 1, 1], [], []>, transpose_lhs_hint = false} : vector<256x64xf32>, vector<64x3xf32>, vector<256x3xf32> -> vector<256x3xf32>
    %max3A_23 = arith.maximumf %dot_general3A_10, %dot_general3A_22 : vector<256x3xf32>
    %get3A_24 = arith.constant 0 : index
    %get3A_25 = arith.constant 128 : index
    %get3A_26 = vector.load %arg2[%get3A_24, %get3A_25] : memref<256x1024xf32, #tpu.memory_space<vmem>>, vector<256x64xf32>
    %add3A_27 = arith.addf %get3A_1, %get3A_26 : vector<256x64xf32>
    %max3A_28 = arith.constant 0.000000e+00 : f32
    %max3A_29 = vector.broadcast %max3A_28 : f32 to vector<256x64xf32>
    %max3A_30 = arith.maximumf %add3A_27, %max3A_29 : vector<256x64xf32>
    %get3A_31 = arith.constant 0 : index
    %get3A_32 = arith.constant 0 : index
    %get3A_33 = vector.load %arg3[%get3A_31, %get3A_32] : memref<64x3xf32, #tpu.memory_space<vmem>>, vector<64x3xf32>
    %dot_general3A_34 = arith.constant dense<0.000000e+00> : vector<256x3xf32>
    %dot_general3A_35 = tpu.matmul %max3A_30, %get3A_33, %dot_general3A_34 {dimension_numbers = #tpu.dot_dimension_numbers<[1], [0], [0], [1], [0, 0, 1, 1], [], []>, transpose_lhs_hint = false} : vector<256x64xf32>, vector<64x3xf32>, vector<256x3xf32> -> vector<256x3xf32>
    %max3A_36 = arith.maximumf %max3A_23, %dot_general3A_35 : vector<256x3xf32>
    %get3A_37 = arith.constant 0 : index
    %get3A_38 = arith.constant 192 : index
    %get3A_39 = vector.load %arg2[%get3A_37, %get3A_38] : memref<256x1024xf32, #tpu.memory_space<vmem>>, vector<256x64xf32>
    %add3A_40 = arith.addf %get3A_1, %get3A_39 : vector<256x64xf32>
    %max3A_41 = arith.constant 0.000000e+00 : f32
    %max3A_42 = vector.broadcast %max3A_41 : f32 to vector<256x64xf32>
    %max3A_43 = arith.maximumf %add3A_40, %max3A_42 : vector<256x64xf32>
    %get3A_44 = arith.constant 0 : index
    %get3A_45 = arith.constant 0 : index
    %get3A_46 = vector.load %arg3[%get3A_44, %get3A_45] : memref<64x3xf32, #tpu.memory_space<vmem>>, vector<64x3xf32>
    %dot_general3A_47 = arith.constant dense<0.000000e+00> : vector<256x3xf32>
    %dot_general3A_48 = tpu.matmul %max3A_43, %get3A_46, %dot_general3A_47 {dimension_numbers = #tpu.dot_dimension_numbers<[1], [0], [0], [1], [0, 0, 1, 1], [], []>, transpose_lhs_hint = false} : vector<256x64xf32>, vector<64x3xf32>, vector<256x3xf32> -> vector<256x3xf32>
    %max3A_49 = arith.maximumf %max3A_36, %dot_general3A_48 : vector<256x3xf32>
    %get3A_50 = arith.constant 0 : index
    %get3A_51 = arith.constant 256 : index
    %get3A_52 = vector.load %arg2[%get3A_50, %get3A_51] : memref<256x1024xf32, #tpu.memory_space<vmem>>, vector<256x64xf32>
    %add3A_53 = arith.addf %get3A_1, %get3A_52 : vector<256x64xf32>
    %max3A_54 = arith.constant 0.000000e+00 : f32
    %max3A_55 = vector.broadcast %max3A_54 : f32 to vector<256x64xf32>
    %max3A_56 = arith.maximumf %add3A_53, %max3A_55 : vector<256x64xf32>
    %get3A_57 = arith.constant 0 : index
    %get3A_58 = arith.constant 0 : index
    %get3A_59 = vector.load %arg3[%get3A_57, %get3A_58] : memref<64x3xf32, #tpu.memory_space<vmem>>, vector<64x3xf32>
    %dot_general3A_60 = arith.constant dense<0.000000e+00> : vector<256x3xf32>
    %dot_general3A_61 = tpu.matmul %max3A_56, %get3A_59, %dot_general3A_60 {dimension_numbers = #tpu.dot_dimension_numbers<[1], [0], [0], [1], [0, 0, 1, 1], [], []>, transpose_lhs_hint = false} : vector<256x64xf32>, vector<64x3xf32>, vector<256x3xf32> -> vector<256x3xf32>
    %max3A_62 = arith.maximumf %max3A_49, %dot_general3A_61 : vector<256x3xf32>
    %get3A_63 = arith.constant 0 : index
    %get3A_64 = arith.constant 320 : index
    %get3A_65 = vector.load %arg2[%get3A_63, %get3A_64] : memref<256x1024xf32, #tpu.memory_space<vmem>>, vector<256x64xf32>
    %add3A_66 = arith.addf %get3A_1, %get3A_65 : vector<256x64xf32>
    %max3A_67 = arith.constant 0.000000e+00 : f32
    %max3A_68 = vector.broadcast %max3A_67 : f32 to vector<256x64xf32>
    %max3A_69 = arith.maximumf %add3A_66, %max3A_68 : vector<256x64xf32>
    %get3A_70 = arith.constant 0 : index
    %get3A_71 = arith.constant 0 : index
    %get3A_72 = vector.load %arg3[%get3A_70, %get3A_71] : memref<64x3xf32, #tpu.memory_space<vmem>>, vector<64x3xf32>
    %dot_general3A_73 = arith.constant dense<0.000000e+00> : vector<256x3xf32>
    %dot_general3A_74 = tpu.matmul %max3A_69, %get3A_72, %dot_general3A_73 {dimension_numbers = #tpu.dot_dimension_numbers<[1], [0], [0], [1], [0, 0, 1, 1], [], []>, transpose_lhs_hint = false} : vector<256x64xf32>, vector<64x3xf32>, vector<256x3xf32> -> vector<256x3xf32>
    %max3A_75 = arith.maximumf %max3A_62, %dot_general3A_74 : vector<256x3xf32>
    %get3A_76 = arith.constant 0 : index
    %get3A_77 = arith.constant 384 : index
    %get3A_78 = vector.load %arg2[%get3A_76, %get3A_77] : memref<256x1024xf32, #tpu.memory_space<vmem>>, vector<256x64xf32>
    %add3A_79 = arith.addf %get3A_1, %get3A_78 : vector<256x64xf32>
    %max3A_80 = arith.constant 0.000000e+00 : f32
    %max3A_81 = vector.broadcast %max3A_80 : f32 to vector<256x64xf32>
    %max3A_82 = arith.maximumf %add3A_79, %max3A_81 : vector<256x64xf32>
    %get3A_83 = arith.constant 0 : index
    %get3A_84 = arith.constant 0 : index
    %get3A_85 = vector.load %arg3[%get3A_83, %get3A_84] : memref<64x3xf32, #tpu.memory_space<vmem>>, vector<64x3xf32>
    %dot_general3A_86 = arith.constant dense<0.000000e+00> : vector<256x3xf32>
    %dot_general3A_87 = tpu.matmul %max3A_82, %get3A_85, %dot_general3A_86 {dimension_numbers = #tpu.dot_dimension_numbers<[1], [0], [0], [1], [0, 0, 1, 1], [], []>, transpose_lhs_hint = false} : vector<256x64xf32>, vector<64x3xf32>, vector<256x3xf32> -> vector<256x3xf32>
    %max3A_88 = arith.maximumf %max3A_75, %dot_general3A_87 : vector<256x3xf32>
    %get3A_89 = arith.constant 0 : index
    %get3A_90 = arith.constant 448 : index
    %get3A_91 = vector.load %arg2[%get3A_89, %get3A_90] : memref<256x1024xf32, #tpu.memory_space<vmem>>, vector<256x64xf32>
    %add3A_92 = arith.addf %get3A_1, %get3A_91 : vector<256x64xf32>
    %max3A_93 = arith.constant 0.000000e+00 : f32
    %max3A_94 = vector.broadcast %max3A_93 : f32 to vector<256x64xf32>
    %max3A_95 = arith.maximumf %add3A_92, %max3A_94 : vector<256x64xf32>
    %get3A_96 = arith.constant 0 : index
    %get3A_97 = arith.constant 0 : index
    %get3A_98 = vector.load %arg3[%get3A_96, %get3A_97] : memref<64x3xf32, #tpu.memory_space<vmem>>, vector<64x3xf32>
    %dot_general3A_99 = arith.constant dense<0.000000e+00> : vector<256x3xf32>
    %dot_general3A_100 = tpu.matmul %max3A_95, %get3A_98, %dot_general3A_99 {dimension_numbers = #tpu.dot_dimension_numbers<[1], [0], [0], [1], [0, 0, 1, 1], [], []>, transpose_lhs_hint = false} : vector<256x64xf32>, vector<64x3xf32>, vector<256x3xf32> -> vector<256x3xf32>
    %max3A_101 = arith.maximumf %max3A_88, %dot_general3A_100 : vector<256x3xf32>
    %get3A_102 = arith.constant 0 : index
    %get3A_103 = arith.constant 512 : index
    %get3A_104 = vector.load %arg2[%get3A_102, %get3A_103] : memref<256x1024xf32, #tpu.memory_space<vmem>>, vector<256x64xf32>
    %add3A_105 = arith.addf %get3A_1, %get3A_104 : vector<256x64xf32>
    %max3A_106 = arith.constant 0.000000e+00 : f32
    %max3A_107 = vector.broadcast %max3A_106 : f32 to vector<256x64xf32>
    %max3A_108 = arith.maximumf %add3A_105, %max3A_107 : vector<256x64xf32>
    %get3A_109 = arith.constant 0 : index
    %get3A_110 = arith.constant 0 : index
    %get3A_111 = vector.load %arg3[%get3A_109, %get3A_110] : memref<64x3xf32, #tpu.memory_space<vmem>>, vector<64x3xf32>
    %dot_general3A_112 = arith.constant dense<0.000000e+00> : vector<256x3xf32>
    %dot_general3A_113 = tpu.matmul %max3A_108, %get3A_111, %dot_general3A_112 {dimension_numbers = #tpu.dot_dimension_numbers<[1], [0], [0], [1], [0, 0, 1, 1], [], []>, transpose_lhs_hint = false} : vector<256x64xf32>, vector<64x3xf32>, vector<256x3xf32> -> vector<256x3xf32>
    %max3A_114 = arith.maximumf %max3A_101, %dot_general3A_113 : vector<256x3xf32>
    %get3A_115 = arith.constant 0 : index
    %get3A_116 = arith.constant 576 : index
    %get3A_117 = vector.load %arg2[%get3A_115, %get3A_116] : memref<256x1024xf32, #tpu.memory_space<vmem>>, vector<256x64xf32>
    %add3A_118 = arith.addf %get3A_1, %get3A_117 : vector<256x64xf32>
    %max3A_119 = arith.constant 0.000000e+00 : f32
    %max3A_120 = vector.broadcast %max3A_119 : f32 to vector<256x64xf32>
    %max3A_121 = arith.maximumf %add3A_118, %max3A_120 : vector<256x64xf32>
    %get3A_122 = arith.constant 0 : index
    %get3A_123 = arith.constant 0 : index
    %get3A_124 = vector.load %arg3[%get3A_122, %get3A_123] : memref<64x3xf32, #tpu.memory_space<vmem>>, vector<64x3xf32>
    %dot_general3A_125 = arith.constant dense<0.000000e+00> : vector<256x3xf32>
    %dot_general3A_126 = tpu.matmul %max3A_121, %get3A_124, %dot_general3A_125 {dimension_numbers = #tpu.dot_dimension_numbers<[1], [0], [0], [1], [0, 0, 1, 1], [], []>, transpose_lhs_hint = false} : vector<256x64xf32>, vector<64x3xf32>, vector<256x3xf32> -> vector<256x3xf32>
    %max3A_127 = arith.maximumf %max3A_114, %dot_general3A_126 : vector<256x3xf32>
    %get3A_128 = arith.constant 0 : index
    %get3A_129 = arith.constant 640 : index
    %get3A_130 = vector.load %arg2[%get3A_128, %get3A_129] : memref<256x1024xf32, #tpu.memory_space<vmem>>, vector<256x64xf32>
    %add3A_131 = arith.addf %get3A_1, %get3A_130 : vector<256x64xf32>
    %max3A_132 = arith.constant 0.000000e+00 : f32
    %max3A_133 = vector.broadcast %max3A_132 : f32 to vector<256x64xf32>
    %max3A_134 = arith.maximumf %add3A_131, %max3A_133 : vector<256x64xf32>
    %get3A_135 = arith.constant 0 : index
    %get3A_136 = arith.constant 0 : index
    %get3A_137 = vector.load %arg3[%get3A_135, %get3A_136] : memref<64x3xf32, #tpu.memory_space<vmem>>, vector<64x3xf32>
    %dot_general3A_138 = arith.constant dense<0.000000e+00> : vector<256x3xf32>
    %dot_general3A_139 = tpu.matmul %max3A_134, %get3A_137, %dot_general3A_138 {dimension_numbers = #tpu.dot_dimension_numbers<[1], [0], [0], [1], [0, 0, 1, 1], [], []>, transpose_lhs_hint = false} : vector<256x64xf32>, vector<64x3xf32>, vector<256x3xf32> -> vector<256x3xf32>
    %max3A_140 = arith.maximumf %max3A_127, %dot_general3A_139 : vector<256x3xf32>
    %get3A_141 = arith.constant 0 : index
    %get3A_142 = arith.constant 704 : index
    %get3A_143 = vector.load %arg2[%get3A_141, %get3A_142] : memref<256x1024xf32, #tpu.memory_space<vmem>>, vector<256x64xf32>
    %add3A_144 = arith.addf %get3A_1, %get3A_143 : vector<256x64xf32>
    %max3A_145 = arith.constant 0.000000e+00 : f32
    %max3A_146 = vector.broadcast %max3A_145 : f32 to vector<256x64xf32>
    %max3A_147 = arith.maximumf %add3A_144, %max3A_146 : vector<256x64xf32>
    %get3A_148 = arith.constant 0 : index
    %get3A_149 = arith.constant 0 : index
    %get3A_150 = vector.load %arg3[%get3A_148, %get3A_149] : memref<64x3xf32, #tpu.memory_space<vmem>>, vector<64x3xf32>
    %dot_general3A_151 = arith.constant dense<0.000000e+00> : vector<256x3xf32>
    %dot_general3A_152 = tpu.matmul %max3A_147, %get3A_150, %dot_general3A_151 {dimension_numbers = #tpu.dot_dimension_numbers<[1], [0], [0], [1], [0, 0, 1, 1], [], []>, transpose_lhs_hint = false} : vector<256x64xf32>, vector<64x3xf32>, vector<256x3xf32> -> vector<256x3xf32>
    %max3A_153 = arith.maximumf %max3A_140, %dot_general3A_152 : vector<256x3xf32>
    %get3A_154 = arith.constant 0 : index
    %get3A_155 = arith.constant 768 : index
    %get3A_156 = vector.load %arg2[%get3A_154, %get3A_155] : memref<256x1024xf32, #tpu.memory_space<vmem>>, vector<256x64xf32>
    %add3A_157 = arith.addf %get3A_1, %get3A_156 : vector<256x64xf32>
    %max3A_158 = arith.constant 0.000000e+00 : f32
    %max3A_159 = vector.broadcast %max3A_158 : f32 to vector<256x64xf32>
    %max3A_160 = arith.maximumf %add3A_157, %max3A_159 : vector<256x64xf32>
    %get3A_161 = arith.constant 0 : index
    %get3A_162 = arith.constant 0 : index
    %get3A_163 = vector.load %arg3[%get3A_161, %get3A_162] : memref<64x3xf32, #tpu.memory_space<vmem>>, vector<64x3xf32>
    %dot_general3A_164 = arith.constant dense<0.000000e+00> : vector<256x3xf32>
    %dot_general3A_165 = tpu.matmul %max3A_160, %get3A_163, %dot_general3A_164 {dimension_numbers = #tpu.dot_dimension_numbers<[1], [0], [0], [1], [0, 0, 1, 1], [], []>, transpose_lhs_hint = false} : vector<256x64xf32>, vector<64x3xf32>, vector<256x3xf32> -> vector<256x3xf32>
    %max3A_166 = arith.maximumf %max3A_153, %dot_general3A_165 : vector<256x3xf32>
    %get3A_167 = arith.constant 0 : index
    %get3A_168 = arith.constant 832 : index
    %get3A_169 = vector.load %arg2[%get3A_167, %get3A_168] : memref<256x1024xf32, #tpu.memory_space<vmem>>, vector<256x64xf32>
    %add3A_170 = arith.addf %get3A_1, %get3A_169 : vector<256x64xf32>
    %max3A_171 = arith.constant 0.000000e+00 : f32
    %max3A_172 = vector.broadcast %max3A_171 : f32 to vector<256x64xf32>
    %max3A_173 = arith.maximumf %add3A_170, %max3A_172 : vector<256x64xf32>
    %get3A_174 = arith.constant 0 : index
    %get3A_175 = arith.constant 0 : index
    %get3A_176 = vector.load %arg3[%get3A_174, %get3A_175] : memref<64x3xf32, #tpu.memory_space<vmem>>, vector<64x3xf32>
    %dot_general3A_177 = arith.constant dense<0.000000e+00> : vector<256x3xf32>
    %dot_general3A_178 = tpu.matmul %max3A_173, %get3A_176, %dot_general3A_177 {dimension_numbers = #tpu.dot_dimension_numbers<[1], [0], [0], [1], [0, 0, 1, 1], [], []>, transpose_lhs_hint = false} : vector<256x64xf32>, vector<64x3xf32>, vector<256x3xf32> -> vector<256x3xf32>
    %max3A_179 = arith.maximumf %max3A_166, %dot_general3A_178 : vector<256x3xf32>
    %get3A_180 = arith.constant 0 : index
    %get3A_181 = arith.constant 896 : index
    %get3A_182 = vector.load %arg2[%get3A_180, %get3A_181] : memref<256x1024xf32, #tpu.memory_space<vmem>>, vector<256x64xf32>
    %add3A_183 = arith.addf %get3A_1, %get3A_182 : vector<256x64xf32>
    %max3A_184 = arith.constant 0.000000e+00 : f32
    %max3A_185 = vector.broadcast %max3A_184 : f32 to vector<256x64xf32>
    %max3A_186 = arith.maximumf %add3A_183, %max3A_185 : vector<256x64xf32>
    %get3A_187 = arith.constant 0 : index
    %get3A_188 = arith.constant 0 : index
    %get3A_189 = vector.load %arg3[%get3A_187, %get3A_188] : memref<64x3xf32, #tpu.memory_space<vmem>>, vector<64x3xf32>
    %dot_general3A_190 = arith.constant dense<0.000000e+00> : vector<256x3xf32>
    %dot_general3A_191 = tpu.matmul %max3A_186, %get3A_189, %dot_general3A_190 {dimension_numbers = #tpu.dot_dimension_numbers<[1], [0], [0], [1], [0, 0, 1, 1], [], []>, transpose_lhs_hint = false} : vector<256x64xf32>, vector<64x3xf32>, vector<256x3xf32> -> vector<256x3xf32>
    %max3A_192 = arith.maximumf %max3A_179, %dot_general3A_191 : vector<256x3xf32>
    %get3A_193 = arith.constant 0 : index
    %get3A_194 = arith.constant 960 : index
    %get3A_195 = vector.load %arg2[%get3A_193, %get3A_194] : memref<256x1024xf32, #tpu.memory_space<vmem>>, vector<256x64xf32>
    %add3A_196 = arith.addf %get3A_1, %get3A_195 : vector<256x64xf32>
    %max3A_197 = arith.constant 0.000000e+00 : f32
    %max3A_198 = vector.broadcast %max3A_197 : f32 to vector<256x64xf32>
    %max3A_199 = arith.maximumf %add3A_196, %max3A_198 : vector<256x64xf32>
    %get3A_200 = arith.constant 0 : index
    %get3A_201 = arith.constant 0 : index
    %get3A_202 = vector.load %arg3[%get3A_200, %get3A_201] : memref<64x3xf32, #tpu.memory_space<vmem>>, vector<64x3xf32>
    %dot_general3A_203 = arith.constant dense<0.000000e+00> : vector<256x3xf32>
    %dot_general3A_204 = tpu.matmul %max3A_199, %get3A_202, %dot_general3A_203 {dimension_numbers = #tpu.dot_dimension_numbers<[1], [0], [0], [1], [0, 0, 1, 1], [], []>, transpose_lhs_hint = false} : vector<256x64xf32>, vector<64x3xf32>, vector<256x3xf32> -> vector<256x3xf32>
    %max3A_205 = arith.maximumf %max3A_192, %dot_general3A_204 : vector<256x3xf32>
    %get3A_206 = arith.constant 0 : index
    %get3A_207 = arith.constant 0 : index
    %get3A_208 = vector.load %arg4[%get3A_206, %get3A_207] : memref<1x3xf32, #tpu.memory_space<vmem>>, vector<1x3xf32>
    %add3A_209 = vector.broadcast %get3A_208 : vector<1x3xf32> to vector<256x3xf32>
    %add3A_210 = arith.addf %max3A_205, %add3A_209 : vector<256x3xf32>
    %get3A_211 = arith.constant 0 : index
    %get3A_212 = arith.constant 0 : index
    %get3A_213 = vector.load %arg5[%get3A_211, %get3A_212] : memref<256x3xf32, #tpu.memory_space<vmem>>, vector<256x3xf32>
    %add3A_214 = arith.addf %add3A_210, %get3A_213 : vector<256x3xf32>
    %swap3A = arith.constant 0 : index
    %swap3A_215 = arith.constant 0 : index
    %swap3A_216 = vector.load %arg6[%swap3A, %swap3A_215] : memref<256x3xf32, #tpu.memory_space<vmem>>, vector<256x3xf32>
    tpu.vector_store %arg6[%swap3A, %swap3A_215], %add3A_214 {strides = array<i32>} : memref<256x3xf32, #tpu.memory_space<vmem>>, vector<256x3xf32>,
    return
  }
  func.func @transform_0(%arg0: i32) -> (i32, i32) {
    %c0_i32 = arith.constant 0 : i32
    %c0_i32_0 = arith.constant 0 : i32
    return %arg0, %c0_i32 : i32, i32
  }
  func.func @transform_1(%arg0: i32) -> (i32, i32) {
    %c0_i32 = arith.constant 0 : i32
    %c0_i32_0 = arith.constant 0 : i32
    return %arg0, %c0_i32 : i32, i32
  }
  func.func @transform_2(%arg0: i32) -> (i32, i32) {
    %c0_i32 = arith.constant 0 : i32
    %c0_i32_0 = arith.constant 0 : i32
    %c0_i32_1 = arith.constant 0 : i32
    return %c0_i32, %c0_i32_0 : i32, i32
  }
  func.func @transform_3(%arg0: i32) -> (i32, i32) {
    %c0_i32 = arith.constant 0 : i32
    %c0_i32_0 = arith.constant 0 : i32
    %c0_i32_1 = arith.constant 0 : i32
    return %c0_i32, %c0_i32_0 : i32, i32
  }
  func.func @transform_4(%arg0: i32) -> (i32, i32) {
    %c0_i32 = arith.constant 0 : i32
    %c0_i32_0 = arith.constant 0 : i32
    return %arg0, %c0_i32 : i32, i32
  }
  func.func @transform_5(%arg0: i32) -> (i32, i32) {
    %c0_i32 = arith.constant 0 : i32
    %c0_i32_0 = arith.constant 0 : i32
    return %arg0, %c0_i32 : i32, i32
  }
}

</mosaic_0001>

<sc_bundles>
// kernel: kernel.18.cloned.1.call-start
scs
__scs_entry_jumppad:
0x0: {  	(pc) =	sbr.rel $0x88, $3  }
0x1: {  	(tag) =	ssettag $0x0;
	lr =	simm.s32 $0x1  }
0x2: {  	[smem:$0x3F83] =	sst lr;
	_ =	strace $0xD0000000  }
0x3: {  	_ = 	snop  }
0x4: {  	_ = 	snop  }
0x5: {  	_ = 	snop  }
0x6: {  	_ = 	snop  }
0x7: {  	_ = 	snop  }
__scs_overlays_trampoline_lowered:
0x8: {  	[smem:$0x3F92] =	sst s0  }
0x9: {  	[smem:$0x3F93] =	sst s1  }
0xa: {  	[smem:$0x3F94] =	sst s2  }
0xb: {  	[smem:$0x3F95] =	sst s3  }
0xc: {  	[smem:$0x3F96] =	sst s4  }
0xd: {  	[smem:$0x3F97] =	sst s5  }
0xe: {  	[smem:$0x3F98] =	sst s6  }
0xf: {  	[smem:$0x3F99] =	sst s7  }
0x10: {  	[smem:$0x3F9A] =	sst s8  }
0x11: {  	[smem:$0x3F9B] =	sst s9;
	s0 =	simm.s32 @!p0 $0x0  }
0x12: {  	s1 =	sld [smem:$0x3F81];
	s0 =	simm.s32 @p0 $0x1  }
0x13: {  	[smem:$0x3F9C] =	sst s0;
	s0 =	simm.s32 @!p1 $0x0  }
0x14: {  	s2 =	sld [smem:$0x3F80];
	s0 =	simm.s32 @p1 $0x1  }
0x15: {  	[smem:$0x3F9D] =	sst s0;
	s0 =	simm.s32 @!p2 $0x0  }
0x16: {  	s3 =	sld [smem:$0x3FDB];
	s0 =	simm.s32 @p2 $0x1  }
0x17: {  	s4 =	simm.s32 $0x1BF5;
	[smem:$0x3F9F] =	sst s0  }
0x18: {  	s0 =	sld [smem:$0x3F82];
	_ =	swait.ge [sflag:s4], $0x0  }
0x19: {  	s7 =	sld [smem:$0x3F83]  }
0x1a: {  	s8 =	sadd.s32 $0xFFFFE003, lr  }
0x1b: {  	s9 =	sadd.s32 $0xFFFFFEF7, lr;
	s5 =	simm.s32 $0xFFFFFFFF;
	p2 =	slt.u32 s8, $0xFFFFF086  }
0x1c: {  	p1 =	slt.u32 s9, $0xF7A;
	s5 =	simm.s32 @!p2 $0x0  }
0x1d: {  	s5 =	simm.s32 @p1 $0x1;
	p0 =	seq.s32 s7, s2  }
0x1e: {  	s7 =	smul.u32 @!p0 $0xF7A, s2;
	p2 =	seq.s32 @!p0 s5, $0x0  }
0x1f: {  	s9 =	smul.u32 $0xF7A, s1;
	s8 =	simm.s32 @!p0 $0x1BF5;
	p2 =	por !p2, p0  }
0x20: {  	[sflag:s8] =	ssyncset.s32 @!p0 $0xFFFFF086;
	s6 =	sadd.s32 @!p0 s3, s7;
	s7 =	simm.s32 @!p0 $0x108  }
0x21: {  	s3 =	sadd.s32 s3, s9;
	s6 =	sadd.s32 @!p0 $0x88, s6;
	s7 =	simm.s32 @p2 $0x1082  }
0x22: {  	[simem:s7], [sflag:s8] =	dma.local @!p0 [hbm:s6], $0xF7A  }
0x23: {  	s9 =	sor.u32 $0xD0000000, s2;
	s6 =	simm.s32 $0x108;
	_ =	swait.ge @!p0 [sflag:s8], $0x0  }
0x24: {  	s3 =	sadd.s32 $0x88, s3;
	s6 =	simm.s32 @!p1 $0x1082;
	[sflag:s4] =	ssyncset.s32 $0xFFFFF086  }
0x25: {  	[simem:s6], [sflag:s4] =	dma.local [hbm:s3], $0xF7A  }
0x26: {  	[smem:$0x3F83] =	sst s1;
	(tag) =	ssettag s2;
	_ =	strace s9  }
0x27: {  	s1 =	sld [smem:$0x3F93]  }
0x28: {  	s2 =	sld [smem:$0x3F94]  }
0x29: {  	s4 =	sld [smem:$0x3F96]  }
0x2a: {  	p0 =	seq.s32 s5, $0x0;
	s5 =	sld [smem:$0x3F97]  }
0x2b: {  	s6 =	sld [smem:$0x3F98]  }
0x2c: {  	s7 =	sld [smem:$0x3F99]  }
0x2d: {  	s3 =	simm.s32 $0x108;
	s8 =	sld [smem:$0x3F9A]  }
0x2e: {  	s3 =	simm.s32 @!p0 $0x1082;
	s9 =	sld [smem:$0x3F9B]  }
0x2f: {  	lr =	sadd.s32 s0, s3;
	s0 =	sld [smem:$0x3F92]  }
0x30: {  	s3 =	sld [smem:$0x3F95]  }
0x31: {  	[smem:$0x3F9E] =	sst s10  }
0x32: {  	s10 =	sld [smem:$0x3F9C];
	_ =	sdelay $0x3  }
0x33: {  	p0 =	seq.s32 s10, $0x1;
	s10 =	sld [smem:$0x3F9E];
	_ =	sdelay $0x3  }
0x34: {  	[smem:$0x3F9E] =	sst s10  }
0x35: {  	s10 =	sld [smem:$0x3F9D];
	_ =	sdelay $0x3  }
0x36: {  	p1 =	seq.s32 s10, $0x1;
	s10 =	sld [smem:$0x3F9E];
	_ =	sdelay $0x3  }
0x37: {  	[smem:$0x3F9E] =	sst s10  }
0x38: {  	s10 =	sld [smem:$0x3F9F]  }
0x39: {  	_ = 	snop;
	(pc) =	sbr.ind lr, $3  }
0x3a: {  	_ = 	snop  }
0x3b: {  	_ = 	snop  }
0x3c: {  	p2 =	seq.s32 s10, $0x1;
	s10 =	sld [smem:$0x3F9E]  }
0x3d: {  	_ =	shalt  }
0x3e: {  	_ =	shalt  }
0x3f: {  	_ =	shalt  }
0x40: {  	_ =	shalt  }
0x41: {  	_ =	shalt  }
0x42: {  	_ =	shalt  }
0x43: {  	_ =	shalt  }
0x44: {  	_ =	shalt  }
0x45: {  	_ =	shalt  }
0x46: {  	_ =	shalt  }
0x47: {  	_ =	shalt  }
0x48: {  	_ =	shalt  }
0x49: {  	_ =	shalt  }
0x4a: {  	_ =	shalt  }
0x4b: {  	_ =	shalt  }
0x4c: {  	_ =	shalt  }
0x4d: {  	_ =	shalt  }
0x4e: {  	_ =	shalt  }
0x4f: {  	_ =	shalt  }
0x50: {  	_ =	shalt  }
0x51: {  	_ =	shalt  }
0x52: {  	_ =	shalt  }
0x53: {  	_ =	shalt  }
0x54: {  	_ =	shalt  }
0x55: {  	_ =	shalt  }
0x56: {  	_ =	shalt  }
0x57: {  	_ =	shalt  }
0x58: {  	_ =	shalt  }
0x59: {  	_ =	shalt  }
0x5a: {  	_ =	shalt  }
0x5b: {  	_ =	shalt  }
0x5c: {  	_ =	shalt  }
0x5d: {  	_ =	shalt  }
0x5e: {  	_ =	shalt  }
0x5f: {  	_ =	shalt  }
0x60: {  	_ =	shalt  }
0x61: {  	_ =	shalt  }
0x62: {  	_ =	shalt  }
0x63: {  	_ =	shalt  }
0x64: {  	_ =	shalt  }
0x65: {  	_ =	shalt  }
0x66: {  	_ =	shalt  }
0x67: {  	_ =	shalt  }
0x68: {  	_ =	shalt  }
0x69: {  	_ =	shalt  }
0x6a: {  	_ =	shalt  }
0x6b: {  	_ =	shalt  }
0x6c: {  	_ =	shalt  }
0x6d: {  	_ =	shalt  }
0x6e: {  	_ =	shalt  }
0x6f: {  	_ =	shalt  }
0x70: {  	_ =	shalt  }
0x71: {  	_ =	shalt  }
0x72: {  	_ =	shalt  }
0x73: {  	_ =	shalt  }
0x74: {  	_ =	shalt  }
0x75: {  	_ =	shalt  }
0x76: {  	_ =	shalt  }
0x77: {  	_ =	shalt  }
0x78: {  	_ =	shalt  }
0x79: {  	_ =	shalt  }
0x7a: {  	_ =	shalt  }
0x7b: {  	_ =	shalt  }
0x7c: {  	_ =	shalt  }
0x7d: {  	_ =	shalt  }
0x7e: {  	_ =	shalt  }
0x7f: {  	_ =	shalt  }
0x80: {  	_ =	shalt  }
0x81: {  	_ =	shalt  }
0x82: {  	_ =	shalt  }
0x83: {  	_ =	shalt  }
0x84: {  	_ =	shalt  }
0x85: {  	_ =	shalt  }
0x86: {  	_ =	shalt  }
0x87: {  	_ =	shalt  }
.Lfunc_end0:
.L_simem_size_0:
called_computation_lowered:
.L_overlay_start_0:
0x88: {  	s2 =	sld [smem:$0x3FD9]  }
0x89: {  	s3 =	sld [smem:$0x3FFE];
	_ =	sdelay $0x1  }
0x8a: {  	s1 =	srdreg.scid  }
0x8b: {  	s0 =	sand.u32 $0x1, s1  }
0x8c: {  	s17 =	sshll.u32 s0, $0xA;
	s2 =	sadd.s32 s3, s2  }
0x8d: {  	s2 =	sadd.s32 s2, s17  }
0x8e: {  	[smem:$0x3FAA] =	sst s2  }
0x8f: {  	_ = 	snop  }
0x90: {  	s18 =	sld [smem:$0x3FD0];
	(tm) =	ssettm $0x1  }
0x91: {  	s19 =	sld [smem:$0x3FFB];
	_ =	sdelay $0x3  }
0x92: {  	_ =	strace s19  }
0x93: {  	s2 =	sld [smem:$0x3FFC];
	_ =	sdelay $0x3  }
0x94: {  	_ =	strace s2  }
0x95: {  	s2 =	sld [smem:$0x3FFD];
	_ =	sdelay $0x3  }
0x96: {  	_ =	strace s2  }
0x97: {  	_ =	strace $0x8FFFFFFF  }
0x98: {  	s20 =	sld [smem:$0x3FDB];
	_ =	sdelay $0x1  }
0x99: {  	s4 =	simm.s32 $_scs_section_size  }
0x9a: {  	s5 =	simm.s32 $_size__tile_overlayer_lowered;
	s6 =	simm.s32 $_tile_overlayer_lowered  }
0x9b: {  	s7 =	simm.s32 $0x1BFF;
	s21 =	sshll.u32 s6, $0x1;
	s4 =	sadd.s32 s4, s20  }
0x9c: {  	s22 =	simm.s32 $0x0;
	s5 =	sshll.u32 s5, $0x1;
	s6 =	sadd.s32 s21, s4  }
0x9d: {  	[timem:s22], [sflag:s7] =	dma.local [hbm:s6], s5  }
0x9e: {  	_ =	swait.ge [sflag:s7], s5  }
0x9f: {  	s5 =	ssub.s32 $0x0, s5;
	[sflag:s7] =	ssyncset.done $0x0  }
0xa0: {  	[sflag:s7] =	ssyncadd.s32 s5;
	_ =	sdelay $0x1  }
0xa1: {  	s23 =	simm.s32 $0x1B8B  }
0xa2: {  	_ =	swait.ge [sflag:s23], $0x1  }
0xa3: {  	[sflag:s23] =	ssyncset.done $0x0  }
0xa4: {  	[sflag:s23] =	ssyncadd.s32 $0xFFFFFFFF  }
0xa5: {  	s5 =	sld [smem:$0x0]  }
0xa6: {  	s6 =	sand.u32 $0xFFFFFFFE, s1  }
0xa7: {  	p0 =	sne.s32 s1, s6  }
0xa8: {  	s6 =	sshll.u32 @p0 s6, $0xE  }
0xa9: {  	s6 =	sadd.s32 @p0 $0x11B8D, s6;
	s7 =	sshll.u32 @p0 s5, $0x11  }
0xaa: {  	s6 =	sor.u32 @p0 s7, s6  }
0xab: {  	[sflag:s6] =	ssyncadd.remote.s32 @p0 $0x1;
	_ =	sdelay $0x1  }
0xac: {  	s6 =	simm.s32 @p0 $0x1B8D  }
0xad: {  	_ =	swait.eq @p0 [sflag:s6], $0x1  }
0xae: {  	[sflag:s6] =	ssyncadd.s32 @p0 $0xFFFFFFFF  }
0xaf: {  	s7 =	sshll.u32 @!p0 s1, $0xE  }
0xb0: {  	s7 =	sor.u32 @!p0 $0x4000, s7;
	s6 =	simm.s32 @!p0 $0x1B8D  }
0xb1: {  	s5 =	sshll.u32 @!p0 s5, $0x11;
	s7 =	sadd.s32 @!p0 $0x11B8D, s7;
	_ =	swait.eq @!p0 [sflag:s6], $0x1  }
0xb2: {  	s5 =	sor.u32 @!p0 s5, s7;
	[sflag:s6] =	ssyncadd.s32 @!p0 $0xFFFFFFFF  }
0xb3: {  	s25 =	simm.s32 $0x1B8E;
	s24 =	sld [smem:$0x3FFE];
	[sflag:s5] =	ssyncadd.remote.s32 @!p0 $0x1  }
0xb4: {  	s26 =	simm.s32 $execute0_lowered;
	[smem:$0x3FD2] =	sst s25  }
0xb5: {  	s6 =	sshll.u32 s26, $0x1;
	_ =	strace $0x80000049;
	[dreg:$0x1] =	wrdreg $0xFFFFFFFF  }
0xb6: {  	s28 =	simm.s32 $_size_execute0_lowered;
	s4 =	sadd.s32 s4, s6;
	[dreg:$0x0] =	wrdreg $0x0  }
0xb7: {  	s6 =	sshll.u32 s28, $0x1;
	[dreg:$0x2] =	wrdreg s4  }
0xb8: {  	[dreg:$0x3] =	wrdreg s6  }
0xb9: {  	[dreg:$0x4] =	wrdreg $0xC0  }
0xba: {  	_ =	task [dreg:s22], $0x5FFFF  }
0xbb: {  	[dreg:$0x1] =	wrdreg $0xFFFFFFFF  }
0xbc: {  	[dreg:$0x0] =	wrdreg $0x60  }
0xbd: {  	[dreg:$0x2] =	wrdreg s24  }
0xbe: {  	[dreg:$0x3] =	wrdreg s18  }
0xbf: {  	[dreg:$0x4] =	wrdreg $0x9  }
0xc0: {  	_ =	task.clear_ibuf [dreg:s22], $0x5FFFF;
	_ =	strace $0x90000049  }
0xc1: {  	s29 =	simm.s32 $0x9;
	_ =	strace $0x8000004B  }
0xc2: {  	_ =	swait.ge [sflag:s29], $0x1  }
0xc3: {  	[sflag:s29] =	ssyncadd.s32 $0xFFFFFFFF  }
0xc4: {  	_ =	strace $0x9000004B  }
0xc5: {  	_ =	sfence  }
0xc6: {  	s30 =	sld [smem:$0x0];
	_ =	sdelay $0x2  }
0xc7: {  	s31 =	sshll.u32 s1, $0xD;
	s1 =	sshrl.u32 s1, $0x2  }
0xc8: {  	s4 =	sand.u32 $0x4000, s31;
	s1 =	sadd.s32 s1, s30  }
0xc9: {  	s0 =	sor.u32 s4, s0;
	s1 =	sshll.u32 s1, $0x11  }
0xca: {  	s0 =	sor.u32 s1, s0  }
0xcb: {  	s0 =	sadd.s32 $0x8F2B, s0  }
0xcc: {  	[sflag:s0] =	ssyncadd.remote.s32 $0x1  }
0xcd: {  	_ =	sfence.sel $0xFFFF  }
0xce: {  	[dreg:$0x0] =	wrdreg $0xFFFFFFFF;
	(pc) =	sbr.abs _section_cstart, $3  }
0xcf: {  	[dreg:$0x1] =	wrdreg $0xFFFFFFFF  }
0xd0: {  	_ =	task.clear_ibuf [dreg:s22], $0x2FFFF;
	_ =	strace $0x9FFFFFFF  }
0xd1: {  	(tm) =	ssettm $0x7FFFFFFF  }
tec
execute0_lowered:
.L_overlay_start_1:
0x0: {  	(tag) =	ssettag $0x1  }
0x1: {  	s1 =	srdreg.scid  }
0x2: {  	s10 =	rddreg [dreg:$0x0];
	s0 =	stileid.u32;
	s16 =	sand.u32 $0x1, s1  }
0x3: {  	s3 =	rddreg [dreg:$0x1];
	s4 =	sshll.u32 s0, $0xB;
	s5 =	sshll.u32 s16, $0xA  }
0x4: {  	s2 =	simm.s32 $0x0;
	s1 =	rddreg [dreg:$0x2];
	s11 =	sor.u32 s5, s4  }
0x5: {  	[smem:$0x7FF] =	sst s2;
	s4 =	sshrl.u32 s11, $0x3  }
0x6: {  	_ =	strace $0x8000004A;
	s4 =	sadd.s32 s3, s4;
	s3 =	simm.s32 $0x3  }
0x7: {  	[tilespmem:s2], [sflag:$0x3] =	stream.linear.gather [hbm4b:s4+s2], $0x400, $0x38;
	[tilespmem:$0x10400] =	vst v63  }
0x8: {  	_ =	swait.ge [sflag:s3], $0x400  }
0x9: {  	s6 =	simm.s32 $0x100;
	[sflag:s3] =	ssyncset.done $0x0  }
0xa: {  	s7 =	simm.s32 $0x400;
	s5 =	sadd.s32 $0x2E800, s10;
	[sflag:s3] =	ssyncadd.s32 $0xFFFFFC00  }
0xb: {  	[tilespmem:s7], [sflag:$0x1] =	stream.indirect.gather [hbm4b:s5+s6], $0x80, s2, s6, $0xb8;
	[tilespmem:$0x10400] =	vst v63  }
0xc: {  	s8 =	simm.s32 $0x8400;
	s9 =	simm.s32 $0x1  }
0xd: {  	[tilespmem:s8], [sflag:$0x2] =	stream.indirect.gather [hbm4b:s5+s6], $0x80, s6, s6, $0xb8;
	[tilespmem:$0x10400] =	vst v63  }
0xe: {  	s11 =	sshll.u32 s11, $0x4;
	_ =	swait.ge [sflag:s9], $0x8000  }
0xf: {  	s17 =	sadd.s32 s11, s10;
	[sflag:s9] =	ssyncset.done $0x0  }
0x10: {  	s10 =	sadd.s32 $0x36800, s17;
	[sflag:s9] =	ssyncadd.s32 $0xFFFF8000  }
0x11: {  	[hbm4b:s10+s2] =	stream.linear.scatter [tilespmem:s7], [sflag:$0x3], $0x8000, $0x38;
	[tilespmem:$0x10400] =	vst v63  }
0x12: {  	_ =	swait.ge [sflag:s3], $0x8000  }
0x13: {  	[sflag:s3] =	ssyncset.done $0x0  }
0x14: {  	s12 =	simm.s32 $0x2;
	s11 =	simm.s32 $0x200;
	[sflag:s3] =	ssyncadd.s32 $0xFFFF8000  }
0x15: {  	[tilespmem:s7], [sflag:$0x1] =	stream.indirect.gather [hbm4b:s5+s6], $0x80, s11, s6, $0xb8;
	[tilespmem:$0x10400] =	vst v63  }
0x16: {  	_ =	swait.ge [sflag:s12], $0x8000  }
0x17: {  	[sflag:s12] =	ssyncset.done $0x0  }
0x18: {  	s13 =	sadd.s32 $0x37800, s17;
	[sflag:s12] =	ssyncadd.s32 $0xFFFF8000  }
0x19: {  	[hbm4b:s13+s2] =	stream.linear.scatter [tilespmem:s8], [sflag:$0x3], $0x8000, $0x38;
	[tilespmem:$0x10400] =	vst v63  }
0x1a: {  	_ =	swait.ge [sflag:s3], $0x8000  }
0x1b: {  	[sflag:s3] =	ssyncset.done $0x0  }
0x1c: {  	s14 =	simm.s32 $0x300;
	[sflag:s3] =	ssyncadd.s32 $0xFFFF8000  }
0x1d: {  	[tilespmem:s8], [sflag:$0x2] =	stream.indirect.gather [hbm4b:s5+s6], $0x80, s14, s6, $0xb8;
	[tilespmem:$0x10400] =	vst v63  }
0x1e: {  	_ =	swait.ge [sflag:s9], $0x8000  }
0x1f: {  	[sflag:s9] =	ssyncset.done $0x0  }
0x20: {  	s16 =	ssub.s32 $0x2, s16;
	s15 =	sadd.s32 $0x38800, s17;
	[sflag:s9] =	ssyncadd.s32 $0xFFFF8000  }
0x21: {  	[hbm4b:s15+s2] =	stream.linear.scatter [tilespmem:s7], [sflag:$0x3], $0x8000, $0x38;
	[tilespmem:$0x10400] =	vst v63  }
0x22: {  	s18 =	sshrl.u32 s16, $0x1;
	_ =	swait.ge [sflag:s3], $0x8000  }
0x23: {  	s18 =	ssub.s32 s16, s18;
	[sflag:s3] =	ssyncset.done $0x0  }
0x24: {  	s31 =	smax.u32 s18, $0x1;
	[sflag:s3] =	ssyncadd.s32 $0xFFFF8000  }
0x25: {  	p0 =	sne.s32 s31, $0x1;
	_ =	swait.ge [sflag:s12], $0x8000  }
.Ltmp0:
0x26: {  	[sflag:s12] =	ssyncset.done $0x0;
	(pc) =	sbr.rel @!p0 .LBB2_2-.Ltmp0, $4  }
0x27: {  	s16 =	sadd.s32 $0x39800, s17;
	[sflag:s12] =	ssyncadd.s32 $0xFFFF8000  }
0x28: {  	[hbm4b:s16+s2] =	stream.linear.scatter [tilespmem:s8], [sflag:$0x3], $0x8000, $0x38;
	[tilespmem:$0x10400] =	vst v63  }
0x29: {  	_ =	swait.ge [sflag:s3], $0x8000  }
0x2a: {  	s17 =	sadd.s32 $0xFFFFFFFF, s31;
	[sflag:s3] =	ssyncset.done $0x0  }
.LBB2_1:
0x2b: {  	p0 =	sne.s32 s17, $0x1;
	s17 =	sadd.s32 $0xFFFFFFFF, s17;
	[sflag:s3] =	ssyncadd.s32 $0xFFFF8000  }
0x2c: {  	[tilespmem:s2], [sflag:$0x3] =	stream.linear.gather [hbm4b:s4+s2], $0x400, $0x38;
	[tilespmem:$0x10400] =	vst v63  }
0x2d: {  	_ =	swait.ge [sflag:s3], $0x400  }
0x2e: {  	[sflag:s3] =	ssyncset.done $0x0  }
0x2f: {  	[sflag:s3] =	ssyncadd.s32 $0xFFFFFC00  }
0x30: {  	[tilespmem:s7], [sflag:$0x1] =	stream.indirect.gather [hbm4b:s5+s6], $0x80, s2, s6, $0xb8;
	[tilespmem:$0x10400] =	vst v63  }
0x31: {  	_ = 	snop  }
0x32: {  	[tilespmem:s8], [sflag:$0x2] =	stream.indirect.gather [hbm4b:s5+s6], $0x80, s6, s6, $0xb8;
	[tilespmem:$0x10400] =	vst v63  }
0x33: {  	_ =	swait.ge [sflag:s9], $0x8000  }
0x34: {  	[sflag:s9] =	ssyncset.done $0x0  }
0x35: {  	[sflag:s9] =	ssyncadd.s32 $0xFFFF8000  }
0x36: {  	[hbm4b:s10+s2] =	stream.linear.scatter [tilespmem:s7], [sflag:$0x3], $0x8000, $0x38;
	[tilespmem:$0x10400] =	vst v63  }
0x37: {  	_ =	swait.ge [sflag:s3], $0x8000  }
0x38: {  	[sflag:s3] =	ssyncset.done $0x0  }
0x39: {  	[sflag:s3] =	ssyncadd.s32 $0xFFFF8000  }
0x3a: {  	[tilespmem:s7], [sflag:$0x1] =	stream.indirect.gather [hbm4b:s5+s6], $0x80, s11, s6, $0xb8;
	[tilespmem:$0x10400] =	vst v63  }
0x3b: {  	_ =	swait.ge [sflag:s12], $0x8000  }
0x3c: {  	[sflag:s12] =	ssyncset.done $0x0  }
0x3d: {  	[sflag:s12] =	ssyncadd.s32 $0xFFFF8000  }
0x3e: {  	[hbm4b:s13+s2] =	stream.linear.scatter [tilespmem:s8], [sflag:$0x3], $0x8000, $0x38;
	[tilespmem:$0x10400] =	vst v63  }
0x3f: {  	_ =	swait.ge [sflag:s3], $0x8000  }
0x40: {  	[sflag:s3] =	ssyncset.done $0x0  }
0x41: {  	[sflag:s3] =	ssyncadd.s32 $0xFFFF8000  }
0x42: {  	[tilespmem:s8], [sflag:$0x2] =	stream.indirect.gather [hbm4b:s5+s6], $0x80, s14, s6, $0xb8;
	[tilespmem:$0x10400] =	vst v63  }
0x43: {  	_ =	swait.ge [sflag:s9], $0x8000  }
0x44: {  	[sflag:s9] =	ssyncset.done $0x0  }
0x45: {  	[sflag:s9] =	ssyncadd.s32 $0xFFFF8000  }
0x46: {  	[hbm4b:s15+s2] =	stream.linear.scatter [tilespmem:s7], [sflag:$0x3], $0x8000, $0x38;
	[tilespmem:$0x10400] =	vst v63  }
0x47: {  	_ =	swait.ge [sflag:s3], $0x8000  }
0x48: {  	[sflag:s3] =	ssyncset.done $0x0  }
0x49: {  	[sflag:s3] =	ssyncadd.s32 $0xFFFF8000  }
0x4a: {  	_ =	swait.ge [sflag:s12], $0x8000  }
.Ltmp1:
0x4b: {  	[sflag:s12] =	ssyncset.done $0x0;
	(pc) =	sbr.rel @p0 .LBB2_1-.Ltmp1, $4  }
0x4c: {  	[sflag:s12] =	ssyncadd.s32 $0xFFFF8000  }
0x4d: {  	[hbm4b:s16+s2] =	stream.linear.scatter [tilespmem:s8], [sflag:$0x3], $0x8000, $0x38;
	[tilespmem:$0x10400] =	vst v63  }
0x4e: {  	_ =	swait.ge [sflag:s3], $0x8000  }
0x4f: {  	[sflag:s3] =	ssyncset.done $0x0  }
.LBB2_2:
0x50: {  	[sflag:s3] =	ssyncadd.s32 $0xFFFF8000  }
0x51: {  	_ =	sfence.sel $0x180000  }
0x52: {  	[bflag:$0x0] =	sbarrier.arrive $0xFFFF  }
0x53: {  	p0 =	sne.s32 s0, $0x0;
	_ =	strace $0x9000004A  }
0x54: {  	s0 =	sadd.s32 @!p0 $0x100000, s1;
	[bflag:$0x2] =	sbarrier.arrive $0xFFFF  }
0x55: {  	[sflag:s0] =	ssyncadd.tile.s32 @!p0 $0x1;
	_ =	shalt  }
.Lfunc_end2:
_tile_overlayer_lowered:
.L_overlay_start_2:
0x56: {  	(tag) =	ssettag $0x2  }
0x57: {  	s0 =	rddreg [dreg:$0x0];
	s2 =	stileid.u32  }
0x58: {  	s1 =	rddreg [dreg:$0x1];
	p0 =	sne.s32 s2, $0x0  }
0x59: {  	s3 =	rddreg [dreg:$0x2];
	[bflag:$0x3] =	sbarrier.arrive $0xFFFF;
	s2 =	simm.s32 @!p0 $0x1C03  }
0x5a: {  	[timem:s3], [sflag:s2] =	dma.local @!p0 [hbm:s0], s1  }
0x5b: {  	s0 =	simm.s32 @!p0 $0x3  }
0x5c: {  	_ =	swait.ge @!p0 [sflag:s0], s1  }
0x5d: {  	s1 =	ssub.s32 @!p0 $0x0, s1;
	[sflag:s0] =	ssyncset.done @!p0 $0x0  }
0x5e: {  	[sflag:s0] =	ssyncadd.s32 @!p0 s1  }
0x5f: {  	[bflag:$0x3] =	sbarrier.arrive $0xFFFF  }
0x60: {  	_ =	shalt  }

// kernel: kernel.21.cloned.1.call-start
scs
__scs_entry_jumppad:
0x0: {  	(pc) =	sbr.rel $0x88, $3  }
0x1: {  	(tag) =	ssettag $0x0;
	lr =	simm.s32 $0x1  }
0x2: {  	[smem:$0x3F83] =	sst lr;
	_ =	strace $0xD0000000  }
0x3: {  	_ = 	snop  }
0x4: {  	_ = 	snop  }
0x5: {  	_ = 	snop  }
0x6: {  	_ = 	snop  }
0x7: {  	_ = 	snop  }
__scs_overlays_trampoline_lowered:
0x8: {  	[smem:$0x3F92] =	sst s0  }
0x9: {  	[smem:$0x3F93] =	sst s1  }
0xa: {  	[smem:$0x3F94] =	sst s2  }
0xb: {  	[smem:$0x3F95] =	sst s3  }
0xc: {  	[smem:$0x3F96] =	sst s4  }
0xd: {  	[smem:$0x3F97] =	sst s5  }
0xe: {  	[smem:$0x3F98] =	sst s6  }
0xf: {  	[smem:$0x3F99] =	sst s7  }
0x10: {  	[smem:$0x3F9A] =	sst s8  }
0x11: {  	[smem:$0x3F9B] =	sst s9;
	s0 =	simm.s32 @!p0 $0x0  }
0x12: {  	s1 =	sld [smem:$0x3F81];
	s0 =	simm.s32 @p0 $0x1  }
0x13: {  	[smem:$0x3F9C] =	sst s0;
	s0 =	simm.s32 @!p1 $0x0  }
0x14: {  	s2 =	sld [smem:$0x3F80];
	s0 =	simm.s32 @p1 $0x1  }
0x15: {  	[smem:$0x3F9D] =	sst s0;
	s0 =	simm.s32 @!p2 $0x0  }
0x16: {  	s3 =	sld [smem:$0x3FDB];
	s0 =	simm.s32 @p2 $0x1  }
0x17: {  	s4 =	simm.s32 $0x1BF5;
	[smem:$0x3F9F] =	sst s0  }
0x18: {  	s0 =	sld [smem:$0x3F82];
	_ =	swait.ge [sflag:s4], $0x0  }
0x19: {  	s7 =	sld [smem:$0x3F83]  }
0x1a: {  	s8 =	sadd.s32 $0xFFFFE003, lr  }
0x1b: {  	s9 =	sadd.s32 $0xFFFFFEF7, lr;
	s5 =	simm.s32 $0xFFFFFFFF;
	p2 =	slt.u32 s8, $0xFFFFF086  }
0x1c: {  	p1 =	slt.u32 s9, $0xF7A;
	s5 =	simm.s32 @!p2 $0x0  }
0x1d: {  	s5 =	simm.s32 @p1 $0x1;
	p0 =	seq.s32 s7, s2  }
0x1e: {  	s7 =	smul.u32 @!p0 $0xF7A, s2;
	p2 =	seq.s32 @!p0 s5, $0x0  }
0x1f: {  	s9 =	smul.u32 $0xF7A, s1;
	s8 =	simm.s32 @!p0 $0x1BF5;
	p2 =	por !p2, p0  }
0x20: {  	[sflag:s8] =	ssyncset.s32 @!p0 $0xFFFFF086;
	s6 =	sadd.s32 @!p0 s3, s7;
	s7 =	simm.s32 @!p0 $0x108  }
0x21: {  	s3 =	sadd.s32 s3, s9;
	s6 =	sadd.s32 @!p0 $0x88, s6;
	s7 =	simm.s32 @p2 $0x1082  }
0x22: {  	[simem:s7], [sflag:s8] =	dma.local @!p0 [hbm:s6], $0xF7A  }
0x23: {  	s9 =	sor.u32 $0xD0000000, s2;
	s6 =	simm.s32 $0x108;
	_ =	swait.ge @!p0 [sflag:s8], $0x0  }
0x24: {  	s3 =	sadd.s32 $0x88, s3;
	s6 =	simm.s32 @!p1 $0x1082;
	[sflag:s4] =	ssyncset.s32 $0xFFFFF086  }
0x25: {  	[simem:s6], [sflag:s4] =	dma.local [hbm:s3], $0xF7A  }
0x26: {  	[smem:$0x3F83] =	sst s1;
	(tag) =	ssettag s2;
	_ =	strace s9  }
0x27: {  	s1 =	sld [smem:$0x3F93]  }
0x28: {  	s2 =	sld [smem:$0x3F94]  }
0x29: {  	s4 =	sld [smem:$0x3F96]  }
0x2a: {  	p0 =	seq.s32 s5, $0x0;
	s5 =	sld [smem:$0x3F97]  }
0x2b: {  	s6 =	sld [smem:$0x3F98]  }
0x2c: {  	s7 =	sld [smem:$0x3F99]  }
0x2d: {  	s3 =	simm.s32 $0x108;
	s8 =	sld [smem:$0x3F9A]  }
0x2e: {  	s3 =	simm.s32 @!p0 $0x1082;
	s9 =	sld [smem:$0x3F9B]  }
0x2f: {  	lr =	sadd.s32 s0, s3;
	s0 =	sld [smem:$0x3F92]  }
0x30: {  	s3 =	sld [smem:$0x3F95]  }
0x31: {  	[smem:$0x3F9E] =	sst s10  }
0x32: {  	s10 =	sld [smem:$0x3F9C];
	_ =	sdelay $0x3  }
0x33: {  	p0 =	seq.s32 s10, $0x1;
	s10 =	sld [smem:$0x3F9E];
	_ =	sdelay $0x3  }
0x34: {  	[smem:$0x3F9E] =	sst s10  }
0x35: {  	s10 =	sld [smem:$0x3F9D];
	_ =	sdelay $0x3  }
0x36: {  	p1 =	seq.s32 s10, $0x1;
	s10 =	sld [smem:$0x3F9E];
	_ =	sdelay $0x3  }
0x37: {  	[smem:$0x3F9E] =	sst s10  }
0x38: {  	s10 =	sld [smem:$0x3F9F]  }
0x39: {  	_ = 	snop;
	(pc) =	sbr.ind lr, $3  }
0x3a: {  	_ = 	snop  }
0x3b: {  	_ = 	snop  }
0x3c: {  	p2 =	seq.s32 s10, $0x1;
	s10 =	sld [smem:$0x3F9E]  }
0x3d: {  	_ =	shalt  }
0x3e: {  	_ =	shalt  }
0x3f: {  	_ =	shalt  }
0x40: {  	_ =	shalt  }
0x41: {  	_ =	shalt  }
0x42: {  	_ =	shalt  }
0x43: {  	_ =	shalt  }
0x44: {  	_ =	shalt  }
0x45: {  	_ =	shalt  }
0x46: {  	_ =	shalt  }
0x47: {  	_ =	shalt  }
0x48: {  	_ =	shalt  }
0x49: {  	_ =	shalt  }
0x4a: {  	_ =	shalt  }
0x4b: {  	_ =	shalt  }
0x4c: {  	_ =	shalt  }
0x4d: {  	_ =	shalt  }
0x4e: {  	_ =	shalt  }
0x4f: {  	_ =	shalt  }
0x50: {  	_ =	shalt  }
0x51: {  	_ =	shalt  }
0x52: {  	_ =	shalt  }
0x53: {  	_ =	shalt  }
0x54: {  	_ =	shalt  }
0x55: {  	_ =	shalt  }
0x56: {  	_ =	shalt  }
0x57: {  	_ =	shalt  }
0x58: {  	_ =	shalt  }
0x59: {  	_ =	shalt  }
0x5a: {  	_ =	shalt  }
0x5b: {  	_ =	shalt  }
0x5c: {  	_ =	shalt  }
0x5d: {  	_ =	shalt  }
0x5e: {  	_ =	shalt  }
0x5f: {  	_ =	shalt  }
0x60: {  	_ =	shalt  }
0x61: {  	_ =	shalt  }
0x62: {  	_ =	shalt  }
0x63: {  	_ =	shalt  }
0x64: {  	_ =	shalt  }
0x65: {  	_ =	shalt  }
0x66: {  	_ =	shalt  }
0x67: {  	_ =	shalt  }
0x68: {  	_ =	shalt  }
0x69: {  	_ =	shalt  }
0x6a: {  	_ =	shalt  }
0x6b: {  	_ =	shalt  }
0x6c: {  	_ =	shalt  }
0x6d: {  	_ =	shalt  }
0x6e: {  	_ =	shalt  }
0x6f: {  	_ =	shalt  }
0x70: {  	_ =	shalt  }
0x71: {  	_ =	shalt  }
0x72: {  	_ =	shalt  }
0x73: {  	_ =	shalt  }
0x74: {  	_ =	shalt  }
0x75: {  	_ =	shalt  }
0x76: {  	_ =	shalt  }
0x77: {  	_ =	shalt  }
0x78: {  	_ =	shalt  }
0x79: {  	_ =	shalt  }
0x7a: {  	_ =	shalt  }
0x7b: {  	_ =	shalt  }
0x7c: {  	_ =	shalt  }
0x7d: {  	_ =	shalt  }
0x7e: {  	_ =	shalt  }
0x7f: {  	_ =	shalt  }
0x80: {  	_ =	shalt  }
0x81: {  	_ =	shalt  }
0x82: {  	_ =	shalt  }
0x83: {  	_ =	shalt  }
0x84: {  	_ =	shalt  }
0x85: {  	_ =	shalt  }
0x86: {  	_ =	shalt  }
0x87: {  	_ =	shalt  }
.Lfunc_end0:
.L_simem_size_0:
called_computation.1_lowered:
.L_overlay_start_0:
0x88: {  	s2 =	sld [smem:$0x3FD9]  }
0x89: {  	s3 =	sld [smem:$0x3FFE];
	_ =	sdelay $0x1  }
0x8a: {  	s1 =	srdreg.scid  }
0x8b: {  	s0 =	sand.u32 $0x1, s1  }
0x8c: {  	s17 =	sshll.u32 s0, $0xA;
	s2 =	sadd.s32 s3, s2  }
0x8d: {  	s2 =	sadd.s32 s2, s17  }
0x8e: {  	[smem:$0x3FAA] =	sst s2  }
0x8f: {  	_ = 	snop  }
0x90: {  	s18 =	sld [smem:$0x3FD0];
	(tm) =	ssettm $0x1  }
0x91: {  	s19 =	sld [smem:$0x3FFB];
	_ =	sdelay $0x3  }
0x92: {  	_ =	strace s19  }
0x93: {  	s2 =	sld [smem:$0x3FFC];
	_ =	sdelay $0x3  }
0x94: {  	_ =	strace s2  }
0x95: {  	s2 =	sld [smem:$0x3FFD];
	_ =	sdelay $0x3  }
0x96: {  	_ =	strace s2  }
0x97: {  	_ =	strace $0x8FFFFFFF  }
0x98: {  	s20 =	sld [smem:$0x3FDB];
	_ =	sdelay $0x1  }
0x99: {  	s4 =	simm.s32 $_scs_section_size  }
0x9a: {  	s5 =	simm.s32 $_size__tile_overlayer_lowered;
	s6 =	simm.s32 $_tile_overlayer_lowered  }
0x9b: {  	s7 =	simm.s32 $0x1BFF;
	s21 =	sshll.u32 s6, $0x1;
	s4 =	sadd.s32 s4, s20  }
0x9c: {  	s22 =	simm.s32 $0x0;
	s5 =	sshll.u32 s5, $0x1;
	s6 =	sadd.s32 s21, s4  }
0x9d: {  	[timem:s22], [sflag:s7] =	dma.local [hbm:s6], s5  }
0x9e: {  	_ =	swait.ge [sflag:s7], s5  }
0x9f: {  	s5 =	ssub.s32 $0x0, s5;
	[sflag:s7] =	ssyncset.done $0x0  }
0xa0: {  	[sflag:s7] =	ssyncadd.s32 s5;
	_ =	sdelay $0x1  }
0xa1: {  	s23 =	simm.s32 $0x1B8B  }
0xa2: {  	_ =	swait.ge [sflag:s23], $0x1  }
0xa3: {  	[sflag:s23] =	ssyncset.done $0x0  }
0xa4: {  	[sflag:s23] =	ssyncadd.s32 $0xFFFFFFFF  }
0xa5: {  	s5 =	sld [smem:$0x0]  }
0xa6: {  	s6 =	sand.u32 $0xFFFFFFFE, s1  }
0xa7: {  	p0 =	sne.s32 s1, s6  }
0xa8: {  	s6 =	sshll.u32 @p0 s6, $0xE  }
0xa9: {  	s6 =	sadd.s32 @p0 $0x11B8D, s6;
	s7 =	sshll.u32 @p0 s5, $0x11  }
0xaa: {  	s6 =	sor.u32 @p0 s7, s6  }
0xab: {  	[sflag:s6] =	ssyncadd.remote.s32 @p0 $0x1;
	_ =	sdelay $0x1  }
0xac: {  	s6 =	simm.s32 @p0 $0x1B8D  }
0xad: {  	_ =	swait.eq @p0 [sflag:s6], $0x1  }
0xae: {  	[sflag:s6] =	ssyncadd.s32 @p0 $0xFFFFFFFF  }
0xaf: {  	s7 =	sshll.u32 @!p0 s1, $0xE  }
0xb0: {  	s7 =	sor.u32 @!p0 $0x4000, s7;
	s6 =	simm.s32 @!p0 $0x1B8D  }
0xb1: {  	s5 =	sshll.u32 @!p0 s5, $0x11;
	s7 =	sadd.s32 @!p0 $0x11B8D, s7;
	_ =	swait.eq @!p0 [sflag:s6], $0x1  }
0xb2: {  	s5 =	sor.u32 @!p0 s5, s7;
	[sflag:s6] =	ssyncadd.s32 @!p0 $0xFFFFFFFF  }
0xb3: {  	s25 =	simm.s32 $0x1B8E;
	s24 =	sld [smem:$0x3FFE];
	[sflag:s5] =	ssyncadd.remote.s32 @!p0 $0x1  }
0xb4: {  	s26 =	simm.s32 $execute0_lowered;
	[smem:$0x3FD2] =	sst s25  }
0xb5: {  	s6 =	sshll.u32 s26, $0x1;
	_ =	strace $0x8000004F;
	[dreg:$0x1] =	wrdreg $0xFFFFFFFF  }
0xb6: {  	s28 =	simm.s32 $_size_execute0_lowered;
	s4 =	sadd.s32 s4, s6;
	[dreg:$0x0] =	wrdreg $0x0  }
0xb7: {  	s6 =	sshll.u32 s28, $0x1;
	[dreg:$0x2] =	wrdreg s4  }
0xb8: {  	[dreg:$0x3] =	wrdreg s6  }
0xb9: {  	[dreg:$0x4] =	wrdreg $0xC0  }
0xba: {  	_ =	task [dreg:s22], $0x5FFFF  }
0xbb: {  	[dreg:$0x1] =	wrdreg $0xFFFFFFFF  }
0xbc: {  	[dreg:$0x0] =	wrdreg $0x60  }
0xbd: {  	[dreg:$0x2] =	wrdreg s24  }
0xbe: {  	[dreg:$0x3] =	wrdreg s18  }
0xbf: {  	[dreg:$0x4] =	wrdreg $0x9  }
0xc0: {  	_ =	task.clear_ibuf [dreg:s22], $0x5FFFF;
	_ =	strace $0x9000004F  }
0xc1: {  	s29 =	simm.s32 $0x9;
	_ =	strace $0x80000051  }
0xc2: {  	_ =	swait.ge [sflag:s29], $0x1  }
0xc3: {  	[sflag:s29] =	ssyncadd.s32 $0xFFFFFFFF  }
0xc4: {  	_ =	strace $0x90000051  }
0xc5: {  	_ =	sfence  }
0xc6: {  	s30 =	sld [smem:$0x0];
	_ =	sdelay $0x2  }
0xc7: {  	s31 =	sshll.u32 s1, $0xD;
	s1 =	sshrl.u32 s1, $0x2  }
0xc8: {  	s4 =	sand.u32 $0x4000, s31;
	s1 =	sadd.s32 s1, s30  }
0xc9: {  	s0 =	sor.u32 s4, s0;
	s1 =	sshll.u32 s1, $0x11  }
0xca: {  	s0 =	sor.u32 s1, s0  }
0xcb: {  	s0 =	sadd.s32 $0x8F2B, s0  }
0xcc: {  	[sflag:s0] =	ssyncadd.remote.s32 $0x1  }
0xcd: {  	_ =	sfence.sel $0xFFFF  }
0xce: {  	[dreg:$0x0] =	wrdreg $0xFFFFFFFF;
	(pc) =	sbr.abs _section_cstart, $3  }
0xcf: {  	[dreg:$0x1] =	wrdreg $0xFFFFFFFF  }
0xd0: {  	_ =	task.clear_ibuf [dreg:s22], $0x2FFFF;
	_ =	strace $0x9FFFFFFF  }
0xd1: {  	(tm) =	ssettm $0x7FFFFFFF  }
tec
execute0_lowered:
.L_overlay_start_1:
0x0: {  	(tag) =	ssettag $0x1  }
0x1: {  	s1 =	srdreg.scid  }
0x2: {  	s8 =	rddreg [dreg:$0x0];
	s0 =	stileid.u32  }
0x3: {  	s3 =	rddreg [dreg:$0x1];
	s2 =	simm.s32 $0x0;
	s6 =	sand.u32 $0x1, s1  }
0x4: {  	s4 =	sshll.u32 s0, $0xA;
	s1 =	rddreg [dreg:$0x2];
	s5 =	sshll.u32 s6, $0x9  }
0x5: {  	s7 =	simm.s32 $0x1;
	[smem:$0x7FF] =	sst s2;
	s9 =	sor.u32 s5, s4  }
0x6: {  	_ =	strace $0x80000050;
	s10 =	ssub.s32 $0x2, s6;
	s4 =	sshrl.u32 s9, $0x3  }
0x7: {  	s6 =	simm.s32 $0x200;
	s4 =	sadd.s32 s3, s4;
	s3 =	simm.s32 $0x2  }
0x8: {  	[tilespmem:s2], [sflag:$0x2] =	stream.linear.gather [hbm4b:s4+s2], $0x200, $0x38;
	[tilespmem:$0x8200] =	vst v63  }
0x9: {  	s5 =	sadd.s32 $0x12600, s8;
	s11 =	sshrl.u32 s10, $0x1;
	_ =	swait.ge [sflag:s3], $0x200  }
0xa: {  	s9 =	sshll.u32 s9, $0x3;
	s31 =	ssub.s32 s10, s11;
	[sflag:s3] =	ssyncset.done $0x0  }
0xb: {  	s8 =	sadd.s32 s9, s8;
	s9 =	smax.u32 s31, $0x1;
	[sflag:s3] =	ssyncadd.s32 $0xFFFFFE00  }
0xc: {  	[tilespmem:s6], [sflag:$0x1] =	stream.indirect.gather [hbm4b:s5+s6], $0x40, s2, s6, $0xb8;
	[tilespmem:$0x8200] =	vst v63  }
0xd: {  	p0 =	sne.s32 s9, $0x1;
	_ =	swait.ge [sflag:s7], $0x8000  }
.Ltmp0:
0xe: {  	[sflag:s7] =	ssyncset.done $0x0;
	(pc) =	sbr.rel @!p0 .LBB2_2-.Ltmp0, $4  }
0xf: {  	s8 =	sadd.s32 $0x16600, s8;
	[sflag:s7] =	ssyncadd.s32 $0xFFFF8000  }
0x10: {  	[hbm4b:s8+s2] =	stream.linear.scatter [tilespmem:s6], [sflag:$0x2], $0x8000, $0x38;
	[tilespmem:$0x8200] =	vst v63  }
0x11: {  	_ =	swait.ge [sflag:s3], $0x8000  }
0x12: {  	s9 =	sadd.s32 $0xFFFFFFFF, s9;
	[sflag:s3] =	ssyncset.done $0x0  }
.LBB2_1:
0x13: {  	p0 =	sne.s32 s9, $0x1;
	s9 =	sadd.s32 $0xFFFFFFFF, s9;
	[sflag:s3] =	ssyncadd.s32 $0xFFFF8000  }
0x14: {  	[tilespmem:s2], [sflag:$0x2] =	stream.linear.gather [hbm4b:s4+s2], $0x200, $0x38;
	[tilespmem:$0x8200] =	vst v63  }
0x15: {  	_ =	swait.ge [sflag:s3], $0x200  }
0x16: {  	[sflag:s3] =	ssyncset.done $0x0  }
0x17: {  	[sflag:s3] =	ssyncadd.s32 $0xFFFFFE00  }
0x18: {  	[tilespmem:s6], [sflag:$0x1] =	stream.indirect.gather [hbm4b:s5+s6], $0x40, s2, s6, $0xb8;
	[tilespmem:$0x8200] =	vst v63  }
0x19: {  	_ =	swait.ge [sflag:s7], $0x8000  }
.Ltmp1:
0x1a: {  	[sflag:s7] =	ssyncset.done $0x0;
	(pc) =	sbr.rel @p0 .LBB2_1-.Ltmp1, $4  }
0x1b: {  	[sflag:s7] =	ssyncadd.s32 $0xFFFF8000  }
0x1c: {  	[hbm4b:s8+s2] =	stream.linear.scatter [tilespmem:s6], [sflag:$0x2], $0x8000, $0x38;
	[tilespmem:$0x8200] =	vst v63  }
0x1d: {  	_ =	swait.ge [sflag:s3], $0x8000  }
0x1e: {  	[sflag:s3] =	ssyncset.done $0x0  }
.LBB2_2:
0x1f: {  	[sflag:s3] =	ssyncadd.s32 $0xFFFF8000  }
0x20: {  	_ =	sfence.sel $0x180000  }
0x21: {  	[bflag:$0x0] =	sbarrier.arrive $0xFFFF  }
0x22: {  	p0 =	sne.s32 s0, $0x0;
	_ =	strace $0x90000050  }
0x23: {  	s0 =	sadd.s32 @!p0 $0x100000, s1;
	[bflag:$0x2] =	sbarrier.arrive $0xFFFF  }
0x24: {  	[sflag:s0] =	ssyncadd.tile.s32 @!p0 $0x1;
	_ =	shalt  }
.Lfunc_end2:
_tile_overlayer_lowered:
.L_overlay_start_2:
0x25: {  	(tag) =	ssettag $0x2  }
0x26: {  	s0 =	rddreg [dreg:$0x0];
	s2 =	stileid.u32  }
0x27: {  	s1 =	rddreg [dreg:$0x1];
	p0 =	sne.s32 s2, $0x0  }
0x28: {  	s3 =	rddreg [dreg:$0x2];
	[bflag:$0x3] =	sbarrier.arrive $0xFFFF;
	s2 =	simm.s32 @!p0 $0x1C02  }
0x29: {  	[timem:s3], [sflag:s2] =	dma.local @!p0 [hbm:s0], s1  }
0x2a: {  	s0 =	simm.s32 @!p0 $0x2  }
0x2b: {  	_ =	swait.ge @!p0 [sflag:s0], s1  }
0x2c: {  	s1 =	ssub.s32 @!p0 $0x0, s1;
	[sflag:s0] =	ssyncset.done @!p0 $0x0  }
0x2d: {  	[sflag:s0] =	ssyncadd.s32 @!p0 s1  }
0x2e: {  	[bflag:$0x3] =	sbarrier.arrive $0xFFFF  }
0x2f: {  	_ =	shalt  }

// kernel: kernel.24.cloned.1.call-start
scs
__scs_entry_jumppad:
0x0: {  	(pc) =	sbr.rel $0x88, $3  }
0x1: {  	(tag) =	ssettag $0x0;
	lr =	simm.s32 $0x1  }
0x2: {  	[smem:$0x3F83] =	sst lr;
	_ =	strace $0xD0000000  }
0x3: {  	_ = 	snop  }
0x4: {  	_ = 	snop  }
0x5: {  	_ = 	snop  }
0x6: {  	_ = 	snop  }
0x7: {  	_ = 	snop  }
__scs_overlays_trampoline_lowered:
0x8: {  	[smem:$0x3F92] =	sst s0  }
0x9: {  	[smem:$0x3F93] =	sst s1  }
0xa: {  	[smem:$0x3F94] =	sst s2  }
0xb: {  	[smem:$0x3F95] =	sst s3  }
0xc: {  	[smem:$0x3F96] =	sst s4  }
0xd: {  	[smem:$0x3F97] =	sst s5  }
0xe: {  	[smem:$0x3F98] =	sst s6  }
0xf: {  	[smem:$0x3F99] =	sst s7  }
0x10: {  	[smem:$0x3F9A] =	sst s8  }
0x11: {  	[smem:$0x3F9B] =	sst s9;
	s0 =	simm.s32 @!p0 $0x0  }
0x12: {  	s1 =	sld [smem:$0x3F81];
	s0 =	simm.s32 @p0 $0x1  }
0x13: {  	[smem:$0x3F9C] =	sst s0;
	s0 =	simm.s32 @!p1 $0x0  }
0x14: {  	s2 =	sld [smem:$0x3F80];
	s0 =	simm.s32 @p1 $0x1  }
0x15: {  	[smem:$0x3F9D] =	sst s0;
	s0 =	simm.s32 @!p2 $0x0  }
0x16: {  	s3 =	sld [smem:$0x3FDB];
	s0 =	simm.s32 @p2 $0x1  }
0x17: {  	s4 =	simm.s32 $0x1BF5;
	[smem:$0x3F9F] =	sst s0  }
0x18: {  	s0 =	sld [smem:$0x3F82];
	_ =	swait.ge [sflag:s4], $0x0  }
0x19: {  	s7 =	sld [smem:$0x3F83]  }
0x1a: {  	s8 =	sadd.s32 $0xFFFFE003, lr  }
0x1b: {  	s9 =	sadd.s32 $0xFFFFFEF7, lr;
	s5 =	simm.s32 $0xFFFFFFFF;
	p2 =	slt.u32 s8, $0xFFFFF086  }
0x1c: {  	p1 =	slt.u32 s9, $0xF7A;
	s5 =	simm.s32 @!p2 $0x0  }
0x1d: {  	s5 =	simm.s32 @p1 $0x1;
	p0 =	seq.s32 s7, s2  }
0x1e: {  	s7 =	smul.u32 @!p0 $0xF7A, s2;
	p2 =	seq.s32 @!p0 s5, $0x0  }
0x1f: {  	s9 =	smul.u32 $0xF7A, s1;
	s8 =	simm.s32 @!p0 $0x1BF5;
	p2 =	por !p2, p0  }
0x20: {  	[sflag:s8] =	ssyncset.s32 @!p0 $0xFFFFF086;
	s6 =	sadd.s32 @!p0 s3, s7;
	s7 =	simm.s32 @!p0 $0x108  }
0x21: {  	s3 =	sadd.s32 s3, s9;
	s6 =	sadd.s32 @!p0 $0x88, s6;
	s7 =	simm.s32 @p2 $0x1082  }
0x22: {  	[simem:s7], [sflag:s8] =	dma.local @!p0 [hbm:s6], $0xF7A  }
0x23: {  	s9 =	sor.u32 $0xD0000000, s2;
	s6 =	simm.s32 $0x108;
	_ =	swait.ge @!p0 [sflag:s8], $0x0  }
0x24: {  	s3 =	sadd.s32 $0x88, s3;
	s6 =	simm.s32 @!p1 $0x1082;
	[sflag:s4] =	ssyncset.s32 $0xFFFFF086  }
0x25: {  	[simem:s6], [sflag:s4] =	dma.local [hbm:s3], $0xF7A  }
0x26: {  	[smem:$0x3F83] =	sst s1;
	(tag) =	ssettag s2;
	_ =	strace s9  }
0x27: {  	s1 =	sld [smem:$0x3F93]  }
0x28: {  	s2 =	sld [smem:$0x3F94]  }
0x29: {  	s4 =	sld [smem:$0x3F96]  }
0x2a: {  	p0 =	seq.s32 s5, $0x0;
	s5 =	sld [smem:$0x3F97]  }
0x2b: {  	s6 =	sld [smem:$0x3F98]  }
0x2c: {  	s7 =	sld [smem:$0x3F99]  }
0x2d: {  	s3 =	simm.s32 $0x108;
	s8 =	sld [smem:$0x3F9A]  }
0x2e: {  	s3 =	simm.s32 @!p0 $0x1082;
	s9 =	sld [smem:$0x3F9B]  }
0x2f: {  	lr =	sadd.s32 s0, s3;
	s0 =	sld [smem:$0x3F92]  }
0x30: {  	s3 =	sld [smem:$0x3F95]  }
0x31: {  	[smem:$0x3F9E] =	sst s10  }
0x32: {  	s10 =	sld [smem:$0x3F9C];
	_ =	sdelay $0x3  }
0x33: {  	p0 =	seq.s32 s10, $0x1;
	s10 =	sld [smem:$0x3F9E];
	_ =	sdelay $0x3  }
0x34: {  	[smem:$0x3F9E] =	sst s10  }
0x35: {  	s10 =	sld [smem:$0x3F9D];
	_ =	sdelay $0x3  }
0x36: {  	p1 =	seq.s32 s10, $0x1;
	s10 =	sld [smem:$0x3F9E];
	_ =	sdelay $0x3  }
0x37: {  	[smem:$0x3F9E] =	sst s10  }
0x38: {  	s10 =	sld [smem:$0x3F9F]  }
0x39: {  	_ = 	snop;
	(pc) =	sbr.ind lr, $3  }
0x3a: {  	_ = 	snop  }
0x3b: {  	_ = 	snop  }
0x3c: {  	p2 =	seq.s32 s10, $0x1;
	s10 =	sld [smem:$0x3F9E]  }
0x3d: {  	_ =	shalt  }
0x3e: {  	_ =	shalt  }
0x3f: {  	_ =	shalt  }
0x40: {  	_ =	shalt  }
0x41: {  	_ =	shalt  }
0x42: {  	_ =	shalt  }
0x43: {  	_ =	shalt  }
0x44: {  	_ =	shalt  }
0x45: {  	_ =	shalt  }
0x46: {  	_ =	shalt  }
0x47: {  	_ =	shalt  }
0x48: {  	_ =	shalt  }
0x49: {  	_ =	shalt  }
0x4a: {  	_ =	shalt  }
0x4b: {  	_ =	shalt  }
0x4c: {  	_ =	shalt  }
0x4d: {  	_ =	shalt  }
0x4e: {  	_ =	shalt  }
0x4f: {  	_ =	shalt  }
0x50: {  	_ =	shalt  }
0x51: {  	_ =	shalt  }
0x52: {  	_ =	shalt  }
0x53: {  	_ =	shalt  }
0x54: {  	_ =	shalt  }
0x55: {  	_ =	shalt  }
0x56: {  	_ =	shalt  }
0x57: {  	_ =	shalt  }
0x58: {  	_ =	shalt  }
0x59: {  	_ =	shalt  }
0x5a: {  	_ =	shalt  }
0x5b: {  	_ =	shalt  }
0x5c: {  	_ =	shalt  }
0x5d: {  	_ =	shalt  }
0x5e: {  	_ =	shalt  }
0x5f: {  	_ =	shalt  }
0x60: {  	_ =	shalt  }
0x61: {  	_ =	shalt  }
0x62: {  	_ =	shalt  }
0x63: {  	_ =	shalt  }
0x64: {  	_ =	shalt  }
0x65: {  	_ =	shalt  }
0x66: {  	_ =	shalt  }
0x67: {  	_ =	shalt  }
0x68: {  	_ =	shalt  }
0x69: {  	_ =	shalt  }
0x6a: {  	_ =	shalt  }
0x6b: {  	_ =	shalt  }
0x6c: {  	_ =	shalt  }
0x6d: {  	_ =	shalt  }
0x6e: {  	_ =	shalt  }
0x6f: {  	_ =	shalt  }
0x70: {  	_ =	shalt  }
0x71: {  	_ =	shalt  }
0x72: {  	_ =	shalt  }
0x73: {  	_ =	shalt  }
0x74: {  	_ =	shalt  }
0x75: {  	_ =	shalt  }
0x76: {  	_ =	shalt  }
0x77: {  	_ =	shalt  }
0x78: {  	_ =	shalt  }
0x79: {  	_ =	shalt  }
0x7a: {  	_ =	shalt  }
0x7b: {  	_ =	shalt  }
0x7c: {  	_ =	shalt  }
0x7d: {  	_ =	shalt  }
0x7e: {  	_ =	shalt  }
0x7f: {  	_ =	shalt  }
0x80: {  	_ =	shalt  }
0x81: {  	_ =	shalt  }
0x82: {  	_ =	shalt  }
0x83: {  	_ =	shalt  }
0x84: {  	_ =	shalt  }
0x85: {  	_ =	shalt  }
0x86: {  	_ =	shalt  }
0x87: {  	_ =	shalt  }
.Lfunc_end0:
.L_simem_size_0:
called_computation.2_lowered:
.L_overlay_start_0:
0x88: {  	s2 =	sld [smem:$0x3FD9]  }
0x89: {  	s3 =	sld [smem:$0x3FFE];
	_ =	sdelay $0x1  }
0x8a: {  	s1 =	srdreg.scid  }
0x8b: {  	s0 =	sand.u32 $0x1, s1  }
0x8c: {  	s16 =	sshll.u32 s0, $0xA;
	s2 =	sadd.s32 s3, s2  }
0x8d: {  	s2 =	sadd.s32 s2, s16  }
0x8e: {  	[smem:$0x3FAA] =	sst s2  }
0x8f: {  	_ = 	snop  }
0x90: {  	(tm) =	ssettm $0x1  }
0x91: {  	s17 =	sld [smem:$0x3FFB];
	_ =	sdelay $0x3  }
0x92: {  	_ =	strace s17  }
0x93: {  	s2 =	sld [smem:$0x3FFC];
	_ =	sdelay $0x3  }
0x94: {  	_ =	strace s2  }
0x95: {  	s2 =	sld [smem:$0x3FFD];
	_ =	sdelay $0x3  }
0x96: {  	_ =	strace s2  }
0x97: {  	_ =	strace $0x8FFFFFFF  }
0x98: {  	s18 =	sld [smem:$0x3FDB];
	_ =	sdelay $0x1  }
0x99: {  	s19 =	simm.s32 $_scs_section_size  }
0x9a: {  	s4 =	simm.s32 $_size__tile_overlayer_lowered;
	s5 =	simm.s32 $_tile_overlayer_lowered  }
0x9b: {  	s22 =	simm.s32 $0x1BFF;
	s21 =	sshll.u32 s5, $0x1;
	s2 =	sadd.s32 s19, s18  }
0x9c: {  	s6 =	simm.s32 $0x0;
	s20 =	sshll.u32 s4, $0x1;
	s4 =	sadd.s32 s21, s2  }
0x9d: {  	[timem:s6], [sflag:s22] =	dma.local [hbm:s4], s20  }
0x9e: {  	_ =	swait.ge [sflag:s22], s20  }
0x9f: {  	s3 =	ssub.s32 $0x0, s20;
	[sflag:s22] =	ssyncset.done $0x0  }
0xa0: {  	[sflag:s22] =	ssyncadd.s32 s3;
	_ =	sdelay $0x1  }
0xa1: {  	s23 =	simm.s32 $0x1B8B  }
0xa2: {  	_ =	swait.ge [sflag:s23], $0x1  }
0xa3: {  	[sflag:s23] =	ssyncset.done $0x0  }
0xa4: {  	s25 =	simm.s32 $0x1B8E;
	s24 =	sld [smem:$0x3FFE];
	[sflag:s23] =	ssyncadd.s32 $0xFFFFFFFF  }
0xa5: {  	s26 =	simm.s32 $execute0_lowered;
	[smem:$0x3FD2] =	sst s25  }
0xa6: {  	s4 =	sshll.u32 s26, $0x1;
	_ =	strace $0x80000046;
	[dreg:$0x1] =	wrdreg $0xFFFFFFFF  }
0xa7: {  	s28 =	simm.s32 $_size_execute0_lowered;
	s2 =	sadd.s32 s2, s4;
	[dreg:$0x0] =	wrdreg $0x0  }
0xa8: {  	s4 =	sshll.u32 s28, $0x1;
	[dreg:$0x2] =	wrdreg s2  }
0xa9: {  	[dreg:$0x3] =	wrdreg s4  }
0xaa: {  	[dreg:$0x4] =	wrdreg $0xC0  }
0xab: {  	_ =	task [dreg:s6], $0x5FFFF  }
0xac: {  	[dreg:$0x1] =	wrdreg $0xFFFFFFFF  }
0xad: {  	[dreg:$0x0] =	wrdreg $0x60  }
0xae: {  	[dreg:$0x2] =	wrdreg s24  }
0xaf: {  	[dreg:$0x3] =	wrdreg $0xA  }
0xb0: {  	_ =	task.clear_ibuf [dreg:s6], $0x4FFFF;
	_ =	strace $0x90000046  }
0xb1: {  	s29 =	simm.s32 $0xA;
	_ =	strace $0x80000048  }
0xb2: {  	_ =	swait.ge [sflag:s29], $0x1  }
0xb3: {  	[sflag:s29] =	ssyncadd.s32 $0xFFFFFFFF  }
0xb4: {  	_ =	strace $0x90000048  }
0xb5: {  	_ =	sfence  }
0xb6: {  	s30 =	sld [smem:$0x0];
	_ =	sdelay $0x2  }
0xb7: {  	s31 =	sshll.u32 s1, $0xD;
	s1 =	sshrl.u32 s1, $0x2  }
0xb8: {  	s3 =	sand.u32 $0x4000, s31;
	s1 =	sadd.s32 s1, s30  }
0xb9: {  	s0 =	sor.u32 s3, s0;
	s1 =	sshll.u32 s1, $0x11  }
0xba: {  	s0 =	sor.u32 s1, s0  }
0xbb: {  	s0 =	sadd.s32 $0x8F2B, s0  }
0xbc: {  	[sflag:s0] =	ssyncadd.remote.s32 $0x1  }
0xbd: {  	_ =	sfence.sel $0xFFFF  }
0xbe: {  	[dreg:$0x0] =	wrdreg $0xFFFFFFFF;
	(pc) =	sbr.abs _section_cstart, $3  }
0xbf: {  	[dreg:$0x1] =	wrdreg $0xFFFFFFFF  }
0xc0: {  	_ =	task.clear_ibuf [dreg:s6], $0x2FFFF;
	_ =	strace $0x9FFFFFFF  }
0xc1: {  	(tm) =	ssettm $0x7FFFFFFF  }
tec
execute0_lowered:
.L_overlay_start_1:
0x0: {  	(tag) =	ssettag $0x1  }
0x1: {  	s1 =	srdreg.scid  }
0x2: {  	s0 =	stileid.u32;
	s6 =	sand.u32 $0x1, s1  }
0x3: {  	s8 =	rddreg [dreg:$0x0];
	s30 =	sshll.u32 s0, $0x9;
	s2 =	sshll.u32 s6, $0x8  }
0x4: {  	s7 =	simm.s32 $0x1;
	s1 =	rddreg [dreg:$0x1];
	s9 =	sor.u32 s2, s30  }
0x5: {  	s5 =	sadd.s32 $0x6800, s8;
	s2 =	simm.s32 $0x0;
	s3 =	sshrl.u32 s9, $0x3  }
0x6: {  	s10 =	ssub.s32 $0x2, s6;
	[smem:$0x7FF] =	sst s2;
	s3 =	sadd.s32 s3, s8  }
0x7: {  	_ =	strace $0x80000047;
	s4 =	sadd.s32 $0x6400, s3;
	s3 =	simm.s32 $0x2  }
0x8: {  	[tilespmem:s2], [sflag:$0x2] =	stream.linear.gather [hbm4b:s4+s2], $0x100, $0x38;
	[tilespmem:$0x8100] =	vst v63  }
0x9: {  	s6 =	simm.s32 $0x100;
	s11 =	sshrl.u32 s10, $0x1;
	_ =	swait.ge [sflag:s3], $0x100  }
0xa: {  	s9 =	sshll.u32 s9, $0x4;
	s31 =	ssub.s32 s10, s11;
	[sflag:s3] =	ssyncset.done $0x0  }
0xb: {  	s8 =	sadd.s32 s9, s8;
	s9 =	smax.u32 s31, $0x1;
	[sflag:s3] =	ssyncadd.s32 $0xFFFFFF00  }
0xc: {  	[tilespmem:s6], [sflag:$0x1] =	stream.indirect.gather [hbm4b:s5+s6], $0x80, s2, s6, $0xb8;
	[tilespmem:$0x8100] =	vst v63  }
0xd: {  	p0 =	sne.s32 s9, $0x1;
	_ =	swait.ge [sflag:s7], $0x8000  }
.Ltmp0:
0xe: {  	[sflag:s7] =	ssyncset.done $0x0;
	(pc) =	sbr.rel @!p0 .LBB2_2-.Ltmp0, $4  }
0xf: {  	s8 =	sadd.s32 $0xE800, s8;
	[sflag:s7] =	ssyncadd.s32 $0xFFFF8000  }
0x10: {  	[hbm4b:s8+s2] =	stream.linear.scatter [tilespmem:s6], [sflag:$0x2], $0x8000, $0x38;
	[tilespmem:$0x8100] =	vst v63  }
0x11: {  	_ =	swait.ge [sflag:s3], $0x8000  }
0x12: {  	s9 =	sadd.s32 $0xFFFFFFFF, s9;
	[sflag:s3] =	ssyncset.done $0x0  }
.LBB2_1:
0x13: {  	p0 =	sne.s32 s9, $0x1;
	s9 =	sadd.s32 $0xFFFFFFFF, s9;
	[sflag:s3] =	ssyncadd.s32 $0xFFFF8000  }
0x14: {  	[tilespmem:s2], [sflag:$0x2] =	stream.linear.gather [hbm4b:s4+s2], $0x100, $0x38;
	[tilespmem:$0x8100] =	vst v63  }
0x15: {  	_ =	swait.ge [sflag:s3], $0x100  }
0x16: {  	[sflag:s3] =	ssyncset.done $0x0  }
0x17: {  	[sflag:s3] =	ssyncadd.s32 $0xFFFFFF00  }
0x18: {  	[tilespmem:s6], [sflag:$0x1] =	stream.indirect.gather [hbm4b:s5+s6], $0x80, s2, s6, $0xb8;
	[tilespmem:$0x8100] =	vst v63  }
0x19: {  	_ =	swait.ge [sflag:s7], $0x8000  }
.Ltmp1:
0x1a: {  	[sflag:s7] =	ssyncset.done $0x0;
	(pc) =	sbr.rel @p0 .LBB2_1-.Ltmp1, $4  }
0x1b: {  	[sflag:s7] =	ssyncadd.s32 $0xFFFF8000  }
0x1c: {  	[hbm4b:s8+s2] =	stream.linear.scatter [tilespmem:s6], [sflag:$0x2], $0x8000, $0x38;
	[tilespmem:$0x8100] =	vst v63  }
0x1d: {  	_ =	swait.ge [sflag:s3], $0x8000  }
0x1e: {  	[sflag:s3] =	ssyncset.done $0x0  }
.LBB2_2:
0x1f: {  	[sflag:s3] =	ssyncadd.s32 $0xFFFF8000  }
0x20: {  	_ =	sfence.sel $0x180000  }
0x21: {  	[bflag:$0x0] =	sbarrier.arrive $0xFFFF  }
0x22: {  	p0 =	sne.s32 s0, $0x0;
	_ =	strace $0x90000047  }
0x23: {  	s0 =	sadd.s32 @!p0 $0x100000, s1;
	[bflag:$0x2] =	sbarrier.arrive $0xFFFF  }
0x24: {  	[sflag:s0] =	ssyncadd.tile.s32 @!p0 $0x1;
	_ =	shalt  }
.Lfunc_end2:
_tile_overlayer_lowered:
.L_overlay_start_2:
0x25: {  	(tag) =	ssettag $0x2  }
0x26: {  	s0 =	rddreg [dreg:$0x0];
	s2 =	stileid.u32  }
0x27: {  	s1 =	rddreg [dreg:$0x1];
	p0 =	sne.s32 s2, $0x0  }
0x28: {  	s3 =	rddreg [dreg:$0x2];
	[bflag:$0x3] =	sbarrier.arrive $0xFFFF;
	s2 =	simm.s32 @!p0 $0x1C02  }
0x29: {  	[timem:s3], [sflag:s2] =	dma.local @!p0 [hbm:s0], s1  }
0x2a: {  	s0 =	simm.s32 @!p0 $0x2  }
0x2b: {  	_ =	swait.ge @!p0 [sflag:s0], s1  }
0x2c: {  	s1 =	ssub.s32 @!p0 $0x0, s1;
	[sflag:s0] =	ssyncset.done @!p0 $0x0  }
0x2d: {  	[sflag:s0] =	ssyncadd.s32 @!p0 s1  }
0x2e: {  	[bflag:$0x3] =	sbarrier.arrive $0xFFFF  }
0x2f: {  	_ =	shalt  }

// kernel: kernel.27.cloned.1.call-start
scs
__scs_entry_jumppad:
0x0: {  	(pc) =	sbr.rel $0x88, $3  }
0x1: {  	(tag) =	ssettag $0x0;
	lr =	simm.s32 $0x1  }
0x2: {  	[smem:$0x3F83] =	sst lr;
	_ =	strace $0xD0000000  }
0x3: {  	_ = 	snop  }
0x4: {  	_ = 	snop  }
0x5: {  	_ = 	snop  }
0x6: {  	_ = 	snop  }
0x7: {  	_ = 	snop  }
__scs_overlays_trampoline_lowered:
0x8: {  	[smem:$0x3F92] =	sst s0  }
0x9: {  	[smem:$0x3F93] =	sst s1  }
0xa: {  	[smem:$0x3F94] =	sst s2  }
0xb: {  	[smem:$0x3F95] =	sst s3  }
0xc: {  	[smem:$0x3F96] =	sst s4  }
0xd: {  	[smem:$0x3F97] =	sst s5  }
0xe: {  	[smem:$0x3F98] =	sst s6  }
0xf: {  	[smem:$0x3F99] =	sst s7  }
0x10: {  	[smem:$0x3F9A] =	sst s8  }
0x11: {  	[smem:$0x3F9B] =	sst s9;
	s0 =	simm.s32 @!p0 $0x0  }
0x12: {  	s1 =	sld [smem:$0x3F81];
	s0 =	simm.s32 @p0 $0x1  }
0x13: {  	[smem:$0x3F9C] =	sst s0;
	s0 =	simm.s32 @!p1 $0x0  }
0x14: {  	s2 =	sld [smem:$0x3F80];
	s0 =	simm.s32 @p1 $0x1  }
0x15: {  	[smem:$0x3F9D] =	sst s0;
	s0 =	simm.s32 @!p2 $0x0  }
0x16: {  	s3 =	sld [smem:$0x3FDB];
	s0 =	simm.s32 @p2 $0x1  }
0x17: {  	s4 =	simm.s32 $0x1BF5;
	[smem:$0x3F9F] =	sst s0  }
0x18: {  	s0 =	sld [smem:$0x3F82];
	_ =	swait.ge [sflag:s4], $0x0  }
0x19: {  	s7 =	sld [smem:$0x3F83]  }
0x1a: {  	s8 =	sadd.s32 $0xFFFFE003, lr  }
0x1b: {  	s9 =	sadd.s32 $0xFFFFFEF7, lr;
	s5 =	simm.s32 $0xFFFFFFFF;
	p2 =	slt.u32 s8, $0xFFFFF086  }
0x1c: {  	p1 =	slt.u32 s9, $0xF7A;
	s5 =	simm.s32 @!p2 $0x0  }
0x1d: {  	s5 =	simm.s32 @p1 $0x1;
	p0 =	seq.s32 s7, s2  }
0x1e: {  	s7 =	smul.u32 @!p0 $0xF7A, s2;
	p2 =	seq.s32 @!p0 s5, $0x0  }
0x1f: {  	s9 =	smul.u32 $0xF7A, s1;
	s8 =	simm.s32 @!p0 $0x1BF5;
	p2 =	por !p2, p0  }
0x20: {  	[sflag:s8] =	ssyncset.s32 @!p0 $0xFFFFF086;
	s6 =	sadd.s32 @!p0 s3, s7;
	s7 =	simm.s32 @!p0 $0x108  }
0x21: {  	s3 =	sadd.s32 s3, s9;
	s6 =	sadd.s32 @!p0 $0x88, s6;
	s7 =	simm.s32 @p2 $0x1082  }
0x22: {  	[simem:s7], [sflag:s8] =	dma.local @!p0 [hbm:s6], $0xF7A  }
0x23: {  	s9 =	sor.u32 $0xD0000000, s2;
	s6 =	simm.s32 $0x108;
	_ =	swait.ge @!p0 [sflag:s8], $0x0  }
0x24: {  	s3 =	sadd.s32 $0x88, s3;
	s6 =	simm.s32 @!p1 $0x1082;
	[sflag:s4] =	ssyncset.s32 $0xFFFFF086  }
0x25: {  	[simem:s6], [sflag:s4] =	dma.local [hbm:s3], $0xF7A  }
0x26: {  	[smem:$0x3F83] =	sst s1;
	(tag) =	ssettag s2;
	_ =	strace s9  }
0x27: {  	s1 =	sld [smem:$0x3F93]  }
0x28: {  	s2 =	sld [smem:$0x3F94]  }
0x29: {  	s4 =	sld [smem:$0x3F96]  }
0x2a: {  	p0 =	seq.s32 s5, $0x0;
	s5 =	sld [smem:$0x3F97]  }
0x2b: {  	s6 =	sld [smem:$0x3F98]  }
0x2c: {  	s7 =	sld [smem:$0x3F99]  }
0x2d: {  	s3 =	simm.s32 $0x108;
	s8 =	sld [smem:$0x3F9A]  }
0x2e: {  	s3 =	simm.s32 @!p0 $0x1082;
	s9 =	sld [smem:$0x3F9B]  }
0x2f: {  	lr =	sadd.s32 s0, s3;
	s0 =	sld [smem:$0x3F92]  }
0x30: {  	s3 =	sld [smem:$0x3F95]  }
0x31: {  	[smem:$0x3F9E] =	sst s10  }
0x32: {  	s10 =	sld [smem:$0x3F9C];
	_ =	sdelay $0x3  }
0x33: {  	p0 =	seq.s32 s10, $0x1;
	s10 =	sld [smem:$0x3F9E];
	_ =	sdelay $0x3  }
0x34: {  	[smem:$0x3F9E] =	sst s10  }
0x35: {  	s10 =	sld [smem:$0x3F9D];
	_ =	sdelay $0x3  }
0x36: {  	p1 =	seq.s32 s10, $0x1;
	s10 =	sld [smem:$0x3F9E];
	_ =	sdelay $0x3  }
0x37: {  	[smem:$0x3F9E] =	sst s10  }
0x38: {  	s10 =	sld [smem:$0x3F9F]  }
0x39: {  	_ = 	snop;
	(pc) =	sbr.ind lr, $3  }
0x3a: {  	_ = 	snop  }
0x3b: {  	_ = 	snop  }
0x3c: {  	p2 =	seq.s32 s10, $0x1;
	s10 =	sld [smem:$0x3F9E]  }
0x3d: {  	_ =	shalt  }
0x3e: {  	_ =	shalt  }
0x3f: {  	_ =	shalt  }
0x40: {  	_ =	shalt  }
0x41: {  	_ =	shalt  }
0x42: {  	_ =	shalt  }
0x43: {  	_ =	shalt  }
0x44: {  	_ =	shalt  }
0x45: {  	_ =	shalt  }
0x46: {  	_ =	shalt  }
0x47: {  	_ =	shalt  }
0x48: {  	_ =	shalt  }
0x49: {  	_ =	shalt  }
0x4a: {  	_ =	shalt  }
0x4b: {  	_ =	shalt  }
0x4c: {  	_ =	shalt  }
0x4d: {  	_ =	shalt  }
0x4e: {  	_ =	shalt  }
0x4f: {  	_ =	shalt  }
0x50: {  	_ =	shalt  }
0x51: {  	_ =	shalt  }
0x52: {  	_ =	shalt  }
0x53: {  	_ =	shalt  }
0x54: {  	_ =	shalt  }
0x55: {  	_ =	shalt  }
0x56: {  	_ =	shalt  }
0x57: {  	_ =	shalt  }
0x58: {  	_ =	shalt  }
0x59: {  	_ =	shalt  }
0x5a: {  	_ =	shalt  }
0x5b: {  	_ =	shalt  }
0x5c: {  	_ =	shalt  }
0x5d: {  	_ =	shalt  }
0x5e: {  	_ =	shalt  }
0x5f: {  	_ =	shalt  }
0x60: {  	_ =	shalt  }
0x61: {  	_ =	shalt  }
0x62: {  	_ =	shalt  }
0x63: {  	_ =	shalt  }
0x64: {  	_ =	shalt  }
0x65: {  	_ =	shalt  }
0x66: {  	_ =	shalt  }
0x67: {  	_ =	shalt  }
0x68: {  	_ =	shalt  }
0x69: {  	_ =	shalt  }
0x6a: {  	_ =	shalt  }
0x6b: {  	_ =	shalt  }
0x6c: {  	_ =	shalt  }
0x6d: {  	_ =	shalt  }
0x6e: {  	_ =	shalt  }
0x6f: {  	_ =	shalt  }
0x70: {  	_ =	shalt  }
0x71: {  	_ =	shalt  }
0x72: {  	_ =	shalt  }
0x73: {  	_ =	shalt  }
0x74: {  	_ =	shalt  }
0x75: {  	_ =	shalt  }
0x76: {  	_ =	shalt  }
0x77: {  	_ =	shalt  }
0x78: {  	_ =	shalt  }
0x79: {  	_ =	shalt  }
0x7a: {  	_ =	shalt  }
0x7b: {  	_ =	shalt  }
0x7c: {  	_ =	shalt  }
0x7d: {  	_ =	shalt  }
0x7e: {  	_ =	shalt  }
0x7f: {  	_ =	shalt  }
0x80: {  	_ =	shalt  }
0x81: {  	_ =	shalt  }
0x82: {  	_ =	shalt  }
0x83: {  	_ =	shalt  }
0x84: {  	_ =	shalt  }
0x85: {  	_ =	shalt  }
0x86: {  	_ =	shalt  }
0x87: {  	_ =	shalt  }
.Lfunc_end0:
.L_simem_size_0:
called_computation.3_lowered:
.L_overlay_start_0:
0x88: {  	s2 =	sld [smem:$0x3FD9]  }
0x89: {  	s3 =	sld [smem:$0x3FFE];
	_ =	sdelay $0x1  }
0x8a: {  	s1 =	srdreg.scid  }
0x8b: {  	s0 =	sand.u32 $0x1, s1  }
0x8c: {  	s17 =	sshll.u32 s0, $0xA;
	s2 =	sadd.s32 s3, s2  }
0x8d: {  	s2 =	sadd.s32 s2, s17  }
0x8e: {  	[smem:$0x3FAA] =	sst s2  }
0x8f: {  	_ = 	snop  }
0x90: {  	(tm) =	ssettm $0x1  }
0x91: {  	s18 =	sld [smem:$0x3FFB];
	_ =	sdelay $0x3  }
0x92: {  	_ =	strace s18  }
0x93: {  	s2 =	sld [smem:$0x3FFC];
	_ =	sdelay $0x3  }
0x94: {  	_ =	strace s2  }
0x95: {  	s2 =	sld [smem:$0x3FFD];
	_ =	sdelay $0x3  }
0x96: {  	_ =	strace s2  }
0x97: {  	_ =	strace $0x8FFFFFFF  }
0x98: {  	s19 =	sld [smem:$0x3FDB];
	_ =	sdelay $0x1  }
0x99: {  	s20 =	simm.s32 $_scs_section_size  }
0x9a: {  	s4 =	simm.s32 $_size__tile_overlayer_lowered;
	s5 =	simm.s32 $_tile_overlayer_lowered  }
0x9b: {  	s6 =	simm.s32 $0x1BFF;
	s21 =	sshll.u32 s5, $0x1;
	s3 =	sadd.s32 s20, s19  }
0x9c: {  	s22 =	simm.s32 $0x0;
	s4 =	sshll.u32 s4, $0x1;
	s5 =	sadd.s32 s21, s3  }
0x9d: {  	[timem:s22], [sflag:s6] =	dma.local [hbm:s5], s4  }
0x9e: {  	_ =	swait.ge [sflag:s6], s4  }
0x9f: {  	s4 =	ssub.s32 $0x0, s4;
	[sflag:s6] =	ssyncset.done $0x0  }
0xa0: {  	[sflag:s6] =	ssyncadd.s32 s4;
	_ =	sdelay $0x1  }
0xa1: {  	s23 =	simm.s32 $0x1B8B  }
0xa2: {  	_ =	swait.ge [sflag:s23], $0x1  }
0xa3: {  	[sflag:s23] =	ssyncset.done $0x0  }
0xa4: {  	[sflag:s23] =	ssyncadd.s32 $0xFFFFFFFF  }
0xa5: {  	s4 =	sld [smem:$0x0]  }
0xa6: {  	s5 =	sand.u32 $0xFFFFFFFE, s1  }
0xa7: {  	p0 =	sne.s32 s1, s5  }
0xa8: {  	s5 =	sshll.u32 @p0 s5, $0xE  }
0xa9: {  	s5 =	sadd.s32 @p0 $0x11B8D, s5;
	s6 =	sshll.u32 @p0 s4, $0x11  }
0xaa: {  	s5 =	sor.u32 @p0 s6, s5  }
0xab: {  	[sflag:s5] =	ssyncadd.remote.s32 @p0 $0x1;
	_ =	sdelay $0x1  }
0xac: {  	s5 =	simm.s32 @p0 $0x1B8D  }
0xad: {  	_ =	swait.eq @p0 [sflag:s5], $0x1  }
0xae: {  	[sflag:s5] =	ssyncadd.s32 @p0 $0xFFFFFFFF  }
0xaf: {  	s6 =	sshll.u32 @!p0 s1, $0xE  }
0xb0: {  	s6 =	sor.u32 @!p0 $0x4000, s6;
	s5 =	simm.s32 @!p0 $0x1B8D  }
0xb1: {  	s4 =	sshll.u32 @!p0 s4, $0x11;
	s6 =	sadd.s32 @!p0 $0x11B8D, s6;
	_ =	swait.eq @!p0 [sflag:s5], $0x1  }
0xb2: {  	s4 =	sor.u32 @!p0 s4, s6;
	[sflag:s5] =	ssyncadd.s32 @!p0 $0xFFFFFFFF  }
0xb3: {  	s25 =	simm.s32 $0x1B8E;
	s24 =	sld [smem:$0x3FFE];
	[sflag:s4] =	ssyncadd.remote.s32 @!p0 $0x1  }
0xb4: {  	s26 =	simm.s32 $execute0_lowered;
	[smem:$0x3FD2] =	sst s25  }
0xb5: {  	s5 =	sshll.u32 s26, $0x1;
	_ =	strace $0x8000004C;
	[dreg:$0x1] =	wrdreg $0xFFFFFFFF  }
0xb6: {  	s28 =	simm.s32 $_size_execute0_lowered;
	s3 =	sadd.s32 s3, s5;
	[dreg:$0x0] =	wrdreg $0x0  }
0xb7: {  	s5 =	sshll.u32 s28, $0x1;
	[dreg:$0x2] =	wrdreg s3  }
0xb8: {  	[dreg:$0x3] =	wrdreg s5  }
0xb9: {  	[dreg:$0x4] =	wrdreg $0xC0  }
0xba: {  	_ =	task [dreg:s22], $0x5FFFF  }
0xbb: {  	[dreg:$0x1] =	wrdreg $0xFFFFFFFF  }
0xbc: {  	[dreg:$0x0] =	wrdreg $0x60  }
0xbd: {  	[dreg:$0x2] =	wrdreg s24  }
0xbe: {  	[dreg:$0x3] =	wrdreg $0xA  }
0xbf: {  	_ =	task.clear_ibuf [dreg:s22], $0x4FFFF;
	_ =	strace $0x9000004C  }
0xc0: {  	s29 =	simm.s32 $0xA;
	_ =	strace $0x8000004E  }
0xc1: {  	_ =	swait.ge [sflag:s29], $0x1  }
0xc2: {  	[sflag:s29] =	ssyncadd.s32 $0xFFFFFFFF  }
0xc3: {  	_ =	strace $0x9000004E  }
0xc4: {  	_ =	sfence  }
0xc5: {  	s30 =	sld [smem:$0x0];
	_ =	sdelay $0x2  }
0xc6: {  	s31 =	sshll.u32 s1, $0xD;
	s1 =	sshrl.u32 s1, $0x2  }
0xc7: {  	s4 =	sand.u32 $0x4000, s31;
	s1 =	sadd.s32 s1, s30  }
0xc8: {  	s0 =	sor.u32 s4, s0;
	s1 =	sshll.u32 s1, $0x11  }
0xc9: {  	s0 =	sor.u32 s1, s0  }
0xca: {  	s0 =	sadd.s32 $0x8F2B, s0  }
0xcb: {  	[sflag:s0] =	ssyncadd.remote.s32 $0x1  }
0xcc: {  	_ =	sfence.sel $0xFFFF  }
0xcd: {  	[dreg:$0x0] =	wrdreg $0xFFFFFFFF;
	(pc) =	sbr.abs _section_cstart, $3  }
0xce: {  	[dreg:$0x1] =	wrdreg $0xFFFFFFFF  }
0xcf: {  	_ =	task.clear_ibuf [dreg:s22], $0x2FFFF;
	_ =	strace $0x9FFFFFFF  }
0xd0: {  	(tm) =	ssettm $0x7FFFFFFF  }
0xd1: {  	_ =	shalt  }
tec
execute0_lowered:
.L_overlay_start_1:
0x0: {  	(tag) =	ssettag $0x1  }
0x1: {  	s1 =	srdreg.scid  }
0x2: {  	s0 =	stileid.u32;
	s6 =	sand.u32 $0x1, s1  }
0x3: {  	s8 =	rddreg [dreg:$0x0];
	s30 =	sshll.u32 s0, $0x8;
	s2 =	sshll.u32 s6, $0x7  }
0x4: {  	s7 =	simm.s32 $0x1;
	s1 =	rddreg [dreg:$0x1];
	s9 =	sor.u32 s2, s30  }
0x5: {  	s5 =	sadd.s32 $0x6600, s8;
	s2 =	simm.s32 $0x0;
	s3 =	sshrl.u32 s9, $0x3  }
0x6: {  	s10 =	ssub.s32 $0x2, s6;
	[smem:$0x7FF] =	sst s2;
	s3 =	sadd.s32 s3, s8  }
0x7: {  	_ =	strace $0x8000004D;
	s4 =	sadd.s32 $0x6400, s3;
	s3 =	simm.s32 $0x2  }
0x8: {  	[tilespmem:s2], [sflag:$0x2] =	stream.linear.gather [hbm4b:s4+s2], $0x80, $0x38;
	[tilespmem:$0x2080] =	vst v63  }
0x9: {  	s6 =	simm.s32 $0x80;
	s11 =	sshrl.u32 s10, $0x1;
	_ =	swait.ge [sflag:s3], $0x80  }
0xa: {  	s9 =	sshll.u32 s9, $0x3;
	s31 =	ssub.s32 s10, s11;
	[sflag:s3] =	ssyncset.done $0x0  }
0xb: {  	s8 =	sadd.s32 s9, s8;
	s9 =	smax.u32 s31, $0x1;
	[sflag:s3] =	ssyncadd.s32 $0xFFFFFF80  }
0xc: {  	[tilespmem:s6], [sflag:$0x1] =	stream.indirect.gather [hbm4b:s5+s6], $0x40, s2, s6, $0xb8;
	[tilespmem:$0x2080] =	vst v63  }
0xd: {  	p0 =	sne.s32 s9, $0x1;
	_ =	swait.ge [sflag:s7], $0x2000  }
.Ltmp0:
0xe: {  	[sflag:s7] =	ssyncset.done $0x0;
	(pc) =	sbr.rel @!p0 .LBB2_2-.Ltmp0, $4  }
0xf: {  	s8 =	sadd.s32 $0xA600, s8;
	[sflag:s7] =	ssyncadd.s32 $0xFFFFE000  }
0x10: {  	[hbm4b:s8+s2] =	stream.linear.scatter [tilespmem:s6], [sflag:$0x2], $0x2000, $0x38;
	[tilespmem:$0x2080] =	vst v63  }
0x11: {  	_ =	swait.ge [sflag:s3], $0x2000  }
0x12: {  	s9 =	sadd.s32 $0xFFFFFFFF, s9;
	[sflag:s3] =	ssyncset.done $0x0  }
.LBB2_1:
0x13: {  	p0 =	sne.s32 s9, $0x1;
	s9 =	sadd.s32 $0xFFFFFFFF, s9;
	[sflag:s3] =	ssyncadd.s32 $0xFFFFE000  }
0x14: {  	[tilespmem:s2], [sflag:$0x2] =	stream.linear.gather [hbm4b:s4+s2], $0x80, $0x38;
	[tilespmem:$0x2080] =	vst v63  }
0x15: {  	_ =	swait.ge [sflag:s3], $0x80  }
0x16: {  	[sflag:s3] =	ssyncset.done $0x0  }
0x17: {  	[sflag:s3] =	ssyncadd.s32 $0xFFFFFF80  }
0x18: {  	[tilespmem:s6], [sflag:$0x1] =	stream.indirect.gather [hbm4b:s5+s6], $0x40, s2, s6, $0xb8;
	[tilespmem:$0x2080] =	vst v63  }
0x19: {  	_ =	swait.ge [sflag:s7], $0x2000  }
.Ltmp1:
0x1a: {  	[sflag:s7] =	ssyncset.done $0x0;
	(pc) =	sbr.rel @p0 .LBB2_1-.Ltmp1, $4  }
0x1b: {  	[sflag:s7] =	ssyncadd.s32 $0xFFFFE000  }
0x1c: {  	[hbm4b:s8+s2] =	stream.linear.scatter [tilespmem:s6], [sflag:$0x2], $0x2000, $0x38;
	[tilespmem:$0x2080] =	vst v63  }
0x1d: {  	_ =	swait.ge [sflag:s3], $0x2000  }
0x1e: {  	[sflag:s3] =	ssyncset.done $0x0  }
.LBB2_2:
0x1f: {  	[sflag:s3] =	ssyncadd.s32 $0xFFFFE000  }
0x20: {  	_ =	sfence.sel $0x180000  }
0x21: {  	[bflag:$0x0] =	sbarrier.arrive $0xFFFF  }
0x22: {  	p0 =	sne.s32 s0, $0x0;
	_ =	strace $0x9000004D  }
0x23: {  	s0 =	sadd.s32 @!p0 $0x100000, s1;
	[bflag:$0x2] =	sbarrier.arrive $0xFFFF  }
0x24: {  	[sflag:s0] =	ssyncadd.tile.s32 @!p0 $0x1;
	_ =	shalt  }
.Lfunc_end2:
_tile_overlayer_lowered:
.L_overlay_start_2:
0x25: {  	(tag) =	ssettag $0x2  }
0x26: {  	s0 =	rddreg [dreg:$0x0];
	s2 =	stileid.u32  }
0x27: {  	s1 =	rddreg [dreg:$0x1];
	p0 =	sne.s32 s2, $0x0  }
0x28: {  	s3 =	rddreg [dreg:$0x2];
	[bflag:$0x3] =	sbarrier.arrive $0xFFFF;
	s2 =	simm.s32 @!p0 $0x1C02  }
0x29: {  	[timem:s3], [sflag:s2] =	dma.local @!p0 [hbm:s0], s1  }
0x2a: {  	s0 =	simm.s32 @!p0 $0x2  }
0x2b: {  	_ =	swait.ge @!p0 [sflag:s0], s1  }
0x2c: {  	s1 =	ssub.s32 @!p0 $0x0, s1;
	[sflag:s0] =	ssyncset.done @!p0 $0x0  }
0x2d: {  	[sflag:s0] =	ssyncadd.s32 @!p0 s1  }
0x2e: {  	[bflag:$0x3] =	sbarrier.arrive $0xFFFF  }
0x2f: {  	_ =	shalt  }

// kernel: kernel.30.cloned.1.call-start
scs
__scs_entry_jumppad:
0x0: {  	(pc) =	sbr.rel $0x88, $3  }
0x1: {  	(tag) =	ssettag $0x0;
	lr =	simm.s32 $0x1  }
0x2: {  	[smem:$0x3F83] =	sst lr;
	_ =	strace $0xD0000000  }
0x3: {  	_ = 	snop  }
0x4: {  	_ = 	snop  }
0x5: {  	_ = 	snop  }
0x6: {  	_ = 	snop  }
0x7: {  	_ = 	snop  }
__scs_overlays_trampoline_lowered:
0x8: {  	[smem:$0x3F92] =	sst s0  }
0x9: {  	[smem:$0x3F93] =	sst s1  }
0xa: {  	[smem:$0x3F94] =	sst s2  }
0xb: {  	[smem:$0x3F95] =	sst s3  }
0xc: {  	[smem:$0x3F96] =	sst s4  }
0xd: {  	[smem:$0x3F97] =	sst s5  }
0xe: {  	[smem:$0x3F98] =	sst s6  }
0xf: {  	[smem:$0x3F99] =	sst s7  }
0x10: {  	[smem:$0x3F9A] =	sst s8  }
0x11: {  	[smem:$0x3F9B] =	sst s9;
	s0 =	simm.s32 @!p0 $0x0  }
0x12: {  	s1 =	sld [smem:$0x3F81];
	s0 =	simm.s32 @p0 $0x1  }
0x13: {  	[smem:$0x3F9C] =	sst s0;
	s0 =	simm.s32 @!p1 $0x0  }
0x14: {  	s2 =	sld [smem:$0x3F80];
	s0 =	simm.s32 @p1 $0x1  }
0x15: {  	[smem:$0x3F9D] =	sst s0;
	s0 =	simm.s32 @!p2 $0x0  }
0x16: {  	s3 =	sld [smem:$0x3FDB];
	s0 =	simm.s32 @p2 $0x1  }
0x17: {  	s4 =	simm.s32 $0x1BF5;
	[smem:$0x3F9F] =	sst s0  }
0x18: {  	s0 =	sld [smem:$0x3F82];
	_ =	swait.ge [sflag:s4], $0x0  }
0x19: {  	s7 =	sld [smem:$0x3F83]  }
0x1a: {  	s8 =	sadd.s32 $0xFFFFE003, lr  }
0x1b: {  	s9 =	sadd.s32 $0xFFFFFEF7, lr;
	s5 =	simm.s32 $0xFFFFFFFF;
	p2 =	slt.u32 s8, $0xFFFFF086  }
0x1c: {  	p1 =	slt.u32 s9, $0xF7A;
	s5 =	simm.s32 @!p2 $0x0  }
0x1d: {  	s5 =	simm.s32 @p1 $0x1;
	p0 =	seq.s32 s7, s2  }
0x1e: {  	s7 =	smul.u32 @!p0 $0xF7A, s2;
	p2 =	seq.s32 @!p0 s5, $0x0  }
0x1f: {  	s9 =	smul.u32 $0xF7A, s1;
	s8 =	simm.s32 @!p0 $0x1BF5;
	p2 =	por !p2, p0  }
0x20: {  	[sflag:s8] =	ssyncset.s32 @!p0 $0xFFFFF086;
	s6 =	sadd.s32 @!p0 s3, s7;
	s7 =	simm.s32 @!p0 $0x108  }
0x21: {  	s3 =	sadd.s32 s3, s9;
	s6 =	sadd.s32 @!p0 $0x88, s6;
	s7 =	simm.s32 @p2 $0x1082  }
0x22: {  	[simem:s7], [sflag:s8] =	dma.local @!p0 [hbm:s6], $0xF7A  }
0x23: {  	s9 =	sor.u32 $0xD0000000, s2;
	s6 =	simm.s32 $0x108;
	_ =	swait.ge @!p0 [sflag:s8], $0x0  }
0x24: {  	s3 =	sadd.s32 $0x88, s3;
	s6 =	simm.s32 @!p1 $0x1082;
	[sflag:s4] =	ssyncset.s32 $0xFFFFF086  }
0x25: {  	[simem:s6], [sflag:s4] =	dma.local [hbm:s3], $0xF7A  }
0x26: {  	[smem:$0x3F83] =	sst s1;
	(tag) =	ssettag s2;
	_ =	strace s9  }
0x27: {  	s1 =	sld [smem:$0x3F93]  }
0x28: {  	s2 =	sld [smem:$0x3F94]  }
0x29: {  	s4 =	sld [smem:$0x3F96]  }
0x2a: {  	p0 =	seq.s32 s5, $0x0;
	s5 =	sld [smem:$0x3F97]  }
0x2b: {  	s6 =	sld [smem:$0x3F98]  }
0x2c: {  	s7 =	sld [smem:$0x3F99]  }
0x2d: {  	s3 =	simm.s32 $0x108;
	s8 =	sld [smem:$0x3F9A]  }
0x2e: {  	s3 =	simm.s32 @!p0 $0x1082;
	s9 =	sld [smem:$0x3F9B]  }
0x2f: {  	lr =	sadd.s32 s0, s3;
	s0 =	sld [smem:$0x3F92]  }
0x30: {  	s3 =	sld [smem:$0x3F95]  }
0x31: {  	[smem:$0x3F9E] =	sst s10  }
0x32: {  	s10 =	sld [smem:$0x3F9C];
	_ =	sdelay $0x3  }
0x33: {  	p0 =	seq.s32 s10, $0x1;
	s10 =	sld [smem:$0x3F9E];
	_ =	sdelay $0x3  }
0x34: {  	[smem:$0x3F9E] =	sst s10  }
0x35: {  	s10 =	sld [smem:$0x3F9D];
	_ =	sdelay $0x3  }
0x36: {  	p1 =	seq.s32 s10, $0x1;
	s10 =	sld [smem:$0x3F9E];
	_ =	sdelay $0x3  }
0x37: {  	[smem:$0x3F9E] =	sst s10  }
0x38: {  	s10 =	sld [smem:$0x3F9F]  }
0x39: {  	_ = 	snop;
	(pc) =	sbr.ind lr, $3  }
0x3a: {  	_ = 	snop  }
0x3b: {  	_ = 	snop  }
0x3c: {  	p2 =	seq.s32 s10, $0x1;
	s10 =	sld [smem:$0x3F9E]  }
0x3d: {  	_ =	shalt  }
0x3e: {  	_ =	shalt  }
0x3f: {  	_ =	shalt  }
0x40: {  	_ =	shalt  }
0x41: {  	_ =	shalt  }
0x42: {  	_ =	shalt  }
0x43: {  	_ =	shalt  }
0x44: {  	_ =	shalt  }
0x45: {  	_ =	shalt  }
0x46: {  	_ =	shalt  }
0x47: {  	_ =	shalt  }
0x48: {  	_ =	shalt  }
0x49: {  	_ =	shalt  }
0x4a: {  	_ =	shalt  }
0x4b: {  	_ =	shalt  }
0x4c: {  	_ =	shalt  }
0x4d: {  	_ =	shalt  }
0x4e: {  	_ =	shalt  }
0x4f: {  	_ =	shalt  }
0x50: {  	_ =	shalt  }
0x51: {  	_ =	shalt  }
0x52: {  	_ =	shalt  }
0x53: {  	_ =	shalt  }
0x54: {  	_ =	shalt  }
0x55: {  	_ =	shalt  }
0x56: {  	_ =	shalt  }
0x57: {  	_ =	shalt  }
0x58: {  	_ =	shalt  }
0x59: {  	_ =	shalt  }
0x5a: {  	_ =	shalt  }
0x5b: {  	_ =	shalt  }
0x5c: {  	_ =	shalt  }
0x5d: {  	_ =	shalt  }
0x5e: {  	_ =	shalt  }
0x5f: {  	_ =	shalt  }
0x60: {  	_ =	shalt  }
0x61: {  	_ =	shalt  }
0x62: {  	_ =	shalt  }
0x63: {  	_ =	shalt  }
0x64: {  	_ =	shalt  }
0x65: {  	_ =	shalt  }
0x66: {  	_ =	shalt  }
0x67: {  	_ =	shalt  }
0x68: {  	_ =	shalt  }
0x69: {  	_ =	shalt  }
0x6a: {  	_ =	shalt  }
0x6b: {  	_ =	shalt  }
0x6c: {  	_ =	shalt  }
0x6d: {  	_ =	shalt  }
0x6e: {  	_ =	shalt  }
0x6f: {  	_ =	shalt  }
0x70: {  	_ =	shalt  }
0x71: {  	_ =	shalt  }
0x72: {  	_ =	shalt  }
0x73: {  	_ =	shalt  }
0x74: {  	_ =	shalt  }
0x75: {  	_ =	shalt  }
0x76: {  	_ =	shalt  }
0x77: {  	_ =	shalt  }
0x78: {  	_ =	shalt  }
0x79: {  	_ =	shalt  }
0x7a: {  	_ =	shalt  }
0x7b: {  	_ =	shalt  }
0x7c: {  	_ =	shalt  }
0x7d: {  	_ =	shalt  }
0x7e: {  	_ =	shalt  }
0x7f: {  	_ =	shalt  }
0x80: {  	_ =	shalt  }
0x81: {  	_ =	shalt  }
0x82: {  	_ =	shalt  }
0x83: {  	_ =	shalt  }
0x84: {  	_ =	shalt  }
0x85: {  	_ =	shalt  }
0x86: {  	_ =	shalt  }
0x87: {  	_ =	shalt  }
.Lfunc_end0:
.L_simem_size_0:
called_computation.4_lowered:
.L_overlay_start_0:
0x88: {  	s2 =	sld [smem:$0x3FD9]  }
0x89: {  	s3 =	sld [smem:$0x3FFE];
	_ =	sdelay $0x1  }
0x8a: {  	s1 =	srdreg.scid  }
0x8b: {  	s0 =	sand.u32 $0x1, s1  }
0x8c: {  	s17 =	sshll.u32 s0, $0xA;
	s2 =	sadd.s32 s3, s2  }
0x8d: {  	s2 =	sadd.s32 s2, s17  }
0x8e: {  	[smem:$0x3FAA] =	sst s2  }
0x8f: {  	_ = 	snop  }
0x90: {  	(tm) =	ssettm $0x1  }
0x91: {  	s18 =	sld [smem:$0x3FFB];
	_ =	sdelay $0x3  }
0x92: {  	_ =	strace s18  }
0x93: {  	s2 =	sld [smem:$0x3FFC];
	_ =	sdelay $0x3  }
0x94: {  	_ =	strace s2  }
0x95: {  	s2 =	sld [smem:$0x3FFD];
	_ =	sdelay $0x3  }
0x96: {  	_ =	strace s2  }
0x97: {  	_ =	strace $0x8FFFFFFF  }
0x98: {  	s19 =	sld [smem:$0x3FDB];
	_ =	sdelay $0x1  }
0x99: {  	s20 =	simm.s32 $_scs_section_size  }
0x9a: {  	s4 =	simm.s32 $_size__tile_overlayer_lowered;
	s5 =	simm.s32 $_tile_overlayer_lowered  }
0x9b: {  	s6 =	simm.s32 $0x1BFF;
	s21 =	sshll.u32 s5, $0x1;
	s3 =	sadd.s32 s20, s19  }
0x9c: {  	s22 =	simm.s32 $0x0;
	s4 =	sshll.u32 s4, $0x1;
	s5 =	sadd.s32 s21, s3  }
0x9d: {  	[timem:s22], [sflag:s6] =	dma.local [hbm:s5], s4  }
0x9e: {  	_ =	swait.ge [sflag:s6], s4  }
0x9f: {  	s4 =	ssub.s32 $0x0, s4;
	[sflag:s6] =	ssyncset.done $0x0  }
0xa0: {  	[sflag:s6] =	ssyncadd.s32 s4;
	_ =	sdelay $0x1  }
0xa1: {  	s23 =	simm.s32 $0x1B8B  }
0xa2: {  	_ =	swait.ge [sflag:s23], $0x1  }
0xa3: {  	[sflag:s23] =	ssyncset.done $0x0  }
0xa4: {  	[sflag:s23] =	ssyncadd.s32 $0xFFFFFFFF  }
0xa5: {  	s4 =	sld [smem:$0x0]  }
0xa6: {  	s5 =	sand.u32 $0xFFFFFFFE, s1  }
0xa7: {  	p0 =	sne.s32 s1, s5  }
0xa8: {  	s5 =	sshll.u32 @p0 s5, $0xE  }
0xa9: {  	s5 =	sadd.s32 @p0 $0x11B8D, s5;
	s6 =	sshll.u32 @p0 s4, $0x11  }
0xaa: {  	s5 =	sor.u32 @p0 s6, s5  }
0xab: {  	[sflag:s5] =	ssyncadd.remote.s32 @p0 $0x1;
	_ =	sdelay $0x1  }
0xac: {  	s5 =	simm.s32 @p0 $0x1B8D  }
0xad: {  	_ =	swait.eq @p0 [sflag:s5], $0x1  }
0xae: {  	[sflag:s5] =	ssyncadd.s32 @p0 $0xFFFFFFFF  }
0xaf: {  	s6 =	sshll.u32 @!p0 s1, $0xE  }
0xb0: {  	s6 =	sor.u32 @!p0 $0x4000, s6;
	s5 =	simm.s32 @!p0 $0x1B8D  }
0xb1: {  	s4 =	sshll.u32 @!p0 s4, $0x11;
	s6 =	sadd.s32 @!p0 $0x11B8D, s6;
	_ =	swait.eq @!p0 [sflag:s5], $0x1  }
0xb2: {  	s4 =	sor.u32 @!p0 s4, s6;
	[sflag:s5] =	ssyncadd.s32 @!p0 $0xFFFFFFFF  }
0xb3: {  	s25 =	simm.s32 $0x1B8E;
	s24 =	sld [smem:$0x3FFE];
	[sflag:s4] =	ssyncadd.remote.s32 @!p0 $0x1  }
0xb4: {  	s26 =	simm.s32 $execute0_lowered;
	[smem:$0x3FD2] =	sst s25  }
0xb5: {  	s5 =	sshll.u32 s26, $0x1;
	_ =	strace $0x80000052;
	[dreg:$0x1] =	wrdreg $0xFFFFFFFF  }
0xb6: {  	s28 =	simm.s32 $_size_execute0_lowered;
	s3 =	sadd.s32 s3, s5;
	[dreg:$0x0] =	wrdreg $0x0  }
0xb7: {  	s5 =	sshll.u32 s28, $0x1;
	[dreg:$0x2] =	wrdreg s3  }
0xb8: {  	[dreg:$0x3] =	wrdreg s5  }
0xb9: {  	[dreg:$0x4] =	wrdreg $0xC0  }
0xba: {  	_ =	task [dreg:s22], $0x5FFFF  }
0xbb: {  	[dreg:$0x1] =	wrdreg $0xFFFFFFFF  }
0xbc: {  	[dreg:$0x0] =	wrdreg $0x60  }
0xbd: {  	[dreg:$0x2] =	wrdreg s24  }
0xbe: {  	[dreg:$0x3] =	wrdreg $0xA  }
0xbf: {  	_ =	task.clear_ibuf [dreg:s22], $0x4FFFF;
	_ =	strace $0x90000052  }
0xc0: {  	s29 =	simm.s32 $0xA;
	_ =	strace $0x80000054  }
0xc1: {  	_ =	swait.ge [sflag:s29], $0x1  }
0xc2: {  	[sflag:s29] =	ssyncadd.s32 $0xFFFFFFFF  }
0xc3: {  	_ =	strace $0x90000054  }
0xc4: {  	_ =	sfence  }
0xc5: {  	s30 =	sld [smem:$0x0];
	_ =	sdelay $0x2  }
0xc6: {  	s31 =	sshll.u32 s1, $0xD;
	s1 =	sshrl.u32 s1, $0x2  }
0xc7: {  	s4 =	sand.u32 $0x4000, s31;
	s1 =	sadd.s32 s1, s30  }
0xc8: {  	s0 =	sor.u32 s4, s0;
	s1 =	sshll.u32 s1, $0x11  }
0xc9: {  	s0 =	sor.u32 s1, s0  }
0xca: {  	s0 =	sadd.s32 $0x8F2B, s0  }
0xcb: {  	[sflag:s0] =	ssyncadd.remote.s32 $0x1  }
0xcc: {  	_ =	sfence.sel $0xFFFF  }
0xcd: {  	[dreg:$0x0] =	wrdreg $0xFFFFFFFF;
	(pc) =	sbr.abs _section_cstart, $3  }
0xce: {  	[dreg:$0x1] =	wrdreg $0xFFFFFFFF  }
0xcf: {  	_ =	task.clear_ibuf [dreg:s22], $0x2FFFF;
	_ =	strace $0x9FFFFFFF  }
0xd0: {  	(tm) =	ssettm $0x7FFFFFFF  }
0xd1: {  	_ =	shalt  }
tec
execute0_lowered:
.L_overlay_start_1:
0x0: {  	(tag) =	ssettag $0x1  }
0x1: {  	s1 =	srdreg.scid  }
0x2: {  	s0 =	stileid.u32;
	s24 =	sand.u32 $0x1, s1  }
0x3: {  	s30 =	sshll.u32 s0, $0xD;
	s2 =	sshll.u32 s24, $0xC  }
0x4: {  	s10 =	rddreg [dreg:$0x0];
	s11 =	sor.u32 s2, s30  }
0x5: {  	s1 =	rddreg [dreg:$0x1];
	s2 =	simm.s32 $0x0;
	s3 =	sshrl.u32 s11, $0x3  }
0x6: {  	[smem:$0x7FF] =	sst s2;
	s3 =	sadd.s32 s3, s10  }
0x7: {  	_ =	strace $0x80000053;
	s4 =	sadd.s32 $0x6400, s3;
	s3 =	simm.s32 $0x3  }
0x8: {  	[tilespmem:s2], [sflag:$0x3] =	stream.linear.gather [hbm4b:s4+s2], $0x1000, $0x38;
	[tilespmem:$0x11000] =	vst v63  }
0x9: {  	_ =	swait.ge [sflag:s3], $0x1000  }
0xa: {  	s6 =	simm.s32 $0x200;
	[sflag:s3] =	ssyncset.done $0x0  }
0xb: {  	s7 =	simm.s32 $0x1000;
	s5 =	sadd.s32 $0x36600, s10;
	[sflag:s3] =	ssyncadd.s32 $0xFFFFF000  }
0xc: {  	[tilespmem:s7], [sflag:$0x1] =	stream.indirect.gather [hbm4b:s5+s6], $0x40, s2, s6, $0xb8;
	[tilespmem:$0x11000] =	vst v63  }
0xd: {  	s8 =	simm.s32 $0x9000;
	s9 =	simm.s32 $0x1  }
0xe: {  	[tilespmem:s8], [sflag:$0x2] =	stream.indirect.gather [hbm4b:s5+s6], $0x40, s6, s6, $0xb8;
	[tilespmem:$0x11000] =	vst v63  }
0xf: {  	s11 =	sshll.u32 s11, $0x3;
	_ =	swait.ge [sflag:s9], $0x8000  }
0x10: {  	s25 =	sadd.s32 s11, s10;
	[sflag:s9] =	ssyncset.done $0x0  }
0x11: {  	s10 =	sadd.s32 $0x46600, s25;
	[sflag:s9] =	ssyncadd.s32 $0xFFFF8000  }
0x12: {  	[hbm4b:s10+s2] =	stream.linear.scatter [tilespmem:s7], [sflag:$0x3], $0x8000, $0x38;
	[tilespmem:$0x11000] =	vst v63  }
0x13: {  	_ =	swait.ge [sflag:s3], $0x8000  }
0x14: {  	[sflag:s3] =	ssyncset.done $0x0  }
0x15: {  	s12 =	simm.s32 $0x2;
	s11 =	simm.s32 $0x400;
	[sflag:s3] =	ssyncadd.s32 $0xFFFF8000  }
0x16: {  	[tilespmem:s7], [sflag:$0x1] =	stream.indirect.gather [hbm4b:s5+s6], $0x40, s11, s6, $0xb8;
	[tilespmem:$0x11000] =	vst v63  }
0x17: {  	_ =	swait.ge [sflag:s12], $0x8000  }
0x18: {  	[sflag:s12] =	ssyncset.done $0x0  }
0x19: {  	s13 =	sadd.s32 $0x47600, s25;
	[sflag:s12] =	ssyncadd.s32 $0xFFFF8000  }
0x1a: {  	[hbm4b:s13+s2] =	stream.linear.scatter [tilespmem:s8], [sflag:$0x3], $0x8000, $0x38;
	[tilespmem:$0x11000] =	vst v63  }
0x1b: {  	_ =	swait.ge [sflag:s3], $0x8000  }
0x1c: {  	[sflag:s3] =	ssyncset.done $0x0  }
0x1d: {  	s14 =	simm.s32 $0x600;
	[sflag:s3] =	ssyncadd.s32 $0xFFFF8000  }
0x1e: {  	[tilespmem:s8], [sflag:$0x2] =	stream.indirect.gather [hbm4b:s5+s6], $0x40, s14, s6, $0xb8;
	[tilespmem:$0x11000] =	vst v63  }
0x1f: {  	_ =	swait.ge [sflag:s9], $0x8000  }
0x20: {  	[sflag:s9] =	ssyncset.done $0x0  }
0x21: {  	s15 =	sadd.s32 $0x48600, s25;
	[sflag:s9] =	ssyncadd.s32 $0xFFFF8000  }
0x22: {  	[hbm4b:s15+s2] =	stream.linear.scatter [tilespmem:s7], [sflag:$0x3], $0x8000, $0x38;
	[tilespmem:$0x11000] =	vst v63  }
0x23: {  	_ =	swait.ge [sflag:s3], $0x8000  }
0x24: {  	[sflag:s3] =	ssyncset.done $0x0  }
0x25: {  	s16 =	simm.s32 $0x800;
	[sflag:s3] =	ssyncadd.s32 $0xFFFF8000  }
0x26: {  	[tilespmem:s7], [sflag:$0x1] =	stream.indirect.gather [hbm4b:s5+s6], $0x40, s16, s6, $0xb8;
	[tilespmem:$0x11000] =	vst v63  }
0x27: {  	_ =	swait.ge [sflag:s12], $0x8000  }
0x28: {  	[sflag:s12] =	ssyncset.done $0x0  }
0x29: {  	s17 =	sadd.s32 $0x49600, s25;
	[sflag:s12] =	ssyncadd.s32 $0xFFFF8000  }
0x2a: {  	[hbm4b:s17+s2] =	stream.linear.scatter [tilespmem:s8], [sflag:$0x3], $0x8000, $0x38;
	[tilespmem:$0x11000] =	vst v63  }
0x2b: {  	_ =	swait.ge [sflag:s3], $0x8000  }
0x2c: {  	[sflag:s3] =	ssyncset.done $0x0  }
0x2d: {  	s18 =	simm.s32 $0xA00;
	[sflag:s3] =	ssyncadd.s32 $0xFFFF8000  }
0x2e: {  	[tilespmem:s8], [sflag:$0x2] =	stream.indirect.gather [hbm4b:s5+s6], $0x40, s18, s6, $0xb8;
	[tilespmem:$0x11000] =	vst v63  }
0x2f: {  	_ =	swait.ge [sflag:s9], $0x8000  }
0x30: {  	[sflag:s9] =	ssyncset.done $0x0  }
0x31: {  	s19 =	sadd.s32 $0x4A600, s25;
	[sflag:s9] =	ssyncadd.s32 $0xFFFF8000  }
0x32: {  	[hbm4b:s19+s2] =	stream.linear.scatter [tilespmem:s7], [sflag:$0x3], $0x8000, $0x38;
	[tilespmem:$0x11000] =	vst v63  }
0x33: {  	_ =	swait.ge [sflag:s3], $0x8000  }
0x34: {  	[sflag:s3] =	ssyncset.done $0x0  }
0x35: {  	s20 =	simm.s32 $0xC00;
	[sflag:s3] =	ssyncadd.s32 $0xFFFF8000  }
0x36: {  	[tilespmem:s7], [sflag:$0x1] =	stream.indirect.gather [hbm4b:s5+s6], $0x40, s20, s6, $0xb8;
	[tilespmem:$0x11000] =	vst v63  }
0x37: {  	_ =	swait.ge [sflag:s12], $0x8000  }
0x38: {  	[sflag:s12] =	ssyncset.done $0x0  }
0x39: {  	s21 =	sadd.s32 $0x4B600, s25;
	[sflag:s12] =	ssyncadd.s32 $0xFFFF8000  }
0x3a: {  	[hbm4b:s21+s2] =	stream.linear.scatter [tilespmem:s8], [sflag:$0x3], $0x8000, $0x38;
	[tilespmem:$0x11000] =	vst v63  }
0x3b: {  	_ =	swait.ge [sflag:s3], $0x8000  }
0x3c: {  	[sflag:s3] =	ssyncset.done $0x0  }
0x3d: {  	s22 =	simm.s32 $0xE00;
	[sflag:s3] =	ssyncadd.s32 $0xFFFF8000  }
0x3e: {  	[tilespmem:s8], [sflag:$0x2] =	stream.indirect.gather [hbm4b:s5+s6], $0x40, s22, s6, $0xb8;
	[tilespmem:$0x11000] =	vst v63  }
0x3f: {  	_ =	swait.ge [sflag:s9], $0x8000  }
0x40: {  	[sflag:s9] =	ssyncset.done $0x0  }
0x41: {  	s24 =	ssub.s32 $0x2, s24;
	s23 =	sadd.s32 $0x4C600, s25;
	[sflag:s9] =	ssyncadd.s32 $0xFFFF8000  }
0x42: {  	[hbm4b:s23+s2] =	stream.linear.scatter [tilespmem:s7], [sflag:$0x3], $0x8000, $0x38;
	[tilespmem:$0x11000] =	vst v63  }
0x43: {  	s26 =	sshrl.u32 s24, $0x1;
	_ =	swait.ge [sflag:s3], $0x8000  }
0x44: {  	s26 =	ssub.s32 s24, s26;
	[sflag:s3] =	ssyncset.done $0x0  }
0x45: {  	s31 =	smax.u32 s26, $0x1;
	[sflag:s3] =	ssyncadd.s32 $0xFFFF8000  }
0x46: {  	p0 =	sne.s32 s31, $0x1;
	_ =	swait.ge [sflag:s12], $0x8000  }
.Ltmp0:
0x47: {  	[sflag:s12] =	ssyncset.done $0x0;
	(pc) =	sbr.rel @!p0 .LBB2_2-.Ltmp0, $4  }
0x48: {  	s24 =	sadd.s32 $0x4D600, s25;
	[sflag:s12] =	ssyncadd.s32 $0xFFFF8000  }
0x49: {  	[hbm4b:s24+s2] =	stream.linear.scatter [tilespmem:s8], [sflag:$0x3], $0x8000, $0x38;
	[tilespmem:$0x11000] =	vst v63  }
0x4a: {  	_ =	swait.ge [sflag:s3], $0x8000  }
0x4b: {  	s25 =	sadd.s32 $0xFFFFFFFF, s31;
	[sflag:s3] =	ssyncset.done $0x0  }
.LBB2_1:
0x4c: {  	p0 =	sne.s32 s25, $0x1;
	s25 =	sadd.s32 $0xFFFFFFFF, s25;
	[sflag:s3] =	ssyncadd.s32 $0xFFFF8000  }
0x4d: {  	[tilespmem:s2], [sflag:$0x3] =	stream.linear.gather [hbm4b:s4+s2], $0x1000, $0x38;
	[tilespmem:$0x11000] =	vst v63  }
0x4e: {  	_ =	swait.ge [sflag:s3], $0x1000  }
0x4f: {  	[sflag:s3] =	ssyncset.done $0x0  }
0x50: {  	[sflag:s3] =	ssyncadd.s32 $0xFFFFF000  }
0x51: {  	[tilespmem:s7], [sflag:$0x1] =	stream.indirect.gather [hbm4b:s5+s6], $0x40, s2, s6, $0xb8;
	[tilespmem:$0x11000] =	vst v63  }
0x52: {  	_ = 	snop  }
0x53: {  	[tilespmem:s8], [sflag:$0x2] =	stream.indirect.gather [hbm4b:s5+s6], $0x40, s6, s6, $0xb8;
	[tilespmem:$0x11000] =	vst v63  }
0x54: {  	_ =	swait.ge [sflag:s9], $0x8000  }
0x55: {  	[sflag:s9] =	ssyncset.done $0x0  }
0x56: {  	[sflag:s9] =	ssyncadd.s32 $0xFFFF8000  }
0x57: {  	[hbm4b:s10+s2] =	stream.linear.scatter [tilespmem:s7], [sflag:$0x3], $0x8000, $0x38;
	[tilespmem:$0x11000] =	vst v63  }
0x58: {  	_ =	swait.ge [sflag:s3], $0x8000  }
0x59: {  	[sflag:s3] =	ssyncset.done $0x0  }
0x5a: {  	[sflag:s3] =	ssyncadd.s32 $0xFFFF8000  }
0x5b: {  	[tilespmem:s7], [sflag:$0x1] =	stream.indirect.gather [hbm4b:s5+s6], $0x40, s11, s6, $0xb8;
	[tilespmem:$0x11000] =	vst v63  }
0x5c: {  	_ =	swait.ge [sflag:s12], $0x8000  }
0x5d: {  	[sflag:s12] =	ssyncset.done $0x0  }
0x5e: {  	[sflag:s12] =	ssyncadd.s32 $0xFFFF8000  }
0x5f: {  	[hbm4b:s13+s2] =	stream.linear.scatter [tilespmem:s8], [sflag:$0x3], $0x8000, $0x38;
	[tilespmem:$0x11000] =	vst v63  }
0x60: {  	_ =	swait.ge [sflag:s3], $0x8000  }
0x61: {  	[sflag:s3] =	ssyncset.done $0x0  }
0x62: {  	[sflag:s3] =	ssyncadd.s32 $0xFFFF8000  }
0x63: {  	[tilespmem:s8], [sflag:$0x2] =	stream.indirect.gather [hbm4b:s5+s6], $0x40, s14, s6, $0xb8;
	[tilespmem:$0x11000] =	vst v63  }
0x64: {  	_ =	swait.ge [sflag:s9], $0x8000  }
0x65: {  	[sflag:s9] =	ssyncset.done $0x0  }
0x66: {  	[sflag:s9] =	ssyncadd.s32 $0xFFFF8000  }
0x67: {  	[hbm4b:s15+s2] =	stream.linear.scatter [tilespmem:s7], [sflag:$0x3], $0x8000, $0x38;
	[tilespmem:$0x11000] =	vst v63  }
0x68: {  	_ =	swait.ge [sflag:s3], $0x8000  }
0x69: {  	[sflag:s3] =	ssyncset.done $0x0  }
0x6a: {  	[sflag:s3] =	ssyncadd.s32 $0xFFFF8000  }
0x6b: {  	[tilespmem:s7], [sflag:$0x1] =	stream.indirect.gather [hbm4b:s5+s6], $0x40, s16, s6, $0xb8;
	[tilespmem:$0x11000] =	vst v63  }
0x6c: {  	_ =	swait.ge [sflag:s12], $0x8000  }
0x6d: {  	[sflag:s12] =	ssyncset.done $0x0  }
0x6e: {  	[sflag:s12] =	ssyncadd.s32 $0xFFFF8000  }
0x6f: {  	[hbm4b:s17+s2] =	stream.linear.scatter [tilespmem:s8], [sflag:$0x3], $0x8000, $0x38;
	[tilespmem:$0x11000] =	vst v63  }
0x70: {  	_ =	swait.ge [sflag:s3], $0x8000  }
0x71: {  	[sflag:s3] =	ssyncset.done $0x0  }
0x72: {  	[sflag:s3] =	ssyncadd.s32 $0xFFFF8000  }
0x73: {  	[tilespmem:s8], [sflag:$0x2] =	stream.indirect.gather [hbm4b:s5+s6], $0x40, s18, s6, $0xb8;
	[tilespmem:$0x11000] =	vst v63  }
0x74: {  	_ =	swait.ge [sflag:s9], $0x8000  }
0x75: {  	[sflag:s9] =	ssyncset.done $0x0  }
0x76: {  	[sflag:s9] =	ssyncadd.s32 $0xFFFF8000  }
0x77: {  	[hbm4b:s19+s2] =	stream.linear.scatter [tilespmem:s7], [sflag:$0x3], $0x8000, $0x38;
	[tilespmem:$0x11000] =	vst v63  }
0x78: {  	_ =	swait.ge [sflag:s3], $0x8000  }
0x79: {  	[sflag:s3] =	ssyncset.done $0x0  }
0x7a: {  	[sflag:s3] =	ssyncadd.s32 $0xFFFF8000  }
0x7b: {  	[tilespmem:s7], [sflag:$0x1] =	stream.indirect.gather [hbm4b:s5+s6], $0x40, s20, s6, $0xb8;
	[tilespmem:$0x11000] =	vst v63  }
0x7c: {  	_ =	swait.ge [sflag:s12], $0x8000  }
0x7d: {  	[sflag:s12] =	ssyncset.done $0x0  }
0x7e: {  	[sflag:s12] =	ssyncadd.s32 $0xFFFF8000  }
0x7f: {  	[hbm4b:s21+s2] =	stream.linear.scatter [tilespmem:s8], [sflag:$0x3], $0x8000, $0x38;
	[tilespmem:$0x11000] =	vst v63  }
0x80: {  	_ =	swait.ge [sflag:s3], $0x8000  }
0x81: {  	[sflag:s3] =	ssyncset.done $0x0  }
0x82: {  	[sflag:s3] =	ssyncadd.s32 $0xFFFF8000  }
0x83: {  	[tilespmem:s8], [sflag:$0x2] =	stream.indirect.gather [hbm4b:s5+s6], $0x40, s22, s6, $0xb8;
	[tilespmem:$0x11000] =	vst v63  }
0x84: {  	_ =	swait.ge [sflag:s9], $0x8000  }
0x85: {  	[sflag:s9] =	ssyncset.done $0x0  }
0x86: {  	[sflag:s9] =	ssyncadd.s32 $0xFFFF8000  }
0x87: {  	[hbm4b:s23+s2] =	stream.linear.scatter [tilespmem:s7], [sflag:$0x3], $0x8000, $0x38;
	[tilespmem:$0x11000] =	vst v63  }
0x88: {  	_ =	swait.ge [sflag:s3], $0x8000  }
0x89: {  	[sflag:s3] =	ssyncset.done $0x0  }
0x8a: {  	[sflag:s3] =	ssyncadd.s32 $0xFFFF8000  }
0x8b: {  	_ =	swait.ge [sflag:s12], $0x8000  }
.Ltmp1:
0x8c: {  	[sflag:s12] =	ssyncset.done $0x0;
	(pc) =	sbr.rel @p0 .LBB2_1-.Ltmp1, $4  }
0x8d: {  	[sflag:s12] =	ssyncadd.s32 $0xFFFF8000  }
0x8e: {  	[hbm4b:s24+s2] =	stream.linear.scatter [tilespmem:s8], [sflag:$0x3], $0x8000, $0x38;
	[tilespmem:$0x11000] =	vst v63  }
0x8f: {  	_ =	swait.ge [sflag:s3], $0x8000  }
0x90: {  	[sflag:s3] =	ssyncset.done $0x0  }
.LBB2_2:
0x91: {  	[sflag:s3] =	ssyncadd.s32 $0xFFFF8000  }
0x92: {  	_ =	sfence.sel $0x180000  }
0x93: {  	[bflag:$0x0] =	sbarrier.arrive $0xFFFF  }
0x94: {  	p0 =	sne.s32 s0, $0x0;
	_ =	strace $0x90000053  }
0x95: {  	s0 =	sadd.s32 @!p0 $0x100000, s1;
	[bflag:$0x2] =	sbarrier.arrive $0xFFFF  }
0x96: {  	[sflag:s0] =	ssyncadd.tile.s32 @!p0 $0x1;
	_ =	shalt  }
.Lfunc_end2:
_tile_overlayer_lowered:
.L_overlay_start_2:
0x97: {  	(tag) =	ssettag $0x2  }
0x98: {  	s0 =	rddreg [dreg:$0x0];
	s2 =	stileid.u32  }
0x99: {  	s1 =	rddreg [dreg:$0x1];
	p0 =	sne.s32 s2, $0x0  }
0x9a: {  	s3 =	rddreg [dreg:$0x2];
	[bflag:$0x3] =	sbarrier.arrive $0xFFFF;
	s2 =	simm.s32 @!p0 $0x1C03  }
0x9b: {  	[timem:s3], [sflag:s2] =	dma.local @!p0 [hbm:s0], s1  }
0x9c: {  	s0 =	simm.s32 @!p0 $0x3  }
0x9d: {  	_ =	swait.ge @!p0 [sflag:s0], s1  }
0x9e: {  	s1 =	ssub.s32 @!p0 $0x0, s1;
	[sflag:s0] =	ssyncset.done @!p0 $0x0  }
0x9f: {  	[sflag:s0] =	ssyncadd.s32 @!p0 s1  }
0xa0: {  	[bflag:$0x3] =	sbarrier.arrive $0xFFFF  }
0xa1: {  	_ =	shalt  }

</sc_bundles>
